<compile_context>
chip_gen: v7x
topology: tpu7x:2x2x1
jax: 0.10.2.dev20260603
libtpu: 0.0.44.dev20260713+nightly
codegen_flags: <defaults>
</compile_context>

<pallas_src>
import functools

import numpy as np
import jax
import jax.numpy as jnp
from jax import lax
from jax.experimental import pallas as pl
from jax.experimental.pallas import tpu as pltpu
from jax.experimental.pallas import tpu_sc as plsc

_LOG_EPS = float(np.log(np.float32(1e-9)))


def _gate_logits_kernel(emb_ref, wg_ref, bg_ref, gl_ref):
    x = emb_ref[...]
    gl_ref[...] = jax.lax.dot_general(
        wg_ref[...], x, (((0,), (1,)), ((), ())),
        preferred_element_type=jnp.float32) + bg_ref[...]


def _experts_kernel(emb_ref, w1_ref, b1_ref, w2_ref, b2_ref,
                    projs_ref, *, n_experts: int, proj_dim: int):
    x = emb_ref[...]
    h = jax.lax.dot_general(
        x, w1_ref[...], (((1,), (0,)), ((), ())),
        preferred_element_type=jnp.float32) + b1_ref[...]
    h = jnp.maximum(h, 0.0)
    for e in range(n_experts):
        he = h[:, e * proj_dim:(e + 1) * proj_dim]
        out = jax.lax.dot_general(
            he, w2_ref[e], (((1,), (0,)), ((), ())),
            preferred_element_type=jnp.float32)
        projs_ref[:, e * proj_dim:(e + 1) * proj_dim] = (
            out + b2_ref[:, e * proj_dim:(e + 1) * proj_dim])


def _make_sc_routing(E: int, B: int):
    info = plsc.get_sparse_core_info()
    nc, ns, L = info.num_cores, info.num_subcores, info.num_lanes
    nw = nc * ns
    chunk = B // nw
    mesh = plsc.VectorSubcoreMesh(core_axis_name="c", subcore_axis_name="s")

    @functools.partial(
        pl.kernel, mesh=mesh,
        out_type=jax.ShapeDtypeStruct((E * B,), jnp.float32),
        scratch_types=[pltpu.VMEM((E * chunk,), jnp.float32),
                       pltpu.VMEM((E * chunk,), jnp.float32)],
    )
    def routing(gl_hbm, out_hbm, gl_v, out_v):
        wid = lax.axis_index("s") * nc + lax.axis_index("c")
        base = wid * chunk
        for e in range(E):
            pltpu.sync_copy(gl_hbm.at[pl.ds(e * B + base, chunk)],
                            gl_v.at[pl.ds(e * chunk, chunk)])
        for j in range(chunk // L):
            rows = [gl_v[pl.ds(e * chunk + j * L, L)] for e in range(E)]
            adj = []
            for i in range(E):
                rank = None
                for jj in range(E):
                    if jj == i:
                        continue
                    beats = rows[jj] > rows[i]
                    if jj < i:
                        beats = beats | (rows[jj] == rows[i])
                    b = jnp.where(beats, 1.0, 0.0)
                    rank = b if rank is None else rank + b
                keep = rank < 2.0
                adj.append(rows[i] + jnp.where(keep, 0.0, _LOG_EPS))
            m = adj[0]
            for i in range(1, E):
                m = jnp.maximum(m, adj[i])
            ex = [jnp.exp(a - m) for a in adj]
            s = ex[0]
            for i in range(1, E):
                s = s + ex[i]
            for i in range(E):
                out_v[pl.ds(i * chunk + j * L, L)] = ex[i] / s
        for e in range(E):
            pltpu.sync_copy(out_v.at[pl.ds(e * chunk, chunk)],
                            out_hbm.at[pl.ds(e * B + base, chunk)])

    return routing


def kernel(emb, Wg, bg, W1, b1, W2, b2, top_k):
    del top_k
    B, in_dim = emb.shape
    E = Wg.shape[1]
    P = W2.shape[-1]

    BT = min(1024, B)
    assert B % BT == 0

    W1f = W1.transpose(1, 0, 2).reshape(in_dim, E * P)
    b1f = b1.reshape(1, E * P)
    b2f = b2.reshape(1, E * P)
    bg2 = bg.reshape(E, 1)

    grid = (B // BT,)

    gl = pl.pallas_call(
        _gate_logits_kernel,
        grid=grid,
        in_specs=[
            pl.BlockSpec((BT, in_dim), lambda i: (i, 0)),
            pl.BlockSpec((in_dim, E), lambda i: (0, 0)),
            pl.BlockSpec((E, 1), lambda i: (0, 0)),
        ],
        out_specs=pl.BlockSpec((E, BT), lambda i: (0, i)),
        out_shape=jax.ShapeDtypeStruct((E, B), jnp.float32),
        compiler_params=pltpu.CompilerParams(
            dimension_semantics=("arbitrary",)),
    )(emb, Wg, bg2)

    gate_wt = _make_sc_routing(E, B)(gl.reshape(E * B))

    projs2d = pl.pallas_call(
        functools.partial(_experts_kernel, n_experts=E, proj_dim=P),
        grid=grid,
        in_specs=[
            pl.BlockSpec((BT, in_dim), lambda i: (i, 0)),
            pl.BlockSpec((in_dim, E * P), lambda i: (0, 0)),
            pl.BlockSpec((1, E * P), lambda i: (0, 0)),
            pl.BlockSpec((E, P, P), lambda i: (0, 0, 0)),
            pl.BlockSpec((1, E * P), lambda i: (0, 0)),
        ],
        out_specs=pl.BlockSpec((BT, E * P), lambda i: (i, 0)),
        out_shape=jax.ShapeDtypeStruct((B, E * P), jnp.float32),
        compiler_params=pltpu.CompilerParams(
            dimension_semantics=("arbitrary",)),
    )(emb, W1f, b1f, W2, b2f)

    return projs2d.reshape(B, E, P), gate_wt.reshape(E, B).T

# --- scband reference (transcript-rebuilt; emitter-appended) ---
"""Pipeline reference for scband-aux-expert-heads-70179765616927 (READ-ONLY COPY).

The authoritative reference and input builder live on the scoring server;
editing this copy changes nothing except your own understanding.
"""

import jax, jax.numpy as jnp
import numpy as np

B, IN_DIM, PROJ_DIM, E = 8192, 1024, 256, 4

def setup_inputs(seed: int = 0) -> dict:
    key = jax.random.key(seed)
    ks = jax.random.split(key, 6)
    emb = jax.random.normal(ks[0], (B, IN_DIM), dtype=jnp.float32)
    Wg = jax.random.normal(ks[1], (IN_DIM, E), dtype=jnp.float32) * (1.0 / np.sqrt(IN_DIM))
    bg = jnp.zeros((E,), dtype=jnp.float32)
    W1 = jax.random.normal(ks[2], (E, IN_DIM, PROJ_DIM), dtype=jnp.float32) * (1.0 / np.sqrt(IN_DIM))
    b1 = jnp.zeros((E, PROJ_DIM), dtype=jnp.float32)
    W2 = jax.random.normal(ks[3], (E, PROJ_DIM, PROJ_DIM), dtype=jnp.float32) * (1.0 / np.sqrt(PROJ_DIM))
    b2 = jnp.zeros((E, PROJ_DIM), dtype=jnp.float32)
    return {"emb": emb, "Wg": Wg, "bg": bg, "W1": W1, "b1": b1, "W2": W2, "b2": b2, "top_k": 2}

def reference(emb, Wg, bg, W1, b1, W2, b2, top_k):
    k_static = 2
    # gate
    gate_logits = emb @ Wg + bg + jnp.zeros_like(bg) * top_k  # (B, E)
    top_vals, top_idx = jax.lax.top_k(gate_logits, k_static)
    mask = jnp.zeros_like(gate_logits).at[jnp.arange(gate_logits.shape[0])[:, None], top_idx].set(1.0)
    gate_w = jax.nn.softmax(gate_logits + jnp.log(mask + 1e-09), axis=-1)  # (B, E)
    # experts: Linear -> ReLU -> Linear, stacked over expert axis
    h = jax.nn.relu(jnp.einsum('bi,eio->beo', emb, W1) + b1[None, :, :])   # (B, E, P)
    projs = jnp.einsum('bep,epo->beo', h, W2) + b2[None, :, :]             # (B, E, P)
    return projs, gate_w

if __name__ == "__main__":
    import jax
    _d = setup_inputs()
    print(jax.jit(kernel)(*tuple(_d.values())))

</pallas_src>

<mosaic_0001>
#map = affine_map<(d0, d1) -> (0)>
module attributes {stable_mosaic.version = 14 : i64} {
  func.func @routing(%arg0: i32, %arg1: i32, %arg2: memref<32768xf32, #tpu.memory_space<hbm>>, %arg3: memref<32768xf32, #tpu.memory_space<hbm>>, %arg4: memref<1024xf32, #tpu.memory_space<vmem>>, %arg5: memref<1024xf32, #tpu.memory_space<vmem>>) attributes {dimension_semantics = [#tpu.dimension_semantics<core_parallel>, #tpu.dimension_semantics<subcore_parallel>], iteration_bounds = array<i64: 2, 16>, scalar_prefetch = 0 : i64, scratch_operands = 2 : i64, tpu.core_type = #tpu.core_type<sc_vector_subcore>, window_params = [{transform_indices = #map}, {transform_indices = #map}]} {
    %mul3A = arith.constant 2 : i32
    %mul3A_0 = arith.muli %arg1, %mul3A : i32
    %add3A = arith.addi %mul3A_0, %arg0 : i32
    %mul3A_1 = arith.constant 256 : i32
    %mul3A_2 = arith.muli %add3A, %mul3A_1 : i32
    %add3A_3 = arith.constant 0 : i32
    %add3A_4 = arith.addi %add3A_3, %mul3A_2 : i32
    "tpu.region"() ({
      %run_scoped3A = tpu.sem_alloc : memref<!tpu.dma_semaphore, #tpu.memory_space<semaphore_mem>>
      %dma_start3A = arith.constant 0 : i32
      %dma_start3A_2790 = tpu.memref_slice %arg4[%dma_start3A] : memref<1024xf32, #tpu.memory_space<vmem>> -> memref<256xf32, #tpu.memory_space<vmem>>
      %dma_start3A_2791 = tpu.memref_slice %arg2[%add3A_4] : memref<32768xf32, #tpu.memory_space<hbm>> -> memref<256xf32, #tpu.memory_space<hbm>>
      %dma_start3A_2792 = arith.constant 0 : i32
      %dma_start3A_2793 = tpu.memref_slice %arg4[%dma_start3A_2792] : memref<1024xf32, #tpu.memory_space<vmem>> -> memref<256xf32, #tpu.memory_space<vmem>>
      %dma_start3A_2794 = tpu.memref_slice %arg2[%add3A_4] : memref<32768xf32, #tpu.memory_space<hbm>> -> memref<256xf32, #tpu.memory_space<hbm>>
      tpu.enqueue_dma source(%dma_start3A_2794 : memref<256xf32, #tpu.memory_space<hbm>>) target(%dma_start3A_2793 : memref<256xf32, #tpu.memory_space<vmem>>) target_semaphore(%run_scoped3A : memref<!tpu.dma_semaphore, #tpu.memory_space<semaphore_mem>>)
      %dma_wait3A = arith.constant 0 : i32
      %dma_wait3A_2795 = tpu.memref_slice %arg4[%dma_wait3A] : memref<1024xf32, #tpu.memory_space<vmem>> -> memref<256xf32, #tpu.memory_space<vmem>>
      %dma_wait3A_2796 = tpu.memref_slice %arg2[%add3A_4] : memref<32768xf32, #tpu.memory_space<hbm>> -> memref<256xf32, #tpu.memory_space<hbm>>
      %dma_wait3A_2797 = arith.constant 0 : i32
      %dma_wait3A_2798 = tpu.memref_slice %arg4[%dma_wait3A_2797] : memref<1024xf32, #tpu.memory_space<vmem>> -> memref<256xf32, #tpu.memory_space<vmem>>
      %dma_wait3A_2799 = tpu.memref_slice %arg2[%add3A_4] : memref<32768xf32, #tpu.memory_space<hbm>> -> memref<256xf32, #tpu.memory_space<hbm>>
      tpu.wait_dma2 semaphore(%run_scoped3A : memref<!tpu.dma_semaphore, #tpu.memory_space<semaphore_mem>>) src(%dma_wait3A_2799 : memref<256xf32, #tpu.memory_space<hbm>>) dst(%dma_wait3A_2798 : memref<256xf32, #tpu.memory_space<vmem>>)
      tpu.yield
    }) : () -> ()
    %add3A_5 = arith.constant 8192 : i32
    %add3A_6 = arith.addi %add3A_5, %mul3A_2 : i32
    "tpu.region"() ({
      %run_scoped3A = tpu.sem_alloc : memref<!tpu.dma_semaphore, #tpu.memory_space<semaphore_mem>>
      %dma_start3A = arith.constant 256 : i32
      %dma_start3A_2790 = tpu.memref_slice %arg4[%dma_start3A] : memref<1024xf32, #tpu.memory_space<vmem>> -> memref<256xf32, #tpu.memory_space<vmem>>
      %dma_start3A_2791 = tpu.memref_slice %arg2[%add3A_6] : memref<32768xf32, #tpu.memory_space<hbm>> -> memref<256xf32, #tpu.memory_space<hbm>>
      %dma_start3A_2792 = arith.constant 256 : i32
      %dma_start3A_2793 = tpu.memref_slice %arg4[%dma_start3A_2792] : memref<1024xf32, #tpu.memory_space<vmem>> -> memref<256xf32, #tpu.memory_space<vmem>>
      %dma_start3A_2794 = tpu.memref_slice %arg2[%add3A_6] : memref<32768xf32, #tpu.memory_space<hbm>> -> memref<256xf32, #tpu.memory_space<hbm>>
      tpu.enqueue_dma source(%dma_start3A_2794 : memref<256xf32, #tpu.memory_space<hbm>>) target(%dma_start3A_2793 : memref<256xf32, #tpu.memory_space<vmem>>) target_semaphore(%run_scoped3A : memref<!tpu.dma_semaphore, #tpu.memory_space<semaphore_mem>>)
      %dma_wait3A = arith.constant 256 : i32
      %dma_wait3A_2795 = tpu.memref_slice %arg4[%dma_wait3A] : memref<1024xf32, #tpu.memory_space<vmem>> -> memref<256xf32, #tpu.memory_space<vmem>>
      %dma_wait3A_2796 = tpu.memref_slice %arg2[%add3A_6] : memref<32768xf32, #tpu.memory_space<hbm>> -> memref<256xf32, #tpu.memory_space<hbm>>
      %dma_wait3A_2797 = arith.constant 256 : i32
      %dma_wait3A_2798 = tpu.memref_slice %arg4[%dma_wait3A_2797] : memref<1024xf32, #tpu.memory_space<vmem>> -> memref<256xf32, #tpu.memory_space<vmem>>
      %dma_wait3A_2799 = tpu.memref_slice %arg2[%add3A_6] : memref<32768xf32, #tpu.memory_space<hbm>> -> memref<256xf32, #tpu.memory_space<hbm>>
      tpu.wait_dma2 semaphore(%run_scoped3A : memref<!tpu.dma_semaphore, #tpu.memory_space<semaphore_mem>>) src(%dma_wait3A_2799 : memref<256xf32, #tpu.memory_space<hbm>>) dst(%dma_wait3A_2798 : memref<256xf32, #tpu.memory_space<vmem>>)
      tpu.yield
    }) : () -> ()
    %add3A_7 = arith.constant 16384 : i32
    %add3A_8 = arith.addi %add3A_7, %mul3A_2 : i32
    "tpu.region"() ({
      %run_scoped3A = tpu.sem_alloc : memref<!tpu.dma_semaphore, #tpu.memory_space<semaphore_mem>>
      %dma_start3A = arith.constant 512 : i32
      %dma_start3A_2790 = tpu.memref_slice %arg4[%dma_start3A] : memref<1024xf32, #tpu.memory_space<vmem>> -> memref<256xf32, #tpu.memory_space<vmem>>
      %dma_start3A_2791 = tpu.memref_slice %arg2[%add3A_8] : memref<32768xf32, #tpu.memory_space<hbm>> -> memref<256xf32, #tpu.memory_space<hbm>>
      %dma_start3A_2792 = arith.constant 512 : i32
      %dma_start3A_2793 = tpu.memref_slice %arg4[%dma_start3A_2792] : memref<1024xf32, #tpu.memory_space<vmem>> -> memref<256xf32, #tpu.memory_space<vmem>>
      %dma_start3A_2794 = tpu.memref_slice %arg2[%add3A_8] : memref<32768xf32, #tpu.memory_space<hbm>> -> memref<256xf32, #tpu.memory_space<hbm>>
      tpu.enqueue_dma source(%dma_start3A_2794 : memref<256xf32, #tpu.memory_space<hbm>>) target(%dma_start3A_2793 : memref<256xf32, #tpu.memory_space<vmem>>) target_semaphore(%run_scoped3A : memref<!tpu.dma_semaphore, #tpu.memory_space<semaphore_mem>>)
      %dma_wait3A = arith.constant 512 : i32
      %dma_wait3A_2795 = tpu.memref_slice %arg4[%dma_wait3A] : memref<1024xf32, #tpu.memory_space<vmem>> -> memref<256xf32, #tpu.memory_space<vmem>>
      %dma_wait3A_2796 = tpu.memref_slice %arg2[%add3A_8] : memref<32768xf32, #tpu.memory_space<hbm>> -> memref<256xf32, #tpu.memory_space<hbm>>
      %dma_wait3A_2797 = arith.constant 512 : i32
      %dma_wait3A_2798 = tpu.memref_slice %arg4[%dma_wait3A_2797] : memref<1024xf32, #tpu.memory_space<vmem>> -> memref<256xf32, #tpu.memory_space<vmem>>
      %dma_wait3A_2799 = tpu.memref_slice %arg2[%add3A_8] : memref<32768xf32, #tpu.memory_space<hbm>> -> memref<256xf32, #tpu.memory_space<hbm>>
      tpu.wait_dma2 semaphore(%run_scoped3A : memref<!tpu.dma_semaphore, #tpu.memory_space<semaphore_mem>>) src(%dma_wait3A_2799 : memref<256xf32, #tpu.memory_space<hbm>>) dst(%dma_wait3A_2798 : memref<256xf32, #tpu.memory_space<vmem>>)
      tpu.yield
    }) : () -> ()
    %add3A_9 = arith.constant 24576 : i32
    %add3A_10 = arith.addi %add3A_9, %mul3A_2 : i32
    "tpu.region"() ({
      %run_scoped3A = tpu.sem_alloc : memref<!tpu.dma_semaphore, #tpu.memory_space<semaphore_mem>>
      %dma_start3A = arith.constant 768 : i32
      %dma_start3A_2790 = tpu.memref_slice %arg4[%dma_start3A] : memref<1024xf32, #tpu.memory_space<vmem>> -> memref<256xf32, #tpu.memory_space<vmem>>
      %dma_start3A_2791 = tpu.memref_slice %arg2[%add3A_10] : memref<32768xf32, #tpu.memory_space<hbm>> -> memref<256xf32, #tpu.memory_space<hbm>>
      %dma_start3A_2792 = arith.constant 768 : i32
      %dma_start3A_2793 = tpu.memref_slice %arg4[%dma_start3A_2792] : memref<1024xf32, #tpu.memory_space<vmem>> -> memref<256xf32, #tpu.memory_space<vmem>>
      %dma_start3A_2794 = tpu.memref_slice %arg2[%add3A_10] : memref<32768xf32, #tpu.memory_space<hbm>> -> memref<256xf32, #tpu.memory_space<hbm>>
      tpu.enqueue_dma source(%dma_start3A_2794 : memref<256xf32, #tpu.memory_space<hbm>>) target(%dma_start3A_2793 : memref<256xf32, #tpu.memory_space<vmem>>) target_semaphore(%run_scoped3A : memref<!tpu.dma_semaphore, #tpu.memory_space<semaphore_mem>>)
      %dma_wait3A = arith.constant 768 : i32
      %dma_wait3A_2795 = tpu.memref_slice %arg4[%dma_wait3A] : memref<1024xf32, #tpu.memory_space<vmem>> -> memref<256xf32, #tpu.memory_space<vmem>>
      %dma_wait3A_2796 = tpu.memref_slice %arg2[%add3A_10] : memref<32768xf32, #tpu.memory_space<hbm>> -> memref<256xf32, #tpu.memory_space<hbm>>
      %dma_wait3A_2797 = arith.constant 768 : i32
      %dma_wait3A_2798 = tpu.memref_slice %arg4[%dma_wait3A_2797] : memref<1024xf32, #tpu.memory_space<vmem>> -> memref<256xf32, #tpu.memory_space<vmem>>
      %dma_wait3A_2799 = tpu.memref_slice %arg2[%add3A_10] : memref<32768xf32, #tpu.memory_space<hbm>> -> memref<256xf32, #tpu.memory_space<hbm>>
      tpu.wait_dma2 semaphore(%run_scoped3A : memref<!tpu.dma_semaphore, #tpu.memory_space<semaphore_mem>>) src(%dma_wait3A_2799 : memref<256xf32, #tpu.memory_space<hbm>>) dst(%dma_wait3A_2798 : memref<256xf32, #tpu.memory_space<vmem>>)
      tpu.yield
    }) : () -> ()
    %get3A = arith.constant 0 : index
    %get3A_11 = tpu.vector_load %arg4[%get3A] {strides = array<i32>} : memref<1024xf32, #tpu.memory_space<vmem>>, vector<16xf32>,
    %get3A_12 = vector.shape_cast %get3A_11 : vector<16xf32> to vector<16xf32>
    %get3A_13 = arith.constant 256 : index
    %get3A_14 = tpu.vector_load %arg4[%get3A_13] {strides = array<i32>} : memref<1024xf32, #tpu.memory_space<vmem>>, vector<16xf32>,
    %get3A_15 = vector.shape_cast %get3A_14 : vector<16xf32> to vector<16xf32>
    %get3A_16 = arith.constant 512 : index
    %get3A_17 = tpu.vector_load %arg4[%get3A_16] {strides = array<i32>} : memref<1024xf32, #tpu.memory_space<vmem>>, vector<16xf32>,
    %get3A_18 = vector.shape_cast %get3A_17 : vector<16xf32> to vector<16xf32>
    %get3A_19 = arith.constant 768 : index
    %get3A_20 = tpu.vector_load %arg4[%get3A_19] {strides = array<i32>} : memref<1024xf32, #tpu.memory_space<vmem>>, vector<16xf32>,
    %get3A_21 = vector.shape_cast %get3A_20 : vector<16xf32> to vector<16xf32>
    %gt3A = arith.cmpf ogt, %get3A_15, %get3A_12 : vector<16xf32>
    %jit3A = arith.constant 1.000000e+00 : f32
    %jit3A_22 = arith.constant 0.000000e+00 : f32
    %broadcast_in_dim3A = vector.broadcast %jit3A : f32 to vector<16xf32>
    %broadcast_in_dim3A_23 = vector.broadcast %jit3A_22 : f32 to vector<16xf32>
    %select_n3A = arith.select %gt3A, %broadcast_in_dim3A, %broadcast_in_dim3A_23 : vector<16xi1>, vector<16xf32>
    %gt3A_24 = arith.cmpf ogt, %get3A_18, %get3A_12 : vector<16xf32>
    %jit3A_25 = arith.constant 1.000000e+00 : f32
    %jit3A_26 = arith.constant 0.000000e+00 : f32
    %broadcast_in_dim3A_27 = vector.broadcast %jit3A_25 : f32 to vector<16xf32>
    %broadcast_in_dim3A_28 = vector.broadcast %jit3A_26 : f32 to vector<16xf32>
    %select_n3A_29 = arith.select %gt3A_24, %broadcast_in_dim3A_27, %broadcast_in_dim3A_28 : vector<16xi1>, vector<16xf32>
    %add3A_30 = arith.addf %select_n3A, %select_n3A_29 : vector<16xf32>
    %gt3A_31 = arith.cmpf ogt, %get3A_21, %get3A_12 : vector<16xf32>
    %jit3A_32 = arith.constant 1.000000e+00 : f32
    %jit3A_33 = arith.constant 0.000000e+00 : f32
    %broadcast_in_dim3A_34 = vector.broadcast %jit3A_32 : f32 to vector<16xf32>
    %broadcast_in_dim3A_35 = vector.broadcast %jit3A_33 : f32 to vector<16xf32>
    %select_n3A_36 = arith.select %gt3A_31, %broadcast_in_dim3A_34, %broadcast_in_dim3A_35 : vector<16xi1>, vector<16xf32>
    %add3A_37 = arith.addf %add3A_30, %select_n3A_36 : vector<16xf32>
    %lt3A = arith.constant 2.000000e+00 : f32
    %lt3A_38 = vector.broadcast %lt3A : f32 to vector<16xf32>
    %lt3A_39 = arith.cmpf olt, %add3A_37, %lt3A_38 : vector<16xf32>
    %jit3A_40 = arith.constant 0.000000e+00 : f32
    %jit3A_41 = arith.constant -20.7232666 : f32
    %broadcast_in_dim3A_42 = vector.broadcast %jit3A_40 : f32 to vector<16xf32>
    %broadcast_in_dim3A_43 = vector.broadcast %jit3A_41 : f32 to vector<16xf32>
    %select_n3A_44 = arith.select %lt3A_39, %broadcast_in_dim3A_42, %broadcast_in_dim3A_43 : vector<16xi1>, vector<16xf32>
    %add3A_45 = arith.addf %get3A_12, %select_n3A_44 : vector<16xf32>
    %gt3A_46 = arith.cmpf ogt, %get3A_12, %get3A_15 : vector<16xf32>
    %eq3A = arith.cmpf oeq, %get3A_12, %get3A_15 : vector<16xf32>
    %or3A = arith.ori %gt3A_46, %eq3A : vector<16xi1>
    %jit3A_47 = arith.constant 1.000000e+00 : f32
    %jit3A_48 = arith.constant 0.000000e+00 : f32
    %broadcast_in_dim3A_49 = vector.broadcast %jit3A_47 : f32 to vector<16xf32>
    %broadcast_in_dim3A_50 = vector.broadcast %jit3A_48 : f32 to vector<16xf32>
    %select_n3A_51 = arith.select %or3A, %broadcast_in_dim3A_49, %broadcast_in_dim3A_50 : vector<16xi1>, vector<16xf32>
    %gt3A_52 = arith.cmpf ogt, %get3A_18, %get3A_15 : vector<16xf32>
    %jit3A_53 = arith.constant 1.000000e+00 : f32
    %jit3A_54 = arith.constant 0.000000e+00 : f32
    %broadcast_in_dim3A_55 = vector.broadcast %jit3A_53 : f32 to vector<16xf32>
    %broadcast_in_dim3A_56 = vector.broadcast %jit3A_54 : f32 to vector<16xf32>
    %select_n3A_57 = arith.select %gt3A_52, %broadcast_in_dim3A_55, %broadcast_in_dim3A_56 : vector<16xi1>, vector<16xf32>
    %add3A_58 = arith.addf %select_n3A_51, %select_n3A_57 : vector<16xf32>
    %gt3A_59 = arith.cmpf ogt, %get3A_21, %get3A_15 : vector<16xf32>
    %jit3A_60 = arith.constant 1.000000e+00 : f32
    %jit3A_61 = arith.constant 0.000000e+00 : f32
    %broadcast_in_dim3A_62 = vector.broadcast %jit3A_60 : f32 to vector<16xf32>
    %broadcast_in_dim3A_63 = vector.broadcast %jit3A_61 : f32 to vector<16xf32>
    %select_n3A_64 = arith.select %gt3A_59, %broadcast_in_dim3A_62, %broadcast_in_dim3A_63 : vector<16xi1>, vector<16xf32>
    %add3A_65 = arith.addf %add3A_58, %select_n3A_64 : vector<16xf32>
    %lt3A_66 = arith.constant 2.000000e+00 : f32
    %lt3A_67 = vector.broadcast %lt3A_66 : f32 to vector<16xf32>
    %lt3A_68 = arith.cmpf olt, %add3A_65, %lt3A_67 : vector<16xf32>
    %jit3A_69 = arith.constant 0.000000e+00 : f32
    %jit3A_70 = arith.constant -20.7232666 : f32
    %broadcast_in_dim3A_71 = vector.broadcast %jit3A_69 : f32 to vector<16xf32>
    %broadcast_in_dim3A_72 = vector.broadcast %jit3A_70 : f32 to vector<16xf32>
    %select_n3A_73 = arith.select %lt3A_68, %broadcast_in_dim3A_71, %broadcast_in_dim3A_72 : vector<16xi1>, vector<16xf32>
    %add3A_74 = arith.addf %get3A_15, %select_n3A_73 : vector<16xf32>
    %gt3A_75 = arith.cmpf ogt, %get3A_12, %get3A_18 : vector<16xf32>
    %eq3A_76 = arith.cmpf oeq, %get3A_12, %get3A_18 : vector<16xf32>
    %or3A_77 = arith.ori %gt3A_75, %eq3A_76 : vector<16xi1>
    %jit3A_78 = arith.constant 1.000000e+00 : f32
    %jit3A_79 = arith.constant 0.000000e+00 : f32
    %broadcast_in_dim3A_80 = vector.broadcast %jit3A_78 : f32 to vector<16xf32>
    %broadcast_in_dim3A_81 = vector.broadcast %jit3A_79 : f32 to vector<16xf32>
    %select_n3A_82 = arith.select %or3A_77, %broadcast_in_dim3A_80, %broadcast_in_dim3A_81 : vector<16xi1>, vector<16xf32>
    %gt3A_83 = arith.cmpf ogt, %get3A_15, %get3A_18 : vector<16xf32>
    %eq3A_84 = arith.cmpf oeq, %get3A_15, %get3A_18 : vector<16xf32>
    %or3A_85 = arith.ori %gt3A_83, %eq3A_84 : vector<16xi1>
    %jit3A_86 = arith.constant 1.000000e+00 : f32
    %jit3A_87 = arith.constant 0.000000e+00 : f32
    %broadcast_in_dim3A_88 = vector.broadcast %jit3A_86 : f32 to vector<16xf32>
    %broadcast_in_dim3A_89 = vector.broadcast %jit3A_87 : f32 to vector<16xf32>
    %select_n3A_90 = arith.select %or3A_85, %broadcast_in_dim3A_88, %broadcast_in_dim3A_89 : vector<16xi1>, vector<16xf32>
    %add3A_91 = arith.addf %select_n3A_82, %select_n3A_90 : vector<16xf32>
    %gt3A_92 = arith.cmpf ogt, %get3A_21, %get3A_18 : vector<16xf32>
    %jit3A_93 = arith.constant 1.000000e+00 : f32
    %jit3A_94 = arith.constant 0.000000e+00 : f32
    %broadcast_in_dim3A_95 = vector.broadcast %jit3A_93 : f32 to vector<16xf32>
    %broadcast_in_dim3A_96 = vector.broadcast %jit3A_94 : f32 to vector<16xf32>
    %select_n3A_97 = arith.select %gt3A_92, %broadcast_in_dim3A_95, %broadcast_in_dim3A_96 : vector<16xi1>, vector<16xf32>
    %add3A_98 = arith.addf %add3A_91, %select_n3A_97 : vector<16xf32>
    %lt3A_99 = arith.constant 2.000000e+00 : f32
    %lt3A_100 = vector.broadcast %lt3A_99 : f32 to vector<16xf32>
    %lt3A_101 = arith.cmpf olt, %add3A_98, %lt3A_100 : vector<16xf32>
    %jit3A_102 = arith.constant 0.000000e+00 : f32
    %jit3A_103 = arith.constant -20.7232666 : f32
    %broadcast_in_dim3A_104 = vector.broadcast %jit3A_102 : f32 to vector<16xf32>
    %broadcast_in_dim3A_105 = vector.broadcast %jit3A_103 : f32 to vector<16xf32>
    %select_n3A_106 = arith.select %lt3A_101, %broadcast_in_dim3A_104, %broadcast_in_dim3A_105 : vector<16xi1>, vector<16xf32>
    %add3A_107 = arith.addf %get3A_18, %select_n3A_106 : vector<16xf32>
    %gt3A_108 = arith.cmpf ogt, %get3A_12, %get3A_21 : vector<16xf32>
    %eq3A_109 = arith.cmpf oeq, %get3A_12, %get3A_21 : vector<16xf32>
    %or3A_110 = arith.ori %gt3A_108, %eq3A_109 : vector<16xi1>
    %jit3A_111 = arith.constant 1.000000e+00 : f32
    %jit3A_112 = arith.constant 0.000000e+00 : f32
    %broadcast_in_dim3A_113 = vector.broadcast %jit3A_111 : f32 to vector<16xf32>
    %broadcast_in_dim3A_114 = vector.broadcast %jit3A_112 : f32 to vector<16xf32>
    %select_n3A_115 = arith.select %or3A_110, %broadcast_in_dim3A_113, %broadcast_in_dim3A_114 : vector<16xi1>, vector<16xf32>
    %gt3A_116 = arith.cmpf ogt, %get3A_15, %get3A_21 : vector<16xf32>
    %eq3A_117 = arith.cmpf oeq, %get3A_15, %get3A_21 : vector<16xf32>
    %or3A_118 = arith.ori %gt3A_116, %eq3A_117 : vector<16xi1>
    %jit3A_119 = arith.constant 1.000000e+00 : f32
    %jit3A_120 = arith.constant 0.000000e+00 : f32
    %broadcast_in_dim3A_121 = vector.broadcast %jit3A_119 : f32 to vector<16xf32>
    %broadcast_in_dim3A_122 = vector.broadcast %jit3A_120 : f32 to vector<16xf32>
    %select_n3A_123 = arith.select %or3A_118, %broadcast_in_dim3A_121, %broadcast_in_dim3A_122 : vector<16xi1>, vector<16xf32>
    %add3A_124 = arith.addf %select_n3A_115, %select_n3A_123 : vector<16xf32>
    %gt3A_125 = arith.cmpf ogt, %get3A_18, %get3A_21 : vector<16xf32>
    %eq3A_126 = arith.cmpf oeq, %get3A_18, %get3A_21 : vector<16xf32>
    %or3A_127 = arith.ori %gt3A_125, %eq3A_126 : vector<16xi1>
    %jit3A_128 = arith.constant 1.000000e+00 : f32
    %jit3A_129 = arith.constant 0.000000e+00 : f32
    %broadcast_in_dim3A_130 = vector.broadcast %jit3A_128 : f32 to vector<16xf32>
    %broadcast_in_dim3A_131 = vector.broadcast %jit3A_129 : f32 to vector<16xf32>
    %select_n3A_132 = arith.select %or3A_127, %broadcast_in_dim3A_130, %broadcast_in_dim3A_131 : vector<16xi1>, vector<16xf32>
    %add3A_133 = arith.addf %add3A_124, %select_n3A_132 : vector<16xf32>
    %lt3A_134 = arith.constant 2.000000e+00 : f32
    %lt3A_135 = vector.broadcast %lt3A_134 : f32 to vector<16xf32>
    %lt3A_136 = arith.cmpf olt, %add3A_133, %lt3A_135 : vector<16xf32>
    %jit3A_137 = arith.constant 0.000000e+00 : f32
    %jit3A_138 = arith.constant -20.7232666 : f32
    %broadcast_in_dim3A_139 = vector.broadcast %jit3A_137 : f32 to vector<16xf32>
    %broadcast_in_dim3A_140 = vector.broadcast %jit3A_138 : f32 to vector<16xf32>
    %select_n3A_141 = arith.select %lt3A_136, %broadcast_in_dim3A_139, %broadcast_in_dim3A_140 : vector<16xi1>, vector<16xf32>
    %add3A_142 = arith.addf %get3A_21, %select_n3A_141 : vector<16xf32>
    %max3A = arith.maximumf %add3A_45, %add3A_74 : vector<16xf32>
    %max3A_143 = arith.maximumf %max3A, %add3A_107 : vector<16xf32>
    %max3A_144 = arith.maximumf %max3A_143, %add3A_142 : vector<16xf32>
    %sub3A = arith.subf %add3A_45, %max3A_144 : vector<16xf32>
    %exp3A = math.exp %sub3A : vector<16xf32>
    %sub3A_145 = arith.subf %add3A_74, %max3A_144 : vector<16xf32>
    %exp3A_146 = math.exp %sub3A_145 : vector<16xf32>
    %sub3A_147 = arith.subf %add3A_107, %max3A_144 : vector<16xf32>
    %exp3A_148 = math.exp %sub3A_147 : vector<16xf32>
    %sub3A_149 = arith.subf %add3A_142, %max3A_144 : vector<16xf32>
    %exp3A_150 = math.exp %sub3A_149 : vector<16xf32>
    %add3A_151 = arith.addf %exp3A, %exp3A_146 : vector<16xf32>
    %add3A_152 = arith.addf %add3A_151, %exp3A_148 : vector<16xf32>
    %add3A_153 = arith.addf %add3A_152, %exp3A_150 : vector<16xf32>
    %div3A = arith.divf %exp3A, %add3A_153 : vector<16xf32>
    %swap3A = arith.constant 0 : index
    %swap3A_154 = tpu.vector_load %arg5[%swap3A] {strides = array<i32>} : memref<1024xf32, #tpu.memory_space<vmem>>, vector<16xf32>,
    %swap3A_155 = vector.shape_cast %swap3A_154 : vector<16xf32> to vector<16xf32>
    %swap3A_156 = vector.shape_cast %div3A : vector<16xf32> to vector<16xf32>
    tpu.vector_store %arg5[%swap3A], %swap3A_156 {strides = array<i32>} : memref<1024xf32, #tpu.memory_space<vmem>>, vector<16xf32>,
    %div3A_157 = arith.divf %exp3A_146, %add3A_153 : vector<16xf32>
    %swap3A_158 = arith.constant 256 : index
    %swap3A_159 = tpu.vector_load %arg5[%swap3A_158] {strides = array<i32>} : memref<1024xf32, #tpu.memory_space<vmem>>, vector<16xf32>,
    %swap3A_160 = vector.shape_cast %swap3A_159 : vector<16xf32> to vector<16xf32>
    %swap3A_161 = vector.shape_cast %div3A_157 : vector<16xf32> to vector<16xf32>
    tpu.vector_store %arg5[%swap3A_158], %swap3A_161 {strides = array<i32>} : memref<1024xf32, #tpu.memory_space<vmem>>, vector<16xf32>,
    %div3A_162 = arith.divf %exp3A_148, %add3A_153 : vector<16xf32>
    %swap3A_163 = arith.constant 512 : index
    %swap3A_164 = tpu.vector_load %arg5[%swap3A_163] {strides = array<i32>} : memref<1024xf32, #tpu.memory_space<vmem>>, vector<16xf32>,
    %swap3A_165 = vector.shape_cast %swap3A_164 : vector<16xf32> to vector<16xf32>
    %swap3A_166 = vector.shape_cast %div3A_162 : vector<16xf32> to vector<16xf32>
    tpu.vector_store %arg5[%swap3A_163], %swap3A_166 {strides = array<i32>} : memref<1024xf32, #tpu.memory_space<vmem>>, vector<16xf32>,
    %div3A_167 = arith.divf %exp3A_150, %add3A_153 : vector<16xf32>
    %swap3A_168 = arith.constant 768 : index
    %swap3A_169 = tpu.vector_load %arg5[%swap3A_168] {strides = array<i32>} : memref<1024xf32, #tpu.memory_space<vmem>>, vector<16xf32>,
    %swap3A_170 = vector.shape_cast %swap3A_169 : vector<16xf32> to vector<16xf32>
    %swap3A_171 = vector.shape_cast %div3A_167 : vector<16xf32> to vector<16xf32>
    tpu.vector_store %arg5[%swap3A_168], %swap3A_171 {strides = array<i32>} : memref<1024xf32, #tpu.memory_space<vmem>>, vector<16xf32>,
    %get3A_172 = arith.constant 16 : index
    %get3A_173 = tpu.vector_load %arg4[%get3A_172] {strides = array<i32>} : memref<1024xf32, #tpu.memory_space<vmem>>, vector<16xf32>,
    %get3A_174 = vector.shape_cast %get3A_173 : vector<16xf32> to vector<16xf32>
    %get3A_175 = arith.constant 272 : index
    %get3A_176 = tpu.vector_load %arg4[%get3A_175] {strides = array<i32>} : memref<1024xf32, #tpu.memory_space<vmem>>, vector<16xf32>,
    %get3A_177 = vector.shape_cast %get3A_176 : vector<16xf32> to vector<16xf32>
    %get3A_178 = arith.constant 528 : index
    %get3A_179 = tpu.vector_load %arg4[%get3A_178] {strides = array<i32>} : memref<1024xf32, #tpu.memory_space<vmem>>, vector<16xf32>,
    %get3A_180 = vector.shape_cast %get3A_179 : vector<16xf32> to vector<16xf32>
    %get3A_181 = arith.constant 784 : index
    %get3A_182 = tpu.vector_load %arg4[%get3A_181] {strides = array<i32>} : memref<1024xf32, #tpu.memory_space<vmem>>, vector<16xf32>,
    %get3A_183 = vector.shape_cast %get3A_182 : vector<16xf32> to vector<16xf32>
    %gt3A_184 = arith.cmpf ogt, %get3A_177, %get3A_174 : vector<16xf32>
    %jit3A_185 = arith.constant 1.000000e+00 : f32
    %jit3A_186 = arith.constant 0.000000e+00 : f32
    %broadcast_in_dim3A_187 = vector.broadcast %jit3A_185 : f32 to vector<16xf32>
    %broadcast_in_dim3A_188 = vector.broadcast %jit3A_186 : f32 to vector<16xf32>
    %select_n3A_189 = arith.select %gt3A_184, %broadcast_in_dim3A_187, %broadcast_in_dim3A_188 : vector<16xi1>, vector<16xf32>
    %gt3A_190 = arith.cmpf ogt, %get3A_180, %get3A_174 : vector<16xf32>
    %jit3A_191 = arith.constant 1.000000e+00 : f32
    %jit3A_192 = arith.constant 0.000000e+00 : f32
    %broadcast_in_dim3A_193 = vector.broadcast %jit3A_191 : f32 to vector<16xf32>
    %broadcast_in_dim3A_194 = vector.broadcast %jit3A_192 : f32 to vector<16xf32>
    %select_n3A_195 = arith.select %gt3A_190, %broadcast_in_dim3A_193, %broadcast_in_dim3A_194 : vector<16xi1>, vector<16xf32>
    %add3A_196 = arith.addf %select_n3A_189, %select_n3A_195 : vector<16xf32>
    %gt3A_197 = arith.cmpf ogt, %get3A_183, %get3A_174 : vector<16xf32>
    %jit3A_198 = arith.constant 1.000000e+00 : f32
    %jit3A_199 = arith.constant 0.000000e+00 : f32
    %broadcast_in_dim3A_200 = vector.broadcast %jit3A_198 : f32 to vector<16xf32>
    %broadcast_in_dim3A_201 = vector.broadcast %jit3A_199 : f32 to vector<16xf32>
    %select_n3A_202 = arith.select %gt3A_197, %broadcast_in_dim3A_200, %broadcast_in_dim3A_201 : vector<16xi1>, vector<16xf32>
    %add3A_203 = arith.addf %add3A_196, %select_n3A_202 : vector<16xf32>
    %lt3A_204 = arith.constant 2.000000e+00 : f32
    %lt3A_205 = vector.broadcast %lt3A_204 : f32 to vector<16xf32>
    %lt3A_206 = arith.cmpf olt, %add3A_203, %lt3A_205 : vector<16xf32>
    %jit3A_207 = arith.constant 0.000000e+00 : f32
    %jit3A_208 = arith.constant -20.7232666 : f32
    %broadcast_in_dim3A_209 = vector.broadcast %jit3A_207 : f32 to vector<16xf32>
    %broadcast_in_dim3A_210 = vector.broadcast %jit3A_208 : f32 to vector<16xf32>
    %select_n3A_211 = arith.select %lt3A_206, %broadcast_in_dim3A_209, %broadcast_in_dim3A_210 : vector<16xi1>, vector<16xf32>
    %add3A_212 = arith.addf %get3A_174, %select_n3A_211 : vector<16xf32>
    %gt3A_213 = arith.cmpf ogt, %get3A_174, %get3A_177 : vector<16xf32>
    %eq3A_214 = arith.cmpf oeq, %get3A_174, %get3A_177 : vector<16xf32>
    %or3A_215 = arith.ori %gt3A_213, %eq3A_214 : vector<16xi1>
    %jit3A_216 = arith.constant 1.000000e+00 : f32
    %jit3A_217 = arith.constant 0.000000e+00 : f32
    %broadcast_in_dim3A_218 = vector.broadcast %jit3A_216 : f32 to vector<16xf32>
    %broadcast_in_dim3A_219 = vector.broadcast %jit3A_217 : f32 to vector<16xf32>
    %select_n3A_220 = arith.select %or3A_215, %broadcast_in_dim3A_218, %broadcast_in_dim3A_219 : vector<16xi1>, vector<16xf32>
    %gt3A_221 = arith.cmpf ogt, %get3A_180, %get3A_177 : vector<16xf32>
    %jit3A_222 = arith.constant 1.000000e+00 : f32
    %jit3A_223 = arith.constant 0.000000e+00 : f32
    %broadcast_in_dim3A_224 = vector.broadcast %jit3A_222 : f32 to vector<16xf32>
    %broadcast_in_dim3A_225 = vector.broadcast %jit3A_223 : f32 to vector<16xf32>
    %select_n3A_226 = arith.select %gt3A_221, %broadcast_in_dim3A_224, %broadcast_in_dim3A_225 : vector<16xi1>, vector<16xf32>
    %add3A_227 = arith.addf %select_n3A_220, %select_n3A_226 : vector<16xf32>
    %gt3A_228 = arith.cmpf ogt, %get3A_183, %get3A_177 : vector<16xf32>
    %jit3A_229 = arith.constant 1.000000e+00 : f32
    %jit3A_230 = arith.constant 0.000000e+00 : f32
    %broadcast_in_dim3A_231 = vector.broadcast %jit3A_229 : f32 to vector<16xf32>
    %broadcast_in_dim3A_232 = vector.broadcast %jit3A_230 : f32 to vector<16xf32>
    %select_n3A_233 = arith.select %gt3A_228, %broadcast_in_dim3A_231, %broadcast_in_dim3A_232 : vector<16xi1>, vector<16xf32>
    %add3A_234 = arith.addf %add3A_227, %select_n3A_233 : vector<16xf32>
    %lt3A_235 = arith.constant 2.000000e+00 : f32
    %lt3A_236 = vector.broadcast %lt3A_235 : f32 to vector<16xf32>
    %lt3A_237 = arith.cmpf olt, %add3A_234, %lt3A_236 : vector<16xf32>
    %jit3A_238 = arith.constant 0.000000e+00 : f32
    %jit3A_239 = arith.constant -20.7232666 : f32
    %broadcast_in_dim3A_240 = vector.broadcast %jit3A_238 : f32 to vector<16xf32>
    %broadcast_in_dim3A_241 = vector.broadcast %jit3A_239 : f32 to vector<16xf32>
    %select_n3A_242 = arith.select %lt3A_237, %broadcast_in_dim3A_240, %broadcast_in_dim3A_241 : vector<16xi1>, vector<16xf32>
    %add3A_243 = arith.addf %get3A_177, %select_n3A_242 : vector<16xf32>
    %gt3A_244 = arith.cmpf ogt, %get3A_174, %get3A_180 : vector<16xf32>
    %eq3A_245 = arith.cmpf oeq, %get3A_174, %get3A_180 : vector<16xf32>
    %or3A_246 = arith.ori %gt3A_244, %eq3A_245 : vector<16xi1>
    %jit3A_247 = arith.constant 1.000000e+00 : f32
    %jit3A_248 = arith.constant 0.000000e+00 : f32
    %broadcast_in_dim3A_249 = vector.broadcast %jit3A_247 : f32 to vector<16xf32>
    %broadcast_in_dim3A_250 = vector.broadcast %jit3A_248 : f32 to vector<16xf32>
    %select_n3A_251 = arith.select %or3A_246, %broadcast_in_dim3A_249, %broadcast_in_dim3A_250 : vector<16xi1>, vector<16xf32>
    %gt3A_252 = arith.cmpf ogt, %get3A_177, %get3A_180 : vector<16xf32>
    %eq3A_253 = arith.cmpf oeq, %get3A_177, %get3A_180 : vector<16xf32>
    %or3A_254 = arith.ori %gt3A_252, %eq3A_253 : vector<16xi1>
    %jit3A_255 = arith.constant 1.000000e+00 : f32
    %jit3A_256 = arith.constant 0.000000e+00 : f32
    %broadcast_in_dim3A_257 = vector.broadcast %jit3A_255 : f32 to vector<16xf32>
    %broadcast_in_dim3A_258 = vector.broadcast %jit3A_256 : f32 to vector<16xf32>
    %select_n3A_259 = arith.select %or3A_254, %broadcast_in_dim3A_257, %broadcast_in_dim3A_258 : vector<16xi1>, vector<16xf32>
    %add3A_260 = arith.addf %select_n3A_251, %select_n3A_259 : vector<16xf32>
    %gt3A_261 = arith.cmpf ogt, %get3A_183, %get3A_180 : vector<16xf32>
    %jit3A_262 = arith.constant 1.000000e+00 : f32
    %jit3A_263 = arith.constant 0.000000e+00 : f32
    %broadcast_in_dim3A_264 = vector.broadcast %jit3A_262 : f32 to vector<16xf32>
    %broadcast_in_dim3A_265 = vector.broadcast %jit3A_263 : f32 to vector<16xf32>
    %select_n3A_266 = arith.select %gt3A_261, %broadcast_in_dim3A_264, %broadcast_in_dim3A_265 : vector<16xi1>, vector<16xf32>
    %add3A_267 = arith.addf %add3A_260, %select_n3A_266 : vector<16xf32>
    %lt3A_268 = arith.constant 2.000000e+00 : f32
    %lt3A_269 = vector.broadcast %lt3A_268 : f32 to vector<16xf32>
    %lt3A_270 = arith.cmpf olt, %add3A_267, %lt3A_269 : vector<16xf32>
    %jit3A_271 = arith.constant 0.000000e+00 : f32
    %jit3A_272 = arith.constant -20.7232666 : f32
    %broadcast_in_dim3A_273 = vector.broadcast %jit3A_271 : f32 to vector<16xf32>
    %broadcast_in_dim3A_274 = vector.broadcast %jit3A_272 : f32 to vector<16xf32>
    %select_n3A_275 = arith.select %lt3A_270, %broadcast_in_dim3A_273, %broadcast_in_dim3A_274 : vector<16xi1>, vector<16xf32>
    %add3A_276 = arith.addf %get3A_180, %select_n3A_275 : vector<16xf32>
    %gt3A_277 = arith.cmpf ogt, %get3A_174, %get3A_183 : vector<16xf32>
    %eq3A_278 = arith.cmpf oeq, %get3A_174, %get3A_183 : vector<16xf32>
    %or3A_279 = arith.ori %gt3A_277, %eq3A_278 : vector<16xi1>
    %jit3A_280 = arith.constant 1.000000e+00 : f32
    %jit3A_281 = arith.constant 0.000000e+00 : f32
    %broadcast_in_dim3A_282 = vector.broadcast %jit3A_280 : f32 to vector<16xf32>
    %broadcast_in_dim3A_283 = vector.broadcast %jit3A_281 : f32 to vector<16xf32>
    %select_n3A_284 = arith.select %or3A_279, %broadcast_in_dim3A_282, %broadcast_in_dim3A_283 : vector<16xi1>, vector<16xf32>
    %gt3A_285 = arith.cmpf ogt, %get3A_177, %get3A_183 : vector<16xf32>
    %eq3A_286 = arith.cmpf oeq, %get3A_177, %get3A_183 : vector<16xf32>
    %or3A_287 = arith.ori %gt3A_285, %eq3A_286 : vector<16xi1>
    %jit3A_288 = arith.constant 1.000000e+00 : f32
    %jit3A_289 = arith.constant 0.000000e+00 : f32
    %broadcast_in_dim3A_290 = vector.broadcast %jit3A_288 : f32 to vector<16xf32>
    %broadcast_in_dim3A_291 = vector.broadcast %jit3A_289 : f32 to vector<16xf32>
    %select_n3A_292 = arith.select %or3A_287, %broadcast_in_dim3A_290, %broadcast_in_dim3A_291 : vector<16xi1>, vector<16xf32>
    %add3A_293 = arith.addf %select_n3A_284, %select_n3A_292 : vector<16xf32>
    %gt3A_294 = arith.cmpf ogt, %get3A_180, %get3A_183 : vector<16xf32>
    %eq3A_295 = arith.cmpf oeq, %get3A_180, %get3A_183 : vector<16xf32>
    %or3A_296 = arith.ori %gt3A_294, %eq3A_295 : vector<16xi1>
    %jit3A_297 = arith.constant 1.000000e+00 : f32
    %jit3A_298 = arith.constant 0.000000e+00 : f32
    %broadcast_in_dim3A_299 = vector.broadcast %jit3A_297 : f32 to vector<16xf32>
    %broadcast_in_dim3A_300 = vector.broadcast %jit3A_298 : f32 to vector<16xf32>
    %select_n3A_301 = arith.select %or3A_296, %broadcast_in_dim3A_299, %broadcast_in_dim3A_300 : vector<16xi1>, vector<16xf32>
    %add3A_302 = arith.addf %add3A_293, %select_n3A_301 : vector<16xf32>
    %lt3A_303 = arith.constant 2.000000e+00 : f32
    %lt3A_304 = vector.broadcast %lt3A_303 : f32 to vector<16xf32>
    %lt3A_305 = arith.cmpf olt, %add3A_302, %lt3A_304 : vector<16xf32>
    %jit3A_306 = arith.constant 0.000000e+00 : f32
    %jit3A_307 = arith.constant -20.7232666 : f32
    %broadcast_in_dim3A_308 = vector.broadcast %jit3A_306 : f32 to vector<16xf32>
    %broadcast_in_dim3A_309 = vector.broadcast %jit3A_307 : f32 to vector<16xf32>
    %select_n3A_310 = arith.select %lt3A_305, %broadcast_in_dim3A_308, %broadcast_in_dim3A_309 : vector<16xi1>, vector<16xf32>
    %add3A_311 = arith.addf %get3A_183, %select_n3A_310 : vector<16xf32>
    %max3A_312 = arith.maximumf %add3A_212, %add3A_243 : vector<16xf32>
    %max3A_313 = arith.maximumf %max3A_312, %add3A_276 : vector<16xf32>
    %max3A_314 = arith.maximumf %max3A_313, %add3A_311 : vector<16xf32>
    %sub3A_315 = arith.subf %add3A_212, %max3A_314 : vector<16xf32>
    %exp3A_316 = math.exp %sub3A_315 : vector<16xf32>
    %sub3A_317 = arith.subf %add3A_243, %max3A_314 : vector<16xf32>
    %exp3A_318 = math.exp %sub3A_317 : vector<16xf32>
    %sub3A_319 = arith.subf %add3A_276, %max3A_314 : vector<16xf32>
    %exp3A_320 = math.exp %sub3A_319 : vector<16xf32>
    %sub3A_321 = arith.subf %add3A_311, %max3A_314 : vector<16xf32>
    %exp3A_322 = math.exp %sub3A_321 : vector<16xf32>
    %add3A_323 = arith.addf %exp3A_316, %exp3A_318 : vector<16xf32>
    %add3A_324 = arith.addf %add3A_323, %exp3A_320 : vector<16xf32>
    %add3A_325 = arith.addf %add3A_324, %exp3A_322 : vector<16xf32>
    %div3A_326 = arith.divf %exp3A_316, %add3A_325 : vector<16xf32>
    %swap3A_327 = arith.constant 16 : index
    %swap3A_328 = tpu.vector_load %arg5[%swap3A_327] {strides = array<i32>} : memref<1024xf32, #tpu.memory_space<vmem>>, vector<16xf32>,
    %swap3A_329 = vector.shape_cast %swap3A_328 : vector<16xf32> to vector<16xf32>
    %swap3A_330 = vector.shape_cast %div3A_326 : vector<16xf32> to vector<16xf32>
    tpu.vector_store %arg5[%swap3A_327], %swap3A_330 {strides = array<i32>} : memref<1024xf32, #tpu.memory_space<vmem>>, vector<16xf32>,
    %div3A_331 = arith.divf %exp3A_318, %add3A_325 : vector<16xf32>
    %swap3A_332 = arith.constant 272 : index
    %swap3A_333 = tpu.vector_load %arg5[%swap3A_332] {strides = array<i32>} : memref<1024xf32, #tpu.memory_space<vmem>>, vector<16xf32>,
    %swap3A_334 = vector.shape_cast %swap3A_333 : vector<16xf32> to vector<16xf32>
    %swap3A_335 = vector.shape_cast %div3A_331 : vector<16xf32> to vector<16xf32>
    tpu.vector_store %arg5[%swap3A_332], %swap3A_335 {strides = array<i32>} : memref<1024xf32, #tpu.memory_space<vmem>>, vector<16xf32>,
    %div3A_336 = arith.divf %exp3A_320, %add3A_325 : vector<16xf32>
    %swap3A_337 = arith.constant 528 : index
    %swap3A_338 = tpu.vector_load %arg5[%swap3A_337] {strides = array<i32>} : memref<1024xf32, #tpu.memory_space<vmem>>, vector<16xf32>,
    %swap3A_339 = vector.shape_cast %swap3A_338 : vector<16xf32> to vector<16xf32>
    %swap3A_340 = vector.shape_cast %div3A_336 : vector<16xf32> to vector<16xf32>
    tpu.vector_store %arg5[%swap3A_337], %swap3A_340 {strides = array<i32>} : memref<1024xf32, #tpu.memory_space<vmem>>, vector<16xf32>,
    %div3A_341 = arith.divf %exp3A_322, %add3A_325 : vector<16xf32>
    %swap3A_342 = arith.constant 784 : index
    %swap3A_343 = tpu.vector_load %arg5[%swap3A_342] {strides = array<i32>} : memref<1024xf32, #tpu.memory_space<vmem>>, vector<16xf32>,
    %swap3A_344 = vector.shape_cast %swap3A_343 : vector<16xf32> to vector<16xf32>
    %swap3A_345 = vector.shape_cast %div3A_341 : vector<16xf32> to vector<16xf32>
    tpu.vector_store %arg5[%swap3A_342], %swap3A_345 {strides = array<i32>} : memref<1024xf32, #tpu.memory_space<vmem>>, vector<16xf32>,
    %get3A_346 = arith.constant 32 : index
    %get3A_347 = tpu.vector_load %arg4[%get3A_346] {strides = array<i32>} : memref<1024xf32, #tpu.memory_space<vmem>>, vector<16xf32>,
    %get3A_348 = vector.shape_cast %get3A_347 : vector<16xf32> to vector<16xf32>
    %get3A_349 = arith.constant 288 : index
    %get3A_350 = tpu.vector_load %arg4[%get3A_349] {strides = array<i32>} : memref<1024xf32, #tpu.memory_space<vmem>>, vector<16xf32>,
    %get3A_351 = vector.shape_cast %get3A_350 : vector<16xf32> to vector<16xf32>
    %get3A_352 = arith.constant 544 : index
    %get3A_353 = tpu.vector_load %arg4[%get3A_352] {strides = array<i32>} : memref<1024xf32, #tpu.memory_space<vmem>>, vector<16xf32>,
    %get3A_354 = vector.shape_cast %get3A_353 : vector<16xf32> to vector<16xf32>
    %get3A_355 = arith.constant 800 : index
    %get3A_356 = tpu.vector_load %arg4[%get3A_355] {strides = array<i32>} : memref<1024xf32, #tpu.memory_space<vmem>>, vector<16xf32>,
    %get3A_357 = vector.shape_cast %get3A_356 : vector<16xf32> to vector<16xf32>
    %gt3A_358 = arith.cmpf ogt, %get3A_351, %get3A_348 : vector<16xf32>
    %jit3A_359 = arith.constant 1.000000e+00 : f32
    %jit3A_360 = arith.constant 0.000000e+00 : f32
    %broadcast_in_dim3A_361 = vector.broadcast %jit3A_359 : f32 to vector<16xf32>
    %broadcast_in_dim3A_362 = vector.broadcast %jit3A_360 : f32 to vector<16xf32>
    %select_n3A_363 = arith.select %gt3A_358, %broadcast_in_dim3A_361, %broadcast_in_dim3A_362 : vector<16xi1>, vector<16xf32>
    %gt3A_364 = arith.cmpf ogt, %get3A_354, %get3A_348 : vector<16xf32>
    %jit3A_365 = arith.constant 1.000000e+00 : f32
    %jit3A_366 = arith.constant 0.000000e+00 : f32
    %broadcast_in_dim3A_367 = vector.broadcast %jit3A_365 : f32 to vector<16xf32>
    %broadcast_in_dim3A_368 = vector.broadcast %jit3A_366 : f32 to vector<16xf32>
    %select_n3A_369 = arith.select %gt3A_364, %broadcast_in_dim3A_367, %broadcast_in_dim3A_368 : vector<16xi1>, vector<16xf32>
    %add3A_370 = arith.addf %select_n3A_363, %select_n3A_369 : vector<16xf32>
    %gt3A_371 = arith.cmpf ogt, %get3A_357, %get3A_348 : vector<16xf32>
    %jit3A_372 = arith.constant 1.000000e+00 : f32
    %jit3A_373 = arith.constant 0.000000e+00 : f32
    %broadcast_in_dim3A_374 = vector.broadcast %jit3A_372 : f32 to vector<16xf32>
    %broadcast_in_dim3A_375 = vector.broadcast %jit3A_373 : f32 to vector<16xf32>
    %select_n3A_376 = arith.select %gt3A_371, %broadcast_in_dim3A_374, %broadcast_in_dim3A_375 : vector<16xi1>, vector<16xf32>
    %add3A_377 = arith.addf %add3A_370, %select_n3A_376 : vector<16xf32>
    %lt3A_378 = arith.constant 2.000000e+00 : f32
    %lt3A_379 = vector.broadcast %lt3A_378 : f32 to vector<16xf32>
    %lt3A_380 = arith.cmpf olt, %add3A_377, %lt3A_379 : vector<16xf32>
    %jit3A_381 = arith.constant 0.000000e+00 : f32
    %jit3A_382 = arith.constant -20.7232666 : f32
    %broadcast_in_dim3A_383 = vector.broadcast %jit3A_381 : f32 to vector<16xf32>
    %broadcast_in_dim3A_384 = vector.broadcast %jit3A_382 : f32 to vector<16xf32>
    %select_n3A_385 = arith.select %lt3A_380, %broadcast_in_dim3A_383, %broadcast_in_dim3A_384 : vector<16xi1>, vector<16xf32>
    %add3A_386 = arith.addf %get3A_348, %select_n3A_385 : vector<16xf32>
    %gt3A_387 = arith.cmpf ogt, %get3A_348, %get3A_351 : vector<16xf32>
    %eq3A_388 = arith.cmpf oeq, %get3A_348, %get3A_351 : vector<16xf32>
    %or3A_389 = arith.ori %gt3A_387, %eq3A_388 : vector<16xi1>
    %jit3A_390 = arith.constant 1.000000e+00 : f32
    %jit3A_391 = arith.constant 0.000000e+00 : f32
    %broadcast_in_dim3A_392 = vector.broadcast %jit3A_390 : f32 to vector<16xf32>
    %broadcast_in_dim3A_393 = vector.broadcast %jit3A_391 : f32 to vector<16xf32>
    %select_n3A_394 = arith.select %or3A_389, %broadcast_in_dim3A_392, %broadcast_in_dim3A_393 : vector<16xi1>, vector<16xf32>
    %gt3A_395 = arith.cmpf ogt, %get3A_354, %get3A_351 : vector<16xf32>
    %jit3A_396 = arith.constant 1.000000e+00 : f32
    %jit3A_397 = arith.constant 0.000000e+00 : f32
    %broadcast_in_dim3A_398 = vector.broadcast %jit3A_396 : f32 to vector<16xf32>
    %broadcast_in_dim3A_399 = vector.broadcast %jit3A_397 : f32 to vector<16xf32>
    %select_n3A_400 = arith.select %gt3A_395, %broadcast_in_dim3A_398, %broadcast_in_dim3A_399 : vector<16xi1>, vector<16xf32>
    %add3A_401 = arith.addf %select_n3A_394, %select_n3A_400 : vector<16xf32>
    %gt3A_402 = arith.cmpf ogt, %get3A_357, %get3A_351 : vector<16xf32>
    %jit3A_403 = arith.constant 1.000000e+00 : f32
    %jit3A_404 = arith.constant 0.000000e+00 : f32
    %broadcast_in_dim3A_405 = vector.broadcast %jit3A_403 : f32 to vector<16xf32>
    %broadcast_in_dim3A_406 = vector.broadcast %jit3A_404 : f32 to vector<16xf32>
    %select_n3A_407 = arith.select %gt3A_402, %broadcast_in_dim3A_405, %broadcast_in_dim3A_406 : vector<16xi1>, vector<16xf32>
    %add3A_408 = arith.addf %add3A_401, %select_n3A_407 : vector<16xf32>
    %lt3A_409 = arith.constant 2.000000e+00 : f32
    %lt3A_410 = vector.broadcast %lt3A_409 : f32 to vector<16xf32>
    %lt3A_411 = arith.cmpf olt, %add3A_408, %lt3A_410 : vector<16xf32>
    %jit3A_412 = arith.constant 0.000000e+00 : f32
    %jit3A_413 = arith.constant -20.7232666 : f32
    %broadcast_in_dim3A_414 = vector.broadcast %jit3A_412 : f32 to vector<16xf32>
    %broadcast_in_dim3A_415 = vector.broadcast %jit3A_413 : f32 to vector<16xf32>
    %select_n3A_416 = arith.select %lt3A_411, %broadcast_in_dim3A_414, %broadcast_in_dim3A_415 : vector<16xi1>, vector<16xf32>
    %add3A_417 = arith.addf %get3A_351, %select_n3A_416 : vector<16xf32>
    %gt3A_418 = arith.cmpf ogt, %get3A_348, %get3A_354 : vector<16xf32>
    %eq3A_419 = arith.cmpf oeq, %get3A_348, %get3A_354 : vector<16xf32>
    %or3A_420 = arith.ori %gt3A_418, %eq3A_419 : vector<16xi1>
    %jit3A_421 = arith.constant 1.000000e+00 : f32
    %jit3A_422 = arith.constant 0.000000e+00 : f32
    %broadcast_in_dim3A_423 = vector.broadcast %jit3A_421 : f32 to vector<16xf32>
    %broadcast_in_dim3A_424 = vector.broadcast %jit3A_422 : f32 to vector<16xf32>
    %select_n3A_425 = arith.select %or3A_420, %broadcast_in_dim3A_423, %broadcast_in_dim3A_424 : vector<16xi1>, vector<16xf32>
    %gt3A_426 = arith.cmpf ogt, %get3A_351, %get3A_354 : vector<16xf32>
    %eq3A_427 = arith.cmpf oeq, %get3A_351, %get3A_354 : vector<16xf32>
    %or3A_428 = arith.ori %gt3A_426, %eq3A_427 : vector<16xi1>
    %jit3A_429 = arith.constant 1.000000e+00 : f32
    %jit3A_430 = arith.constant 0.000000e+00 : f32
    %broadcast_in_dim3A_431 = vector.broadcast %jit3A_429 : f32 to vector<16xf32>
    %broadcast_in_dim3A_432 = vector.broadcast %jit3A_430 : f32 to vector<16xf32>
    %select_n3A_433 = arith.select %or3A_428, %broadcast_in_dim3A_431, %broadcast_in_dim3A_432 : vector<16xi1>, vector<16xf32>
    %add3A_434 = arith.addf %select_n3A_425, %select_n3A_433 : vector<16xf32>
    %gt3A_435 = arith.cmpf ogt, %get3A_357, %get3A_354 : vector<16xf32>
    %jit3A_436 = arith.constant 1.000000e+00 : f32
    %jit3A_437 = arith.constant 0.000000e+00 : f32
    %broadcast_in_dim3A_438 = vector.broadcast %jit3A_436 : f32 to vector<16xf32>
    %broadcast_in_dim3A_439 = vector.broadcast %jit3A_437 : f32 to vector<16xf32>
    %select_n3A_440 = arith.select %gt3A_435, %broadcast_in_dim3A_438, %broadcast_in_dim3A_439 : vector<16xi1>, vector<16xf32>
    %add3A_441 = arith.addf %add3A_434, %select_n3A_440 : vector<16xf32>
    %lt3A_442 = arith.constant 2.000000e+00 : f32
    %lt3A_443 = vector.broadcast %lt3A_442 : f32 to vector<16xf32>
    %lt3A_444 = arith.cmpf olt, %add3A_441, %lt3A_443 : vector<16xf32>
    %jit3A_445 = arith.constant 0.000000e+00 : f32
    %jit3A_446 = arith.constant -20.7232666 : f32
    %broadcast_in_dim3A_447 = vector.broadcast %jit3A_445 : f32 to vector<16xf32>
    %broadcast_in_dim3A_448 = vector.broadcast %jit3A_446 : f32 to vector<16xf32>
    %select_n3A_449 = arith.select %lt3A_444, %broadcast_in_dim3A_447, %broadcast_in_dim3A_448 : vector<16xi1>, vector<16xf32>
    %add3A_450 = arith.addf %get3A_354, %select_n3A_449 : vector<16xf32>
    %gt3A_451 = arith.cmpf ogt, %get3A_348, %get3A_357 : vector<16xf32>
    %eq3A_452 = arith.cmpf oeq, %get3A_348, %get3A_357 : vector<16xf32>
    %or3A_453 = arith.ori %gt3A_451, %eq3A_452 : vector<16xi1>
    %jit3A_454 = arith.constant 1.000000e+00 : f32
    %jit3A_455 = arith.constant 0.000000e+00 : f32
    %broadcast_in_dim3A_456 = vector.broadcast %jit3A_454 : f32 to vector<16xf32>
    %broadcast_in_dim3A_457 = vector.broadcast %jit3A_455 : f32 to vector<16xf32>
    %select_n3A_458 = arith.select %or3A_453, %broadcast_in_dim3A_456, %broadcast_in_dim3A_457 : vector<16xi1>, vector<16xf32>
    %gt3A_459 = arith.cmpf ogt, %get3A_351, %get3A_357 : vector<16xf32>
    %eq3A_460 = arith.cmpf oeq, %get3A_351, %get3A_357 : vector<16xf32>
    %or3A_461 = arith.ori %gt3A_459, %eq3A_460 : vector<16xi1>
    %jit3A_462 = arith.constant 1.000000e+00 : f32
    %jit3A_463 = arith.constant 0.000000e+00 : f32
    %broadcast_in_dim3A_464 = vector.broadcast %jit3A_462 : f32 to vector<16xf32>
    %broadcast_in_dim3A_465 = vector.broadcast %jit3A_463 : f32 to vector<16xf32>
    %select_n3A_466 = arith.select %or3A_461, %broadcast_in_dim3A_464, %broadcast_in_dim3A_465 : vector<16xi1>, vector<16xf32>
    %add3A_467 = arith.addf %select_n3A_458, %select_n3A_466 : vector<16xf32>
    %gt3A_468 = arith.cmpf ogt, %get3A_354, %get3A_357 : vector<16xf32>
    %eq3A_469 = arith.cmpf oeq, %get3A_354, %get3A_357 : vector<16xf32>
    %or3A_470 = arith.ori %gt3A_468, %eq3A_469 : vector<16xi1>
    %jit3A_471 = arith.constant 1.000000e+00 : f32
    %jit3A_472 = arith.constant 0.000000e+00 : f32
    %broadcast_in_dim3A_473 = vector.broadcast %jit3A_471 : f32 to vector<16xf32>
    %broadcast_in_dim3A_474 = vector.broadcast %jit3A_472 : f32 to vector<16xf32>
    %select_n3A_475 = arith.select %or3A_470, %broadcast_in_dim3A_473, %broadcast_in_dim3A_474 : vector<16xi1>, vector<16xf32>
    %add3A_476 = arith.addf %add3A_467, %select_n3A_475 : vector<16xf32>
    %lt3A_477 = arith.constant 2.000000e+00 : f32
    %lt3A_478 = vector.broadcast %lt3A_477 : f32 to vector<16xf32>
    %lt3A_479 = arith.cmpf olt, %add3A_476, %lt3A_478 : vector<16xf32>
    %jit3A_480 = arith.constant 0.000000e+00 : f32
    %jit3A_481 = arith.constant -20.7232666 : f32
    %broadcast_in_dim3A_482 = vector.broadcast %jit3A_480 : f32 to vector<16xf32>
    %broadcast_in_dim3A_483 = vector.broadcast %jit3A_481 : f32 to vector<16xf32>
    %select_n3A_484 = arith.select %lt3A_479, %broadcast_in_dim3A_482, %broadcast_in_dim3A_483 : vector<16xi1>, vector<16xf32>
    %add3A_485 = arith.addf %get3A_357, %select_n3A_484 : vector<16xf32>
    %max3A_486 = arith.maximumf %add3A_386, %add3A_417 : vector<16xf32>
    %max3A_487 = arith.maximumf %max3A_486, %add3A_450 : vector<16xf32>
    %max3A_488 = arith.maximumf %max3A_487, %add3A_485 : vector<16xf32>
    %sub3A_489 = arith.subf %add3A_386, %max3A_488 : vector<16xf32>
    %exp3A_490 = math.exp %sub3A_489 : vector<16xf32>
    %sub3A_491 = arith.subf %add3A_417, %max3A_488 : vector<16xf32>
    %exp3A_492 = math.exp %sub3A_491 : vector<16xf32>
    %sub3A_493 = arith.subf %add3A_450, %max3A_488 : vector<16xf32>
    %exp3A_494 = math.exp %sub3A_493 : vector<16xf32>
    %sub3A_495 = arith.subf %add3A_485, %max3A_488 : vector<16xf32>
    %exp3A_496 = math.exp %sub3A_495 : vector<16xf32>
    %add3A_497 = arith.addf %exp3A_490, %exp3A_492 : vector<16xf32>
    %add3A_498 = arith.addf %add3A_497, %exp3A_494 : vector<16xf32>
    %add3A_499 = arith.addf %add3A_498, %exp3A_496 : vector<16xf32>
    %div3A_500 = arith.divf %exp3A_490, %add3A_499 : vector<16xf32>
    %swap3A_501 = arith.constant 32 : index
    %swap3A_502 = tpu.vector_load %arg5[%swap3A_501] {strides = array<i32>} : memref<1024xf32, #tpu.memory_space<vmem>>, vector<16xf32>,
    %swap3A_503 = vector.shape_cast %swap3A_502 : vector<16xf32> to vector<16xf32>
    %swap3A_504 = vector.shape_cast %div3A_500 : vector<16xf32> to vector<16xf32>
    tpu.vector_store %arg5[%swap3A_501], %swap3A_504 {strides = array<i32>} : memref<1024xf32, #tpu.memory_space<vmem>>, vector<16xf32>,
    %div3A_505 = arith.divf %exp3A_492, %add3A_499 : vector<16xf32>
    %swap3A_506 = arith.constant 288 : index
    %swap3A_507 = tpu.vector_load %arg5[%swap3A_506] {strides = array<i32>} : memref<1024xf32, #tpu.memory_space<vmem>>, vector<16xf32>,
    %swap3A_508 = vector.shape_cast %swap3A_507 : vector<16xf32> to vector<16xf32>
    %swap3A_509 = vector.shape_cast %div3A_505 : vector<16xf32> to vector<16xf32>
    tpu.vector_store %arg5[%swap3A_506], %swap3A_509 {strides = array<i32>} : memref<1024xf32, #tpu.memory_space<vmem>>, vector<16xf32>,
    %div3A_510 = arith.divf %exp3A_494, %add3A_499 : vector<16xf32>
    %swap3A_511 = arith.constant 544 : index
    %swap3A_512 = tpu.vector_load %arg5[%swap3A_511] {strides = array<i32>} : memref<1024xf32, #tpu.memory_space<vmem>>, vector<16xf32>,
    %swap3A_513 = vector.shape_cast %swap3A_512 : vector<16xf32> to vector<16xf32>
    %swap3A_514 = vector.shape_cast %div3A_510 : vector<16xf32> to vector<16xf32>
    tpu.vector_store %arg5[%swap3A_511], %swap3A_514 {strides = array<i32>} : memref<1024xf32, #tpu.memory_space<vmem>>, vector<16xf32>,
    %div3A_515 = arith.divf %exp3A_496, %add3A_499 : vector<16xf32>
    %swap3A_516 = arith.constant 800 : index
    %swap3A_517 = tpu.vector_load %arg5[%swap3A_516] {strides = array<i32>} : memref<1024xf32, #tpu.memory_space<vmem>>, vector<16xf32>,
    %swap3A_518 = vector.shape_cast %swap3A_517 : vector<16xf32> to vector<16xf32>
    %swap3A_519 = vector.shape_cast %div3A_515 : vector<16xf32> to vector<16xf32>
    tpu.vector_store %arg5[%swap3A_516], %swap3A_519 {strides = array<i32>} : memref<1024xf32, #tpu.memory_space<vmem>>, vector<16xf32>,
    %get3A_520 = arith.constant 48 : index
    %get3A_521 = tpu.vector_load %arg4[%get3A_520] {strides = array<i32>} : memref<1024xf32, #tpu.memory_space<vmem>>, vector<16xf32>,
    %get3A_522 = vector.shape_cast %get3A_521 : vector<16xf32> to vector<16xf32>
    %get3A_523 = arith.constant 304 : index
    %get3A_524 = tpu.vector_load %arg4[%get3A_523] {strides = array<i32>} : memref<1024xf32, #tpu.memory_space<vmem>>, vector<16xf32>,
    %get3A_525 = vector.shape_cast %get3A_524 : vector<16xf32> to vector<16xf32>
    %get3A_526 = arith.constant 560 : index
    %get3A_527 = tpu.vector_load %arg4[%get3A_526] {strides = array<i32>} : memref<1024xf32, #tpu.memory_space<vmem>>, vector<16xf32>,
    %get3A_528 = vector.shape_cast %get3A_527 : vector<16xf32> to vector<16xf32>
    %get3A_529 = arith.constant 816 : index
    %get3A_530 = tpu.vector_load %arg4[%get3A_529] {strides = array<i32>} : memref<1024xf32, #tpu.memory_space<vmem>>, vector<16xf32>,
    %get3A_531 = vector.shape_cast %get3A_530 : vector<16xf32> to vector<16xf32>
    %gt3A_532 = arith.cmpf ogt, %get3A_525, %get3A_522 : vector<16xf32>
    %jit3A_533 = arith.constant 1.000000e+00 : f32
    %jit3A_534 = arith.constant 0.000000e+00 : f32
    %broadcast_in_dim3A_535 = vector.broadcast %jit3A_533 : f32 to vector<16xf32>
    %broadcast_in_dim3A_536 = vector.broadcast %jit3A_534 : f32 to vector<16xf32>
    %select_n3A_537 = arith.select %gt3A_532, %broadcast_in_dim3A_535, %broadcast_in_dim3A_536 : vector<16xi1>, vector<16xf32>
    %gt3A_538 = arith.cmpf ogt, %get3A_528, %get3A_522 : vector<16xf32>
    %jit3A_539 = arith.constant 1.000000e+00 : f32
    %jit3A_540 = arith.constant 0.000000e+00 : f32
    %broadcast_in_dim3A_541 = vector.broadcast %jit3A_539 : f32 to vector<16xf32>
    %broadcast_in_dim3A_542 = vector.broadcast %jit3A_540 : f32 to vector<16xf32>
    %select_n3A_543 = arith.select %gt3A_538, %broadcast_in_dim3A_541, %broadcast_in_dim3A_542 : vector<16xi1>, vector<16xf32>
    %add3A_544 = arith.addf %select_n3A_537, %select_n3A_543 : vector<16xf32>
    %gt3A_545 = arith.cmpf ogt, %get3A_531, %get3A_522 : vector<16xf32>
    %jit3A_546 = arith.constant 1.000000e+00 : f32
    %jit3A_547 = arith.constant 0.000000e+00 : f32
    %broadcast_in_dim3A_548 = vector.broadcast %jit3A_546 : f32 to vector<16xf32>
    %broadcast_in_dim3A_549 = vector.broadcast %jit3A_547 : f32 to vector<16xf32>
    %select_n3A_550 = arith.select %gt3A_545, %broadcast_in_dim3A_548, %broadcast_in_dim3A_549 : vector<16xi1>, vector<16xf32>
    %add3A_551 = arith.addf %add3A_544, %select_n3A_550 : vector<16xf32>
    %lt3A_552 = arith.constant 2.000000e+00 : f32
    %lt3A_553 = vector.broadcast %lt3A_552 : f32 to vector<16xf32>
    %lt3A_554 = arith.cmpf olt, %add3A_551, %lt3A_553 : vector<16xf32>
    %jit3A_555 = arith.constant 0.000000e+00 : f32
    %jit3A_556 = arith.constant -20.7232666 : f32
    %broadcast_in_dim3A_557 = vector.broadcast %jit3A_555 : f32 to vector<16xf32>
    %broadcast_in_dim3A_558 = vector.broadcast %jit3A_556 : f32 to vector<16xf32>
    %select_n3A_559 = arith.select %lt3A_554, %broadcast_in_dim3A_557, %broadcast_in_dim3A_558 : vector<16xi1>, vector<16xf32>
    %add3A_560 = arith.addf %get3A_522, %select_n3A_559 : vector<16xf32>
    %gt3A_561 = arith.cmpf ogt, %get3A_522, %get3A_525 : vector<16xf32>
    %eq3A_562 = arith.cmpf oeq, %get3A_522, %get3A_525 : vector<16xf32>
    %or3A_563 = arith.ori %gt3A_561, %eq3A_562 : vector<16xi1>
    %jit3A_564 = arith.constant 1.000000e+00 : f32
    %jit3A_565 = arith.constant 0.000000e+00 : f32
    %broadcast_in_dim3A_566 = vector.broadcast %jit3A_564 : f32 to vector<16xf32>
    %broadcast_in_dim3A_567 = vector.broadcast %jit3A_565 : f32 to vector<16xf32>
    %select_n3A_568 = arith.select %or3A_563, %broadcast_in_dim3A_566, %broadcast_in_dim3A_567 : vector<16xi1>, vector<16xf32>
    %gt3A_569 = arith.cmpf ogt, %get3A_528, %get3A_525 : vector<16xf32>
    %jit3A_570 = arith.constant 1.000000e+00 : f32
    %jit3A_571 = arith.constant 0.000000e+00 : f32
    %broadcast_in_dim3A_572 = vector.broadcast %jit3A_570 : f32 to vector<16xf32>
    %broadcast_in_dim3A_573 = vector.broadcast %jit3A_571 : f32 to vector<16xf32>
    %select_n3A_574 = arith.select %gt3A_569, %broadcast_in_dim3A_572, %broadcast_in_dim3A_573 : vector<16xi1>, vector<16xf32>
    %add3A_575 = arith.addf %select_n3A_568, %select_n3A_574 : vector<16xf32>
    %gt3A_576 = arith.cmpf ogt, %get3A_531, %get3A_525 : vector<16xf32>
    %jit3A_577 = arith.constant 1.000000e+00 : f32
    %jit3A_578 = arith.constant 0.000000e+00 : f32
    %broadcast_in_dim3A_579 = vector.broadcast %jit3A_577 : f32 to vector<16xf32>
    %broadcast_in_dim3A_580 = vector.broadcast %jit3A_578 : f32 to vector<16xf32>
    %select_n3A_581 = arith.select %gt3A_576, %broadcast_in_dim3A_579, %broadcast_in_dim3A_580 : vector<16xi1>, vector<16xf32>
    %add3A_582 = arith.addf %add3A_575, %select_n3A_581 : vector<16xf32>
    %lt3A_583 = arith.constant 2.000000e+00 : f32
    %lt3A_584 = vector.broadcast %lt3A_583 : f32 to vector<16xf32>
    %lt3A_585 = arith.cmpf olt, %add3A_582, %lt3A_584 : vector<16xf32>
    %jit3A_586 = arith.constant 0.000000e+00 : f32
    %jit3A_587 = arith.constant -20.7232666 : f32
    %broadcast_in_dim3A_588 = vector.broadcast %jit3A_586 : f32 to vector<16xf32>
    %broadcast_in_dim3A_589 = vector.broadcast %jit3A_587 : f32 to vector<16xf32>
    %select_n3A_590 = arith.select %lt3A_585, %broadcast_in_dim3A_588, %broadcast_in_dim3A_589 : vector<16xi1>, vector<16xf32>
    %add3A_591 = arith.addf %get3A_525, %select_n3A_590 : vector<16xf32>
    %gt3A_592 = arith.cmpf ogt, %get3A_522, %get3A_528 : vector<16xf32>
    %eq3A_593 = arith.cmpf oeq, %get3A_522, %get3A_528 : vector<16xf32>
    %or3A_594 = arith.ori %gt3A_592, %eq3A_593 : vector<16xi1>
    %jit3A_595 = arith.constant 1.000000e+00 : f32
    %jit3A_596 = arith.constant 0.000000e+00 : f32
    %broadcast_in_dim3A_597 = vector.broadcast %jit3A_595 : f32 to vector<16xf32>
    %broadcast_in_dim3A_598 = vector.broadcast %jit3A_596 : f32 to vector<16xf32>
    %select_n3A_599 = arith.select %or3A_594, %broadcast_in_dim3A_597, %broadcast_in_dim3A_598 : vector<16xi1>, vector<16xf32>
    %gt3A_600 = arith.cmpf ogt, %get3A_525, %get3A_528 : vector<16xf32>
    %eq3A_601 = arith.cmpf oeq, %get3A_525, %get3A_528 : vector<16xf32>
    %or3A_602 = arith.ori %gt3A_600, %eq3A_601 : vector<16xi1>
    %jit3A_603 = arith.constant 1.000000e+00 : f32
    %jit3A_604 = arith.constant 0.000000e+00 : f32
    %broadcast_in_dim3A_605 = vector.broadcast %jit3A_603 : f32 to vector<16xf32>
    %broadcast_in_dim3A_606 = vector.broadcast %jit3A_604 : f32 to vector<16xf32>
    %select_n3A_607 = arith.select %or3A_602, %broadcast_in_dim3A_605, %broadcast_in_dim3A_606 : vector<16xi1>, vector<16xf32>
    %add3A_608 = arith.addf %select_n3A_599, %select_n3A_607 : vector<16xf32>
    %gt3A_609 = arith.cmpf ogt, %get3A_531, %get3A_528 : vector<16xf32>
    %jit3A_610 = arith.constant 1.000000e+00 : f32
    %jit3A_611 = arith.constant 0.000000e+00 : f32
    %broadcast_in_dim3A_612 = vector.broadcast %jit3A_610 : f32 to vector<16xf32>
    %broadcast_in_dim3A_613 = vector.broadcast %jit3A_611 : f32 to vector<16xf32>
    %select_n3A_614 = arith.select %gt3A_609, %broadcast_in_dim3A_612, %broadcast_in_dim3A_613 : vector<16xi1>, vector<16xf32>
    %add3A_615 = arith.addf %add3A_608, %select_n3A_614 : vector<16xf32>
    %lt3A_616 = arith.constant 2.000000e+00 : f32
    %lt3A_617 = vector.broadcast %lt3A_616 : f32 to vector<16xf32>
    %lt3A_618 = arith.cmpf olt, %add3A_615, %lt3A_617 : vector<16xf32>
    %jit3A_619 = arith.constant 0.000000e+00 : f32
    %jit3A_620 = arith.constant -20.7232666 : f32
    %broadcast_in_dim3A_621 = vector.broadcast %jit3A_619 : f32 to vector<16xf32>
    %broadcast_in_dim3A_622 = vector.broadcast %jit3A_620 : f32 to vector<16xf32>
    %select_n3A_623 = arith.select %lt3A_618, %broadcast_in_dim3A_621, %broadcast_in_dim3A_622 : vector<16xi1>, vector<16xf32>
    %add3A_624 = arith.addf %get3A_528, %select_n3A_623 : vector<16xf32>
    %gt3A_625 = arith.cmpf ogt, %get3A_522, %get3A_531 : vector<16xf32>
    %eq3A_626 = arith.cmpf oeq, %get3A_522, %get3A_531 : vector<16xf32>
    %or3A_627 = arith.ori %gt3A_625, %eq3A_626 : vector<16xi1>
    %jit3A_628 = arith.constant 1.000000e+00 : f32
    %jit3A_629 = arith.constant 0.000000e+00 : f32
    %broadcast_in_dim3A_630 = vector.broadcast %jit3A_628 : f32 to vector<16xf32>
    %broadcast_in_dim3A_631 = vector.broadcast %jit3A_629 : f32 to vector<16xf32>
    %select_n3A_632 = arith.select %or3A_627, %broadcast_in_dim3A_630, %broadcast_in_dim3A_631 : vector<16xi1>, vector<16xf32>
    %gt3A_633 = arith.cmpf ogt, %get3A_525, %get3A_531 : vector<16xf32>
    %eq3A_634 = arith.cmpf oeq, %get3A_525, %get3A_531 : vector<16xf32>
    %or3A_635 = arith.ori %gt3A_633, %eq3A_634 : vector<16xi1>
    %jit3A_636 = arith.constant 1.000000e+00 : f32
    %jit3A_637 = arith.constant 0.000000e+00 : f32
    %broadcast_in_dim3A_638 = vector.broadcast %jit3A_636 : f32 to vector<16xf32>
    %broadcast_in_dim3A_639 = vector.broadcast %jit3A_637 : f32 to vector<16xf32>
    %select_n3A_640 = arith.select %or3A_635, %broadcast_in_dim3A_638, %broadcast_in_dim3A_639 : vector<16xi1>, vector<16xf32>
    %add3A_641 = arith.addf %select_n3A_632, %select_n3A_640 : vector<16xf32>
    %gt3A_642 = arith.cmpf ogt, %get3A_528, %get3A_531 : vector<16xf32>
    %eq3A_643 = arith.cmpf oeq, %get3A_528, %get3A_531 : vector<16xf32>
    %or3A_644 = arith.ori %gt3A_642, %eq3A_643 : vector<16xi1>
    %jit3A_645 = arith.constant 1.000000e+00 : f32
    %jit3A_646 = arith.constant 0.000000e+00 : f32
    %broadcast_in_dim3A_647 = vector.broadcast %jit3A_645 : f32 to vector<16xf32>
    %broadcast_in_dim3A_648 = vector.broadcast %jit3A_646 : f32 to vector<16xf32>
    %select_n3A_649 = arith.select %or3A_644, %broadcast_in_dim3A_647, %broadcast_in_dim3A_648 : vector<16xi1>, vector<16xf32>
    %add3A_650 = arith.addf %add3A_641, %select_n3A_649 : vector<16xf32>
    %lt3A_651 = arith.constant 2.000000e+00 : f32
    %lt3A_652 = vector.broadcast %lt3A_651 : f32 to vector<16xf32>
    %lt3A_653 = arith.cmpf olt, %add3A_650, %lt3A_652 : vector<16xf32>
    %jit3A_654 = arith.constant 0.000000e+00 : f32
    %jit3A_655 = arith.constant -20.7232666 : f32
    %broadcast_in_dim3A_656 = vector.broadcast %jit3A_654 : f32 to vector<16xf32>
    %broadcast_in_dim3A_657 = vector.broadcast %jit3A_655 : f32 to vector<16xf32>
    %select_n3A_658 = arith.select %lt3A_653, %broadcast_in_dim3A_656, %broadcast_in_dim3A_657 : vector<16xi1>, vector<16xf32>
    %add3A_659 = arith.addf %get3A_531, %select_n3A_658 : vector<16xf32>
    %max3A_660 = arith.maximumf %add3A_560, %add3A_591 : vector<16xf32>
    %max3A_661 = arith.maximumf %max3A_660, %add3A_624 : vector<16xf32>
    %max3A_662 = arith.maximumf %max3A_661, %add3A_659 : vector<16xf32>
    %sub3A_663 = arith.subf %add3A_560, %max3A_662 : vector<16xf32>
    %exp3A_664 = math.exp %sub3A_663 : vector<16xf32>
    %sub3A_665 = arith.subf %add3A_591, %max3A_662 : vector<16xf32>
    %exp3A_666 = math.exp %sub3A_665 : vector<16xf32>
    %sub3A_667 = arith.subf %add3A_624, %max3A_662 : vector<16xf32>
    %exp3A_668 = math.exp %sub3A_667 : vector<16xf32>
    %sub3A_669 = arith.subf %add3A_659, %max3A_662 : vector<16xf32>
    %exp3A_670 = math.exp %sub3A_669 : vector<16xf32>
    %add3A_671 = arith.addf %exp3A_664, %exp3A_666 : vector<16xf32>
    %add3A_672 = arith.addf %add3A_671, %exp3A_668 : vector<16xf32>
    %add3A_673 = arith.addf %add3A_672, %exp3A_670 : vector<16xf32>
    %div3A_674 = arith.divf %exp3A_664, %add3A_673 : vector<16xf32>
    %swap3A_675 = arith.constant 48 : index
    %swap3A_676 = tpu.vector_load %arg5[%swap3A_675] {strides = array<i32>} : memref<1024xf32, #tpu.memory_space<vmem>>, vector<16xf32>,
    %swap3A_677 = vector.shape_cast %swap3A_676 : vector<16xf32> to vector<16xf32>
    %swap3A_678 = vector.shape_cast %div3A_674 : vector<16xf32> to vector<16xf32>
    tpu.vector_store %arg5[%swap3A_675], %swap3A_678 {strides = array<i32>} : memref<1024xf32, #tpu.memory_space<vmem>>, vector<16xf32>,
    %div3A_679 = arith.divf %exp3A_666, %add3A_673 : vector<16xf32>
    %swap3A_680 = arith.constant 304 : index
    %swap3A_681 = tpu.vector_load %arg5[%swap3A_680] {strides = array<i32>} : memref<1024xf32, #tpu.memory_space<vmem>>, vector<16xf32>,
    %swap3A_682 = vector.shape_cast %swap3A_681 : vector<16xf32> to vector<16xf32>
    %swap3A_683 = vector.shape_cast %div3A_679 : vector<16xf32> to vector<16xf32>
    tpu.vector_store %arg5[%swap3A_680], %swap3A_683 {strides = array<i32>} : memref<1024xf32, #tpu.memory_space<vmem>>, vector<16xf32>,
    %div3A_684 = arith.divf %exp3A_668, %add3A_673 : vector<16xf32>
    %swap3A_685 = arith.constant 560 : index
    %swap3A_686 = tpu.vector_load %arg5[%swap3A_685] {strides = array<i32>} : memref<1024xf32, #tpu.memory_space<vmem>>, vector<16xf32>,
    %swap3A_687 = vector.shape_cast %swap3A_686 : vector<16xf32> to vector<16xf32>
    %swap3A_688 = vector.shape_cast %div3A_684 : vector<16xf32> to vector<16xf32>
    tpu.vector_store %arg5[%swap3A_685], %swap3A_688 {strides = array<i32>} : memref<1024xf32, #tpu.memory_space<vmem>>, vector<16xf32>,
    %div3A_689 = arith.divf %exp3A_670, %add3A_673 : vector<16xf32>
    %swap3A_690 = arith.constant 816 : index
    %swap3A_691 = tpu.vector_load %arg5[%swap3A_690] {strides = array<i32>} : memref<1024xf32, #tpu.memory_space<vmem>>, vector<16xf32>,
    %swap3A_692 = vector.shape_cast %swap3A_691 : vector<16xf32> to vector<16xf32>
    %swap3A_693 = vector.shape_cast %div3A_689 : vector<16xf32> to vector<16xf32>
    tpu.vector_store %arg5[%swap3A_690], %swap3A_693 {strides = array<i32>} : memref<1024xf32, #tpu.memory_space<vmem>>, vector<16xf32>,
    %get3A_694 = arith.constant 64 : index
    %get3A_695 = tpu.vector_load %arg4[%get3A_694] {strides = array<i32>} : memref<1024xf32, #tpu.memory_space<vmem>>, vector<16xf32>,
    %get3A_696 = vector.shape_cast %get3A_695 : vector<16xf32> to vector<16xf32>
    %get3A_697 = arith.constant 320 : index
    %get3A_698 = tpu.vector_load %arg4[%get3A_697] {strides = array<i32>} : memref<1024xf32, #tpu.memory_space<vmem>>, vector<16xf32>,
    %get3A_699 = vector.shape_cast %get3A_698 : vector<16xf32> to vector<16xf32>
    %get3A_700 = arith.constant 576 : index
    %get3A_701 = tpu.vector_load %arg4[%get3A_700] {strides = array<i32>} : memref<1024xf32, #tpu.memory_space<vmem>>, vector<16xf32>,
    %get3A_702 = vector.shape_cast %get3A_701 : vector<16xf32> to vector<16xf32>
    %get3A_703 = arith.constant 832 : index
    %get3A_704 = tpu.vector_load %arg4[%get3A_703] {strides = array<i32>} : memref<1024xf32, #tpu.memory_space<vmem>>, vector<16xf32>,
    %get3A_705 = vector.shape_cast %get3A_704 : vector<16xf32> to vector<16xf32>
    %gt3A_706 = arith.cmpf ogt, %get3A_699, %get3A_696 : vector<16xf32>
    %jit3A_707 = arith.constant 1.000000e+00 : f32
    %jit3A_708 = arith.constant 0.000000e+00 : f32
    %broadcast_in_dim3A_709 = vector.broadcast %jit3A_707 : f32 to vector<16xf32>
    %broadcast_in_dim3A_710 = vector.broadcast %jit3A_708 : f32 to vector<16xf32>
    %select_n3A_711 = arith.select %gt3A_706, %broadcast_in_dim3A_709, %broadcast_in_dim3A_710 : vector<16xi1>, vector<16xf32>
    %gt3A_712 = arith.cmpf ogt, %get3A_702, %get3A_696 : vector<16xf32>
    %jit3A_713 = arith.constant 1.000000e+00 : f32
    %jit3A_714 = arith.constant 0.000000e+00 : f32
    %broadcast_in_dim3A_715 = vector.broadcast %jit3A_713 : f32 to vector<16xf32>
    %broadcast_in_dim3A_716 = vector.broadcast %jit3A_714 : f32 to vector<16xf32>
    %select_n3A_717 = arith.select %gt3A_712, %broadcast_in_dim3A_715, %broadcast_in_dim3A_716 : vector<16xi1>, vector<16xf32>
    %add3A_718 = arith.addf %select_n3A_711, %select_n3A_717 : vector<16xf32>
    %gt3A_719 = arith.cmpf ogt, %get3A_705, %get3A_696 : vector<16xf32>
    %jit3A_720 = arith.constant 1.000000e+00 : f32
    %jit3A_721 = arith.constant 0.000000e+00 : f32
    %broadcast_in_dim3A_722 = vector.broadcast %jit3A_720 : f32 to vector<16xf32>
    %broadcast_in_dim3A_723 = vector.broadcast %jit3A_721 : f32 to vector<16xf32>
    %select_n3A_724 = arith.select %gt3A_719, %broadcast_in_dim3A_722, %broadcast_in_dim3A_723 : vector<16xi1>, vector<16xf32>
    %add3A_725 = arith.addf %add3A_718, %select_n3A_724 : vector<16xf32>
    %lt3A_726 = arith.constant 2.000000e+00 : f32
    %lt3A_727 = vector.broadcast %lt3A_726 : f32 to vector<16xf32>
    %lt3A_728 = arith.cmpf olt, %add3A_725, %lt3A_727 : vector<16xf32>
    %jit3A_729 = arith.constant 0.000000e+00 : f32
    %jit3A_730 = arith.constant -20.7232666 : f32
    %broadcast_in_dim3A_731 = vector.broadcast %jit3A_729 : f32 to vector<16xf32>
    %broadcast_in_dim3A_732 = vector.broadcast %jit3A_730 : f32 to vector<16xf32>
    %select_n3A_733 = arith.select %lt3A_728, %broadcast_in_dim3A_731, %broadcast_in_dim3A_732 : vector<16xi1>, vector<16xf32>
    %add3A_734 = arith.addf %get3A_696, %select_n3A_733 : vector<16xf32>
    %gt3A_735 = arith.cmpf ogt, %get3A_696, %get3A_699 : vector<16xf32>
    %eq3A_736 = arith.cmpf oeq, %get3A_696, %get3A_699 : vector<16xf32>
    %or3A_737 = arith.ori %gt3A_735, %eq3A_736 : vector<16xi1>
    %jit3A_738 = arith.constant 1.000000e+00 : f32
    %jit3A_739 = arith.constant 0.000000e+00 : f32
    %broadcast_in_dim3A_740 = vector.broadcast %jit3A_738 : f32 to vector<16xf32>
    %broadcast_in_dim3A_741 = vector.broadcast %jit3A_739 : f32 to vector<16xf32>
    %select_n3A_742 = arith.select %or3A_737, %broadcast_in_dim3A_740, %broadcast_in_dim3A_741 : vector<16xi1>, vector<16xf32>
    %gt3A_743 = arith.cmpf ogt, %get3A_702, %get3A_699 : vector<16xf32>
    %jit3A_744 = arith.constant 1.000000e+00 : f32
    %jit3A_745 = arith.constant 0.000000e+00 : f32
    %broadcast_in_dim3A_746 = vector.broadcast %jit3A_744 : f32 to vector<16xf32>
    %broadcast_in_dim3A_747 = vector.broadcast %jit3A_745 : f32 to vector<16xf32>
    %select_n3A_748 = arith.select %gt3A_743, %broadcast_in_dim3A_746, %broadcast_in_dim3A_747 : vector<16xi1>, vector<16xf32>
    %add3A_749 = arith.addf %select_n3A_742, %select_n3A_748 : vector<16xf32>
    %gt3A_750 = arith.cmpf ogt, %get3A_705, %get3A_699 : vector<16xf32>
    %jit3A_751 = arith.constant 1.000000e+00 : f32
    %jit3A_752 = arith.constant 0.000000e+00 : f32
    %broadcast_in_dim3A_753 = vector.broadcast %jit3A_751 : f32 to vector<16xf32>
    %broadcast_in_dim3A_754 = vector.broadcast %jit3A_752 : f32 to vector<16xf32>
    %select_n3A_755 = arith.select %gt3A_750, %broadcast_in_dim3A_753, %broadcast_in_dim3A_754 : vector<16xi1>, vector<16xf32>
    %add3A_756 = arith.addf %add3A_749, %select_n3A_755 : vector<16xf32>
    %lt3A_757 = arith.constant 2.000000e+00 : f32
    %lt3A_758 = vector.broadcast %lt3A_757 : f32 to vector<16xf32>
    %lt3A_759 = arith.cmpf olt, %add3A_756, %lt3A_758 : vector<16xf32>
    %jit3A_760 = arith.constant 0.000000e+00 : f32
    %jit3A_761 = arith.constant -20.7232666 : f32
    %broadcast_in_dim3A_762 = vector.broadcast %jit3A_760 : f32 to vector<16xf32>
    %broadcast_in_dim3A_763 = vector.broadcast %jit3A_761 : f32 to vector<16xf32>
    %select_n3A_764 = arith.select %lt3A_759, %broadcast_in_dim3A_762, %broadcast_in_dim3A_763 : vector<16xi1>, vector<16xf32>
    %add3A_765 = arith.addf %get3A_699, %select_n3A_764 : vector<16xf32>
    %gt3A_766 = arith.cmpf ogt, %get3A_696, %get3A_702 : vector<16xf32>
    %eq3A_767 = arith.cmpf oeq, %get3A_696, %get3A_702 : vector<16xf32>
    %or3A_768 = arith.ori %gt3A_766, %eq3A_767 : vector<16xi1>
    %jit3A_769 = arith.constant 1.000000e+00 : f32
    %jit3A_770 = arith.constant 0.000000e+00 : f32
    %broadcast_in_dim3A_771 = vector.broadcast %jit3A_769 : f32 to vector<16xf32>
    %broadcast_in_dim3A_772 = vector.broadcast %jit3A_770 : f32 to vector<16xf32>
    %select_n3A_773 = arith.select %or3A_768, %broadcast_in_dim3A_771, %broadcast_in_dim3A_772 : vector<16xi1>, vector<16xf32>
    %gt3A_774 = arith.cmpf ogt, %get3A_699, %get3A_702 : vector<16xf32>
    %eq3A_775 = arith.cmpf oeq, %get3A_699, %get3A_702 : vector<16xf32>
    %or3A_776 = arith.ori %gt3A_774, %eq3A_775 : vector<16xi1>
    %jit3A_777 = arith.constant 1.000000e+00 : f32
    %jit3A_778 = arith.constant 0.000000e+00 : f32
    %broadcast_in_dim3A_779 = vector.broadcast %jit3A_777 : f32 to vector<16xf32>
    %broadcast_in_dim3A_780 = vector.broadcast %jit3A_778 : f32 to vector<16xf32>
    %select_n3A_781 = arith.select %or3A_776, %broadcast_in_dim3A_779, %broadcast_in_dim3A_780 : vector<16xi1>, vector<16xf32>
    %add3A_782 = arith.addf %select_n3A_773, %select_n3A_781 : vector<16xf32>
    %gt3A_783 = arith.cmpf ogt, %get3A_705, %get3A_702 : vector<16xf32>
    %jit3A_784 = arith.constant 1.000000e+00 : f32
    %jit3A_785 = arith.constant 0.000000e+00 : f32
    %broadcast_in_dim3A_786 = vector.broadcast %jit3A_784 : f32 to vector<16xf32>
    %broadcast_in_dim3A_787 = vector.broadcast %jit3A_785 : f32 to vector<16xf32>
    %select_n3A_788 = arith.select %gt3A_783, %broadcast_in_dim3A_786, %broadcast_in_dim3A_787 : vector<16xi1>, vector<16xf32>
    %add3A_789 = arith.addf %add3A_782, %select_n3A_788 : vector<16xf32>
    %lt3A_790 = arith.constant 2.000000e+00 : f32
    %lt3A_791 = vector.broadcast %lt3A_790 : f32 to vector<16xf32>
    %lt3A_792 = arith.cmpf olt, %add3A_789, %lt3A_791 : vector<16xf32>
    %jit3A_793 = arith.constant 0.000000e+00 : f32
    %jit3A_794 = arith.constant -20.7232666 : f32
    %broadcast_in_dim3A_795 = vector.broadcast %jit3A_793 : f32 to vector<16xf32>
    %broadcast_in_dim3A_796 = vector.broadcast %jit3A_794 : f32 to vector<16xf32>
    %select_n3A_797 = arith.select %lt3A_792, %broadcast_in_dim3A_795, %broadcast_in_dim3A_796 : vector<16xi1>, vector<16xf32>
    %add3A_798 = arith.addf %get3A_702, %select_n3A_797 : vector<16xf32>
    %gt3A_799 = arith.cmpf ogt, %get3A_696, %get3A_705 : vector<16xf32>
    %eq3A_800 = arith.cmpf oeq, %get3A_696, %get3A_705 : vector<16xf32>
    %or3A_801 = arith.ori %gt3A_799, %eq3A_800 : vector<16xi1>
    %jit3A_802 = arith.constant 1.000000e+00 : f32
    %jit3A_803 = arith.constant 0.000000e+00 : f32
    %broadcast_in_dim3A_804 = vector.broadcast %jit3A_802 : f32 to vector<16xf32>
    %broadcast_in_dim3A_805 = vector.broadcast %jit3A_803 : f32 to vector<16xf32>
    %select_n3A_806 = arith.select %or3A_801, %broadcast_in_dim3A_804, %broadcast_in_dim3A_805 : vector<16xi1>, vector<16xf32>
    %gt3A_807 = arith.cmpf ogt, %get3A_699, %get3A_705 : vector<16xf32>
    %eq3A_808 = arith.cmpf oeq, %get3A_699, %get3A_705 : vector<16xf32>
    %or3A_809 = arith.ori %gt3A_807, %eq3A_808 : vector<16xi1>
    %jit3A_810 = arith.constant 1.000000e+00 : f32
    %jit3A_811 = arith.constant 0.000000e+00 : f32
    %broadcast_in_dim3A_812 = vector.broadcast %jit3A_810 : f32 to vector<16xf32>
    %broadcast_in_dim3A_813 = vector.broadcast %jit3A_811 : f32 to vector<16xf32>
    %select_n3A_814 = arith.select %or3A_809, %broadcast_in_dim3A_812, %broadcast_in_dim3A_813 : vector<16xi1>, vector<16xf32>
    %add3A_815 = arith.addf %select_n3A_806, %select_n3A_814 : vector<16xf32>
    %gt3A_816 = arith.cmpf ogt, %get3A_702, %get3A_705 : vector<16xf32>
    %eq3A_817 = arith.cmpf oeq, %get3A_702, %get3A_705 : vector<16xf32>
    %or3A_818 = arith.ori %gt3A_816, %eq3A_817 : vector<16xi1>
    %jit3A_819 = arith.constant 1.000000e+00 : f32
    %jit3A_820 = arith.constant 0.000000e+00 : f32
    %broadcast_in_dim3A_821 = vector.broadcast %jit3A_819 : f32 to vector<16xf32>
    %broadcast_in_dim3A_822 = vector.broadcast %jit3A_820 : f32 to vector<16xf32>
    %select_n3A_823 = arith.select %or3A_818, %broadcast_in_dim3A_821, %broadcast_in_dim3A_822 : vector<16xi1>, vector<16xf32>
    %add3A_824 = arith.addf %add3A_815, %select_n3A_823 : vector<16xf32>
    %lt3A_825 = arith.constant 2.000000e+00 : f32
    %lt3A_826 = vector.broadcast %lt3A_825 : f32 to vector<16xf32>
    %lt3A_827 = arith.cmpf olt, %add3A_824, %lt3A_826 : vector<16xf32>
    %jit3A_828 = arith.constant 0.000000e+00 : f32
    %jit3A_829 = arith.constant -20.7232666 : f32
    %broadcast_in_dim3A_830 = vector.broadcast %jit3A_828 : f32 to vector<16xf32>
    %broadcast_in_dim3A_831 = vector.broadcast %jit3A_829 : f32 to vector<16xf32>
    %select_n3A_832 = arith.select %lt3A_827, %broadcast_in_dim3A_830, %broadcast_in_dim3A_831 : vector<16xi1>, vector<16xf32>
    %add3A_833 = arith.addf %get3A_705, %select_n3A_832 : vector<16xf32>
    %max3A_834 = arith.maximumf %add3A_734, %add3A_765 : vector<16xf32>
    %max3A_835 = arith.maximumf %max3A_834, %add3A_798 : vector<16xf32>
    %max3A_836 = arith.maximumf %max3A_835, %add3A_833 : vector<16xf32>
    %sub3A_837 = arith.subf %add3A_734, %max3A_836 : vector<16xf32>
    %exp3A_838 = math.exp %sub3A_837 : vector<16xf32>
    %sub3A_839 = arith.subf %add3A_765, %max3A_836 : vector<16xf32>
    %exp3A_840 = math.exp %sub3A_839 : vector<16xf32>
    %sub3A_841 = arith.subf %add3A_798, %max3A_836 : vector<16xf32>
    %exp3A_842 = math.exp %sub3A_841 : vector<16xf32>
    %sub3A_843 = arith.subf %add3A_833, %max3A_836 : vector<16xf32>
    %exp3A_844 = math.exp %sub3A_843 : vector<16xf32>
    %add3A_845 = arith.addf %exp3A_838, %exp3A_840 : vector<16xf32>
    %add3A_846 = arith.addf %add3A_845, %exp3A_842 : vector<16xf32>
    %add3A_847 = arith.addf %add3A_846, %exp3A_844 : vector<16xf32>
    %div3A_848 = arith.divf %exp3A_838, %add3A_847 : vector<16xf32>
    %swap3A_849 = arith.constant 64 : index
    %swap3A_850 = tpu.vector_load %arg5[%swap3A_849] {strides = array<i32>} : memref<1024xf32, #tpu.memory_space<vmem>>, vector<16xf32>,
    %swap3A_851 = vector.shape_cast %swap3A_850 : vector<16xf32> to vector<16xf32>
    %swap3A_852 = vector.shape_cast %div3A_848 : vector<16xf32> to vector<16xf32>
    tpu.vector_store %arg5[%swap3A_849], %swap3A_852 {strides = array<i32>} : memref<1024xf32, #tpu.memory_space<vmem>>, vector<16xf32>,
    %div3A_853 = arith.divf %exp3A_840, %add3A_847 : vector<16xf32>
    %swap3A_854 = arith.constant 320 : index
    %swap3A_855 = tpu.vector_load %arg5[%swap3A_854] {strides = array<i32>} : memref<1024xf32, #tpu.memory_space<vmem>>, vector<16xf32>,
    %swap3A_856 = vector.shape_cast %swap3A_855 : vector<16xf32> to vector<16xf32>
    %swap3A_857 = vector.shape_cast %div3A_853 : vector<16xf32> to vector<16xf32>
    tpu.vector_store %arg5[%swap3A_854], %swap3A_857 {strides = array<i32>} : memref<1024xf32, #tpu.memory_space<vmem>>, vector<16xf32>,
    %div3A_858 = arith.divf %exp3A_842, %add3A_847 : vector<16xf32>
    %swap3A_859 = arith.constant 576 : index
    %swap3A_860 = tpu.vector_load %arg5[%swap3A_859] {strides = array<i32>} : memref<1024xf32, #tpu.memory_space<vmem>>, vector<16xf32>,
    %swap3A_861 = vector.shape_cast %swap3A_860 : vector<16xf32> to vector<16xf32>
    %swap3A_862 = vector.shape_cast %div3A_858 : vector<16xf32> to vector<16xf32>
    tpu.vector_store %arg5[%swap3A_859], %swap3A_862 {strides = array<i32>} : memref<1024xf32, #tpu.memory_space<vmem>>, vector<16xf32>,
    %div3A_863 = arith.divf %exp3A_844, %add3A_847 : vector<16xf32>
    %swap3A_864 = arith.constant 832 : index
    %swap3A_865 = tpu.vector_load %arg5[%swap3A_864] {strides = array<i32>} : memref<1024xf32, #tpu.memory_space<vmem>>, vector<16xf32>,
    %swap3A_866 = vector.shape_cast %swap3A_865 : vector<16xf32> to vector<16xf32>
    %swap3A_867 = vector.shape_cast %div3A_863 : vector<16xf32> to vector<16xf32>
    tpu.vector_store %arg5[%swap3A_864], %swap3A_867 {strides = array<i32>} : memref<1024xf32, #tpu.memory_space<vmem>>, vector<16xf32>,
    %get3A_868 = arith.constant 80 : index
    %get3A_869 = tpu.vector_load %arg4[%get3A_868] {strides = array<i32>} : memref<1024xf32, #tpu.memory_space<vmem>>, vector<16xf32>,
    %get3A_870 = vector.shape_cast %get3A_869 : vector<16xf32> to vector<16xf32>
    %get3A_871 = arith.constant 336 : index
    %get3A_872 = tpu.vector_load %arg4[%get3A_871] {strides = array<i32>} : memref<1024xf32, #tpu.memory_space<vmem>>, vector<16xf32>,
    %get3A_873 = vector.shape_cast %get3A_872 : vector<16xf32> to vector<16xf32>
    %get3A_874 = arith.constant 592 : index
    %get3A_875 = tpu.vector_load %arg4[%get3A_874] {strides = array<i32>} : memref<1024xf32, #tpu.memory_space<vmem>>, vector<16xf32>,
    %get3A_876 = vector.shape_cast %get3A_875 : vector<16xf32> to vector<16xf32>
    %get3A_877 = arith.constant 848 : index
    %get3A_878 = tpu.vector_load %arg4[%get3A_877] {strides = array<i32>} : memref<1024xf32, #tpu.memory_space<vmem>>, vector<16xf32>,
    %get3A_879 = vector.shape_cast %get3A_878 : vector<16xf32> to vector<16xf32>
    %gt3A_880 = arith.cmpf ogt, %get3A_873, %get3A_870 : vector<16xf32>
    %jit3A_881 = arith.constant 1.000000e+00 : f32
    %jit3A_882 = arith.constant 0.000000e+00 : f32
    %broadcast_in_dim3A_883 = vector.broadcast %jit3A_881 : f32 to vector<16xf32>
    %broadcast_in_dim3A_884 = vector.broadcast %jit3A_882 : f32 to vector<16xf32>
    %select_n3A_885 = arith.select %gt3A_880, %broadcast_in_dim3A_883, %broadcast_in_dim3A_884 : vector<16xi1>, vector<16xf32>
    %gt3A_886 = arith.cmpf ogt, %get3A_876, %get3A_870 : vector<16xf32>
    %jit3A_887 = arith.constant 1.000000e+00 : f32
    %jit3A_888 = arith.constant 0.000000e+00 : f32
    %broadcast_in_dim3A_889 = vector.broadcast %jit3A_887 : f32 to vector<16xf32>
    %broadcast_in_dim3A_890 = vector.broadcast %jit3A_888 : f32 to vector<16xf32>
    %select_n3A_891 = arith.select %gt3A_886, %broadcast_in_dim3A_889, %broadcast_in_dim3A_890 : vector<16xi1>, vector<16xf32>
    %add3A_892 = arith.addf %select_n3A_885, %select_n3A_891 : vector<16xf32>
    %gt3A_893 = arith.cmpf ogt, %get3A_879, %get3A_870 : vector<16xf32>
    %jit3A_894 = arith.constant 1.000000e+00 : f32
    %jit3A_895 = arith.constant 0.000000e+00 : f32
    %broadcast_in_dim3A_896 = vector.broadcast %jit3A_894 : f32 to vector<16xf32>
    %broadcast_in_dim3A_897 = vector.broadcast %jit3A_895 : f32 to vector<16xf32>
    %select_n3A_898 = arith.select %gt3A_893, %broadcast_in_dim3A_896, %broadcast_in_dim3A_897 : vector<16xi1>, vector<16xf32>
    %add3A_899 = arith.addf %add3A_892, %select_n3A_898 : vector<16xf32>
    %lt3A_900 = arith.constant 2.000000e+00 : f32
    %lt3A_901 = vector.broadcast %lt3A_900 : f32 to vector<16xf32>
    %lt3A_902 = arith.cmpf olt, %add3A_899, %lt3A_901 : vector<16xf32>
    %jit3A_903 = arith.constant 0.000000e+00 : f32
    %jit3A_904 = arith.constant -20.7232666 : f32
    %broadcast_in_dim3A_905 = vector.broadcast %jit3A_903 : f32 to vector<16xf32>
    %broadcast_in_dim3A_906 = vector.broadcast %jit3A_904 : f32 to vector<16xf32>
    %select_n3A_907 = arith.select %lt3A_902, %broadcast_in_dim3A_905, %broadcast_in_dim3A_906 : vector<16xi1>, vector<16xf32>
    %add3A_908 = arith.addf %get3A_870, %select_n3A_907 : vector<16xf32>
    %gt3A_909 = arith.cmpf ogt, %get3A_870, %get3A_873 : vector<16xf32>
    %eq3A_910 = arith.cmpf oeq, %get3A_870, %get3A_873 : vector<16xf32>
    %or3A_911 = arith.ori %gt3A_909, %eq3A_910 : vector<16xi1>
    %jit3A_912 = arith.constant 1.000000e+00 : f32
    %jit3A_913 = arith.constant 0.000000e+00 : f32
    %broadcast_in_dim3A_914 = vector.broadcast %jit3A_912 : f32 to vector<16xf32>
    %broadcast_in_dim3A_915 = vector.broadcast %jit3A_913 : f32 to vector<16xf32>
    %select_n3A_916 = arith.select %or3A_911, %broadcast_in_dim3A_914, %broadcast_in_dim3A_915 : vector<16xi1>, vector<16xf32>
    %gt3A_917 = arith.cmpf ogt, %get3A_876, %get3A_873 : vector<16xf32>
    %jit3A_918 = arith.constant 1.000000e+00 : f32
    %jit3A_919 = arith.constant 0.000000e+00 : f32
    %broadcast_in_dim3A_920 = vector.broadcast %jit3A_918 : f32 to vector<16xf32>
    %broadcast_in_dim3A_921 = vector.broadcast %jit3A_919 : f32 to vector<16xf32>
    %select_n3A_922 = arith.select %gt3A_917, %broadcast_in_dim3A_920, %broadcast_in_dim3A_921 : vector<16xi1>, vector<16xf32>
    %add3A_923 = arith.addf %select_n3A_916, %select_n3A_922 : vector<16xf32>
    %gt3A_924 = arith.cmpf ogt, %get3A_879, %get3A_873 : vector<16xf32>
    %jit3A_925 = arith.constant 1.000000e+00 : f32
    %jit3A_926 = arith.constant 0.000000e+00 : f32
    %broadcast_in_dim3A_927 = vector.broadcast %jit3A_925 : f32 to vector<16xf32>
    %broadcast_in_dim3A_928 = vector.broadcast %jit3A_926 : f32 to vector<16xf32>
    %select_n3A_929 = arith.select %gt3A_924, %broadcast_in_dim3A_927, %broadcast_in_dim3A_928 : vector<16xi1>, vector<16xf32>
    %add3A_930 = arith.addf %add3A_923, %select_n3A_929 : vector<16xf32>
    %lt3A_931 = arith.constant 2.000000e+00 : f32
    %lt3A_932 = vector.broadcast %lt3A_931 : f32 to vector<16xf32>
    %lt3A_933 = arith.cmpf olt, %add3A_930, %lt3A_932 : vector<16xf32>
    %jit3A_934 = arith.constant 0.000000e+00 : f32
    %jit3A_935 = arith.constant -20.7232666 : f32
    %broadcast_in_dim3A_936 = vector.broadcast %jit3A_934 : f32 to vector<16xf32>
    %broadcast_in_dim3A_937 = vector.broadcast %jit3A_935 : f32 to vector<16xf32>
    %select_n3A_938 = arith.select %lt3A_933, %broadcast_in_dim3A_936, %broadcast_in_dim3A_937 : vector<16xi1>, vector<16xf32>
    %add3A_939 = arith.addf %get3A_873, %select_n3A_938 : vector<16xf32>
    %gt3A_940 = arith.cmpf ogt, %get3A_870, %get3A_876 : vector<16xf32>
    %eq3A_941 = arith.cmpf oeq, %get3A_870, %get3A_876 : vector<16xf32>
    %or3A_942 = arith.ori %gt3A_940, %eq3A_941 : vector<16xi1>
    %jit3A_943 = arith.constant 1.000000e+00 : f32
    %jit3A_944 = arith.constant 0.000000e+00 : f32
    %broadcast_in_dim3A_945 = vector.broadcast %jit3A_943 : f32 to vector<16xf32>
    %broadcast_in_dim3A_946 = vector.broadcast %jit3A_944 : f32 to vector<16xf32>
    %select_n3A_947 = arith.select %or3A_942, %broadcast_in_dim3A_945, %broadcast_in_dim3A_946 : vector<16xi1>, vector<16xf32>
    %gt3A_948 = arith.cmpf ogt, %get3A_873, %get3A_876 : vector<16xf32>
    %eq3A_949 = arith.cmpf oeq, %get3A_873, %get3A_876 : vector<16xf32>
    %or3A_950 = arith.ori %gt3A_948, %eq3A_949 : vector<16xi1>
    %jit3A_951 = arith.constant 1.000000e+00 : f32
    %jit3A_952 = arith.constant 0.000000e+00 : f32
    %broadcast_in_dim3A_953 = vector.broadcast %jit3A_951 : f32 to vector<16xf32>
    %broadcast_in_dim3A_954 = vector.broadcast %jit3A_952 : f32 to vector<16xf32>
    %select_n3A_955 = arith.select %or3A_950, %broadcast_in_dim3A_953, %broadcast_in_dim3A_954 : vector<16xi1>, vector<16xf32>
    %add3A_956 = arith.addf %select_n3A_947, %select_n3A_955 : vector<16xf32>
    %gt3A_957 = arith.cmpf ogt, %get3A_879, %get3A_876 : vector<16xf32>
    %jit3A_958 = arith.constant 1.000000e+00 : f32
    %jit3A_959 = arith.constant 0.000000e+00 : f32
    %broadcast_in_dim3A_960 = vector.broadcast %jit3A_958 : f32 to vector<16xf32>
    %broadcast_in_dim3A_961 = vector.broadcast %jit3A_959 : f32 to vector<16xf32>
    %select_n3A_962 = arith.select %gt3A_957, %broadcast_in_dim3A_960, %broadcast_in_dim3A_961 : vector<16xi1>, vector<16xf32>
    %add3A_963 = arith.addf %add3A_956, %select_n3A_962 : vector<16xf32>
    %lt3A_964 = arith.constant 2.000000e+00 : f32
    %lt3A_965 = vector.broadcast %lt3A_964 : f32 to vector<16xf32>
    %lt3A_966 = arith.cmpf olt, %add3A_963, %lt3A_965 : vector<16xf32>
    %jit3A_967 = arith.constant 0.000000e+00 : f32
    %jit3A_968 = arith.constant -20.7232666 : f32
    %broadcast_in_dim3A_969 = vector.broadcast %jit3A_967 : f32 to vector<16xf32>
    %broadcast_in_dim3A_970 = vector.broadcast %jit3A_968 : f32 to vector<16xf32>
    %select_n3A_971 = arith.select %lt3A_966, %broadcast_in_dim3A_969, %broadcast_in_dim3A_970 : vector<16xi1>, vector<16xf32>
    %add3A_972 = arith.addf %get3A_876, %select_n3A_971 : vector<16xf32>
    %gt3A_973 = arith.cmpf ogt, %get3A_870, %get3A_879 : vector<16xf32>
    %eq3A_974 = arith.cmpf oeq, %get3A_870, %get3A_879 : vector<16xf32>
    %or3A_975 = arith.ori %gt3A_973, %eq3A_974 : vector<16xi1>
    %jit3A_976 = arith.constant 1.000000e+00 : f32
    %jit3A_977 = arith.constant 0.000000e+00 : f32
    %broadcast_in_dim3A_978 = vector.broadcast %jit3A_976 : f32 to vector<16xf32>
    %broadcast_in_dim3A_979 = vector.broadcast %jit3A_977 : f32 to vector<16xf32>
    %select_n3A_980 = arith.select %or3A_975, %broadcast_in_dim3A_978, %broadcast_in_dim3A_979 : vector<16xi1>, vector<16xf32>
    %gt3A_981 = arith.cmpf ogt, %get3A_873, %get3A_879 : vector<16xf32>
    %eq3A_982 = arith.cmpf oeq, %get3A_873, %get3A_879 : vector<16xf32>
    %or3A_983 = arith.ori %gt3A_981, %eq3A_982 : vector<16xi1>
    %jit3A_984 = arith.constant 1.000000e+00 : f32
    %jit3A_985 = arith.constant 0.000000e+00 : f32
    %broadcast_in_dim3A_986 = vector.broadcast %jit3A_984 : f32 to vector<16xf32>
    %broadcast_in_dim3A_987 = vector.broadcast %jit3A_985 : f32 to vector<16xf32>
    %select_n3A_988 = arith.select %or3A_983, %broadcast_in_dim3A_986, %broadcast_in_dim3A_987 : vector<16xi1>, vector<16xf32>
    %add3A_989 = arith.addf %select_n3A_980, %select_n3A_988 : vector<16xf32>
    %gt3A_990 = arith.cmpf ogt, %get3A_876, %get3A_879 : vector<16xf32>
    %eq3A_991 = arith.cmpf oeq, %get3A_876, %get3A_879 : vector<16xf32>
    %or3A_992 = arith.ori %gt3A_990, %eq3A_991 : vector<16xi1>
    %jit3A_993 = arith.constant 1.000000e+00 : f32
    %jit3A_994 = arith.constant 0.000000e+00 : f32
    %broadcast_in_dim3A_995 = vector.broadcast %jit3A_993 : f32 to vector<16xf32>
    %broadcast_in_dim3A_996 = vector.broadcast %jit3A_994 : f32 to vector<16xf32>
    %select_n3A_997 = arith.select %or3A_992, %broadcast_in_dim3A_995, %broadcast_in_dim3A_996 : vector<16xi1>, vector<16xf32>
    %add3A_998 = arith.addf %add3A_989, %select_n3A_997 : vector<16xf32>
    %lt3A_999 = arith.constant 2.000000e+00 : f32
    %lt3A_1000 = vector.broadcast %lt3A_999 : f32 to vector<16xf32>
    %lt3A_1001 = arith.cmpf olt, %add3A_998, %lt3A_1000 : vector<16xf32>
    %jit3A_1002 = arith.constant 0.000000e+00 : f32
    %jit3A_1003 = arith.constant -20.7232666 : f32
    %broadcast_in_dim3A_1004 = vector.broadcast %jit3A_1002 : f32 to vector<16xf32>
    %broadcast_in_dim3A_1005 = vector.broadcast %jit3A_1003 : f32 to vector<16xf32>
    %select_n3A_1006 = arith.select %lt3A_1001, %broadcast_in_dim3A_1004, %broadcast_in_dim3A_1005 : vector<16xi1>, vector<16xf32>
    %add3A_1007 = arith.addf %get3A_879, %select_n3A_1006 : vector<16xf32>
    %max3A_1008 = arith.maximumf %add3A_908, %add3A_939 : vector<16xf32>
    %max3A_1009 = arith.maximumf %max3A_1008, %add3A_972 : vector<16xf32>
    %max3A_1010 = arith.maximumf %max3A_1009, %add3A_1007 : vector<16xf32>
    %sub3A_1011 = arith.subf %add3A_908, %max3A_1010 : vector<16xf32>
    %exp3A_1012 = math.exp %sub3A_1011 : vector<16xf32>
    %sub3A_1013 = arith.subf %add3A_939, %max3A_1010 : vector<16xf32>
    %exp3A_1014 = math.exp %sub3A_1013 : vector<16xf32>
    %sub3A_1015 = arith.subf %add3A_972, %max3A_1010 : vector<16xf32>
    %exp3A_1016 = math.exp %sub3A_1015 : vector<16xf32>
    %sub3A_1017 = arith.subf %add3A_1007, %max3A_1010 : vector<16xf32>
    %exp3A_1018 = math.exp %sub3A_1017 : vector<16xf32>
    %add3A_1019 = arith.addf %exp3A_1012, %exp3A_1014 : vector<16xf32>
    %add3A_1020 = arith.addf %add3A_1019, %exp3A_1016 : vector<16xf32>
    %add3A_1021 = arith.addf %add3A_1020, %exp3A_1018 : vector<16xf32>
    %div3A_1022 = arith.divf %exp3A_1012, %add3A_1021 : vector<16xf32>
    %swap3A_1023 = arith.constant 80 : index
    %swap3A_1024 = tpu.vector_load %arg5[%swap3A_1023] {strides = array<i32>} : memref<1024xf32, #tpu.memory_space<vmem>>, vector<16xf32>,
    %swap3A_1025 = vector.shape_cast %swap3A_1024 : vector<16xf32> to vector<16xf32>
    %swap3A_1026 = vector.shape_cast %div3A_1022 : vector<16xf32> to vector<16xf32>
    tpu.vector_store %arg5[%swap3A_1023], %swap3A_1026 {strides = array<i32>} : memref<1024xf32, #tpu.memory_space<vmem>>, vector<16xf32>,
    %div3A_1027 = arith.divf %exp3A_1014, %add3A_1021 : vector<16xf32>
    %swap3A_1028 = arith.constant 336 : index
    %swap3A_1029 = tpu.vector_load %arg5[%swap3A_1028] {strides = array<i32>} : memref<1024xf32, #tpu.memory_space<vmem>>, vector<16xf32>,
    %swap3A_1030 = vector.shape_cast %swap3A_1029 : vector<16xf32> to vector<16xf32>
    %swap3A_1031 = vector.shape_cast %div3A_1027 : vector<16xf32> to vector<16xf32>
    tpu.vector_store %arg5[%swap3A_1028], %swap3A_1031 {strides = array<i32>} : memref<1024xf32, #tpu.memory_space<vmem>>, vector<16xf32>,
    %div3A_1032 = arith.divf %exp3A_1016, %add3A_1021 : vector<16xf32>
    %swap3A_1033 = arith.constant 592 : index
    %swap3A_1034 = tpu.vector_load %arg5[%swap3A_1033] {strides = array<i32>} : memref<1024xf32, #tpu.memory_space<vmem>>, vector<16xf32>,
    %swap3A_1035 = vector.shape_cast %swap3A_1034 : vector<16xf32> to vector<16xf32>
    %swap3A_1036 = vector.shape_cast %div3A_1032 : vector<16xf32> to vector<16xf32>
    tpu.vector_store %arg5[%swap3A_1033], %swap3A_1036 {strides = array<i32>} : memref<1024xf32, #tpu.memory_space<vmem>>, vector<16xf32>,
    %div3A_1037 = arith.divf %exp3A_1018, %add3A_1021 : vector<16xf32>
    %swap3A_1038 = arith.constant 848 : index
    %swap3A_1039 = tpu.vector_load %arg5[%swap3A_1038] {strides = array<i32>} : memref<1024xf32, #tpu.memory_space<vmem>>, vector<16xf32>,
    %swap3A_1040 = vector.shape_cast %swap3A_1039 : vector<16xf32> to vector<16xf32>
    %swap3A_1041 = vector.shape_cast %div3A_1037 : vector<16xf32> to vector<16xf32>
    tpu.vector_store %arg5[%swap3A_1038], %swap3A_1041 {strides = array<i32>} : memref<1024xf32, #tpu.memory_space<vmem>>, vector<16xf32>,
    %get3A_1042 = arith.constant 96 : index
    %get3A_1043 = tpu.vector_load %arg4[%get3A_1042] {strides = array<i32>} : memref<1024xf32, #tpu.memory_space<vmem>>, vector<16xf32>,
    %get3A_1044 = vector.shape_cast %get3A_1043 : vector<16xf32> to vector<16xf32>
    %get3A_1045 = arith.constant 352 : index
    %get3A_1046 = tpu.vector_load %arg4[%get3A_1045] {strides = array<i32>} : memref<1024xf32, #tpu.memory_space<vmem>>, vector<16xf32>,
    %get3A_1047 = vector.shape_cast %get3A_1046 : vector<16xf32> to vector<16xf32>
    %get3A_1048 = arith.constant 608 : index
    %get3A_1049 = tpu.vector_load %arg4[%get3A_1048] {strides = array<i32>} : memref<1024xf32, #tpu.memory_space<vmem>>, vector<16xf32>,
    %get3A_1050 = vector.shape_cast %get3A_1049 : vector<16xf32> to vector<16xf32>
    %get3A_1051 = arith.constant 864 : index
    %get3A_1052 = tpu.vector_load %arg4[%get3A_1051] {strides = array<i32>} : memref<1024xf32, #tpu.memory_space<vmem>>, vector<16xf32>,
    %get3A_1053 = vector.shape_cast %get3A_1052 : vector<16xf32> to vector<16xf32>
    %gt3A_1054 = arith.cmpf ogt, %get3A_1047, %get3A_1044 : vector<16xf32>
    %jit3A_1055 = arith.constant 1.000000e+00 : f32
    %jit3A_1056 = arith.constant 0.000000e+00 : f32
    %broadcast_in_dim3A_1057 = vector.broadcast %jit3A_1055 : f32 to vector<16xf32>
    %broadcast_in_dim3A_1058 = vector.broadcast %jit3A_1056 : f32 to vector<16xf32>
    %select_n3A_1059 = arith.select %gt3A_1054, %broadcast_in_dim3A_1057, %broadcast_in_dim3A_1058 : vector<16xi1>, vector<16xf32>
    %gt3A_1060 = arith.cmpf ogt, %get3A_1050, %get3A_1044 : vector<16xf32>
    %jit3A_1061 = arith.constant 1.000000e+00 : f32
    %jit3A_1062 = arith.constant 0.000000e+00 : f32
    %broadcast_in_dim3A_1063 = vector.broadcast %jit3A_1061 : f32 to vector<16xf32>
    %broadcast_in_dim3A_1064 = vector.broadcast %jit3A_1062 : f32 to vector<16xf32>
    %select_n3A_1065 = arith.select %gt3A_1060, %broadcast_in_dim3A_1063, %broadcast_in_dim3A_1064 : vector<16xi1>, vector<16xf32>
    %add3A_1066 = arith.addf %select_n3A_1059, %select_n3A_1065 : vector<16xf32>
    %gt3A_1067 = arith.cmpf ogt, %get3A_1053, %get3A_1044 : vector<16xf32>
    %jit3A_1068 = arith.constant 1.000000e+00 : f32
    %jit3A_1069 = arith.constant 0.000000e+00 : f32
    %broadcast_in_dim3A_1070 = vector.broadcast %jit3A_1068 : f32 to vector<16xf32>
    %broadcast_in_dim3A_1071 = vector.broadcast %jit3A_1069 : f32 to vector<16xf32>
    %select_n3A_1072 = arith.select %gt3A_1067, %broadcast_in_dim3A_1070, %broadcast_in_dim3A_1071 : vector<16xi1>, vector<16xf32>
    %add3A_1073 = arith.addf %add3A_1066, %select_n3A_1072 : vector<16xf32>
    %lt3A_1074 = arith.constant 2.000000e+00 : f32
    %lt3A_1075 = vector.broadcast %lt3A_1074 : f32 to vector<16xf32>
    %lt3A_1076 = arith.cmpf olt, %add3A_1073, %lt3A_1075 : vector<16xf32>
    %jit3A_1077 = arith.constant 0.000000e+00 : f32
    %jit3A_1078 = arith.constant -20.7232666 : f32
    %broadcast_in_dim3A_1079 = vector.broadcast %jit3A_1077 : f32 to vector<16xf32>
    %broadcast_in_dim3A_1080 = vector.broadcast %jit3A_1078 : f32 to vector<16xf32>
    %select_n3A_1081 = arith.select %lt3A_1076, %broadcast_in_dim3A_1079, %broadcast_in_dim3A_1080 : vector<16xi1>, vector<16xf32>
    %add3A_1082 = arith.addf %get3A_1044, %select_n3A_1081 : vector<16xf32>
    %gt3A_1083 = arith.cmpf ogt, %get3A_1044, %get3A_1047 : vector<16xf32>
    %eq3A_1084 = arith.cmpf oeq, %get3A_1044, %get3A_1047 : vector<16xf32>
    %or3A_1085 = arith.ori %gt3A_1083, %eq3A_1084 : vector<16xi1>
    %jit3A_1086 = arith.constant 1.000000e+00 : f32
    %jit3A_1087 = arith.constant 0.000000e+00 : f32
    %broadcast_in_dim3A_1088 = vector.broadcast %jit3A_1086 : f32 to vector<16xf32>
    %broadcast_in_dim3A_1089 = vector.broadcast %jit3A_1087 : f32 to vector<16xf32>
    %select_n3A_1090 = arith.select %or3A_1085, %broadcast_in_dim3A_1088, %broadcast_in_dim3A_1089 : vector<16xi1>, vector<16xf32>
    %gt3A_1091 = arith.cmpf ogt, %get3A_1050, %get3A_1047 : vector<16xf32>
    %jit3A_1092 = arith.constant 1.000000e+00 : f32
    %jit3A_1093 = arith.constant 0.000000e+00 : f32
    %broadcast_in_dim3A_1094 = vector.broadcast %jit3A_1092 : f32 to vector<16xf32>
    %broadcast_in_dim3A_1095 = vector.broadcast %jit3A_1093 : f32 to vector<16xf32>
    %select_n3A_1096 = arith.select %gt3A_1091, %broadcast_in_dim3A_1094, %broadcast_in_dim3A_1095 : vector<16xi1>, vector<16xf32>
    %add3A_1097 = arith.addf %select_n3A_1090, %select_n3A_1096 : vector<16xf32>
    %gt3A_1098 = arith.cmpf ogt, %get3A_1053, %get3A_1047 : vector<16xf32>
    %jit3A_1099 = arith.constant 1.000000e+00 : f32
    %jit3A_1100 = arith.constant 0.000000e+00 : f32
    %broadcast_in_dim3A_1101 = vector.broadcast %jit3A_1099 : f32 to vector<16xf32>
    %broadcast_in_dim3A_1102 = vector.broadcast %jit3A_1100 : f32 to vector<16xf32>
    %select_n3A_1103 = arith.select %gt3A_1098, %broadcast_in_dim3A_1101, %broadcast_in_dim3A_1102 : vector<16xi1>, vector<16xf32>
    %add3A_1104 = arith.addf %add3A_1097, %select_n3A_1103 : vector<16xf32>
    %lt3A_1105 = arith.constant 2.000000e+00 : f32
    %lt3A_1106 = vector.broadcast %lt3A_1105 : f32 to vector<16xf32>
    %lt3A_1107 = arith.cmpf olt, %add3A_1104, %lt3A_1106 : vector<16xf32>
    %jit3A_1108 = arith.constant 0.000000e+00 : f32
    %jit3A_1109 = arith.constant -20.7232666 : f32
    %broadcast_in_dim3A_1110 = vector.broadcast %jit3A_1108 : f32 to vector<16xf32>
    %broadcast_in_dim3A_1111 = vector.broadcast %jit3A_1109 : f32 to vector<16xf32>
    %select_n3A_1112 = arith.select %lt3A_1107, %broadcast_in_dim3A_1110, %broadcast_in_dim3A_1111 : vector<16xi1>, vector<16xf32>
    %add3A_1113 = arith.addf %get3A_1047, %select_n3A_1112 : vector<16xf32>
    %gt3A_1114 = arith.cmpf ogt, %get3A_1044, %get3A_1050 : vector<16xf32>
    %eq3A_1115 = arith.cmpf oeq, %get3A_1044, %get3A_1050 : vector<16xf32>
    %or3A_1116 = arith.ori %gt3A_1114, %eq3A_1115 : vector<16xi1>
    %jit3A_1117 = arith.constant 1.000000e+00 : f32
    %jit3A_1118 = arith.constant 0.000000e+00 : f32
    %broadcast_in_dim3A_1119 = vector.broadcast %jit3A_1117 : f32 to vector<16xf32>
    %broadcast_in_dim3A_1120 = vector.broadcast %jit3A_1118 : f32 to vector<16xf32>
    %select_n3A_1121 = arith.select %or3A_1116, %broadcast_in_dim3A_1119, %broadcast_in_dim3A_1120 : vector<16xi1>, vector<16xf32>
    %gt3A_1122 = arith.cmpf ogt, %get3A_1047, %get3A_1050 : vector<16xf32>
    %eq3A_1123 = arith.cmpf oeq, %get3A_1047, %get3A_1050 : vector<16xf32>
    %or3A_1124 = arith.ori %gt3A_1122, %eq3A_1123 : vector<16xi1>
    %jit3A_1125 = arith.constant 1.000000e+00 : f32
    %jit3A_1126 = arith.constant 0.000000e+00 : f32
    %broadcast_in_dim3A_1127 = vector.broadcast %jit3A_1125 : f32 to vector<16xf32>
    %broadcast_in_dim3A_1128 = vector.broadcast %jit3A_1126 : f32 to vector<16xf32>
    %select_n3A_1129 = arith.select %or3A_1124, %broadcast_in_dim3A_1127, %broadcast_in_dim3A_1128 : vector<16xi1>, vector<16xf32>
    %add3A_1130 = arith.addf %select_n3A_1121, %select_n3A_1129 : vector<16xf32>
    %gt3A_1131 = arith.cmpf ogt, %get3A_1053, %get3A_1050 : vector<16xf32>
    %jit3A_1132 = arith.constant 1.000000e+00 : f32
    %jit3A_1133 = arith.constant 0.000000e+00 : f32
    %broadcast_in_dim3A_1134 = vector.broadcast %jit3A_1132 : f32 to vector<16xf32>
    %broadcast_in_dim3A_1135 = vector.broadcast %jit3A_1133 : f32 to vector<16xf32>
    %select_n3A_1136 = arith.select %gt3A_1131, %broadcast_in_dim3A_1134, %broadcast_in_dim3A_1135 : vector<16xi1>, vector<16xf32>
    %add3A_1137 = arith.addf %add3A_1130, %select_n3A_1136 : vector<16xf32>
    %lt3A_1138 = arith.constant 2.000000e+00 : f32
    %lt3A_1139 = vector.broadcast %lt3A_1138 : f32 to vector<16xf32>
    %lt3A_1140 = arith.cmpf olt, %add3A_1137, %lt3A_1139 : vector<16xf32>
    %jit3A_1141 = arith.constant 0.000000e+00 : f32
    %jit3A_1142 = arith.constant -20.7232666 : f32
    %broadcast_in_dim3A_1143 = vector.broadcast %jit3A_1141 : f32 to vector<16xf32>
    %broadcast_in_dim3A_1144 = vector.broadcast %jit3A_1142 : f32 to vector<16xf32>
    %select_n3A_1145 = arith.select %lt3A_1140, %broadcast_in_dim3A_1143, %broadcast_in_dim3A_1144 : vector<16xi1>, vector<16xf32>
    %add3A_1146 = arith.addf %get3A_1050, %select_n3A_1145 : vector<16xf32>
    %gt3A_1147 = arith.cmpf ogt, %get3A_1044, %get3A_1053 : vector<16xf32>
    %eq3A_1148 = arith.cmpf oeq, %get3A_1044, %get3A_1053 : vector<16xf32>
    %or3A_1149 = arith.ori %gt3A_1147, %eq3A_1148 : vector<16xi1>
    %jit3A_1150 = arith.constant 1.000000e+00 : f32
    %jit3A_1151 = arith.constant 0.000000e+00 : f32
    %broadcast_in_dim3A_1152 = vector.broadcast %jit3A_1150 : f32 to vector<16xf32>
    %broadcast_in_dim3A_1153 = vector.broadcast %jit3A_1151 : f32 to vector<16xf32>
    %select_n3A_1154 = arith.select %or3A_1149, %broadcast_in_dim3A_1152, %broadcast_in_dim3A_1153 : vector<16xi1>, vector<16xf32>
    %gt3A_1155 = arith.cmpf ogt, %get3A_1047, %get3A_1053 : vector<16xf32>
    %eq3A_1156 = arith.cmpf oeq, %get3A_1047, %get3A_1053 : vector<16xf32>
    %or3A_1157 = arith.ori %gt3A_1155, %eq3A_1156 : vector<16xi1>
    %jit3A_1158 = arith.constant 1.000000e+00 : f32
    %jit3A_1159 = arith.constant 0.000000e+00 : f32
    %broadcast_in_dim3A_1160 = vector.broadcast %jit3A_1158 : f32 to vector<16xf32>
    %broadcast_in_dim3A_1161 = vector.broadcast %jit3A_1159 : f32 to vector<16xf32>
    %select_n3A_1162 = arith.select %or3A_1157, %broadcast_in_dim3A_1160, %broadcast_in_dim3A_1161 : vector<16xi1>, vector<16xf32>
    %add3A_1163 = arith.addf %select_n3A_1154, %select_n3A_1162 : vector<16xf32>
    %gt3A_1164 = arith.cmpf ogt, %get3A_1050, %get3A_1053 : vector<16xf32>
    %eq3A_1165 = arith.cmpf oeq, %get3A_1050, %get3A_1053 : vector<16xf32>
    %or3A_1166 = arith.ori %gt3A_1164, %eq3A_1165 : vector<16xi1>
    %jit3A_1167 = arith.constant 1.000000e+00 : f32
    %jit3A_1168 = arith.constant 0.000000e+00 : f32
    %broadcast_in_dim3A_1169 = vector.broadcast %jit3A_1167 : f32 to vector<16xf32>
    %broadcast_in_dim3A_1170 = vector.broadcast %jit3A_1168 : f32 to vector<16xf32>
    %select_n3A_1171 = arith.select %or3A_1166, %broadcast_in_dim3A_1169, %broadcast_in_dim3A_1170 : vector<16xi1>, vector<16xf32>
    %add3A_1172 = arith.addf %add3A_1163, %select_n3A_1171 : vector<16xf32>
    %lt3A_1173 = arith.constant 2.000000e+00 : f32
    %lt3A_1174 = vector.broadcast %lt3A_1173 : f32 to vector<16xf32>
    %lt3A_1175 = arith.cmpf olt, %add3A_1172, %lt3A_1174 : vector<16xf32>
    %jit3A_1176 = arith.constant 0.000000e+00 : f32
    %jit3A_1177 = arith.constant -20.7232666 : f32
    %broadcast_in_dim3A_1178 = vector.broadcast %jit3A_1176 : f32 to vector<16xf32>
    %broadcast_in_dim3A_1179 = vector.broadcast %jit3A_1177 : f32 to vector<16xf32>
    %select_n3A_1180 = arith.select %lt3A_1175, %broadcast_in_dim3A_1178, %broadcast_in_dim3A_1179 : vector<16xi1>, vector<16xf32>
    %add3A_1181 = arith.addf %get3A_1053, %select_n3A_1180 : vector<16xf32>
    %max3A_1182 = arith.maximumf %add3A_1082, %add3A_1113 : vector<16xf32>
    %max3A_1183 = arith.maximumf %max3A_1182, %add3A_1146 : vector<16xf32>
    %max3A_1184 = arith.maximumf %max3A_1183, %add3A_1181 : vector<16xf32>
    %sub3A_1185 = arith.subf %add3A_1082, %max3A_1184 : vector<16xf32>
    %exp3A_1186 = math.exp %sub3A_1185 : vector<16xf32>
    %sub3A_1187 = arith.subf %add3A_1113, %max3A_1184 : vector<16xf32>
    %exp3A_1188 = math.exp %sub3A_1187 : vector<16xf32>
    %sub3A_1189 = arith.subf %add3A_1146, %max3A_1184 : vector<16xf32>
    %exp3A_1190 = math.exp %sub3A_1189 : vector<16xf32>
    %sub3A_1191 = arith.subf %add3A_1181, %max3A_1184 : vector<16xf32>
    %exp3A_1192 = math.exp %sub3A_1191 : vector<16xf32>
    %add3A_1193 = arith.addf %exp3A_1186, %exp3A_1188 : vector<16xf32>
    %add3A_1194 = arith.addf %add3A_1193, %exp3A_1190 : vector<16xf32>
    %add3A_1195 = arith.addf %add3A_1194, %exp3A_1192 : vector<16xf32>
    %div3A_1196 = arith.divf %exp3A_1186, %add3A_1195 : vector<16xf32>
    %swap3A_1197 = arith.constant 96 : index
    %swap3A_1198 = tpu.vector_load %arg5[%swap3A_1197] {strides = array<i32>} : memref<1024xf32, #tpu.memory_space<vmem>>, vector<16xf32>,
    %swap3A_1199 = vector.shape_cast %swap3A_1198 : vector<16xf32> to vector<16xf32>
    %swap3A_1200 = vector.shape_cast %div3A_1196 : vector<16xf32> to vector<16xf32>
    tpu.vector_store %arg5[%swap3A_1197], %swap3A_1200 {strides = array<i32>} : memref<1024xf32, #tpu.memory_space<vmem>>, vector<16xf32>,
    %div3A_1201 = arith.divf %exp3A_1188, %add3A_1195 : vector<16xf32>
    %swap3A_1202 = arith.constant 352 : index
    %swap3A_1203 = tpu.vector_load %arg5[%swap3A_1202] {strides = array<i32>} : memref<1024xf32, #tpu.memory_space<vmem>>, vector<16xf32>,
    %swap3A_1204 = vector.shape_cast %swap3A_1203 : vector<16xf32> to vector<16xf32>
    %swap3A_1205 = vector.shape_cast %div3A_1201 : vector<16xf32> to vector<16xf32>
    tpu.vector_store %arg5[%swap3A_1202], %swap3A_1205 {strides = array<i32>} : memref<1024xf32, #tpu.memory_space<vmem>>, vector<16xf32>,
    %div3A_1206 = arith.divf %exp3A_1190, %add3A_1195 : vector<16xf32>
    %swap3A_1207 = arith.constant 608 : index
    %swap3A_1208 = tpu.vector_load %arg5[%swap3A_1207] {strides = array<i32>} : memref<1024xf32, #tpu.memory_space<vmem>>, vector<16xf32>,
    %swap3A_1209 = vector.shape_cast %swap3A_1208 : vector<16xf32> to vector<16xf32>
    %swap3A_1210 = vector.shape_cast %div3A_1206 : vector<16xf32> to vector<16xf32>
    tpu.vector_store %arg5[%swap3A_1207], %swap3A_1210 {strides = array<i32>} : memref<1024xf32, #tpu.memory_space<vmem>>, vector<16xf32>,
    %div3A_1211 = arith.divf %exp3A_1192, %add3A_1195 : vector<16xf32>
    %swap3A_1212 = arith.constant 864 : index
    %swap3A_1213 = tpu.vector_load %arg5[%swap3A_1212] {strides = array<i32>} : memref<1024xf32, #tpu.memory_space<vmem>>, vector<16xf32>,
    %swap3A_1214 = vector.shape_cast %swap3A_1213 : vector<16xf32> to vector<16xf32>
    %swap3A_1215 = vector.shape_cast %div3A_1211 : vector<16xf32> to vector<16xf32>
    tpu.vector_store %arg5[%swap3A_1212], %swap3A_1215 {strides = array<i32>} : memref<1024xf32, #tpu.memory_space<vmem>>, vector<16xf32>,
    %get3A_1216 = arith.constant 112 : index
    %get3A_1217 = tpu.vector_load %arg4[%get3A_1216] {strides = array<i32>} : memref<1024xf32, #tpu.memory_space<vmem>>, vector<16xf32>,
    %get3A_1218 = vector.shape_cast %get3A_1217 : vector<16xf32> to vector<16xf32>
    %get3A_1219 = arith.constant 368 : index
    %get3A_1220 = tpu.vector_load %arg4[%get3A_1219] {strides = array<i32>} : memref<1024xf32, #tpu.memory_space<vmem>>, vector<16xf32>,
    %get3A_1221 = vector.shape_cast %get3A_1220 : vector<16xf32> to vector<16xf32>
    %get3A_1222 = arith.constant 624 : index
    %get3A_1223 = tpu.vector_load %arg4[%get3A_1222] {strides = array<i32>} : memref<1024xf32, #tpu.memory_space<vmem>>, vector<16xf32>,
    %get3A_1224 = vector.shape_cast %get3A_1223 : vector<16xf32> to vector<16xf32>
    %get3A_1225 = arith.constant 880 : index
    %get3A_1226 = tpu.vector_load %arg4[%get3A_1225] {strides = array<i32>} : memref<1024xf32, #tpu.memory_space<vmem>>, vector<16xf32>,
    %get3A_1227 = vector.shape_cast %get3A_1226 : vector<16xf32> to vector<16xf32>
    %gt3A_1228 = arith.cmpf ogt, %get3A_1221, %get3A_1218 : vector<16xf32>
    %jit3A_1229 = arith.constant 1.000000e+00 : f32
    %jit3A_1230 = arith.constant 0.000000e+00 : f32
    %broadcast_in_dim3A_1231 = vector.broadcast %jit3A_1229 : f32 to vector<16xf32>
    %broadcast_in_dim3A_1232 = vector.broadcast %jit3A_1230 : f32 to vector<16xf32>
    %select_n3A_1233 = arith.select %gt3A_1228, %broadcast_in_dim3A_1231, %broadcast_in_dim3A_1232 : vector<16xi1>, vector<16xf32>
    %gt3A_1234 = arith.cmpf ogt, %get3A_1224, %get3A_1218 : vector<16xf32>
    %jit3A_1235 = arith.constant 1.000000e+00 : f32
    %jit3A_1236 = arith.constant 0.000000e+00 : f32
    %broadcast_in_dim3A_1237 = vector.broadcast %jit3A_1235 : f32 to vector<16xf32>
    %broadcast_in_dim3A_1238 = vector.broadcast %jit3A_1236 : f32 to vector<16xf32>
    %select_n3A_1239 = arith.select %gt3A_1234, %broadcast_in_dim3A_1237, %broadcast_in_dim3A_1238 : vector<16xi1>, vector<16xf32>
    %add3A_1240 = arith.addf %select_n3A_1233, %select_n3A_1239 : vector<16xf32>
    %gt3A_1241 = arith.cmpf ogt, %get3A_1227, %get3A_1218 : vector<16xf32>
    %jit3A_1242 = arith.constant 1.000000e+00 : f32
    %jit3A_1243 = arith.constant 0.000000e+00 : f32
    %broadcast_in_dim3A_1244 = vector.broadcast %jit3A_1242 : f32 to vector<16xf32>
    %broadcast_in_dim3A_1245 = vector.broadcast %jit3A_1243 : f32 to vector<16xf32>
    %select_n3A_1246 = arith.select %gt3A_1241, %broadcast_in_dim3A_1244, %broadcast_in_dim3A_1245 : vector<16xi1>, vector<16xf32>
    %add3A_1247 = arith.addf %add3A_1240, %select_n3A_1246 : vector<16xf32>
    %lt3A_1248 = arith.constant 2.000000e+00 : f32
    %lt3A_1249 = vector.broadcast %lt3A_1248 : f32 to vector<16xf32>
    %lt3A_1250 = arith.cmpf olt, %add3A_1247, %lt3A_1249 : vector<16xf32>
    %jit3A_1251 = arith.constant 0.000000e+00 : f32
    %jit3A_1252 = arith.constant -20.7232666 : f32
    %broadcast_in_dim3A_1253 = vector.broadcast %jit3A_1251 : f32 to vector<16xf32>
    %broadcast_in_dim3A_1254 = vector.broadcast %jit3A_1252 : f32 to vector<16xf32>
    %select_n3A_1255 = arith.select %lt3A_1250, %broadcast_in_dim3A_1253, %broadcast_in_dim3A_1254 : vector<16xi1>, vector<16xf32>
    %add3A_1256 = arith.addf %get3A_1218, %select_n3A_1255 : vector<16xf32>
    %gt3A_1257 = arith.cmpf ogt, %get3A_1218, %get3A_1221 : vector<16xf32>
    %eq3A_1258 = arith.cmpf oeq, %get3A_1218, %get3A_1221 : vector<16xf32>
    %or3A_1259 = arith.ori %gt3A_1257, %eq3A_1258 : vector<16xi1>
    %jit3A_1260 = arith.constant 1.000000e+00 : f32
    %jit3A_1261 = arith.constant 0.000000e+00 : f32
    %broadcast_in_dim3A_1262 = vector.broadcast %jit3A_1260 : f32 to vector<16xf32>
    %broadcast_in_dim3A_1263 = vector.broadcast %jit3A_1261 : f32 to vector<16xf32>
    %select_n3A_1264 = arith.select %or3A_1259, %broadcast_in_dim3A_1262, %broadcast_in_dim3A_1263 : vector<16xi1>, vector<16xf32>
    %gt3A_1265 = arith.cmpf ogt, %get3A_1224, %get3A_1221 : vector<16xf32>
    %jit3A_1266 = arith.constant 1.000000e+00 : f32
    %jit3A_1267 = arith.constant 0.000000e+00 : f32
    %broadcast_in_dim3A_1268 = vector.broadcast %jit3A_1266 : f32 to vector<16xf32>
    %broadcast_in_dim3A_1269 = vector.broadcast %jit3A_1267 : f32 to vector<16xf32>
    %select_n3A_1270 = arith.select %gt3A_1265, %broadcast_in_dim3A_1268, %broadcast_in_dim3A_1269 : vector<16xi1>, vector<16xf32>
    %add3A_1271 = arith.addf %select_n3A_1264, %select_n3A_1270 : vector<16xf32>
    %gt3A_1272 = arith.cmpf ogt, %get3A_1227, %get3A_1221 : vector<16xf32>
    %jit3A_1273 = arith.constant 1.000000e+00 : f32
    %jit3A_1274 = arith.constant 0.000000e+00 : f32
    %broadcast_in_dim3A_1275 = vector.broadcast %jit3A_1273 : f32 to vector<16xf32>
    %broadcast_in_dim3A_1276 = vector.broadcast %jit3A_1274 : f32 to vector<16xf32>
    %select_n3A_1277 = arith.select %gt3A_1272, %broadcast_in_dim3A_1275, %broadcast_in_dim3A_1276 : vector<16xi1>, vector<16xf32>
    %add3A_1278 = arith.addf %add3A_1271, %select_n3A_1277 : vector<16xf32>
    %lt3A_1279 = arith.constant 2.000000e+00 : f32
    %lt3A_1280 = vector.broadcast %lt3A_1279 : f32 to vector<16xf32>
    %lt3A_1281 = arith.cmpf olt, %add3A_1278, %lt3A_1280 : vector<16xf32>
    %jit3A_1282 = arith.constant 0.000000e+00 : f32
    %jit3A_1283 = arith.constant -20.7232666 : f32
    %broadcast_in_dim3A_1284 = vector.broadcast %jit3A_1282 : f32 to vector<16xf32>
    %broadcast_in_dim3A_1285 = vector.broadcast %jit3A_1283 : f32 to vector<16xf32>
    %select_n3A_1286 = arith.select %lt3A_1281, %broadcast_in_dim3A_1284, %broadcast_in_dim3A_1285 : vector<16xi1>, vector<16xf32>
    %add3A_1287 = arith.addf %get3A_1221, %select_n3A_1286 : vector<16xf32>
    %gt3A_1288 = arith.cmpf ogt, %get3A_1218, %get3A_1224 : vector<16xf32>
    %eq3A_1289 = arith.cmpf oeq, %get3A_1218, %get3A_1224 : vector<16xf32>
    %or3A_1290 = arith.ori %gt3A_1288, %eq3A_1289 : vector<16xi1>
    %jit3A_1291 = arith.constant 1.000000e+00 : f32
    %jit3A_1292 = arith.constant 0.000000e+00 : f32
    %broadcast_in_dim3A_1293 = vector.broadcast %jit3A_1291 : f32 to vector<16xf32>
    %broadcast_in_dim3A_1294 = vector.broadcast %jit3A_1292 : f32 to vector<16xf32>
    %select_n3A_1295 = arith.select %or3A_1290, %broadcast_in_dim3A_1293, %broadcast_in_dim3A_1294 : vector<16xi1>, vector<16xf32>
    %gt3A_1296 = arith.cmpf ogt, %get3A_1221, %get3A_1224 : vector<16xf32>
    %eq3A_1297 = arith.cmpf oeq, %get3A_1221, %get3A_1224 : vector<16xf32>
    %or3A_1298 = arith.ori %gt3A_1296, %eq3A_1297 : vector<16xi1>
    %jit3A_1299 = arith.constant 1.000000e+00 : f32
    %jit3A_1300 = arith.constant 0.000000e+00 : f32
    %broadcast_in_dim3A_1301 = vector.broadcast %jit3A_1299 : f32 to vector<16xf32>
    %broadcast_in_dim3A_1302 = vector.broadcast %jit3A_1300 : f32 to vector<16xf32>
    %select_n3A_1303 = arith.select %or3A_1298, %broadcast_in_dim3A_1301, %broadcast_in_dim3A_1302 : vector<16xi1>, vector<16xf32>
    %add3A_1304 = arith.addf %select_n3A_1295, %select_n3A_1303 : vector<16xf32>
    %gt3A_1305 = arith.cmpf ogt, %get3A_1227, %get3A_1224 : vector<16xf32>
    %jit3A_1306 = arith.constant 1.000000e+00 : f32
    %jit3A_1307 = arith.constant 0.000000e+00 : f32
    %broadcast_in_dim3A_1308 = vector.broadcast %jit3A_1306 : f32 to vector<16xf32>
    %broadcast_in_dim3A_1309 = vector.broadcast %jit3A_1307 : f32 to vector<16xf32>
    %select_n3A_1310 = arith.select %gt3A_1305, %broadcast_in_dim3A_1308, %broadcast_in_dim3A_1309 : vector<16xi1>, vector<16xf32>
    %add3A_1311 = arith.addf %add3A_1304, %select_n3A_1310 : vector<16xf32>
    %lt3A_1312 = arith.constant 2.000000e+00 : f32
    %lt3A_1313 = vector.broadcast %lt3A_1312 : f32 to vector<16xf32>
    %lt3A_1314 = arith.cmpf olt, %add3A_1311, %lt3A_1313 : vector<16xf32>
    %jit3A_1315 = arith.constant 0.000000e+00 : f32
    %jit3A_1316 = arith.constant -20.7232666 : f32
    %broadcast_in_dim3A_1317 = vector.broadcast %jit3A_1315 : f32 to vector<16xf32>
    %broadcast_in_dim3A_1318 = vector.broadcast %jit3A_1316 : f32 to vector<16xf32>
    %select_n3A_1319 = arith.select %lt3A_1314, %broadcast_in_dim3A_1317, %broadcast_in_dim3A_1318 : vector<16xi1>, vector<16xf32>
    %add3A_1320 = arith.addf %get3A_1224, %select_n3A_1319 : vector<16xf32>
    %gt3A_1321 = arith.cmpf ogt, %get3A_1218, %get3A_1227 : vector<16xf32>
    %eq3A_1322 = arith.cmpf oeq, %get3A_1218, %get3A_1227 : vector<16xf32>
    %or3A_1323 = arith.ori %gt3A_1321, %eq3A_1322 : vector<16xi1>
    %jit3A_1324 = arith.constant 1.000000e+00 : f32
    %jit3A_1325 = arith.constant 0.000000e+00 : f32
    %broadcast_in_dim3A_1326 = vector.broadcast %jit3A_1324 : f32 to vector<16xf32>
    %broadcast_in_dim3A_1327 = vector.broadcast %jit3A_1325 : f32 to vector<16xf32>
    %select_n3A_1328 = arith.select %or3A_1323, %broadcast_in_dim3A_1326, %broadcast_in_dim3A_1327 : vector<16xi1>, vector<16xf32>
    %gt3A_1329 = arith.cmpf ogt, %get3A_1221, %get3A_1227 : vector<16xf32>
    %eq3A_1330 = arith.cmpf oeq, %get3A_1221, %get3A_1227 : vector<16xf32>
    %or3A_1331 = arith.ori %gt3A_1329, %eq3A_1330 : vector<16xi1>
    %jit3A_1332 = arith.constant 1.000000e+00 : f32
    %jit3A_1333 = arith.constant 0.000000e+00 : f32
    %broadcast_in_dim3A_1334 = vector.broadcast %jit3A_1332 : f32 to vector<16xf32>
    %broadcast_in_dim3A_1335 = vector.broadcast %jit3A_1333 : f32 to vector<16xf32>
    %select_n3A_1336 = arith.select %or3A_1331, %broadcast_in_dim3A_1334, %broadcast_in_dim3A_1335 : vector<16xi1>, vector<16xf32>
    %add3A_1337 = arith.addf %select_n3A_1328, %select_n3A_1336 : vector<16xf32>
    %gt3A_1338 = arith.cmpf ogt, %get3A_1224, %get3A_1227 : vector<16xf32>
    %eq3A_1339 = arith.cmpf oeq, %get3A_1224, %get3A_1227 : vector<16xf32>
    %or3A_1340 = arith.ori %gt3A_1338, %eq3A_1339 : vector<16xi1>
    %jit3A_1341 = arith.constant 1.000000e+00 : f32
    %jit3A_1342 = arith.constant 0.000000e+00 : f32
    %broadcast_in_dim3A_1343 = vector.broadcast %jit3A_1341 : f32 to vector<16xf32>
    %broadcast_in_dim3A_1344 = vector.broadcast %jit3A_1342 : f32 to vector<16xf32>
    %select_n3A_1345 = arith.select %or3A_1340, %broadcast_in_dim3A_1343, %broadcast_in_dim3A_1344 : vector<16xi1>, vector<16xf32>
    %add3A_1346 = arith.addf %add3A_1337, %select_n3A_1345 : vector<16xf32>
    %lt3A_1347 = arith.constant 2.000000e+00 : f32
    %lt3A_1348 = vector.broadcast %lt3A_1347 : f32 to vector<16xf32>
    %lt3A_1349 = arith.cmpf olt, %add3A_1346, %lt3A_1348 : vector<16xf32>
    %jit3A_1350 = arith.constant 0.000000e+00 : f32
    %jit3A_1351 = arith.constant -20.7232666 : f32
    %broadcast_in_dim3A_1352 = vector.broadcast %jit3A_1350 : f32 to vector<16xf32>
    %broadcast_in_dim3A_1353 = vector.broadcast %jit3A_1351 : f32 to vector<16xf32>
    %select_n3A_1354 = arith.select %lt3A_1349, %broadcast_in_dim3A_1352, %broadcast_in_dim3A_1353 : vector<16xi1>, vector<16xf32>
    %add3A_1355 = arith.addf %get3A_1227, %select_n3A_1354 : vector<16xf32>
    %max3A_1356 = arith.maximumf %add3A_1256, %add3A_1287 : vector<16xf32>
    %max3A_1357 = arith.maximumf %max3A_1356, %add3A_1320 : vector<16xf32>
    %max3A_1358 = arith.maximumf %max3A_1357, %add3A_1355 : vector<16xf32>
    %sub3A_1359 = arith.subf %add3A_1256, %max3A_1358 : vector<16xf32>
    %exp3A_1360 = math.exp %sub3A_1359 : vector<16xf32>
    %sub3A_1361 = arith.subf %add3A_1287, %max3A_1358 : vector<16xf32>
    %exp3A_1362 = math.exp %sub3A_1361 : vector<16xf32>
    %sub3A_1363 = arith.subf %add3A_1320, %max3A_1358 : vector<16xf32>
    %exp3A_1364 = math.exp %sub3A_1363 : vector<16xf32>
    %sub3A_1365 = arith.subf %add3A_1355, %max3A_1358 : vector<16xf32>
    %exp3A_1366 = math.exp %sub3A_1365 : vector<16xf32>
    %add3A_1367 = arith.addf %exp3A_1360, %exp3A_1362 : vector<16xf32>
    %add3A_1368 = arith.addf %add3A_1367, %exp3A_1364 : vector<16xf32>
    %add3A_1369 = arith.addf %add3A_1368, %exp3A_1366 : vector<16xf32>
    %div3A_1370 = arith.divf %exp3A_1360, %add3A_1369 : vector<16xf32>
    %swap3A_1371 = arith.constant 112 : index
    %swap3A_1372 = tpu.vector_load %arg5[%swap3A_1371] {strides = array<i32>} : memref<1024xf32, #tpu.memory_space<vmem>>, vector<16xf32>,
    %swap3A_1373 = vector.shape_cast %swap3A_1372 : vector<16xf32> to vector<16xf32>
    %swap3A_1374 = vector.shape_cast %div3A_1370 : vector<16xf32> to vector<16xf32>
    tpu.vector_store %arg5[%swap3A_1371], %swap3A_1374 {strides = array<i32>} : memref<1024xf32, #tpu.memory_space<vmem>>, vector<16xf32>,
    %div3A_1375 = arith.divf %exp3A_1362, %add3A_1369 : vector<16xf32>
    %swap3A_1376 = arith.constant 368 : index
    %swap3A_1377 = tpu.vector_load %arg5[%swap3A_1376] {strides = array<i32>} : memref<1024xf32, #tpu.memory_space<vmem>>, vector<16xf32>,
    %swap3A_1378 = vector.shape_cast %swap3A_1377 : vector<16xf32> to vector<16xf32>
    %swap3A_1379 = vector.shape_cast %div3A_1375 : vector<16xf32> to vector<16xf32>
    tpu.vector_store %arg5[%swap3A_1376], %swap3A_1379 {strides = array<i32>} : memref<1024xf32, #tpu.memory_space<vmem>>, vector<16xf32>,
    %div3A_1380 = arith.divf %exp3A_1364, %add3A_1369 : vector<16xf32>
    %swap3A_1381 = arith.constant 624 : index
    %swap3A_1382 = tpu.vector_load %arg5[%swap3A_1381] {strides = array<i32>} : memref<1024xf32, #tpu.memory_space<vmem>>, vector<16xf32>,
    %swap3A_1383 = vector.shape_cast %swap3A_1382 : vector<16xf32> to vector<16xf32>
    %swap3A_1384 = vector.shape_cast %div3A_1380 : vector<16xf32> to vector<16xf32>
    tpu.vector_store %arg5[%swap3A_1381], %swap3A_1384 {strides = array<i32>} : memref<1024xf32, #tpu.memory_space<vmem>>, vector<16xf32>,
    %div3A_1385 = arith.divf %exp3A_1366, %add3A_1369 : vector<16xf32>
    %swap3A_1386 = arith.constant 880 : index
    %swap3A_1387 = tpu.vector_load %arg5[%swap3A_1386] {strides = array<i32>} : memref<1024xf32, #tpu.memory_space<vmem>>, vector<16xf32>,
    %swap3A_1388 = vector.shape_cast %swap3A_1387 : vector<16xf32> to vector<16xf32>
    %swap3A_1389 = vector.shape_cast %div3A_1385 : vector<16xf32> to vector<16xf32>
    tpu.vector_store %arg5[%swap3A_1386], %swap3A_1389 {strides = array<i32>} : memref<1024xf32, #tpu.memory_space<vmem>>, vector<16xf32>,
    %get3A_1390 = arith.constant 128 : index
    %get3A_1391 = tpu.vector_load %arg4[%get3A_1390] {strides = array<i32>} : memref<1024xf32, #tpu.memory_space<vmem>>, vector<16xf32>,
    %get3A_1392 = vector.shape_cast %get3A_1391 : vector<16xf32> to vector<16xf32>
    %get3A_1393 = arith.constant 384 : index
    %get3A_1394 = tpu.vector_load %arg4[%get3A_1393] {strides = array<i32>} : memref<1024xf32, #tpu.memory_space<vmem>>, vector<16xf32>,
    %get3A_1395 = vector.shape_cast %get3A_1394 : vector<16xf32> to vector<16xf32>
    %get3A_1396 = arith.constant 640 : index
    %get3A_1397 = tpu.vector_load %arg4[%get3A_1396] {strides = array<i32>} : memref<1024xf32, #tpu.memory_space<vmem>>, vector<16xf32>,
    %get3A_1398 = vector.shape_cast %get3A_1397 : vector<16xf32> to vector<16xf32>
    %get3A_1399 = arith.constant 896 : index
    %get3A_1400 = tpu.vector_load %arg4[%get3A_1399] {strides = array<i32>} : memref<1024xf32, #tpu.memory_space<vmem>>, vector<16xf32>,
    %get3A_1401 = vector.shape_cast %get3A_1400 : vector<16xf32> to vector<16xf32>
    %gt3A_1402 = arith.cmpf ogt, %get3A_1395, %get3A_1392 : vector<16xf32>
    %jit3A_1403 = arith.constant 1.000000e+00 : f32
    %jit3A_1404 = arith.constant 0.000000e+00 : f32
    %broadcast_in_dim3A_1405 = vector.broadcast %jit3A_1403 : f32 to vector<16xf32>
    %broadcast_in_dim3A_1406 = vector.broadcast %jit3A_1404 : f32 to vector<16xf32>
    %select_n3A_1407 = arith.select %gt3A_1402, %broadcast_in_dim3A_1405, %broadcast_in_dim3A_1406 : vector<16xi1>, vector<16xf32>
    %gt3A_1408 = arith.cmpf ogt, %get3A_1398, %get3A_1392 : vector<16xf32>
    %jit3A_1409 = arith.constant 1.000000e+00 : f32
    %jit3A_1410 = arith.constant 0.000000e+00 : f32
    %broadcast_in_dim3A_1411 = vector.broadcast %jit3A_1409 : f32 to vector<16xf32>
    %broadcast_in_dim3A_1412 = vector.broadcast %jit3A_1410 : f32 to vector<16xf32>
    %select_n3A_1413 = arith.select %gt3A_1408, %broadcast_in_dim3A_1411, %broadcast_in_dim3A_1412 : vector<16xi1>, vector<16xf32>
    %add3A_1414 = arith.addf %select_n3A_1407, %select_n3A_1413 : vector<16xf32>
    %gt3A_1415 = arith.cmpf ogt, %get3A_1401, %get3A_1392 : vector<16xf32>
    %jit3A_1416 = arith.constant 1.000000e+00 : f32
    %jit3A_1417 = arith.constant 0.000000e+00 : f32
    %broadcast_in_dim3A_1418 = vector.broadcast %jit3A_1416 : f32 to vector<16xf32>
    %broadcast_in_dim3A_1419 = vector.broadcast %jit3A_1417 : f32 to vector<16xf32>
    %select_n3A_1420 = arith.select %gt3A_1415, %broadcast_in_dim3A_1418, %broadcast_in_dim3A_1419 : vector<16xi1>, vector<16xf32>
    %add3A_1421 = arith.addf %add3A_1414, %select_n3A_1420 : vector<16xf32>
    %lt3A_1422 = arith.constant 2.000000e+00 : f32
    %lt3A_1423 = vector.broadcast %lt3A_1422 : f32 to vector<16xf32>
    %lt3A_1424 = arith.cmpf olt, %add3A_1421, %lt3A_1423 : vector<16xf32>
    %jit3A_1425 = arith.constant 0.000000e+00 : f32
    %jit3A_1426 = arith.constant -20.7232666 : f32
    %broadcast_in_dim3A_1427 = vector.broadcast %jit3A_1425 : f32 to vector<16xf32>
    %broadcast_in_dim3A_1428 = vector.broadcast %jit3A_1426 : f32 to vector<16xf32>
    %select_n3A_1429 = arith.select %lt3A_1424, %broadcast_in_dim3A_1427, %broadcast_in_dim3A_1428 : vector<16xi1>, vector<16xf32>
    %add3A_1430 = arith.addf %get3A_1392, %select_n3A_1429 : vector<16xf32>
    %gt3A_1431 = arith.cmpf ogt, %get3A_1392, %get3A_1395 : vector<16xf32>
    %eq3A_1432 = arith.cmpf oeq, %get3A_1392, %get3A_1395 : vector<16xf32>
    %or3A_1433 = arith.ori %gt3A_1431, %eq3A_1432 : vector<16xi1>
    %jit3A_1434 = arith.constant 1.000000e+00 : f32
    %jit3A_1435 = arith.constant 0.000000e+00 : f32
    %broadcast_in_dim3A_1436 = vector.broadcast %jit3A_1434 : f32 to vector<16xf32>
    %broadcast_in_dim3A_1437 = vector.broadcast %jit3A_1435 : f32 to vector<16xf32>
    %select_n3A_1438 = arith.select %or3A_1433, %broadcast_in_dim3A_1436, %broadcast_in_dim3A_1437 : vector<16xi1>, vector<16xf32>
    %gt3A_1439 = arith.cmpf ogt, %get3A_1398, %get3A_1395 : vector<16xf32>
    %jit3A_1440 = arith.constant 1.000000e+00 : f32
    %jit3A_1441 = arith.constant 0.000000e+00 : f32
    %broadcast_in_dim3A_1442 = vector.broadcast %jit3A_1440 : f32 to vector<16xf32>
    %broadcast_in_dim3A_1443 = vector.broadcast %jit3A_1441 : f32 to vector<16xf32>
    %select_n3A_1444 = arith.select %gt3A_1439, %broadcast_in_dim3A_1442, %broadcast_in_dim3A_1443 : vector<16xi1>, vector<16xf32>
    %add3A_1445 = arith.addf %select_n3A_1438, %select_n3A_1444 : vector<16xf32>
    %gt3A_1446 = arith.cmpf ogt, %get3A_1401, %get3A_1395 : vector<16xf32>
    %jit3A_1447 = arith.constant 1.000000e+00 : f32
    %jit3A_1448 = arith.constant 0.000000e+00 : f32
    %broadcast_in_dim3A_1449 = vector.broadcast %jit3A_1447 : f32 to vector<16xf32>
    %broadcast_in_dim3A_1450 = vector.broadcast %jit3A_1448 : f32 to vector<16xf32>
    %select_n3A_1451 = arith.select %gt3A_1446, %broadcast_in_dim3A_1449, %broadcast_in_dim3A_1450 : vector<16xi1>, vector<16xf32>
    %add3A_1452 = arith.addf %add3A_1445, %select_n3A_1451 : vector<16xf32>
    %lt3A_1453 = arith.constant 2.000000e+00 : f32
    %lt3A_1454 = vector.broadcast %lt3A_1453 : f32 to vector<16xf32>
    %lt3A_1455 = arith.cmpf olt, %add3A_1452, %lt3A_1454 : vector<16xf32>
    %jit3A_1456 = arith.constant 0.000000e+00 : f32
    %jit3A_1457 = arith.constant -20.7232666 : f32
    %broadcast_in_dim3A_1458 = vector.broadcast %jit3A_1456 : f32 to vector<16xf32>
    %broadcast_in_dim3A_1459 = vector.broadcast %jit3A_1457 : f32 to vector<16xf32>
    %select_n3A_1460 = arith.select %lt3A_1455, %broadcast_in_dim3A_1458, %broadcast_in_dim3A_1459 : vector<16xi1>, vector<16xf32>
    %add3A_1461 = arith.addf %get3A_1395, %select_n3A_1460 : vector<16xf32>
    %gt3A_1462 = arith.cmpf ogt, %get3A_1392, %get3A_1398 : vector<16xf32>
    %eq3A_1463 = arith.cmpf oeq, %get3A_1392, %get3A_1398 : vector<16xf32>
    %or3A_1464 = arith.ori %gt3A_1462, %eq3A_1463 : vector<16xi1>
    %jit3A_1465 = arith.constant 1.000000e+00 : f32
    %jit3A_1466 = arith.constant 0.000000e+00 : f32
    %broadcast_in_dim3A_1467 = vector.broadcast %jit3A_1465 : f32 to vector<16xf32>
    %broadcast_in_dim3A_1468 = vector.broadcast %jit3A_1466 : f32 to vector<16xf32>
    %select_n3A_1469 = arith.select %or3A_1464, %broadcast_in_dim3A_1467, %broadcast_in_dim3A_1468 : vector<16xi1>, vector<16xf32>
    %gt3A_1470 = arith.cmpf ogt, %get3A_1395, %get3A_1398 : vector<16xf32>
    %eq3A_1471 = arith.cmpf oeq, %get3A_1395, %get3A_1398 : vector<16xf32>
    %or3A_1472 = arith.ori %gt3A_1470, %eq3A_1471 : vector<16xi1>
    %jit3A_1473 = arith.constant 1.000000e+00 : f32
    %jit3A_1474 = arith.constant 0.000000e+00 : f32
    %broadcast_in_dim3A_1475 = vector.broadcast %jit3A_1473 : f32 to vector<16xf32>
    %broadcast_in_dim3A_1476 = vector.broadcast %jit3A_1474 : f32 to vector<16xf32>
    %select_n3A_1477 = arith.select %or3A_1472, %broadcast_in_dim3A_1475, %broadcast_in_dim3A_1476 : vector<16xi1>, vector<16xf32>
    %add3A_1478 = arith.addf %select_n3A_1469, %select_n3A_1477 : vector<16xf32>
    %gt3A_1479 = arith.cmpf ogt, %get3A_1401, %get3A_1398 : vector<16xf32>
    %jit3A_1480 = arith.constant 1.000000e+00 : f32
    %jit3A_1481 = arith.constant 0.000000e+00 : f32
    %broadcast_in_dim3A_1482 = vector.broadcast %jit3A_1480 : f32 to vector<16xf32>
    %broadcast_in_dim3A_1483 = vector.broadcast %jit3A_1481 : f32 to vector<16xf32>
    %select_n3A_1484 = arith.select %gt3A_1479, %broadcast_in_dim3A_1482, %broadcast_in_dim3A_1483 : vector<16xi1>, vector<16xf32>
    %add3A_1485 = arith.addf %add3A_1478, %select_n3A_1484 : vector<16xf32>
    %lt3A_1486 = arith.constant 2.000000e+00 : f32
    %lt3A_1487 = vector.broadcast %lt3A_1486 : f32 to vector<16xf32>
    %lt3A_1488 = arith.cmpf olt, %add3A_1485, %lt3A_1487 : vector<16xf32>
    %jit3A_1489 = arith.constant 0.000000e+00 : f32
    %jit3A_1490 = arith.constant -20.7232666 : f32
    %broadcast_in_dim3A_1491 = vector.broadcast %jit3A_1489 : f32 to vector<16xf32>
    %broadcast_in_dim3A_1492 = vector.broadcast %jit3A_1490 : f32 to vector<16xf32>
    %select_n3A_1493 = arith.select %lt3A_1488, %broadcast_in_dim3A_1491, %broadcast_in_dim3A_1492 : vector<16xi1>, vector<16xf32>
    %add3A_1494 = arith.addf %get3A_1398, %select_n3A_1493 : vector<16xf32>
    %gt3A_1495 = arith.cmpf ogt, %get3A_1392, %get3A_1401 : vector<16xf32>
    %eq3A_1496 = arith.cmpf oeq, %get3A_1392, %get3A_1401 : vector<16xf32>
    %or3A_1497 = arith.ori %gt3A_1495, %eq3A_1496 : vector<16xi1>
    %jit3A_1498 = arith.constant 1.000000e+00 : f32
    %jit3A_1499 = arith.constant 0.000000e+00 : f32
    %broadcast_in_dim3A_1500 = vector.broadcast %jit3A_1498 : f32 to vector<16xf32>
    %broadcast_in_dim3A_1501 = vector.broadcast %jit3A_1499 : f32 to vector<16xf32>
    %select_n3A_1502 = arith.select %or3A_1497, %broadcast_in_dim3A_1500, %broadcast_in_dim3A_1501 : vector<16xi1>, vector<16xf32>
    %gt3A_1503 = arith.cmpf ogt, %get3A_1395, %get3A_1401 : vector<16xf32>
    %eq3A_1504 = arith.cmpf oeq, %get3A_1395, %get3A_1401 : vector<16xf32>
    %or3A_1505 = arith.ori %gt3A_1503, %eq3A_1504 : vector<16xi1>
    %jit3A_1506 = arith.constant 1.000000e+00 : f32
    %jit3A_1507 = arith.constant 0.000000e+00 : f32
    %broadcast_in_dim3A_1508 = vector.broadcast %jit3A_1506 : f32 to vector<16xf32>
    %broadcast_in_dim3A_1509 = vector.broadcast %jit3A_1507 : f32 to vector<16xf32>
    %select_n3A_1510 = arith.select %or3A_1505, %broadcast_in_dim3A_1508, %broadcast_in_dim3A_1509 : vector<16xi1>, vector<16xf32>
    %add3A_1511 = arith.addf %select_n3A_1502, %select_n3A_1510 : vector<16xf32>
    %gt3A_1512 = arith.cmpf ogt, %get3A_1398, %get3A_1401 : vector<16xf32>
    %eq3A_1513 = arith.cmpf oeq, %get3A_1398, %get3A_1401 : vector<16xf32>
    %or3A_1514 = arith.ori %gt3A_1512, %eq3A_1513 : vector<16xi1>
    %jit3A_1515 = arith.constant 1.000000e+00 : f32
    %jit3A_1516 = arith.constant 0.000000e+00 : f32
    %broadcast_in_dim3A_1517 = vector.broadcast %jit3A_1515 : f32 to vector<16xf32>
    %broadcast_in_dim3A_1518 = vector.broadcast %jit3A_1516 : f32 to vector<16xf32>
    %select_n3A_1519 = arith.select %or3A_1514, %broadcast_in_dim3A_1517, %broadcast_in_dim3A_1518 : vector<16xi1>, vector<16xf32>
    %add3A_1520 = arith.addf %add3A_1511, %select_n3A_1519 : vector<16xf32>
    %lt3A_1521 = arith.constant 2.000000e+00 : f32
    %lt3A_1522 = vector.broadcast %lt3A_1521 : f32 to vector<16xf32>
    %lt3A_1523 = arith.cmpf olt, %add3A_1520, %lt3A_1522 : vector<16xf32>
    %jit3A_1524 = arith.constant 0.000000e+00 : f32
    %jit3A_1525 = arith.constant -20.7232666 : f32
    %broadcast_in_dim3A_1526 = vector.broadcast %jit3A_1524 : f32 to vector<16xf32>
    %broadcast_in_dim3A_1527 = vector.broadcast %jit3A_1525 : f32 to vector<16xf32>
    %select_n3A_1528 = arith.select %lt3A_1523, %broadcast_in_dim3A_1526, %broadcast_in_dim3A_1527 : vector<16xi1>, vector<16xf32>
    %add3A_1529 = arith.addf %get3A_1401, %select_n3A_1528 : vector<16xf32>
    %max3A_1530 = arith.maximumf %add3A_1430, %add3A_1461 : vector<16xf32>
    %max3A_1531 = arith.maximumf %max3A_1530, %add3A_1494 : vector<16xf32>
    %max3A_1532 = arith.maximumf %max3A_1531, %add3A_1529 : vector<16xf32>
    %sub3A_1533 = arith.subf %add3A_1430, %max3A_1532 : vector<16xf32>
    %exp3A_1534 = math.exp %sub3A_1533 : vector<16xf32>
    %sub3A_1535 = arith.subf %add3A_1461, %max3A_1532 : vector<16xf32>
    %exp3A_1536 = math.exp %sub3A_1535 : vector<16xf32>
    %sub3A_1537 = arith.subf %add3A_1494, %max3A_1532 : vector<16xf32>
    %exp3A_1538 = math.exp %sub3A_1537 : vector<16xf32>
    %sub3A_1539 = arith.subf %add3A_1529, %max3A_1532 : vector<16xf32>
    %exp3A_1540 = math.exp %sub3A_1539 : vector<16xf32>
    %add3A_1541 = arith.addf %exp3A_1534, %exp3A_1536 : vector<16xf32>
    %add3A_1542 = arith.addf %add3A_1541, %exp3A_1538 : vector<16xf32>
    %add3A_1543 = arith.addf %add3A_1542, %exp3A_1540 : vector<16xf32>
    %div3A_1544 = arith.divf %exp3A_1534, %add3A_1543 : vector<16xf32>
    %swap3A_1545 = arith.constant 128 : index
    %swap3A_1546 = tpu.vector_load %arg5[%swap3A_1545] {strides = array<i32>} : memref<1024xf32, #tpu.memory_space<vmem>>, vector<16xf32>,
    %swap3A_1547 = vector.shape_cast %swap3A_1546 : vector<16xf32> to vector<16xf32>
    %swap3A_1548 = vector.shape_cast %div3A_1544 : vector<16xf32> to vector<16xf32>
    tpu.vector_store %arg5[%swap3A_1545], %swap3A_1548 {strides = array<i32>} : memref<1024xf32, #tpu.memory_space<vmem>>, vector<16xf32>,
    %div3A_1549 = arith.divf %exp3A_1536, %add3A_1543 : vector<16xf32>
    %swap3A_1550 = arith.constant 384 : index
    %swap3A_1551 = tpu.vector_load %arg5[%swap3A_1550] {strides = array<i32>} : memref<1024xf32, #tpu.memory_space<vmem>>, vector<16xf32>,
    %swap3A_1552 = vector.shape_cast %swap3A_1551 : vector<16xf32> to vector<16xf32>
    %swap3A_1553 = vector.shape_cast %div3A_1549 : vector<16xf32> to vector<16xf32>
    tpu.vector_store %arg5[%swap3A_1550], %swap3A_1553 {strides = array<i32>} : memref<1024xf32, #tpu.memory_space<vmem>>, vector<16xf32>,
    %div3A_1554 = arith.divf %exp3A_1538, %add3A_1543 : vector<16xf32>
    %swap3A_1555 = arith.constant 640 : index
    %swap3A_1556 = tpu.vector_load %arg5[%swap3A_1555] {strides = array<i32>} : memref<1024xf32, #tpu.memory_space<vmem>>, vector<16xf32>,
    %swap3A_1557 = vector.shape_cast %swap3A_1556 : vector<16xf32> to vector<16xf32>
    %swap3A_1558 = vector.shape_cast %div3A_1554 : vector<16xf32> to vector<16xf32>
    tpu.vector_store %arg5[%swap3A_1555], %swap3A_1558 {strides = array<i32>} : memref<1024xf32, #tpu.memory_space<vmem>>, vector<16xf32>,
    %div3A_1559 = arith.divf %exp3A_1540, %add3A_1543 : vector<16xf32>
    %swap3A_1560 = arith.constant 896 : index
    %swap3A_1561 = tpu.vector_load %arg5[%swap3A_1560] {strides = array<i32>} : memref<1024xf32, #tpu.memory_space<vmem>>, vector<16xf32>,
    %swap3A_1562 = vector.shape_cast %swap3A_1561 : vector<16xf32> to vector<16xf32>
    %swap3A_1563 = vector.shape_cast %div3A_1559 : vector<16xf32> to vector<16xf32>
    tpu.vector_store %arg5[%swap3A_1560], %swap3A_1563 {strides = array<i32>} : memref<1024xf32, #tpu.memory_space<vmem>>, vector<16xf32>,
    %get3A_1564 = arith.constant 144 : index
    %get3A_1565 = tpu.vector_load %arg4[%get3A_1564] {strides = array<i32>} : memref<1024xf32, #tpu.memory_space<vmem>>, vector<16xf32>,
    %get3A_1566 = vector.shape_cast %get3A_1565 : vector<16xf32> to vector<16xf32>
    %get3A_1567 = arith.constant 400 : index
    %get3A_1568 = tpu.vector_load %arg4[%get3A_1567] {strides = array<i32>} : memref<1024xf32, #tpu.memory_space<vmem>>, vector<16xf32>,
    %get3A_1569 = vector.shape_cast %get3A_1568 : vector<16xf32> to vector<16xf32>
    %get3A_1570 = arith.constant 656 : index
    %get3A_1571 = tpu.vector_load %arg4[%get3A_1570] {strides = array<i32>} : memref<1024xf32, #tpu.memory_space<vmem>>, vector<16xf32>,
    %get3A_1572 = vector.shape_cast %get3A_1571 : vector<16xf32> to vector<16xf32>
    %get3A_1573 = arith.constant 912 : index
    %get3A_1574 = tpu.vector_load %arg4[%get3A_1573] {strides = array<i32>} : memref<1024xf32, #tpu.memory_space<vmem>>, vector<16xf32>,
    %get3A_1575 = vector.shape_cast %get3A_1574 : vector<16xf32> to vector<16xf32>
    %gt3A_1576 = arith.cmpf ogt, %get3A_1569, %get3A_1566 : vector<16xf32>
    %jit3A_1577 = arith.constant 1.000000e+00 : f32
    %jit3A_1578 = arith.constant 0.000000e+00 : f32
    %broadcast_in_dim3A_1579 = vector.broadcast %jit3A_1577 : f32 to vector<16xf32>
    %broadcast_in_dim3A_1580 = vector.broadcast %jit3A_1578 : f32 to vector<16xf32>
    %select_n3A_1581 = arith.select %gt3A_1576, %broadcast_in_dim3A_1579, %broadcast_in_dim3A_1580 : vector<16xi1>, vector<16xf32>
    %gt3A_1582 = arith.cmpf ogt, %get3A_1572, %get3A_1566 : vector<16xf32>
    %jit3A_1583 = arith.constant 1.000000e+00 : f32
    %jit3A_1584 = arith.constant 0.000000e+00 : f32
    %broadcast_in_dim3A_1585 = vector.broadcast %jit3A_1583 : f32 to vector<16xf32>
    %broadcast_in_dim3A_1586 = vector.broadcast %jit3A_1584 : f32 to vector<16xf32>
    %select_n3A_1587 = arith.select %gt3A_1582, %broadcast_in_dim3A_1585, %broadcast_in_dim3A_1586 : vector<16xi1>, vector<16xf32>
    %add3A_1588 = arith.addf %select_n3A_1581, %select_n3A_1587 : vector<16xf32>
    %gt3A_1589 = arith.cmpf ogt, %get3A_1575, %get3A_1566 : vector<16xf32>
    %jit3A_1590 = arith.constant 1.000000e+00 : f32
    %jit3A_1591 = arith.constant 0.000000e+00 : f32
    %broadcast_in_dim3A_1592 = vector.broadcast %jit3A_1590 : f32 to vector<16xf32>
    %broadcast_in_dim3A_1593 = vector.broadcast %jit3A_1591 : f32 to vector<16xf32>
    %select_n3A_1594 = arith.select %gt3A_1589, %broadcast_in_dim3A_1592, %broadcast_in_dim3A_1593 : vector<16xi1>, vector<16xf32>
    %add3A_1595 = arith.addf %add3A_1588, %select_n3A_1594 : vector<16xf32>
    %lt3A_1596 = arith.constant 2.000000e+00 : f32
    %lt3A_1597 = vector.broadcast %lt3A_1596 : f32 to vector<16xf32>
    %lt3A_1598 = arith.cmpf olt, %add3A_1595, %lt3A_1597 : vector<16xf32>
    %jit3A_1599 = arith.constant 0.000000e+00 : f32
    %jit3A_1600 = arith.constant -20.7232666 : f32
    %broadcast_in_dim3A_1601 = vector.broadcast %jit3A_1599 : f32 to vector<16xf32>
    %broadcast_in_dim3A_1602 = vector.broadcast %jit3A_1600 : f32 to vector<16xf32>
    %select_n3A_1603 = arith.select %lt3A_1598, %broadcast_in_dim3A_1601, %broadcast_in_dim3A_1602 : vector<16xi1>, vector<16xf32>
    %add3A_1604 = arith.addf %get3A_1566, %select_n3A_1603 : vector<16xf32>
    %gt3A_1605 = arith.cmpf ogt, %get3A_1566, %get3A_1569 : vector<16xf32>
    %eq3A_1606 = arith.cmpf oeq, %get3A_1566, %get3A_1569 : vector<16xf32>
    %or3A_1607 = arith.ori %gt3A_1605, %eq3A_1606 : vector<16xi1>
    %jit3A_1608 = arith.constant 1.000000e+00 : f32
    %jit3A_1609 = arith.constant 0.000000e+00 : f32
    %broadcast_in_dim3A_1610 = vector.broadcast %jit3A_1608 : f32 to vector<16xf32>
    %broadcast_in_dim3A_1611 = vector.broadcast %jit3A_1609 : f32 to vector<16xf32>
    %select_n3A_1612 = arith.select %or3A_1607, %broadcast_in_dim3A_1610, %broadcast_in_dim3A_1611 : vector<16xi1>, vector<16xf32>
    %gt3A_1613 = arith.cmpf ogt, %get3A_1572, %get3A_1569 : vector<16xf32>
    %jit3A_1614 = arith.constant 1.000000e+00 : f32
    %jit3A_1615 = arith.constant 0.000000e+00 : f32
    %broadcast_in_dim3A_1616 = vector.broadcast %jit3A_1614 : f32 to vector<16xf32>
    %broadcast_in_dim3A_1617 = vector.broadcast %jit3A_1615 : f32 to vector<16xf32>
    %select_n3A_1618 = arith.select %gt3A_1613, %broadcast_in_dim3A_1616, %broadcast_in_dim3A_1617 : vector<16xi1>, vector<16xf32>
    %add3A_1619 = arith.addf %select_n3A_1612, %select_n3A_1618 : vector<16xf32>
    %gt3A_1620 = arith.cmpf ogt, %get3A_1575, %get3A_1569 : vector<16xf32>
    %jit3A_1621 = arith.constant 1.000000e+00 : f32
    %jit3A_1622 = arith.constant 0.000000e+00 : f32
    %broadcast_in_dim3A_1623 = vector.broadcast %jit3A_1621 : f32 to vector<16xf32>
    %broadcast_in_dim3A_1624 = vector.broadcast %jit3A_1622 : f32 to vector<16xf32>
    %select_n3A_1625 = arith.select %gt3A_1620, %broadcast_in_dim3A_1623, %broadcast_in_dim3A_1624 : vector<16xi1>, vector<16xf32>
    %add3A_1626 = arith.addf %add3A_1619, %select_n3A_1625 : vector<16xf32>
    %lt3A_1627 = arith.constant 2.000000e+00 : f32
    %lt3A_1628 = vector.broadcast %lt3A_1627 : f32 to vector<16xf32>
    %lt3A_1629 = arith.cmpf olt, %add3A_1626, %lt3A_1628 : vector<16xf32>
    %jit3A_1630 = arith.constant 0.000000e+00 : f32
    %jit3A_1631 = arith.constant -20.7232666 : f32
    %broadcast_in_dim3A_1632 = vector.broadcast %jit3A_1630 : f32 to vector<16xf32>
    %broadcast_in_dim3A_1633 = vector.broadcast %jit3A_1631 : f32 to vector<16xf32>
    %select_n3A_1634 = arith.select %lt3A_1629, %broadcast_in_dim3A_1632, %broadcast_in_dim3A_1633 : vector<16xi1>, vector<16xf32>
    %add3A_1635 = arith.addf %get3A_1569, %select_n3A_1634 : vector<16xf32>
    %gt3A_1636 = arith.cmpf ogt, %get3A_1566, %get3A_1572 : vector<16xf32>
    %eq3A_1637 = arith.cmpf oeq, %get3A_1566, %get3A_1572 : vector<16xf32>
    %or3A_1638 = arith.ori %gt3A_1636, %eq3A_1637 : vector<16xi1>
    %jit3A_1639 = arith.constant 1.000000e+00 : f32
    %jit3A_1640 = arith.constant 0.000000e+00 : f32
    %broadcast_in_dim3A_1641 = vector.broadcast %jit3A_1639 : f32 to vector<16xf32>
    %broadcast_in_dim3A_1642 = vector.broadcast %jit3A_1640 : f32 to vector<16xf32>
    %select_n3A_1643 = arith.select %or3A_1638, %broadcast_in_dim3A_1641, %broadcast_in_dim3A_1642 : vector<16xi1>, vector<16xf32>
    %gt3A_1644 = arith.cmpf ogt, %get3A_1569, %get3A_1572 : vector<16xf32>
    %eq3A_1645 = arith.cmpf oeq, %get3A_1569, %get3A_1572 : vector<16xf32>
    %or3A_1646 = arith.ori %gt3A_1644, %eq3A_1645 : vector<16xi1>
    %jit3A_1647 = arith.constant 1.000000e+00 : f32
    %jit3A_1648 = arith.constant 0.000000e+00 : f32
    %broadcast_in_dim3A_1649 = vector.broadcast %jit3A_1647 : f32 to vector<16xf32>
    %broadcast_in_dim3A_1650 = vector.broadcast %jit3A_1648 : f32 to vector<16xf32>
    %select_n3A_1651 = arith.select %or3A_1646, %broadcast_in_dim3A_1649, %broadcast_in_dim3A_1650 : vector<16xi1>, vector<16xf32>
    %add3A_1652 = arith.addf %select_n3A_1643, %select_n3A_1651 : vector<16xf32>
    %gt3A_1653 = arith.cmpf ogt, %get3A_1575, %get3A_1572 : vector<16xf32>
    %jit3A_1654 = arith.constant 1.000000e+00 : f32
    %jit3A_1655 = arith.constant 0.000000e+00 : f32
    %broadcast_in_dim3A_1656 = vector.broadcast %jit3A_1654 : f32 to vector<16xf32>
    %broadcast_in_dim3A_1657 = vector.broadcast %jit3A_1655 : f32 to vector<16xf32>
    %select_n3A_1658 = arith.select %gt3A_1653, %broadcast_in_dim3A_1656, %broadcast_in_dim3A_1657 : vector<16xi1>, vector<16xf32>
    %add3A_1659 = arith.addf %add3A_1652, %select_n3A_1658 : vector<16xf32>
    %lt3A_1660 = arith.constant 2.000000e+00 : f32
    %lt3A_1661 = vector.broadcast %lt3A_1660 : f32 to vector<16xf32>
    %lt3A_1662 = arith.cmpf olt, %add3A_1659, %lt3A_1661 : vector<16xf32>
    %jit3A_1663 = arith.constant 0.000000e+00 : f32
    %jit3A_1664 = arith.constant -20.7232666 : f32
    %broadcast_in_dim3A_1665 = vector.broadcast %jit3A_1663 : f32 to vector<16xf32>
    %broadcast_in_dim3A_1666 = vector.broadcast %jit3A_1664 : f32 to vector<16xf32>
    %select_n3A_1667 = arith.select %lt3A_1662, %broadcast_in_dim3A_1665, %broadcast_in_dim3A_1666 : vector<16xi1>, vector<16xf32>
    %add3A_1668 = arith.addf %get3A_1572, %select_n3A_1667 : vector<16xf32>
    %gt3A_1669 = arith.cmpf ogt, %get3A_1566, %get3A_1575 : vector<16xf32>
    %eq3A_1670 = arith.cmpf oeq, %get3A_1566, %get3A_1575 : vector<16xf32>
    %or3A_1671 = arith.ori %gt3A_1669, %eq3A_1670 : vector<16xi1>
    %jit3A_1672 = arith.constant 1.000000e+00 : f32
    %jit3A_1673 = arith.constant 0.000000e+00 : f32
    %broadcast_in_dim3A_1674 = vector.broadcast %jit3A_1672 : f32 to vector<16xf32>
    %broadcast_in_dim3A_1675 = vector.broadcast %jit3A_1673 : f32 to vector<16xf32>
    %select_n3A_1676 = arith.select %or3A_1671, %broadcast_in_dim3A_1674, %broadcast_in_dim3A_1675 : vector<16xi1>, vector<16xf32>
    %gt3A_1677 = arith.cmpf ogt, %get3A_1569, %get3A_1575 : vector<16xf32>
    %eq3A_1678 = arith.cmpf oeq, %get3A_1569, %get3A_1575 : vector<16xf32>
    %or3A_1679 = arith.ori %gt3A_1677, %eq3A_1678 : vector<16xi1>
    %jit3A_1680 = arith.constant 1.000000e+00 : f32
    %jit3A_1681 = arith.constant 0.000000e+00 : f32
    %broadcast_in_dim3A_1682 = vector.broadcast %jit3A_1680 : f32 to vector<16xf32>
    %broadcast_in_dim3A_1683 = vector.broadcast %jit3A_1681 : f32 to vector<16xf32>
    %select_n3A_1684 = arith.select %or3A_1679, %broadcast_in_dim3A_1682, %broadcast_in_dim3A_1683 : vector<16xi1>, vector<16xf32>
    %add3A_1685 = arith.addf %select_n3A_1676, %select_n3A_1684 : vector<16xf32>
    %gt3A_1686 = arith.cmpf ogt, %get3A_1572, %get3A_1575 : vector<16xf32>
    %eq3A_1687 = arith.cmpf oeq, %get3A_1572, %get3A_1575 : vector<16xf32>
    %or3A_1688 = arith.ori %gt3A_1686, %eq3A_1687 : vector<16xi1>
    %jit3A_1689 = arith.constant 1.000000e+00 : f32
    %jit3A_1690 = arith.constant 0.000000e+00 : f32
    %broadcast_in_dim3A_1691 = vector.broadcast %jit3A_1689 : f32 to vector<16xf32>
    %broadcast_in_dim3A_1692 = vector.broadcast %jit3A_1690 : f32 to vector<16xf32>
    %select_n3A_1693 = arith.select %or3A_1688, %broadcast_in_dim3A_1691, %broadcast_in_dim3A_1692 : vector<16xi1>, vector<16xf32>
    %add3A_1694 = arith.addf %add3A_1685, %select_n3A_1693 : vector<16xf32>
    %lt3A_1695 = arith.constant 2.000000e+00 : f32
    %lt3A_1696 = vector.broadcast %lt3A_1695 : f32 to vector<16xf32>
    %lt3A_1697 = arith.cmpf olt, %add3A_1694, %lt3A_1696 : vector<16xf32>
    %jit3A_1698 = arith.constant 0.000000e+00 : f32
    %jit3A_1699 = arith.constant -20.7232666 : f32
    %broadcast_in_dim3A_1700 = vector.broadcast %jit3A_1698 : f32 to vector<16xf32>
    %broadcast_in_dim3A_1701 = vector.broadcast %jit3A_1699 : f32 to vector<16xf32>
    %select_n3A_1702 = arith.select %lt3A_1697, %broadcast_in_dim3A_1700, %broadcast_in_dim3A_1701 : vector<16xi1>, vector<16xf32>
    %add3A_1703 = arith.addf %get3A_1575, %select_n3A_1702 : vector<16xf32>
    %max3A_1704 = arith.maximumf %add3A_1604, %add3A_1635 : vector<16xf32>
    %max3A_1705 = arith.maximumf %max3A_1704, %add3A_1668 : vector<16xf32>
    %max3A_1706 = arith.maximumf %max3A_1705, %add3A_1703 : vector<16xf32>
    %sub3A_1707 = arith.subf %add3A_1604, %max3A_1706 : vector<16xf32>
    %exp3A_1708 = math.exp %sub3A_1707 : vector<16xf32>
    %sub3A_1709 = arith.subf %add3A_1635, %max3A_1706 : vector<16xf32>
    %exp3A_1710 = math.exp %sub3A_1709 : vector<16xf32>
    %sub3A_1711 = arith.subf %add3A_1668, %max3A_1706 : vector<16xf32>
    %exp3A_1712 = math.exp %sub3A_1711 : vector<16xf32>
    %sub3A_1713 = arith.subf %add3A_1703, %max3A_1706 : vector<16xf32>
    %exp3A_1714 = math.exp %sub3A_1713 : vector<16xf32>
    %add3A_1715 = arith.addf %exp3A_1708, %exp3A_1710 : vector<16xf32>
    %add3A_1716 = arith.addf %add3A_1715, %exp3A_1712 : vector<16xf32>
    %add3A_1717 = arith.addf %add3A_1716, %exp3A_1714 : vector<16xf32>
    %div3A_1718 = arith.divf %exp3A_1708, %add3A_1717 : vector<16xf32>
    %swap3A_1719 = arith.constant 144 : index
    %swap3A_1720 = tpu.vector_load %arg5[%swap3A_1719] {strides = array<i32>} : memref<1024xf32, #tpu.memory_space<vmem>>, vector<16xf32>,
    %swap3A_1721 = vector.shape_cast %swap3A_1720 : vector<16xf32> to vector<16xf32>
    %swap3A_1722 = vector.shape_cast %div3A_1718 : vector<16xf32> to vector<16xf32>
    tpu.vector_store %arg5[%swap3A_1719], %swap3A_1722 {strides = array<i32>} : memref<1024xf32, #tpu.memory_space<vmem>>, vector<16xf32>,
    %div3A_1723 = arith.divf %exp3A_1710, %add3A_1717 : vector<16xf32>
    %swap3A_1724 = arith.constant 400 : index
    %swap3A_1725 = tpu.vector_load %arg5[%swap3A_1724] {strides = array<i32>} : memref<1024xf32, #tpu.memory_space<vmem>>, vector<16xf32>,
    %swap3A_1726 = vector.shape_cast %swap3A_1725 : vector<16xf32> to vector<16xf32>
    %swap3A_1727 = vector.shape_cast %div3A_1723 : vector<16xf32> to vector<16xf32>
    tpu.vector_store %arg5[%swap3A_1724], %swap3A_1727 {strides = array<i32>} : memref<1024xf32, #tpu.memory_space<vmem>>, vector<16xf32>,
    %div3A_1728 = arith.divf %exp3A_1712, %add3A_1717 : vector<16xf32>
    %swap3A_1729 = arith.constant 656 : index
    %swap3A_1730 = tpu.vector_load %arg5[%swap3A_1729] {strides = array<i32>} : memref<1024xf32, #tpu.memory_space<vmem>>, vector<16xf32>,
    %swap3A_1731 = vector.shape_cast %swap3A_1730 : vector<16xf32> to vector<16xf32>
    %swap3A_1732 = vector.shape_cast %div3A_1728 : vector<16xf32> to vector<16xf32>
    tpu.vector_store %arg5[%swap3A_1729], %swap3A_1732 {strides = array<i32>} : memref<1024xf32, #tpu.memory_space<vmem>>, vector<16xf32>,
    %div3A_1733 = arith.divf %exp3A_1714, %add3A_1717 : vector<16xf32>
    %swap3A_1734 = arith.constant 912 : index
    %swap3A_1735 = tpu.vector_load %arg5[%swap3A_1734] {strides = array<i32>} : memref<1024xf32, #tpu.memory_space<vmem>>, vector<16xf32>,
    %swap3A_1736 = vector.shape_cast %swap3A_1735 : vector<16xf32> to vector<16xf32>
    %swap3A_1737 = vector.shape_cast %div3A_1733 : vector<16xf32> to vector<16xf32>
    tpu.vector_store %arg5[%swap3A_1734], %swap3A_1737 {strides = array<i32>} : memref<1024xf32, #tpu.memory_space<vmem>>, vector<16xf32>,
    %get3A_1738 = arith.constant 160 : index
    %get3A_1739 = tpu.vector_load %arg4[%get3A_1738] {strides = array<i32>} : memref<1024xf32, #tpu.memory_space<vmem>>, vector<16xf32>,
    %get3A_1740 = vector.shape_cast %get3A_1739 : vector<16xf32> to vector<16xf32>
    %get3A_1741 = arith.constant 416 : index
    %get3A_1742 = tpu.vector_load %arg4[%get3A_1741] {strides = array<i32>} : memref<1024xf32, #tpu.memory_space<vmem>>, vector<16xf32>,
    %get3A_1743 = vector.shape_cast %get3A_1742 : vector<16xf32> to vector<16xf32>
    %get3A_1744 = arith.constant 672 : index
    %get3A_1745 = tpu.vector_load %arg4[%get3A_1744] {strides = array<i32>} : memref<1024xf32, #tpu.memory_space<vmem>>, vector<16xf32>,
    %get3A_1746 = vector.shape_cast %get3A_1745 : vector<16xf32> to vector<16xf32>
    %get3A_1747 = arith.constant 928 : index
    %get3A_1748 = tpu.vector_load %arg4[%get3A_1747] {strides = array<i32>} : memref<1024xf32, #tpu.memory_space<vmem>>, vector<16xf32>,
    %get3A_1749 = vector.shape_cast %get3A_1748 : vector<16xf32> to vector<16xf32>
    %gt3A_1750 = arith.cmpf ogt, %get3A_1743, %get3A_1740 : vector<16xf32>
    %jit3A_1751 = arith.constant 1.000000e+00 : f32
    %jit3A_1752 = arith.constant 0.000000e+00 : f32
    %broadcast_in_dim3A_1753 = vector.broadcast %jit3A_1751 : f32 to vector<16xf32>
    %broadcast_in_dim3A_1754 = vector.broadcast %jit3A_1752 : f32 to vector<16xf32>
    %select_n3A_1755 = arith.select %gt3A_1750, %broadcast_in_dim3A_1753, %broadcast_in_dim3A_1754 : vector<16xi1>, vector<16xf32>
    %gt3A_1756 = arith.cmpf ogt, %get3A_1746, %get3A_1740 : vector<16xf32>
    %jit3A_1757 = arith.constant 1.000000e+00 : f32
    %jit3A_1758 = arith.constant 0.000000e+00 : f32
    %broadcast_in_dim3A_1759 = vector.broadcast %jit3A_1757 : f32 to vector<16xf32>
    %broadcast_in_dim3A_1760 = vector.broadcast %jit3A_1758 : f32 to vector<16xf32>
    %select_n3A_1761 = arith.select %gt3A_1756, %broadcast_in_dim3A_1759, %broadcast_in_dim3A_1760 : vector<16xi1>, vector<16xf32>
    %add3A_1762 = arith.addf %select_n3A_1755, %select_n3A_1761 : vector<16xf32>
    %gt3A_1763 = arith.cmpf ogt, %get3A_1749, %get3A_1740 : vector<16xf32>
    %jit3A_1764 = arith.constant 1.000000e+00 : f32
    %jit3A_1765 = arith.constant 0.000000e+00 : f32
    %broadcast_in_dim3A_1766 = vector.broadcast %jit3A_1764 : f32 to vector<16xf32>
    %broadcast_in_dim3A_1767 = vector.broadcast %jit3A_1765 : f32 to vector<16xf32>
    %select_n3A_1768 = arith.select %gt3A_1763, %broadcast_in_dim3A_1766, %broadcast_in_dim3A_1767 : vector<16xi1>, vector<16xf32>
    %add3A_1769 = arith.addf %add3A_1762, %select_n3A_1768 : vector<16xf32>
    %lt3A_1770 = arith.constant 2.000000e+00 : f32
    %lt3A_1771 = vector.broadcast %lt3A_1770 : f32 to vector<16xf32>
    %lt3A_1772 = arith.cmpf olt, %add3A_1769, %lt3A_1771 : vector<16xf32>
    %jit3A_1773 = arith.constant 0.000000e+00 : f32
    %jit3A_1774 = arith.constant -20.7232666 : f32
    %broadcast_in_dim3A_1775 = vector.broadcast %jit3A_1773 : f32 to vector<16xf32>
    %broadcast_in_dim3A_1776 = vector.broadcast %jit3A_1774 : f32 to vector<16xf32>
    %select_n3A_1777 = arith.select %lt3A_1772, %broadcast_in_dim3A_1775, %broadcast_in_dim3A_1776 : vector<16xi1>, vector<16xf32>
    %add3A_1778 = arith.addf %get3A_1740, %select_n3A_1777 : vector<16xf32>
    %gt3A_1779 = arith.cmpf ogt, %get3A_1740, %get3A_1743 : vector<16xf32>
    %eq3A_1780 = arith.cmpf oeq, %get3A_1740, %get3A_1743 : vector<16xf32>
    %or3A_1781 = arith.ori %gt3A_1779, %eq3A_1780 : vector<16xi1>
    %jit3A_1782 = arith.constant 1.000000e+00 : f32
    %jit3A_1783 = arith.constant 0.000000e+00 : f32
    %broadcast_in_dim3A_1784 = vector.broadcast %jit3A_1782 : f32 to vector<16xf32>
    %broadcast_in_dim3A_1785 = vector.broadcast %jit3A_1783 : f32 to vector<16xf32>
    %select_n3A_1786 = arith.select %or3A_1781, %broadcast_in_dim3A_1784, %broadcast_in_dim3A_1785 : vector<16xi1>, vector<16xf32>
    %gt3A_1787 = arith.cmpf ogt, %get3A_1746, %get3A_1743 : vector<16xf32>
    %jit3A_1788 = arith.constant 1.000000e+00 : f32
    %jit3A_1789 = arith.constant 0.000000e+00 : f32
    %broadcast_in_dim3A_1790 = vector.broadcast %jit3A_1788 : f32 to vector<16xf32>
    %broadcast_in_dim3A_1791 = vector.broadcast %jit3A_1789 : f32 to vector<16xf32>
    %select_n3A_1792 = arith.select %gt3A_1787, %broadcast_in_dim3A_1790, %broadcast_in_dim3A_1791 : vector<16xi1>, vector<16xf32>
    %add3A_1793 = arith.addf %select_n3A_1786, %select_n3A_1792 : vector<16xf32>
    %gt3A_1794 = arith.cmpf ogt, %get3A_1749, %get3A_1743 : vector<16xf32>
    %jit3A_1795 = arith.constant 1.000000e+00 : f32
    %jit3A_1796 = arith.constant 0.000000e+00 : f32
    %broadcast_in_dim3A_1797 = vector.broadcast %jit3A_1795 : f32 to vector<16xf32>
    %broadcast_in_dim3A_1798 = vector.broadcast %jit3A_1796 : f32 to vector<16xf32>
    %select_n3A_1799 = arith.select %gt3A_1794, %broadcast_in_dim3A_1797, %broadcast_in_dim3A_1798 : vector<16xi1>, vector<16xf32>
    %add3A_1800 = arith.addf %add3A_1793, %select_n3A_1799 : vector<16xf32>
    %lt3A_1801 = arith.constant 2.000000e+00 : f32
    %lt3A_1802 = vector.broadcast %lt3A_1801 : f32 to vector<16xf32>
    %lt3A_1803 = arith.cmpf olt, %add3A_1800, %lt3A_1802 : vector<16xf32>
    %jit3A_1804 = arith.constant 0.000000e+00 : f32
    %jit3A_1805 = arith.constant -20.7232666 : f32
    %broadcast_in_dim3A_1806 = vector.broadcast %jit3A_1804 : f32 to vector<16xf32>
    %broadcast_in_dim3A_1807 = vector.broadcast %jit3A_1805 : f32 to vector<16xf32>
    %select_n3A_1808 = arith.select %lt3A_1803, %broadcast_in_dim3A_1806, %broadcast_in_dim3A_1807 : vector<16xi1>, vector<16xf32>
    %add3A_1809 = arith.addf %get3A_1743, %select_n3A_1808 : vector<16xf32>
    %gt3A_1810 = arith.cmpf ogt, %get3A_1740, %get3A_1746 : vector<16xf32>
    %eq3A_1811 = arith.cmpf oeq, %get3A_1740, %get3A_1746 : vector<16xf32>
    %or3A_1812 = arith.ori %gt3A_1810, %eq3A_1811 : vector<16xi1>
    %jit3A_1813 = arith.constant 1.000000e+00 : f32
    %jit3A_1814 = arith.constant 0.000000e+00 : f32
    %broadcast_in_dim3A_1815 = vector.broadcast %jit3A_1813 : f32 to vector<16xf32>
    %broadcast_in_dim3A_1816 = vector.broadcast %jit3A_1814 : f32 to vector<16xf32>
    %select_n3A_1817 = arith.select %or3A_1812, %broadcast_in_dim3A_1815, %broadcast_in_dim3A_1816 : vector<16xi1>, vector<16xf32>
    %gt3A_1818 = arith.cmpf ogt, %get3A_1743, %get3A_1746 : vector<16xf32>
    %eq3A_1819 = arith.cmpf oeq, %get3A_1743, %get3A_1746 : vector<16xf32>
    %or3A_1820 = arith.ori %gt3A_1818, %eq3A_1819 : vector<16xi1>
    %jit3A_1821 = arith.constant 1.000000e+00 : f32
    %jit3A_1822 = arith.constant 0.000000e+00 : f32
    %broadcast_in_dim3A_1823 = vector.broadcast %jit3A_1821 : f32 to vector<16xf32>
    %broadcast_in_dim3A_1824 = vector.broadcast %jit3A_1822 : f32 to vector<16xf32>
    %select_n3A_1825 = arith.select %or3A_1820, %broadcast_in_dim3A_1823, %broadcast_in_dim3A_1824 : vector<16xi1>, vector<16xf32>
    %add3A_1826 = arith.addf %select_n3A_1817, %select_n3A_1825 : vector<16xf32>
    %gt3A_1827 = arith.cmpf ogt, %get3A_1749, %get3A_1746 : vector<16xf32>
    %jit3A_1828 = arith.constant 1.000000e+00 : f32
    %jit3A_1829 = arith.constant 0.000000e+00 : f32
    %broadcast_in_dim3A_1830 = vector.broadcast %jit3A_1828 : f32 to vector<16xf32>
    %broadcast_in_dim3A_1831 = vector.broadcast %jit3A_1829 : f32 to vector<16xf32>
    %select_n3A_1832 = arith.select %gt3A_1827, %broadcast_in_dim3A_1830, %broadcast_in_dim3A_1831 : vector<16xi1>, vector<16xf32>
    %add3A_1833 = arith.addf %add3A_1826, %select_n3A_1832 : vector<16xf32>
    %lt3A_1834 = arith.constant 2.000000e+00 : f32
    %lt3A_1835 = vector.broadcast %lt3A_1834 : f32 to vector<16xf32>
    %lt3A_1836 = arith.cmpf olt, %add3A_1833, %lt3A_1835 : vector<16xf32>
    %jit3A_1837 = arith.constant 0.000000e+00 : f32
    %jit3A_1838 = arith.constant -20.7232666 : f32
    %broadcast_in_dim3A_1839 = vector.broadcast %jit3A_1837 : f32 to vector<16xf32>
    %broadcast_in_dim3A_1840 = vector.broadcast %jit3A_1838 : f32 to vector<16xf32>
    %select_n3A_1841 = arith.select %lt3A_1836, %broadcast_in_dim3A_1839, %broadcast_in_dim3A_1840 : vector<16xi1>, vector<16xf32>
    %add3A_1842 = arith.addf %get3A_1746, %select_n3A_1841 : vector<16xf32>
    %gt3A_1843 = arith.cmpf ogt, %get3A_1740, %get3A_1749 : vector<16xf32>
    %eq3A_1844 = arith.cmpf oeq, %get3A_1740, %get3A_1749 : vector<16xf32>
    %or3A_1845 = arith.ori %gt3A_1843, %eq3A_1844 : vector<16xi1>
    %jit3A_1846 = arith.constant 1.000000e+00 : f32
    %jit3A_1847 = arith.constant 0.000000e+00 : f32
    %broadcast_in_dim3A_1848 = vector.broadcast %jit3A_1846 : f32 to vector<16xf32>
    %broadcast_in_dim3A_1849 = vector.broadcast %jit3A_1847 : f32 to vector<16xf32>
    %select_n3A_1850 = arith.select %or3A_1845, %broadcast_in_dim3A_1848, %broadcast_in_dim3A_1849 : vector<16xi1>, vector<16xf32>
    %gt3A_1851 = arith.cmpf ogt, %get3A_1743, %get3A_1749 : vector<16xf32>
    %eq3A_1852 = arith.cmpf oeq, %get3A_1743, %get3A_1749 : vector<16xf32>
    %or3A_1853 = arith.ori %gt3A_1851, %eq3A_1852 : vector<16xi1>
    %jit3A_1854 = arith.constant 1.000000e+00 : f32
    %jit3A_1855 = arith.constant 0.000000e+00 : f32
    %broadcast_in_dim3A_1856 = vector.broadcast %jit3A_1854 : f32 to vector<16xf32>
    %broadcast_in_dim3A_1857 = vector.broadcast %jit3A_1855 : f32 to vector<16xf32>
    %select_n3A_1858 = arith.select %or3A_1853, %broadcast_in_dim3A_1856, %broadcast_in_dim3A_1857 : vector<16xi1>, vector<16xf32>
    %add3A_1859 = arith.addf %select_n3A_1850, %select_n3A_1858 : vector<16xf32>
    %gt3A_1860 = arith.cmpf ogt, %get3A_1746, %get3A_1749 : vector<16xf32>
    %eq3A_1861 = arith.cmpf oeq, %get3A_1746, %get3A_1749 : vector<16xf32>
    %or3A_1862 = arith.ori %gt3A_1860, %eq3A_1861 : vector<16xi1>
    %jit3A_1863 = arith.constant 1.000000e+00 : f32
    %jit3A_1864 = arith.constant 0.000000e+00 : f32
    %broadcast_in_dim3A_1865 = vector.broadcast %jit3A_1863 : f32 to vector<16xf32>
    %broadcast_in_dim3A_1866 = vector.broadcast %jit3A_1864 : f32 to vector<16xf32>
    %select_n3A_1867 = arith.select %or3A_1862, %broadcast_in_dim3A_1865, %broadcast_in_dim3A_1866 : vector<16xi1>, vector<16xf32>
    %add3A_1868 = arith.addf %add3A_1859, %select_n3A_1867 : vector<16xf32>
    %lt3A_1869 = arith.constant 2.000000e+00 : f32
    %lt3A_1870 = vector.broadcast %lt3A_1869 : f32 to vector<16xf32>
    %lt3A_1871 = arith.cmpf olt, %add3A_1868, %lt3A_1870 : vector<16xf32>
    %jit3A_1872 = arith.constant 0.000000e+00 : f32
    %jit3A_1873 = arith.constant -20.7232666 : f32
    %broadcast_in_dim3A_1874 = vector.broadcast %jit3A_1872 : f32 to vector<16xf32>
    %broadcast_in_dim3A_1875 = vector.broadcast %jit3A_1873 : f32 to vector<16xf32>
    %select_n3A_1876 = arith.select %lt3A_1871, %broadcast_in_dim3A_1874, %broadcast_in_dim3A_1875 : vector<16xi1>, vector<16xf32>
    %add3A_1877 = arith.addf %get3A_1749, %select_n3A_1876 : vector<16xf32>
    %max3A_1878 = arith.maximumf %add3A_1778, %add3A_1809 : vector<16xf32>
    %max3A_1879 = arith.maximumf %max3A_1878, %add3A_1842 : vector<16xf32>
    %max3A_1880 = arith.maximumf %max3A_1879, %add3A_1877 : vector<16xf32>
    %sub3A_1881 = arith.subf %add3A_1778, %max3A_1880 : vector<16xf32>
    %exp3A_1882 = math.exp %sub3A_1881 : vector<16xf32>
    %sub3A_1883 = arith.subf %add3A_1809, %max3A_1880 : vector<16xf32>
    %exp3A_1884 = math.exp %sub3A_1883 : vector<16xf32>
    %sub3A_1885 = arith.subf %add3A_1842, %max3A_1880 : vector<16xf32>
    %exp3A_1886 = math.exp %sub3A_1885 : vector<16xf32>
    %sub3A_1887 = arith.subf %add3A_1877, %max3A_1880 : vector<16xf32>
    %exp3A_1888 = math.exp %sub3A_1887 : vector<16xf32>
    %add3A_1889 = arith.addf %exp3A_1882, %exp3A_1884 : vector<16xf32>
    %add3A_1890 = arith.addf %add3A_1889, %exp3A_1886 : vector<16xf32>
    %add3A_1891 = arith.addf %add3A_1890, %exp3A_1888 : vector<16xf32>
    %div3A_1892 = arith.divf %exp3A_1882, %add3A_1891 : vector<16xf32>
    %swap3A_1893 = arith.constant 160 : index
    %swap3A_1894 = tpu.vector_load %arg5[%swap3A_1893] {strides = array<i32>} : memref<1024xf32, #tpu.memory_space<vmem>>, vector<16xf32>,
    %swap3A_1895 = vector.shape_cast %swap3A_1894 : vector<16xf32> to vector<16xf32>
    %swap3A_1896 = vector.shape_cast %div3A_1892 : vector<16xf32> to vector<16xf32>
    tpu.vector_store %arg5[%swap3A_1893], %swap3A_1896 {strides = array<i32>} : memref<1024xf32, #tpu.memory_space<vmem>>, vector<16xf32>,
    %div3A_1897 = arith.divf %exp3A_1884, %add3A_1891 : vector<16xf32>
    %swap3A_1898 = arith.constant 416 : index
    %swap3A_1899 = tpu.vector_load %arg5[%swap3A_1898] {strides = array<i32>} : memref<1024xf32, #tpu.memory_space<vmem>>, vector<16xf32>,
    %swap3A_1900 = vector.shape_cast %swap3A_1899 : vector<16xf32> to vector<16xf32>
    %swap3A_1901 = vector.shape_cast %div3A_1897 : vector<16xf32> to vector<16xf32>
    tpu.vector_store %arg5[%swap3A_1898], %swap3A_1901 {strides = array<i32>} : memref<1024xf32, #tpu.memory_space<vmem>>, vector<16xf32>,
    %div3A_1902 = arith.divf %exp3A_1886, %add3A_1891 : vector<16xf32>
    %swap3A_1903 = arith.constant 672 : index
    %swap3A_1904 = tpu.vector_load %arg5[%swap3A_1903] {strides = array<i32>} : memref<1024xf32, #tpu.memory_space<vmem>>, vector<16xf32>,
    %swap3A_1905 = vector.shape_cast %swap3A_1904 : vector<16xf32> to vector<16xf32>
    %swap3A_1906 = vector.shape_cast %div3A_1902 : vector<16xf32> to vector<16xf32>
    tpu.vector_store %arg5[%swap3A_1903], %swap3A_1906 {strides = array<i32>} : memref<1024xf32, #tpu.memory_space<vmem>>, vector<16xf32>,
    %div3A_1907 = arith.divf %exp3A_1888, %add3A_1891 : vector<16xf32>
    %swap3A_1908 = arith.constant 928 : index
    %swap3A_1909 = tpu.vector_load %arg5[%swap3A_1908] {strides = array<i32>} : memref<1024xf32, #tpu.memory_space<vmem>>, vector<16xf32>,
    %swap3A_1910 = vector.shape_cast %swap3A_1909 : vector<16xf32> to vector<16xf32>
    %swap3A_1911 = vector.shape_cast %div3A_1907 : vector<16xf32> to vector<16xf32>
    tpu.vector_store %arg5[%swap3A_1908], %swap3A_1911 {strides = array<i32>} : memref<1024xf32, #tpu.memory_space<vmem>>, vector<16xf32>,
    %get3A_1912 = arith.constant 176 : index
    %get3A_1913 = tpu.vector_load %arg4[%get3A_1912] {strides = array<i32>} : memref<1024xf32, #tpu.memory_space<vmem>>, vector<16xf32>,
    %get3A_1914 = vector.shape_cast %get3A_1913 : vector<16xf32> to vector<16xf32>
    %get3A_1915 = arith.constant 432 : index
    %get3A_1916 = tpu.vector_load %arg4[%get3A_1915] {strides = array<i32>} : memref<1024xf32, #tpu.memory_space<vmem>>, vector<16xf32>,
    %get3A_1917 = vector.shape_cast %get3A_1916 : vector<16xf32> to vector<16xf32>
    %get3A_1918 = arith.constant 688 : index
    %get3A_1919 = tpu.vector_load %arg4[%get3A_1918] {strides = array<i32>} : memref<1024xf32, #tpu.memory_space<vmem>>, vector<16xf32>,
    %get3A_1920 = vector.shape_cast %get3A_1919 : vector<16xf32> to vector<16xf32>
    %get3A_1921 = arith.constant 944 : index
    %get3A_1922 = tpu.vector_load %arg4[%get3A_1921] {strides = array<i32>} : memref<1024xf32, #tpu.memory_space<vmem>>, vector<16xf32>,
    %get3A_1923 = vector.shape_cast %get3A_1922 : vector<16xf32> to vector<16xf32>
    %gt3A_1924 = arith.cmpf ogt, %get3A_1917, %get3A_1914 : vector<16xf32>
    %jit3A_1925 = arith.constant 1.000000e+00 : f32
    %jit3A_1926 = arith.constant 0.000000e+00 : f32
    %broadcast_in_dim3A_1927 = vector.broadcast %jit3A_1925 : f32 to vector<16xf32>
    %broadcast_in_dim3A_1928 = vector.broadcast %jit3A_1926 : f32 to vector<16xf32>
    %select_n3A_1929 = arith.select %gt3A_1924, %broadcast_in_dim3A_1927, %broadcast_in_dim3A_1928 : vector<16xi1>, vector<16xf32>
    %gt3A_1930 = arith.cmpf ogt, %get3A_1920, %get3A_1914 : vector<16xf32>
    %jit3A_1931 = arith.constant 1.000000e+00 : f32
    %jit3A_1932 = arith.constant 0.000000e+00 : f32
    %broadcast_in_dim3A_1933 = vector.broadcast %jit3A_1931 : f32 to vector<16xf32>
    %broadcast_in_dim3A_1934 = vector.broadcast %jit3A_1932 : f32 to vector<16xf32>
    %select_n3A_1935 = arith.select %gt3A_1930, %broadcast_in_dim3A_1933, %broadcast_in_dim3A_1934 : vector<16xi1>, vector<16xf32>
    %add3A_1936 = arith.addf %select_n3A_1929, %select_n3A_1935 : vector<16xf32>
    %gt3A_1937 = arith.cmpf ogt, %get3A_1923, %get3A_1914 : vector<16xf32>
    %jit3A_1938 = arith.constant 1.000000e+00 : f32
    %jit3A_1939 = arith.constant 0.000000e+00 : f32
    %broadcast_in_dim3A_1940 = vector.broadcast %jit3A_1938 : f32 to vector<16xf32>
    %broadcast_in_dim3A_1941 = vector.broadcast %jit3A_1939 : f32 to vector<16xf32>
    %select_n3A_1942 = arith.select %gt3A_1937, %broadcast_in_dim3A_1940, %broadcast_in_dim3A_1941 : vector<16xi1>, vector<16xf32>
    %add3A_1943 = arith.addf %add3A_1936, %select_n3A_1942 : vector<16xf32>
    %lt3A_1944 = arith.constant 2.000000e+00 : f32
    %lt3A_1945 = vector.broadcast %lt3A_1944 : f32 to vector<16xf32>
    %lt3A_1946 = arith.cmpf olt, %add3A_1943, %lt3A_1945 : vector<16xf32>
    %jit3A_1947 = arith.constant 0.000000e+00 : f32
    %jit3A_1948 = arith.constant -20.7232666 : f32
    %broadcast_in_dim3A_1949 = vector.broadcast %jit3A_1947 : f32 to vector<16xf32>
    %broadcast_in_dim3A_1950 = vector.broadcast %jit3A_1948 : f32 to vector<16xf32>
    %select_n3A_1951 = arith.select %lt3A_1946, %broadcast_in_dim3A_1949, %broadcast_in_dim3A_1950 : vector<16xi1>, vector<16xf32>
    %add3A_1952 = arith.addf %get3A_1914, %select_n3A_1951 : vector<16xf32>
    %gt3A_1953 = arith.cmpf ogt, %get3A_1914, %get3A_1917 : vector<16xf32>
    %eq3A_1954 = arith.cmpf oeq, %get3A_1914, %get3A_1917 : vector<16xf32>
    %or3A_1955 = arith.ori %gt3A_1953, %eq3A_1954 : vector<16xi1>
    %jit3A_1956 = arith.constant 1.000000e+00 : f32
    %jit3A_1957 = arith.constant 0.000000e+00 : f32
    %broadcast_in_dim3A_1958 = vector.broadcast %jit3A_1956 : f32 to vector<16xf32>
    %broadcast_in_dim3A_1959 = vector.broadcast %jit3A_1957 : f32 to vector<16xf32>
    %select_n3A_1960 = arith.select %or3A_1955, %broadcast_in_dim3A_1958, %broadcast_in_dim3A_1959 : vector<16xi1>, vector<16xf32>
    %gt3A_1961 = arith.cmpf ogt, %get3A_1920, %get3A_1917 : vector<16xf32>
    %jit3A_1962 = arith.constant 1.000000e+00 : f32
    %jit3A_1963 = arith.constant 0.000000e+00 : f32
    %broadcast_in_dim3A_1964 = vector.broadcast %jit3A_1962 : f32 to vector<16xf32>
    %broadcast_in_dim3A_1965 = vector.broadcast %jit3A_1963 : f32 to vector<16xf32>
    %select_n3A_1966 = arith.select %gt3A_1961, %broadcast_in_dim3A_1964, %broadcast_in_dim3A_1965 : vector<16xi1>, vector<16xf32>
    %add3A_1967 = arith.addf %select_n3A_1960, %select_n3A_1966 : vector<16xf32>
    %gt3A_1968 = arith.cmpf ogt, %get3A_1923, %get3A_1917 : vector<16xf32>
    %jit3A_1969 = arith.constant 1.000000e+00 : f32
    %jit3A_1970 = arith.constant 0.000000e+00 : f32
    %broadcast_in_dim3A_1971 = vector.broadcast %jit3A_1969 : f32 to vector<16xf32>
    %broadcast_in_dim3A_1972 = vector.broadcast %jit3A_1970 : f32 to vector<16xf32>
    %select_n3A_1973 = arith.select %gt3A_1968, %broadcast_in_dim3A_1971, %broadcast_in_dim3A_1972 : vector<16xi1>, vector<16xf32>
    %add3A_1974 = arith.addf %add3A_1967, %select_n3A_1973 : vector<16xf32>
    %lt3A_1975 = arith.constant 2.000000e+00 : f32
    %lt3A_1976 = vector.broadcast %lt3A_1975 : f32 to vector<16xf32>
    %lt3A_1977 = arith.cmpf olt, %add3A_1974, %lt3A_1976 : vector<16xf32>
    %jit3A_1978 = arith.constant 0.000000e+00 : f32
    %jit3A_1979 = arith.constant -20.7232666 : f32
    %broadcast_in_dim3A_1980 = vector.broadcast %jit3A_1978 : f32 to vector<16xf32>
    %broadcast_in_dim3A_1981 = vector.broadcast %jit3A_1979 : f32 to vector<16xf32>
    %select_n3A_1982 = arith.select %lt3A_1977, %broadcast_in_dim3A_1980, %broadcast_in_dim3A_1981 : vector<16xi1>, vector<16xf32>
    %add3A_1983 = arith.addf %get3A_1917, %select_n3A_1982 : vector<16xf32>
    %gt3A_1984 = arith.cmpf ogt, %get3A_1914, %get3A_1920 : vector<16xf32>
    %eq3A_1985 = arith.cmpf oeq, %get3A_1914, %get3A_1920 : vector<16xf32>
    %or3A_1986 = arith.ori %gt3A_1984, %eq3A_1985 : vector<16xi1>
    %jit3A_1987 = arith.constant 1.000000e+00 : f32
    %jit3A_1988 = arith.constant 0.000000e+00 : f32
    %broadcast_in_dim3A_1989 = vector.broadcast %jit3A_1987 : f32 to vector<16xf32>
    %broadcast_in_dim3A_1990 = vector.broadcast %jit3A_1988 : f32 to vector<16xf32>
    %select_n3A_1991 = arith.select %or3A_1986, %broadcast_in_dim3A_1989, %broadcast_in_dim3A_1990 : vector<16xi1>, vector<16xf32>
    %gt3A_1992 = arith.cmpf ogt, %get3A_1917, %get3A_1920 : vector<16xf32>
    %eq3A_1993 = arith.cmpf oeq, %get3A_1917, %get3A_1920 : vector<16xf32>
    %or3A_1994 = arith.ori %gt3A_1992, %eq3A_1993 : vector<16xi1>
    %jit3A_1995 = arith.constant 1.000000e+00 : f32
    %jit3A_1996 = arith.constant 0.000000e+00 : f32
    %broadcast_in_dim3A_1997 = vector.broadcast %jit3A_1995 : f32 to vector<16xf32>
    %broadcast_in_dim3A_1998 = vector.broadcast %jit3A_1996 : f32 to vector<16xf32>
    %select_n3A_1999 = arith.select %or3A_1994, %broadcast_in_dim3A_1997, %broadcast_in_dim3A_1998 : vector<16xi1>, vector<16xf32>
    %add3A_2000 = arith.addf %select_n3A_1991, %select_n3A_1999 : vector<16xf32>
    %gt3A_2001 = arith.cmpf ogt, %get3A_1923, %get3A_1920 : vector<16xf32>
    %jit3A_2002 = arith.constant 1.000000e+00 : f32
    %jit3A_2003 = arith.constant 0.000000e+00 : f32
    %broadcast_in_dim3A_2004 = vector.broadcast %jit3A_2002 : f32 to vector<16xf32>
    %broadcast_in_dim3A_2005 = vector.broadcast %jit3A_2003 : f32 to vector<16xf32>
    %select_n3A_2006 = arith.select %gt3A_2001, %broadcast_in_dim3A_2004, %broadcast_in_dim3A_2005 : vector<16xi1>, vector<16xf32>
    %add3A_2007 = arith.addf %add3A_2000, %select_n3A_2006 : vector<16xf32>
    %lt3A_2008 = arith.constant 2.000000e+00 : f32
    %lt3A_2009 = vector.broadcast %lt3A_2008 : f32 to vector<16xf32>
    %lt3A_2010 = arith.cmpf olt, %add3A_2007, %lt3A_2009 : vector<16xf32>
    %jit3A_2011 = arith.constant 0.000000e+00 : f32
    %jit3A_2012 = arith.constant -20.7232666 : f32
    %broadcast_in_dim3A_2013 = vector.broadcast %jit3A_2011 : f32 to vector<16xf32>
    %broadcast_in_dim3A_2014 = vector.broadcast %jit3A_2012 : f32 to vector<16xf32>
    %select_n3A_2015 = arith.select %lt3A_2010, %broadcast_in_dim3A_2013, %broadcast_in_dim3A_2014 : vector<16xi1>, vector<16xf32>
    %add3A_2016 = arith.addf %get3A_1920, %select_n3A_2015 : vector<16xf32>
    %gt3A_2017 = arith.cmpf ogt, %get3A_1914, %get3A_1923 : vector<16xf32>
    %eq3A_2018 = arith.cmpf oeq, %get3A_1914, %get3A_1923 : vector<16xf32>
    %or3A_2019 = arith.ori %gt3A_2017, %eq3A_2018 : vector<16xi1>
    %jit3A_2020 = arith.constant 1.000000e+00 : f32
    %jit3A_2021 = arith.constant 0.000000e+00 : f32
    %broadcast_in_dim3A_2022 = vector.broadcast %jit3A_2020 : f32 to vector<16xf32>
    %broadcast_in_dim3A_2023 = vector.broadcast %jit3A_2021 : f32 to vector<16xf32>
    %select_n3A_2024 = arith.select %or3A_2019, %broadcast_in_dim3A_2022, %broadcast_in_dim3A_2023 : vector<16xi1>, vector<16xf32>
    %gt3A_2025 = arith.cmpf ogt, %get3A_1917, %get3A_1923 : vector<16xf32>
    %eq3A_2026 = arith.cmpf oeq, %get3A_1917, %get3A_1923 : vector<16xf32>
    %or3A_2027 = arith.ori %gt3A_2025, %eq3A_2026 : vector<16xi1>
    %jit3A_2028 = arith.constant 1.000000e+00 : f32
    %jit3A_2029 = arith.constant 0.000000e+00 : f32
    %broadcast_in_dim3A_2030 = vector.broadcast %jit3A_2028 : f32 to vector<16xf32>
    %broadcast_in_dim3A_2031 = vector.broadcast %jit3A_2029 : f32 to vector<16xf32>
    %select_n3A_2032 = arith.select %or3A_2027, %broadcast_in_dim3A_2030, %broadcast_in_dim3A_2031 : vector<16xi1>, vector<16xf32>
    %add3A_2033 = arith.addf %select_n3A_2024, %select_n3A_2032 : vector<16xf32>
    %gt3A_2034 = arith.cmpf ogt, %get3A_1920, %get3A_1923 : vector<16xf32>
    %eq3A_2035 = arith.cmpf oeq, %get3A_1920, %get3A_1923 : vector<16xf32>
    %or3A_2036 = arith.ori %gt3A_2034, %eq3A_2035 : vector<16xi1>
    %jit3A_2037 = arith.constant 1.000000e+00 : f32
    %jit3A_2038 = arith.constant 0.000000e+00 : f32
    %broadcast_in_dim3A_2039 = vector.broadcast %jit3A_2037 : f32 to vector<16xf32>
    %broadcast_in_dim3A_2040 = vector.broadcast %jit3A_2038 : f32 to vector<16xf32>
    %select_n3A_2041 = arith.select %or3A_2036, %broadcast_in_dim3A_2039, %broadcast_in_dim3A_2040 : vector<16xi1>, vector<16xf32>
    %add3A_2042 = arith.addf %add3A_2033, %select_n3A_2041 : vector<16xf32>
    %lt3A_2043 = arith.constant 2.000000e+00 : f32
    %lt3A_2044 = vector.broadcast %lt3A_2043 : f32 to vector<16xf32>
    %lt3A_2045 = arith.cmpf olt, %add3A_2042, %lt3A_2044 : vector<16xf32>
    %jit3A_2046 = arith.constant 0.000000e+00 : f32
    %jit3A_2047 = arith.constant -20.7232666 : f32
    %broadcast_in_dim3A_2048 = vector.broadcast %jit3A_2046 : f32 to vector<16xf32>
    %broadcast_in_dim3A_2049 = vector.broadcast %jit3A_2047 : f32 to vector<16xf32>
    %select_n3A_2050 = arith.select %lt3A_2045, %broadcast_in_dim3A_2048, %broadcast_in_dim3A_2049 : vector<16xi1>, vector<16xf32>
    %add3A_2051 = arith.addf %get3A_1923, %select_n3A_2050 : vector<16xf32>
    %max3A_2052 = arith.maximumf %add3A_1952, %add3A_1983 : vector<16xf32>
    %max3A_2053 = arith.maximumf %max3A_2052, %add3A_2016 : vector<16xf32>
    %max3A_2054 = arith.maximumf %max3A_2053, %add3A_2051 : vector<16xf32>
    %sub3A_2055 = arith.subf %add3A_1952, %max3A_2054 : vector<16xf32>
    %exp3A_2056 = math.exp %sub3A_2055 : vector<16xf32>
    %sub3A_2057 = arith.subf %add3A_1983, %max3A_2054 : vector<16xf32>
    %exp3A_2058 = math.exp %sub3A_2057 : vector<16xf32>
    %sub3A_2059 = arith.subf %add3A_2016, %max3A_2054 : vector<16xf32>
    %exp3A_2060 = math.exp %sub3A_2059 : vector<16xf32>
    %sub3A_2061 = arith.subf %add3A_2051, %max3A_2054 : vector<16xf32>
    %exp3A_2062 = math.exp %sub3A_2061 : vector<16xf32>
    %add3A_2063 = arith.addf %exp3A_2056, %exp3A_2058 : vector<16xf32>
    %add3A_2064 = arith.addf %add3A_2063, %exp3A_2060 : vector<16xf32>
    %add3A_2065 = arith.addf %add3A_2064, %exp3A_2062 : vector<16xf32>
    %div3A_2066 = arith.divf %exp3A_2056, %add3A_2065 : vector<16xf32>
    %swap3A_2067 = arith.constant 176 : index
    %swap3A_2068 = tpu.vector_load %arg5[%swap3A_2067] {strides = array<i32>} : memref<1024xf32, #tpu.memory_space<vmem>>, vector<16xf32>,
    %swap3A_2069 = vector.shape_cast %swap3A_2068 : vector<16xf32> to vector<16xf32>
    %swap3A_2070 = vector.shape_cast %div3A_2066 : vector<16xf32> to vector<16xf32>
    tpu.vector_store %arg5[%swap3A_2067], %swap3A_2070 {strides = array<i32>} : memref<1024xf32, #tpu.memory_space<vmem>>, vector<16xf32>,
    %div3A_2071 = arith.divf %exp3A_2058, %add3A_2065 : vector<16xf32>
    %swap3A_2072 = arith.constant 432 : index
    %swap3A_2073 = tpu.vector_load %arg5[%swap3A_2072] {strides = array<i32>} : memref<1024xf32, #tpu.memory_space<vmem>>, vector<16xf32>,
    %swap3A_2074 = vector.shape_cast %swap3A_2073 : vector<16xf32> to vector<16xf32>
    %swap3A_2075 = vector.shape_cast %div3A_2071 : vector<16xf32> to vector<16xf32>
    tpu.vector_store %arg5[%swap3A_2072], %swap3A_2075 {strides = array<i32>} : memref<1024xf32, #tpu.memory_space<vmem>>, vector<16xf32>,
    %div3A_2076 = arith.divf %exp3A_2060, %add3A_2065 : vector<16xf32>
    %swap3A_2077 = arith.constant 688 : index
    %swap3A_2078 = tpu.vector_load %arg5[%swap3A_2077] {strides = array<i32>} : memref<1024xf32, #tpu.memory_space<vmem>>, vector<16xf32>,
    %swap3A_2079 = vector.shape_cast %swap3A_2078 : vector<16xf32> to vector<16xf32>
    %swap3A_2080 = vector.shape_cast %div3A_2076 : vector<16xf32> to vector<16xf32>
    tpu.vector_store %arg5[%swap3A_2077], %swap3A_2080 {strides = array<i32>} : memref<1024xf32, #tpu.memory_space<vmem>>, vector<16xf32>,
    %div3A_2081 = arith.divf %exp3A_2062, %add3A_2065 : vector<16xf32>
    %swap3A_2082 = arith.constant 944 : index
    %swap3A_2083 = tpu.vector_load %arg5[%swap3A_2082] {strides = array<i32>} : memref<1024xf32, #tpu.memory_space<vmem>>, vector<16xf32>,
    %swap3A_2084 = vector.shape_cast %swap3A_2083 : vector<16xf32> to vector<16xf32>
    %swap3A_2085 = vector.shape_cast %div3A_2081 : vector<16xf32> to vector<16xf32>
    tpu.vector_store %arg5[%swap3A_2082], %swap3A_2085 {strides = array<i32>} : memref<1024xf32, #tpu.memory_space<vmem>>, vector<16xf32>,
    %get3A_2086 = arith.constant 192 : index
    %get3A_2087 = tpu.vector_load %arg4[%get3A_2086] {strides = array<i32>} : memref<1024xf32, #tpu.memory_space<vmem>>, vector<16xf32>,
    %get3A_2088 = vector.shape_cast %get3A_2087 : vector<16xf32> to vector<16xf32>
    %get3A_2089 = arith.constant 448 : index
    %get3A_2090 = tpu.vector_load %arg4[%get3A_2089] {strides = array<i32>} : memref<1024xf32, #tpu.memory_space<vmem>>, vector<16xf32>,
    %get3A_2091 = vector.shape_cast %get3A_2090 : vector<16xf32> to vector<16xf32>
    %get3A_2092 = arith.constant 704 : index
    %get3A_2093 = tpu.vector_load %arg4[%get3A_2092] {strides = array<i32>} : memref<1024xf32, #tpu.memory_space<vmem>>, vector<16xf32>,
    %get3A_2094 = vector.shape_cast %get3A_2093 : vector<16xf32> to vector<16xf32>
    %get3A_2095 = arith.constant 960 : index
    %get3A_2096 = tpu.vector_load %arg4[%get3A_2095] {strides = array<i32>} : memref<1024xf32, #tpu.memory_space<vmem>>, vector<16xf32>,
    %get3A_2097 = vector.shape_cast %get3A_2096 : vector<16xf32> to vector<16xf32>
    %gt3A_2098 = arith.cmpf ogt, %get3A_2091, %get3A_2088 : vector<16xf32>
    %jit3A_2099 = arith.constant 1.000000e+00 : f32
    %jit3A_2100 = arith.constant 0.000000e+00 : f32
    %broadcast_in_dim3A_2101 = vector.broadcast %jit3A_2099 : f32 to vector<16xf32>
    %broadcast_in_dim3A_2102 = vector.broadcast %jit3A_2100 : f32 to vector<16xf32>
    %select_n3A_2103 = arith.select %gt3A_2098, %broadcast_in_dim3A_2101, %broadcast_in_dim3A_2102 : vector<16xi1>, vector<16xf32>
    %gt3A_2104 = arith.cmpf ogt, %get3A_2094, %get3A_2088 : vector<16xf32>
    %jit3A_2105 = arith.constant 1.000000e+00 : f32
    %jit3A_2106 = arith.constant 0.000000e+00 : f32
    %broadcast_in_dim3A_2107 = vector.broadcast %jit3A_2105 : f32 to vector<16xf32>
    %broadcast_in_dim3A_2108 = vector.broadcast %jit3A_2106 : f32 to vector<16xf32>
    %select_n3A_2109 = arith.select %gt3A_2104, %broadcast_in_dim3A_2107, %broadcast_in_dim3A_2108 : vector<16xi1>, vector<16xf32>
    %add3A_2110 = arith.addf %select_n3A_2103, %select_n3A_2109 : vector<16xf32>
    %gt3A_2111 = arith.cmpf ogt, %get3A_2097, %get3A_2088 : vector<16xf32>
    %jit3A_2112 = arith.constant 1.000000e+00 : f32
    %jit3A_2113 = arith.constant 0.000000e+00 : f32
    %broadcast_in_dim3A_2114 = vector.broadcast %jit3A_2112 : f32 to vector<16xf32>
    %broadcast_in_dim3A_2115 = vector.broadcast %jit3A_2113 : f32 to vector<16xf32>
    %select_n3A_2116 = arith.select %gt3A_2111, %broadcast_in_dim3A_2114, %broadcast_in_dim3A_2115 : vector<16xi1>, vector<16xf32>
    %add3A_2117 = arith.addf %add3A_2110, %select_n3A_2116 : vector<16xf32>
    %lt3A_2118 = arith.constant 2.000000e+00 : f32
    %lt3A_2119 = vector.broadcast %lt3A_2118 : f32 to vector<16xf32>
    %lt3A_2120 = arith.cmpf olt, %add3A_2117, %lt3A_2119 : vector<16xf32>
    %jit3A_2121 = arith.constant 0.000000e+00 : f32
    %jit3A_2122 = arith.constant -20.7232666 : f32
    %broadcast_in_dim3A_2123 = vector.broadcast %jit3A_2121 : f32 to vector<16xf32>
    %broadcast_in_dim3A_2124 = vector.broadcast %jit3A_2122 : f32 to vector<16xf32>
    %select_n3A_2125 = arith.select %lt3A_2120, %broadcast_in_dim3A_2123, %broadcast_in_dim3A_2124 : vector<16xi1>, vector<16xf32>
    %add3A_2126 = arith.addf %get3A_2088, %select_n3A_2125 : vector<16xf32>
    %gt3A_2127 = arith.cmpf ogt, %get3A_2088, %get3A_2091 : vector<16xf32>
    %eq3A_2128 = arith.cmpf oeq, %get3A_2088, %get3A_2091 : vector<16xf32>
    %or3A_2129 = arith.ori %gt3A_2127, %eq3A_2128 : vector<16xi1>
    %jit3A_2130 = arith.constant 1.000000e+00 : f32
    %jit3A_2131 = arith.constant 0.000000e+00 : f32
    %broadcast_in_dim3A_2132 = vector.broadcast %jit3A_2130 : f32 to vector<16xf32>
    %broadcast_in_dim3A_2133 = vector.broadcast %jit3A_2131 : f32 to vector<16xf32>
    %select_n3A_2134 = arith.select %or3A_2129, %broadcast_in_dim3A_2132, %broadcast_in_dim3A_2133 : vector<16xi1>, vector<16xf32>
    %gt3A_2135 = arith.cmpf ogt, %get3A_2094, %get3A_2091 : vector<16xf32>
    %jit3A_2136 = arith.constant 1.000000e+00 : f32
    %jit3A_2137 = arith.constant 0.000000e+00 : f32
    %broadcast_in_dim3A_2138 = vector.broadcast %jit3A_2136 : f32 to vector<16xf32>
    %broadcast_in_dim3A_2139 = vector.broadcast %jit3A_2137 : f32 to vector<16xf32>
    %select_n3A_2140 = arith.select %gt3A_2135, %broadcast_in_dim3A_2138, %broadcast_in_dim3A_2139 : vector<16xi1>, vector<16xf32>
    %add3A_2141 = arith.addf %select_n3A_2134, %select_n3A_2140 : vector<16xf32>
    %gt3A_2142 = arith.cmpf ogt, %get3A_2097, %get3A_2091 : vector<16xf32>
    %jit3A_2143 = arith.constant 1.000000e+00 : f32
    %jit3A_2144 = arith.constant 0.000000e+00 : f32
    %broadcast_in_dim3A_2145 = vector.broadcast %jit3A_2143 : f32 to vector<16xf32>
    %broadcast_in_dim3A_2146 = vector.broadcast %jit3A_2144 : f32 to vector<16xf32>
    %select_n3A_2147 = arith.select %gt3A_2142, %broadcast_in_dim3A_2145, %broadcast_in_dim3A_2146 : vector<16xi1>, vector<16xf32>
    %add3A_2148 = arith.addf %add3A_2141, %select_n3A_2147 : vector<16xf32>
    %lt3A_2149 = arith.constant 2.000000e+00 : f32
    %lt3A_2150 = vector.broadcast %lt3A_2149 : f32 to vector<16xf32>
    %lt3A_2151 = arith.cmpf olt, %add3A_2148, %lt3A_2150 : vector<16xf32>
    %jit3A_2152 = arith.constant 0.000000e+00 : f32
    %jit3A_2153 = arith.constant -20.7232666 : f32
    %broadcast_in_dim3A_2154 = vector.broadcast %jit3A_2152 : f32 to vector<16xf32>
    %broadcast_in_dim3A_2155 = vector.broadcast %jit3A_2153 : f32 to vector<16xf32>
    %select_n3A_2156 = arith.select %lt3A_2151, %broadcast_in_dim3A_2154, %broadcast_in_dim3A_2155 : vector<16xi1>, vector<16xf32>
    %add3A_2157 = arith.addf %get3A_2091, %select_n3A_2156 : vector<16xf32>
    %gt3A_2158 = arith.cmpf ogt, %get3A_2088, %get3A_2094 : vector<16xf32>
    %eq3A_2159 = arith.cmpf oeq, %get3A_2088, %get3A_2094 : vector<16xf32>
    %or3A_2160 = arith.ori %gt3A_2158, %eq3A_2159 : vector<16xi1>
    %jit3A_2161 = arith.constant 1.000000e+00 : f32
    %jit3A_2162 = arith.constant 0.000000e+00 : f32
    %broadcast_in_dim3A_2163 = vector.broadcast %jit3A_2161 : f32 to vector<16xf32>
    %broadcast_in_dim3A_2164 = vector.broadcast %jit3A_2162 : f32 to vector<16xf32>
    %select_n3A_2165 = arith.select %or3A_2160, %broadcast_in_dim3A_2163, %broadcast_in_dim3A_2164 : vector<16xi1>, vector<16xf32>
    %gt3A_2166 = arith.cmpf ogt, %get3A_2091, %get3A_2094 : vector<16xf32>
    %eq3A_2167 = arith.cmpf oeq, %get3A_2091, %get3A_2094 : vector<16xf32>
    %or3A_2168 = arith.ori %gt3A_2166, %eq3A_2167 : vector<16xi1>
    %jit3A_2169 = arith.constant 1.000000e+00 : f32
    %jit3A_2170 = arith.constant 0.000000e+00 : f32
    %broadcast_in_dim3A_2171 = vector.broadcast %jit3A_2169 : f32 to vector<16xf32>
    %broadcast_in_dim3A_2172 = vector.broadcast %jit3A_2170 : f32 to vector<16xf32>
    %select_n3A_2173 = arith.select %or3A_2168, %broadcast_in_dim3A_2171, %broadcast_in_dim3A_2172 : vector<16xi1>, vector<16xf32>
    %add3A_2174 = arith.addf %select_n3A_2165, %select_n3A_2173 : vector<16xf32>
    %gt3A_2175 = arith.cmpf ogt, %get3A_2097, %get3A_2094 : vector<16xf32>
    %jit3A_2176 = arith.constant 1.000000e+00 : f32
    %jit3A_2177 = arith.constant 0.000000e+00 : f32
    %broadcast_in_dim3A_2178 = vector.broadcast %jit3A_2176 : f32 to vector<16xf32>
    %broadcast_in_dim3A_2179 = vector.broadcast %jit3A_2177 : f32 to vector<16xf32>
    %select_n3A_2180 = arith.select %gt3A_2175, %broadcast_in_dim3A_2178, %broadcast_in_dim3A_2179 : vector<16xi1>, vector<16xf32>
    %add3A_2181 = arith.addf %add3A_2174, %select_n3A_2180 : vector<16xf32>
    %lt3A_2182 = arith.constant 2.000000e+00 : f32
    %lt3A_2183 = vector.broadcast %lt3A_2182 : f32 to vector<16xf32>
    %lt3A_2184 = arith.cmpf olt, %add3A_2181, %lt3A_2183 : vector<16xf32>
    %jit3A_2185 = arith.constant 0.000000e+00 : f32
    %jit3A_2186 = arith.constant -20.7232666 : f32
    %broadcast_in_dim3A_2187 = vector.broadcast %jit3A_2185 : f32 to vector<16xf32>
    %broadcast_in_dim3A_2188 = vector.broadcast %jit3A_2186 : f32 to vector<16xf32>
    %select_n3A_2189 = arith.select %lt3A_2184, %broadcast_in_dim3A_2187, %broadcast_in_dim3A_2188 : vector<16xi1>, vector<16xf32>
    %add3A_2190 = arith.addf %get3A_2094, %select_n3A_2189 : vector<16xf32>
    %gt3A_2191 = arith.cmpf ogt, %get3A_2088, %get3A_2097 : vector<16xf32>
    %eq3A_2192 = arith.cmpf oeq, %get3A_2088, %get3A_2097 : vector<16xf32>
    %or3A_2193 = arith.ori %gt3A_2191, %eq3A_2192 : vector<16xi1>
    %jit3A_2194 = arith.constant 1.000000e+00 : f32
    %jit3A_2195 = arith.constant 0.000000e+00 : f32
    %broadcast_in_dim3A_2196 = vector.broadcast %jit3A_2194 : f32 to vector<16xf32>
    %broadcast_in_dim3A_2197 = vector.broadcast %jit3A_2195 : f32 to vector<16xf32>
    %select_n3A_2198 = arith.select %or3A_2193, %broadcast_in_dim3A_2196, %broadcast_in_dim3A_2197 : vector<16xi1>, vector<16xf32>
    %gt3A_2199 = arith.cmpf ogt, %get3A_2091, %get3A_2097 : vector<16xf32>
    %eq3A_2200 = arith.cmpf oeq, %get3A_2091, %get3A_2097 : vector<16xf32>
    %or3A_2201 = arith.ori %gt3A_2199, %eq3A_2200 : vector<16xi1>
    %jit3A_2202 = arith.constant 1.000000e+00 : f32
    %jit3A_2203 = arith.constant 0.000000e+00 : f32
    %broadcast_in_dim3A_2204 = vector.broadcast %jit3A_2202 : f32 to vector<16xf32>
    %broadcast_in_dim3A_2205 = vector.broadcast %jit3A_2203 : f32 to vector<16xf32>
    %select_n3A_2206 = arith.select %or3A_2201, %broadcast_in_dim3A_2204, %broadcast_in_dim3A_2205 : vector<16xi1>, vector<16xf32>
    %add3A_2207 = arith.addf %select_n3A_2198, %select_n3A_2206 : vector<16xf32>
    %gt3A_2208 = arith.cmpf ogt, %get3A_2094, %get3A_2097 : vector<16xf32>
    %eq3A_2209 = arith.cmpf oeq, %get3A_2094, %get3A_2097 : vector<16xf32>
    %or3A_2210 = arith.ori %gt3A_2208, %eq3A_2209 : vector<16xi1>
    %jit3A_2211 = arith.constant 1.000000e+00 : f32
    %jit3A_2212 = arith.constant 0.000000e+00 : f32
    %broadcast_in_dim3A_2213 = vector.broadcast %jit3A_2211 : f32 to vector<16xf32>
    %broadcast_in_dim3A_2214 = vector.broadcast %jit3A_2212 : f32 to vector<16xf32>
    %select_n3A_2215 = arith.select %or3A_2210, %broadcast_in_dim3A_2213, %broadcast_in_dim3A_2214 : vector<16xi1>, vector<16xf32>
    %add3A_2216 = arith.addf %add3A_2207, %select_n3A_2215 : vector<16xf32>
    %lt3A_2217 = arith.constant 2.000000e+00 : f32
    %lt3A_2218 = vector.broadcast %lt3A_2217 : f32 to vector<16xf32>
    %lt3A_2219 = arith.cmpf olt, %add3A_2216, %lt3A_2218 : vector<16xf32>
    %jit3A_2220 = arith.constant 0.000000e+00 : f32
    %jit3A_2221 = arith.constant -20.7232666 : f32
    %broadcast_in_dim3A_2222 = vector.broadcast %jit3A_2220 : f32 to vector<16xf32>
    %broadcast_in_dim3A_2223 = vector.broadcast %jit3A_2221 : f32 to vector<16xf32>
    %select_n3A_2224 = arith.select %lt3A_2219, %broadcast_in_dim3A_2222, %broadcast_in_dim3A_2223 : vector<16xi1>, vector<16xf32>
    %add3A_2225 = arith.addf %get3A_2097, %select_n3A_2224 : vector<16xf32>
    %max3A_2226 = arith.maximumf %add3A_2126, %add3A_2157 : vector<16xf32>
    %max3A_2227 = arith.maximumf %max3A_2226, %add3A_2190 : vector<16xf32>
    %max3A_2228 = arith.maximumf %max3A_2227, %add3A_2225 : vector<16xf32>
    %sub3A_2229 = arith.subf %add3A_2126, %max3A_2228 : vector<16xf32>
    %exp3A_2230 = math.exp %sub3A_2229 : vector<16xf32>
    %sub3A_2231 = arith.subf %add3A_2157, %max3A_2228 : vector<16xf32>
    %exp3A_2232 = math.exp %sub3A_2231 : vector<16xf32>
    %sub3A_2233 = arith.subf %add3A_2190, %max3A_2228 : vector<16xf32>
    %exp3A_2234 = math.exp %sub3A_2233 : vector<16xf32>
    %sub3A_2235 = arith.subf %add3A_2225, %max3A_2228 : vector<16xf32>
    %exp3A_2236 = math.exp %sub3A_2235 : vector<16xf32>
    %add3A_2237 = arith.addf %exp3A_2230, %exp3A_2232 : vector<16xf32>
    %add3A_2238 = arith.addf %add3A_2237, %exp3A_2234 : vector<16xf32>
    %add3A_2239 = arith.addf %add3A_2238, %exp3A_2236 : vector<16xf32>
    %div3A_2240 = arith.divf %exp3A_2230, %add3A_2239 : vector<16xf32>
    %swap3A_2241 = arith.constant 192 : index
    %swap3A_2242 = tpu.vector_load %arg5[%swap3A_2241] {strides = array<i32>} : memref<1024xf32, #tpu.memory_space<vmem>>, vector<16xf32>,
    %swap3A_2243 = vector.shape_cast %swap3A_2242 : vector<16xf32> to vector<16xf32>
    %swap3A_2244 = vector.shape_cast %div3A_2240 : vector<16xf32> to vector<16xf32>
    tpu.vector_store %arg5[%swap3A_2241], %swap3A_2244 {strides = array<i32>} : memref<1024xf32, #tpu.memory_space<vmem>>, vector<16xf32>,
    %div3A_2245 = arith.divf %exp3A_2232, %add3A_2239 : vector<16xf32>
    %swap3A_2246 = arith.constant 448 : index
    %swap3A_2247 = tpu.vector_load %arg5[%swap3A_2246] {strides = array<i32>} : memref<1024xf32, #tpu.memory_space<vmem>>, vector<16xf32>,
    %swap3A_2248 = vector.shape_cast %swap3A_2247 : vector<16xf32> to vector<16xf32>
    %swap3A_2249 = vector.shape_cast %div3A_2245 : vector<16xf32> to vector<16xf32>
    tpu.vector_store %arg5[%swap3A_2246], %swap3A_2249 {strides = array<i32>} : memref<1024xf32, #tpu.memory_space<vmem>>, vector<16xf32>,
    %div3A_2250 = arith.divf %exp3A_2234, %add3A_2239 : vector<16xf32>
    %swap3A_2251 = arith.constant 704 : index
    %swap3A_2252 = tpu.vector_load %arg5[%swap3A_2251] {strides = array<i32>} : memref<1024xf32, #tpu.memory_space<vmem>>, vector<16xf32>,
    %swap3A_2253 = vector.shape_cast %swap3A_2252 : vector<16xf32> to vector<16xf32>
    %swap3A_2254 = vector.shape_cast %div3A_2250 : vector<16xf32> to vector<16xf32>
    tpu.vector_store %arg5[%swap3A_2251], %swap3A_2254 {strides = array<i32>} : memref<1024xf32, #tpu.memory_space<vmem>>, vector<16xf32>,
    %div3A_2255 = arith.divf %exp3A_2236, %add3A_2239 : vector<16xf32>
    %swap3A_2256 = arith.constant 960 : index
    %swap3A_2257 = tpu.vector_load %arg5[%swap3A_2256] {strides = array<i32>} : memref<1024xf32, #tpu.memory_space<vmem>>, vector<16xf32>,
    %swap3A_2258 = vector.shape_cast %swap3A_2257 : vector<16xf32> to vector<16xf32>
    %swap3A_2259 = vector.shape_cast %div3A_2255 : vector<16xf32> to vector<16xf32>
    tpu.vector_store %arg5[%swap3A_2256], %swap3A_2259 {strides = array<i32>} : memref<1024xf32, #tpu.memory_space<vmem>>, vector<16xf32>,
    %get3A_2260 = arith.constant 208 : index
    %get3A_2261 = tpu.vector_load %arg4[%get3A_2260] {strides = array<i32>} : memref<1024xf32, #tpu.memory_space<vmem>>, vector<16xf32>,
    %get3A_2262 = vector.shape_cast %get3A_2261 : vector<16xf32> to vector<16xf32>
    %get3A_2263 = arith.constant 464 : index
    %get3A_2264 = tpu.vector_load %arg4[%get3A_2263] {strides = array<i32>} : memref<1024xf32, #tpu.memory_space<vmem>>, vector<16xf32>,
    %get3A_2265 = vector.shape_cast %get3A_2264 : vector<16xf32> to vector<16xf32>
    %get3A_2266 = arith.constant 720 : index
    %get3A_2267 = tpu.vector_load %arg4[%get3A_2266] {strides = array<i32>} : memref<1024xf32, #tpu.memory_space<vmem>>, vector<16xf32>,
    %get3A_2268 = vector.shape_cast %get3A_2267 : vector<16xf32> to vector<16xf32>
    %get3A_2269 = arith.constant 976 : index
    %get3A_2270 = tpu.vector_load %arg4[%get3A_2269] {strides = array<i32>} : memref<1024xf32, #tpu.memory_space<vmem>>, vector<16xf32>,
    %get3A_2271 = vector.shape_cast %get3A_2270 : vector<16xf32> to vector<16xf32>
    %gt3A_2272 = arith.cmpf ogt, %get3A_2265, %get3A_2262 : vector<16xf32>
    %jit3A_2273 = arith.constant 1.000000e+00 : f32
    %jit3A_2274 = arith.constant 0.000000e+00 : f32
    %broadcast_in_dim3A_2275 = vector.broadcast %jit3A_2273 : f32 to vector<16xf32>
    %broadcast_in_dim3A_2276 = vector.broadcast %jit3A_2274 : f32 to vector<16xf32>
    %select_n3A_2277 = arith.select %gt3A_2272, %broadcast_in_dim3A_2275, %broadcast_in_dim3A_2276 : vector<16xi1>, vector<16xf32>
    %gt3A_2278 = arith.cmpf ogt, %get3A_2268, %get3A_2262 : vector<16xf32>
    %jit3A_2279 = arith.constant 1.000000e+00 : f32
    %jit3A_2280 = arith.constant 0.000000e+00 : f32
    %broadcast_in_dim3A_2281 = vector.broadcast %jit3A_2279 : f32 to vector<16xf32>
    %broadcast_in_dim3A_2282 = vector.broadcast %jit3A_2280 : f32 to vector<16xf32>
    %select_n3A_2283 = arith.select %gt3A_2278, %broadcast_in_dim3A_2281, %broadcast_in_dim3A_2282 : vector<16xi1>, vector<16xf32>
    %add3A_2284 = arith.addf %select_n3A_2277, %select_n3A_2283 : vector<16xf32>
    %gt3A_2285 = arith.cmpf ogt, %get3A_2271, %get3A_2262 : vector<16xf32>
    %jit3A_2286 = arith.constant 1.000000e+00 : f32
    %jit3A_2287 = arith.constant 0.000000e+00 : f32
    %broadcast_in_dim3A_2288 = vector.broadcast %jit3A_2286 : f32 to vector<16xf32>
    %broadcast_in_dim3A_2289 = vector.broadcast %jit3A_2287 : f32 to vector<16xf32>
    %select_n3A_2290 = arith.select %gt3A_2285, %broadcast_in_dim3A_2288, %broadcast_in_dim3A_2289 : vector<16xi1>, vector<16xf32>
    %add3A_2291 = arith.addf %add3A_2284, %select_n3A_2290 : vector<16xf32>
    %lt3A_2292 = arith.constant 2.000000e+00 : f32
    %lt3A_2293 = vector.broadcast %lt3A_2292 : f32 to vector<16xf32>
    %lt3A_2294 = arith.cmpf olt, %add3A_2291, %lt3A_2293 : vector<16xf32>
    %jit3A_2295 = arith.constant 0.000000e+00 : f32
    %jit3A_2296 = arith.constant -20.7232666 : f32
    %broadcast_in_dim3A_2297 = vector.broadcast %jit3A_2295 : f32 to vector<16xf32>
    %broadcast_in_dim3A_2298 = vector.broadcast %jit3A_2296 : f32 to vector<16xf32>
    %select_n3A_2299 = arith.select %lt3A_2294, %broadcast_in_dim3A_2297, %broadcast_in_dim3A_2298 : vector<16xi1>, vector<16xf32>
    %add3A_2300 = arith.addf %get3A_2262, %select_n3A_2299 : vector<16xf32>
    %gt3A_2301 = arith.cmpf ogt, %get3A_2262, %get3A_2265 : vector<16xf32>
    %eq3A_2302 = arith.cmpf oeq, %get3A_2262, %get3A_2265 : vector<16xf32>
    %or3A_2303 = arith.ori %gt3A_2301, %eq3A_2302 : vector<16xi1>
    %jit3A_2304 = arith.constant 1.000000e+00 : f32
    %jit3A_2305 = arith.constant 0.000000e+00 : f32
    %broadcast_in_dim3A_2306 = vector.broadcast %jit3A_2304 : f32 to vector<16xf32>
    %broadcast_in_dim3A_2307 = vector.broadcast %jit3A_2305 : f32 to vector<16xf32>
    %select_n3A_2308 = arith.select %or3A_2303, %broadcast_in_dim3A_2306, %broadcast_in_dim3A_2307 : vector<16xi1>, vector<16xf32>
    %gt3A_2309 = arith.cmpf ogt, %get3A_2268, %get3A_2265 : vector<16xf32>
    %jit3A_2310 = arith.constant 1.000000e+00 : f32
    %jit3A_2311 = arith.constant 0.000000e+00 : f32
    %broadcast_in_dim3A_2312 = vector.broadcast %jit3A_2310 : f32 to vector<16xf32>
    %broadcast_in_dim3A_2313 = vector.broadcast %jit3A_2311 : f32 to vector<16xf32>
    %select_n3A_2314 = arith.select %gt3A_2309, %broadcast_in_dim3A_2312, %broadcast_in_dim3A_2313 : vector<16xi1>, vector<16xf32>
    %add3A_2315 = arith.addf %select_n3A_2308, %select_n3A_2314 : vector<16xf32>
    %gt3A_2316 = arith.cmpf ogt, %get3A_2271, %get3A_2265 : vector<16xf32>
    %jit3A_2317 = arith.constant 1.000000e+00 : f32
    %jit3A_2318 = arith.constant 0.000000e+00 : f32
    %broadcast_in_dim3A_2319 = vector.broadcast %jit3A_2317 : f32 to vector<16xf32>
    %broadcast_in_dim3A_2320 = vector.broadcast %jit3A_2318 : f32 to vector<16xf32>
    %select_n3A_2321 = arith.select %gt3A_2316, %broadcast_in_dim3A_2319, %broadcast_in_dim3A_2320 : vector<16xi1>, vector<16xf32>
    %add3A_2322 = arith.addf %add3A_2315, %select_n3A_2321 : vector<16xf32>
    %lt3A_2323 = arith.constant 2.000000e+00 : f32
    %lt3A_2324 = vector.broadcast %lt3A_2323 : f32 to vector<16xf32>
    %lt3A_2325 = arith.cmpf olt, %add3A_2322, %lt3A_2324 : vector<16xf32>
    %jit3A_2326 = arith.constant 0.000000e+00 : f32
    %jit3A_2327 = arith.constant -20.7232666 : f32
    %broadcast_in_dim3A_2328 = vector.broadcast %jit3A_2326 : f32 to vector<16xf32>
    %broadcast_in_dim3A_2329 = vector.broadcast %jit3A_2327 : f32 to vector<16xf32>
    %select_n3A_2330 = arith.select %lt3A_2325, %broadcast_in_dim3A_2328, %broadcast_in_dim3A_2329 : vector<16xi1>, vector<16xf32>
    %add3A_2331 = arith.addf %get3A_2265, %select_n3A_2330 : vector<16xf32>
    %gt3A_2332 = arith.cmpf ogt, %get3A_2262, %get3A_2268 : vector<16xf32>
    %eq3A_2333 = arith.cmpf oeq, %get3A_2262, %get3A_2268 : vector<16xf32>
    %or3A_2334 = arith.ori %gt3A_2332, %eq3A_2333 : vector<16xi1>
    %jit3A_2335 = arith.constant 1.000000e+00 : f32
    %jit3A_2336 = arith.constant 0.000000e+00 : f32
    %broadcast_in_dim3A_2337 = vector.broadcast %jit3A_2335 : f32 to vector<16xf32>
    %broadcast_in_dim3A_2338 = vector.broadcast %jit3A_2336 : f32 to vector<16xf32>
    %select_n3A_2339 = arith.select %or3A_2334, %broadcast_in_dim3A_2337, %broadcast_in_dim3A_2338 : vector<16xi1>, vector<16xf32>
    %gt3A_2340 = arith.cmpf ogt, %get3A_2265, %get3A_2268 : vector<16xf32>
    %eq3A_2341 = arith.cmpf oeq, %get3A_2265, %get3A_2268 : vector<16xf32>
    %or3A_2342 = arith.ori %gt3A_2340, %eq3A_2341 : vector<16xi1>
    %jit3A_2343 = arith.constant 1.000000e+00 : f32
    %jit3A_2344 = arith.constant 0.000000e+00 : f32
    %broadcast_in_dim3A_2345 = vector.broadcast %jit3A_2343 : f32 to vector<16xf32>
    %broadcast_in_dim3A_2346 = vector.broadcast %jit3A_2344 : f32 to vector<16xf32>
    %select_n3A_2347 = arith.select %or3A_2342, %broadcast_in_dim3A_2345, %broadcast_in_dim3A_2346 : vector<16xi1>, vector<16xf32>
    %add3A_2348 = arith.addf %select_n3A_2339, %select_n3A_2347 : vector<16xf32>
    %gt3A_2349 = arith.cmpf ogt, %get3A_2271, %get3A_2268 : vector<16xf32>
    %jit3A_2350 = arith.constant 1.000000e+00 : f32
    %jit3A_2351 = arith.constant 0.000000e+00 : f32
    %broadcast_in_dim3A_2352 = vector.broadcast %jit3A_2350 : f32 to vector<16xf32>
    %broadcast_in_dim3A_2353 = vector.broadcast %jit3A_2351 : f32 to vector<16xf32>
    %select_n3A_2354 = arith.select %gt3A_2349, %broadcast_in_dim3A_2352, %broadcast_in_dim3A_2353 : vector<16xi1>, vector<16xf32>
    %add3A_2355 = arith.addf %add3A_2348, %select_n3A_2354 : vector<16xf32>
    %lt3A_2356 = arith.constant 2.000000e+00 : f32
    %lt3A_2357 = vector.broadcast %lt3A_2356 : f32 to vector<16xf32>
    %lt3A_2358 = arith.cmpf olt, %add3A_2355, %lt3A_2357 : vector<16xf32>
    %jit3A_2359 = arith.constant 0.000000e+00 : f32
    %jit3A_2360 = arith.constant -20.7232666 : f32
    %broadcast_in_dim3A_2361 = vector.broadcast %jit3A_2359 : f32 to vector<16xf32>
    %broadcast_in_dim3A_2362 = vector.broadcast %jit3A_2360 : f32 to vector<16xf32>
    %select_n3A_2363 = arith.select %lt3A_2358, %broadcast_in_dim3A_2361, %broadcast_in_dim3A_2362 : vector<16xi1>, vector<16xf32>
    %add3A_2364 = arith.addf %get3A_2268, %select_n3A_2363 : vector<16xf32>
    %gt3A_2365 = arith.cmpf ogt, %get3A_2262, %get3A_2271 : vector<16xf32>
    %eq3A_2366 = arith.cmpf oeq, %get3A_2262, %get3A_2271 : vector<16xf32>
    %or3A_2367 = arith.ori %gt3A_2365, %eq3A_2366 : vector<16xi1>
    %jit3A_2368 = arith.constant 1.000000e+00 : f32
    %jit3A_2369 = arith.constant 0.000000e+00 : f32
    %broadcast_in_dim3A_2370 = vector.broadcast %jit3A_2368 : f32 to vector<16xf32>
    %broadcast_in_dim3A_2371 = vector.broadcast %jit3A_2369 : f32 to vector<16xf32>
    %select_n3A_2372 = arith.select %or3A_2367, %broadcast_in_dim3A_2370, %broadcast_in_dim3A_2371 : vector<16xi1>, vector<16xf32>
    %gt3A_2373 = arith.cmpf ogt, %get3A_2265, %get3A_2271 : vector<16xf32>
    %eq3A_2374 = arith.cmpf oeq, %get3A_2265, %get3A_2271 : vector<16xf32>
    %or3A_2375 = arith.ori %gt3A_2373, %eq3A_2374 : vector<16xi1>
    %jit3A_2376 = arith.constant 1.000000e+00 : f32
    %jit3A_2377 = arith.constant 0.000000e+00 : f32
    %broadcast_in_dim3A_2378 = vector.broadcast %jit3A_2376 : f32 to vector<16xf32>
    %broadcast_in_dim3A_2379 = vector.broadcast %jit3A_2377 : f32 to vector<16xf32>
    %select_n3A_2380 = arith.select %or3A_2375, %broadcast_in_dim3A_2378, %broadcast_in_dim3A_2379 : vector<16xi1>, vector<16xf32>
    %add3A_2381 = arith.addf %select_n3A_2372, %select_n3A_2380 : vector<16xf32>
    %gt3A_2382 = arith.cmpf ogt, %get3A_2268, %get3A_2271 : vector<16xf32>
    %eq3A_2383 = arith.cmpf oeq, %get3A_2268, %get3A_2271 : vector<16xf32>
    %or3A_2384 = arith.ori %gt3A_2382, %eq3A_2383 : vector<16xi1>
    %jit3A_2385 = arith.constant 1.000000e+00 : f32
    %jit3A_2386 = arith.constant 0.000000e+00 : f32
    %broadcast_in_dim3A_2387 = vector.broadcast %jit3A_2385 : f32 to vector<16xf32>
    %broadcast_in_dim3A_2388 = vector.broadcast %jit3A_2386 : f32 to vector<16xf32>
    %select_n3A_2389 = arith.select %or3A_2384, %broadcast_in_dim3A_2387, %broadcast_in_dim3A_2388 : vector<16xi1>, vector<16xf32>
    %add3A_2390 = arith.addf %add3A_2381, %select_n3A_2389 : vector<16xf32>
    %lt3A_2391 = arith.constant 2.000000e+00 : f32
    %lt3A_2392 = vector.broadcast %lt3A_2391 : f32 to vector<16xf32>
    %lt3A_2393 = arith.cmpf olt, %add3A_2390, %lt3A_2392 : vector<16xf32>
    %jit3A_2394 = arith.constant 0.000000e+00 : f32
    %jit3A_2395 = arith.constant -20.7232666 : f32
    %broadcast_in_dim3A_2396 = vector.broadcast %jit3A_2394 : f32 to vector<16xf32>
    %broadcast_in_dim3A_2397 = vector.broadcast %jit3A_2395 : f32 to vector<16xf32>
    %select_n3A_2398 = arith.select %lt3A_2393, %broadcast_in_dim3A_2396, %broadcast_in_dim3A_2397 : vector<16xi1>, vector<16xf32>
    %add3A_2399 = arith.addf %get3A_2271, %select_n3A_2398 : vector<16xf32>
    %max3A_2400 = arith.maximumf %add3A_2300, %add3A_2331 : vector<16xf32>
    %max3A_2401 = arith.maximumf %max3A_2400, %add3A_2364 : vector<16xf32>
    %max3A_2402 = arith.maximumf %max3A_2401, %add3A_2399 : vector<16xf32>
    %sub3A_2403 = arith.subf %add3A_2300, %max3A_2402 : vector<16xf32>
    %exp3A_2404 = math.exp %sub3A_2403 : vector<16xf32>
    %sub3A_2405 = arith.subf %add3A_2331, %max3A_2402 : vector<16xf32>
    %exp3A_2406 = math.exp %sub3A_2405 : vector<16xf32>
    %sub3A_2407 = arith.subf %add3A_2364, %max3A_2402 : vector<16xf32>
    %exp3A_2408 = math.exp %sub3A_2407 : vector<16xf32>
    %sub3A_2409 = arith.subf %add3A_2399, %max3A_2402 : vector<16xf32>
    %exp3A_2410 = math.exp %sub3A_2409 : vector<16xf32>
    %add3A_2411 = arith.addf %exp3A_2404, %exp3A_2406 : vector<16xf32>
    %add3A_2412 = arith.addf %add3A_2411, %exp3A_2408 : vector<16xf32>
    %add3A_2413 = arith.addf %add3A_2412, %exp3A_2410 : vector<16xf32>
    %div3A_2414 = arith.divf %exp3A_2404, %add3A_2413 : vector<16xf32>
    %swap3A_2415 = arith.constant 208 : index
    %swap3A_2416 = tpu.vector_load %arg5[%swap3A_2415] {strides = array<i32>} : memref<1024xf32, #tpu.memory_space<vmem>>, vector<16xf32>,
    %swap3A_2417 = vector.shape_cast %swap3A_2416 : vector<16xf32> to vector<16xf32>
    %swap3A_2418 = vector.shape_cast %div3A_2414 : vector<16xf32> to vector<16xf32>
    tpu.vector_store %arg5[%swap3A_2415], %swap3A_2418 {strides = array<i32>} : memref<1024xf32, #tpu.memory_space<vmem>>, vector<16xf32>,
    %div3A_2419 = arith.divf %exp3A_2406, %add3A_2413 : vector<16xf32>
    %swap3A_2420 = arith.constant 464 : index
    %swap3A_2421 = tpu.vector_load %arg5[%swap3A_2420] {strides = array<i32>} : memref<1024xf32, #tpu.memory_space<vmem>>, vector<16xf32>,
    %swap3A_2422 = vector.shape_cast %swap3A_2421 : vector<16xf32> to vector<16xf32>
    %swap3A_2423 = vector.shape_cast %div3A_2419 : vector<16xf32> to vector<16xf32>
    tpu.vector_store %arg5[%swap3A_2420], %swap3A_2423 {strides = array<i32>} : memref<1024xf32, #tpu.memory_space<vmem>>, vector<16xf32>,
    %div3A_2424 = arith.divf %exp3A_2408, %add3A_2413 : vector<16xf32>
    %swap3A_2425 = arith.constant 720 : index
    %swap3A_2426 = tpu.vector_load %arg5[%swap3A_2425] {strides = array<i32>} : memref<1024xf32, #tpu.memory_space<vmem>>, vector<16xf32>,
    %swap3A_2427 = vector.shape_cast %swap3A_2426 : vector<16xf32> to vector<16xf32>
    %swap3A_2428 = vector.shape_cast %div3A_2424 : vector<16xf32> to vector<16xf32>
    tpu.vector_store %arg5[%swap3A_2425], %swap3A_2428 {strides = array<i32>} : memref<1024xf32, #tpu.memory_space<vmem>>, vector<16xf32>,
    %div3A_2429 = arith.divf %exp3A_2410, %add3A_2413 : vector<16xf32>
    %swap3A_2430 = arith.constant 976 : index
    %swap3A_2431 = tpu.vector_load %arg5[%swap3A_2430] {strides = array<i32>} : memref<1024xf32, #tpu.memory_space<vmem>>, vector<16xf32>,
    %swap3A_2432 = vector.shape_cast %swap3A_2431 : vector<16xf32> to vector<16xf32>
    %swap3A_2433 = vector.shape_cast %div3A_2429 : vector<16xf32> to vector<16xf32>
    tpu.vector_store %arg5[%swap3A_2430], %swap3A_2433 {strides = array<i32>} : memref<1024xf32, #tpu.memory_space<vmem>>, vector<16xf32>,
    %get3A_2434 = arith.constant 224 : index
    %get3A_2435 = tpu.vector_load %arg4[%get3A_2434] {strides = array<i32>} : memref<1024xf32, #tpu.memory_space<vmem>>, vector<16xf32>,
    %get3A_2436 = vector.shape_cast %get3A_2435 : vector<16xf32> to vector<16xf32>
    %get3A_2437 = arith.constant 480 : index
    %get3A_2438 = tpu.vector_load %arg4[%get3A_2437] {strides = array<i32>} : memref<1024xf32, #tpu.memory_space<vmem>>, vector<16xf32>,
    %get3A_2439 = vector.shape_cast %get3A_2438 : vector<16xf32> to vector<16xf32>
    %get3A_2440 = arith.constant 736 : index
    %get3A_2441 = tpu.vector_load %arg4[%get3A_2440] {strides = array<i32>} : memref<1024xf32, #tpu.memory_space<vmem>>, vector<16xf32>,
    %get3A_2442 = vector.shape_cast %get3A_2441 : vector<16xf32> to vector<16xf32>
    %get3A_2443 = arith.constant 992 : index
    %get3A_2444 = tpu.vector_load %arg4[%get3A_2443] {strides = array<i32>} : memref<1024xf32, #tpu.memory_space<vmem>>, vector<16xf32>,
    %get3A_2445 = vector.shape_cast %get3A_2444 : vector<16xf32> to vector<16xf32>
    %gt3A_2446 = arith.cmpf ogt, %get3A_2439, %get3A_2436 : vector<16xf32>
    %jit3A_2447 = arith.constant 1.000000e+00 : f32
    %jit3A_2448 = arith.constant 0.000000e+00 : f32
    %broadcast_in_dim3A_2449 = vector.broadcast %jit3A_2447 : f32 to vector<16xf32>
    %broadcast_in_dim3A_2450 = vector.broadcast %jit3A_2448 : f32 to vector<16xf32>
    %select_n3A_2451 = arith.select %gt3A_2446, %broadcast_in_dim3A_2449, %broadcast_in_dim3A_2450 : vector<16xi1>, vector<16xf32>
    %gt3A_2452 = arith.cmpf ogt, %get3A_2442, %get3A_2436 : vector<16xf32>
    %jit3A_2453 = arith.constant 1.000000e+00 : f32
    %jit3A_2454 = arith.constant 0.000000e+00 : f32
    %broadcast_in_dim3A_2455 = vector.broadcast %jit3A_2453 : f32 to vector<16xf32>
    %broadcast_in_dim3A_2456 = vector.broadcast %jit3A_2454 : f32 to vector<16xf32>
    %select_n3A_2457 = arith.select %gt3A_2452, %broadcast_in_dim3A_2455, %broadcast_in_dim3A_2456 : vector<16xi1>, vector<16xf32>
    %add3A_2458 = arith.addf %select_n3A_2451, %select_n3A_2457 : vector<16xf32>
    %gt3A_2459 = arith.cmpf ogt, %get3A_2445, %get3A_2436 : vector<16xf32>
    %jit3A_2460 = arith.constant 1.000000e+00 : f32
    %jit3A_2461 = arith.constant 0.000000e+00 : f32
    %broadcast_in_dim3A_2462 = vector.broadcast %jit3A_2460 : f32 to vector<16xf32>
    %broadcast_in_dim3A_2463 = vector.broadcast %jit3A_2461 : f32 to vector<16xf32>
    %select_n3A_2464 = arith.select %gt3A_2459, %broadcast_in_dim3A_2462, %broadcast_in_dim3A_2463 : vector<16xi1>, vector<16xf32>
    %add3A_2465 = arith.addf %add3A_2458, %select_n3A_2464 : vector<16xf32>
    %lt3A_2466 = arith.constant 2.000000e+00 : f32
    %lt3A_2467 = vector.broadcast %lt3A_2466 : f32 to vector<16xf32>
    %lt3A_2468 = arith.cmpf olt, %add3A_2465, %lt3A_2467 : vector<16xf32>
    %jit3A_2469 = arith.constant 0.000000e+00 : f32
    %jit3A_2470 = arith.constant -20.7232666 : f32
    %broadcast_in_dim3A_2471 = vector.broadcast %jit3A_2469 : f32 to vector<16xf32>
    %broadcast_in_dim3A_2472 = vector.broadcast %jit3A_2470 : f32 to vector<16xf32>
    %select_n3A_2473 = arith.select %lt3A_2468, %broadcast_in_dim3A_2471, %broadcast_in_dim3A_2472 : vector<16xi1>, vector<16xf32>
    %add3A_2474 = arith.addf %get3A_2436, %select_n3A_2473 : vector<16xf32>
    %gt3A_2475 = arith.cmpf ogt, %get3A_2436, %get3A_2439 : vector<16xf32>
    %eq3A_2476 = arith.cmpf oeq, %get3A_2436, %get3A_2439 : vector<16xf32>
    %or3A_2477 = arith.ori %gt3A_2475, %eq3A_2476 : vector<16xi1>
    %jit3A_2478 = arith.constant 1.000000e+00 : f32
    %jit3A_2479 = arith.constant 0.000000e+00 : f32
    %broadcast_in_dim3A_2480 = vector.broadcast %jit3A_2478 : f32 to vector<16xf32>
    %broadcast_in_dim3A_2481 = vector.broadcast %jit3A_2479 : f32 to vector<16xf32>
    %select_n3A_2482 = arith.select %or3A_2477, %broadcast_in_dim3A_2480, %broadcast_in_dim3A_2481 : vector<16xi1>, vector<16xf32>
    %gt3A_2483 = arith.cmpf ogt, %get3A_2442, %get3A_2439 : vector<16xf32>
    %jit3A_2484 = arith.constant 1.000000e+00 : f32
    %jit3A_2485 = arith.constant 0.000000e+00 : f32
    %broadcast_in_dim3A_2486 = vector.broadcast %jit3A_2484 : f32 to vector<16xf32>
    %broadcast_in_dim3A_2487 = vector.broadcast %jit3A_2485 : f32 to vector<16xf32>
    %select_n3A_2488 = arith.select %gt3A_2483, %broadcast_in_dim3A_2486, %broadcast_in_dim3A_2487 : vector<16xi1>, vector<16xf32>
    %add3A_2489 = arith.addf %select_n3A_2482, %select_n3A_2488 : vector<16xf32>
    %gt3A_2490 = arith.cmpf ogt, %get3A_2445, %get3A_2439 : vector<16xf32>
    %jit3A_2491 = arith.constant 1.000000e+00 : f32
    %jit3A_2492 = arith.constant 0.000000e+00 : f32
    %broadcast_in_dim3A_2493 = vector.broadcast %jit3A_2491 : f32 to vector<16xf32>
    %broadcast_in_dim3A_2494 = vector.broadcast %jit3A_2492 : f32 to vector<16xf32>
    %select_n3A_2495 = arith.select %gt3A_2490, %broadcast_in_dim3A_2493, %broadcast_in_dim3A_2494 : vector<16xi1>, vector<16xf32>
    %add3A_2496 = arith.addf %add3A_2489, %select_n3A_2495 : vector<16xf32>
    %lt3A_2497 = arith.constant 2.000000e+00 : f32
    %lt3A_2498 = vector.broadcast %lt3A_2497 : f32 to vector<16xf32>
    %lt3A_2499 = arith.cmpf olt, %add3A_2496, %lt3A_2498 : vector<16xf32>
    %jit3A_2500 = arith.constant 0.000000e+00 : f32
    %jit3A_2501 = arith.constant -20.7232666 : f32
    %broadcast_in_dim3A_2502 = vector.broadcast %jit3A_2500 : f32 to vector<16xf32>
    %broadcast_in_dim3A_2503 = vector.broadcast %jit3A_2501 : f32 to vector<16xf32>
    %select_n3A_2504 = arith.select %lt3A_2499, %broadcast_in_dim3A_2502, %broadcast_in_dim3A_2503 : vector<16xi1>, vector<16xf32>
    %add3A_2505 = arith.addf %get3A_2439, %select_n3A_2504 : vector<16xf32>
    %gt3A_2506 = arith.cmpf ogt, %get3A_2436, %get3A_2442 : vector<16xf32>
    %eq3A_2507 = arith.cmpf oeq, %get3A_2436, %get3A_2442 : vector<16xf32>
    %or3A_2508 = arith.ori %gt3A_2506, %eq3A_2507 : vector<16xi1>
    %jit3A_2509 = arith.constant 1.000000e+00 : f32
    %jit3A_2510 = arith.constant 0.000000e+00 : f32
    %broadcast_in_dim3A_2511 = vector.broadcast %jit3A_2509 : f32 to vector<16xf32>
    %broadcast_in_dim3A_2512 = vector.broadcast %jit3A_2510 : f32 to vector<16xf32>
    %select_n3A_2513 = arith.select %or3A_2508, %broadcast_in_dim3A_2511, %broadcast_in_dim3A_2512 : vector<16xi1>, vector<16xf32>
    %gt3A_2514 = arith.cmpf ogt, %get3A_2439, %get3A_2442 : vector<16xf32>
    %eq3A_2515 = arith.cmpf oeq, %get3A_2439, %get3A_2442 : vector<16xf32>
    %or3A_2516 = arith.ori %gt3A_2514, %eq3A_2515 : vector<16xi1>
    %jit3A_2517 = arith.constant 1.000000e+00 : f32
    %jit3A_2518 = arith.constant 0.000000e+00 : f32
    %broadcast_in_dim3A_2519 = vector.broadcast %jit3A_2517 : f32 to vector<16xf32>
    %broadcast_in_dim3A_2520 = vector.broadcast %jit3A_2518 : f32 to vector<16xf32>
    %select_n3A_2521 = arith.select %or3A_2516, %broadcast_in_dim3A_2519, %broadcast_in_dim3A_2520 : vector<16xi1>, vector<16xf32>
    %add3A_2522 = arith.addf %select_n3A_2513, %select_n3A_2521 : vector<16xf32>
    %gt3A_2523 = arith.cmpf ogt, %get3A_2445, %get3A_2442 : vector<16xf32>
    %jit3A_2524 = arith.constant 1.000000e+00 : f32
    %jit3A_2525 = arith.constant 0.000000e+00 : f32
    %broadcast_in_dim3A_2526 = vector.broadcast %jit3A_2524 : f32 to vector<16xf32>
    %broadcast_in_dim3A_2527 = vector.broadcast %jit3A_2525 : f32 to vector<16xf32>
    %select_n3A_2528 = arith.select %gt3A_2523, %broadcast_in_dim3A_2526, %broadcast_in_dim3A_2527 : vector<16xi1>, vector<16xf32>
    %add3A_2529 = arith.addf %add3A_2522, %select_n3A_2528 : vector<16xf32>
    %lt3A_2530 = arith.constant 2.000000e+00 : f32
    %lt3A_2531 = vector.broadcast %lt3A_2530 : f32 to vector<16xf32>
    %lt3A_2532 = arith.cmpf olt, %add3A_2529, %lt3A_2531 : vector<16xf32>
    %jit3A_2533 = arith.constant 0.000000e+00 : f32
    %jit3A_2534 = arith.constant -20.7232666 : f32
    %broadcast_in_dim3A_2535 = vector.broadcast %jit3A_2533 : f32 to vector<16xf32>
    %broadcast_in_dim3A_2536 = vector.broadcast %jit3A_2534 : f32 to vector<16xf32>
    %select_n3A_2537 = arith.select %lt3A_2532, %broadcast_in_dim3A_2535, %broadcast_in_dim3A_2536 : vector<16xi1>, vector<16xf32>
    %add3A_2538 = arith.addf %get3A_2442, %select_n3A_2537 : vector<16xf32>
    %gt3A_2539 = arith.cmpf ogt, %get3A_2436, %get3A_2445 : vector<16xf32>
    %eq3A_2540 = arith.cmpf oeq, %get3A_2436, %get3A_2445 : vector<16xf32>
    %or3A_2541 = arith.ori %gt3A_2539, %eq3A_2540 : vector<16xi1>
    %jit3A_2542 = arith.constant 1.000000e+00 : f32
    %jit3A_2543 = arith.constant 0.000000e+00 : f32
    %broadcast_in_dim3A_2544 = vector.broadcast %jit3A_2542 : f32 to vector<16xf32>
    %broadcast_in_dim3A_2545 = vector.broadcast %jit3A_2543 : f32 to vector<16xf32>
    %select_n3A_2546 = arith.select %or3A_2541, %broadcast_in_dim3A_2544, %broadcast_in_dim3A_2545 : vector<16xi1>, vector<16xf32>
    %gt3A_2547 = arith.cmpf ogt, %get3A_2439, %get3A_2445 : vector<16xf32>
    %eq3A_2548 = arith.cmpf oeq, %get3A_2439, %get3A_2445 : vector<16xf32>
    %or3A_2549 = arith.ori %gt3A_2547, %eq3A_2548 : vector<16xi1>
    %jit3A_2550 = arith.constant 1.000000e+00 : f32
    %jit3A_2551 = arith.constant 0.000000e+00 : f32
    %broadcast_in_dim3A_2552 = vector.broadcast %jit3A_2550 : f32 to vector<16xf32>
    %broadcast_in_dim3A_2553 = vector.broadcast %jit3A_2551 : f32 to vector<16xf32>
    %select_n3A_2554 = arith.select %or3A_2549, %broadcast_in_dim3A_2552, %broadcast_in_dim3A_2553 : vector<16xi1>, vector<16xf32>
    %add3A_2555 = arith.addf %select_n3A_2546, %select_n3A_2554 : vector<16xf32>
    %gt3A_2556 = arith.cmpf ogt, %get3A_2442, %get3A_2445 : vector<16xf32>
    %eq3A_2557 = arith.cmpf oeq, %get3A_2442, %get3A_2445 : vector<16xf32>
    %or3A_2558 = arith.ori %gt3A_2556, %eq3A_2557 : vector<16xi1>
    %jit3A_2559 = arith.constant 1.000000e+00 : f32
    %jit3A_2560 = arith.constant 0.000000e+00 : f32
    %broadcast_in_dim3A_2561 = vector.broadcast %jit3A_2559 : f32 to vector<16xf32>
    %broadcast_in_dim3A_2562 = vector.broadcast %jit3A_2560 : f32 to vector<16xf32>
    %select_n3A_2563 = arith.select %or3A_2558, %broadcast_in_dim3A_2561, %broadcast_in_dim3A_2562 : vector<16xi1>, vector<16xf32>
    %add3A_2564 = arith.addf %add3A_2555, %select_n3A_2563 : vector<16xf32>
    %lt3A_2565 = arith.constant 2.000000e+00 : f32
    %lt3A_2566 = vector.broadcast %lt3A_2565 : f32 to vector<16xf32>
    %lt3A_2567 = arith.cmpf olt, %add3A_2564, %lt3A_2566 : vector<16xf32>
    %jit3A_2568 = arith.constant 0.000000e+00 : f32
    %jit3A_2569 = arith.constant -20.7232666 : f32
    %broadcast_in_dim3A_2570 = vector.broadcast %jit3A_2568 : f32 to vector<16xf32>
    %broadcast_in_dim3A_2571 = vector.broadcast %jit3A_2569 : f32 to vector<16xf32>
    %select_n3A_2572 = arith.select %lt3A_2567, %broadcast_in_dim3A_2570, %broadcast_in_dim3A_2571 : vector<16xi1>, vector<16xf32>
    %add3A_2573 = arith.addf %get3A_2445, %select_n3A_2572 : vector<16xf32>
    %max3A_2574 = arith.maximumf %add3A_2474, %add3A_2505 : vector<16xf32>
    %max3A_2575 = arith.maximumf %max3A_2574, %add3A_2538 : vector<16xf32>
    %max3A_2576 = arith.maximumf %max3A_2575, %add3A_2573 : vector<16xf32>
    %sub3A_2577 = arith.subf %add3A_2474, %max3A_2576 : vector<16xf32>
    %exp3A_2578 = math.exp %sub3A_2577 : vector<16xf32>
    %sub3A_2579 = arith.subf %add3A_2505, %max3A_2576 : vector<16xf32>
    %exp3A_2580 = math.exp %sub3A_2579 : vector<16xf32>
    %sub3A_2581 = arith.subf %add3A_2538, %max3A_2576 : vector<16xf32>
    %exp3A_2582 = math.exp %sub3A_2581 : vector<16xf32>
    %sub3A_2583 = arith.subf %add3A_2573, %max3A_2576 : vector<16xf32>
    %exp3A_2584 = math.exp %sub3A_2583 : vector<16xf32>
    %add3A_2585 = arith.addf %exp3A_2578, %exp3A_2580 : vector<16xf32>
    %add3A_2586 = arith.addf %add3A_2585, %exp3A_2582 : vector<16xf32>
    %add3A_2587 = arith.addf %add3A_2586, %exp3A_2584 : vector<16xf32>
    %div3A_2588 = arith.divf %exp3A_2578, %add3A_2587 : vector<16xf32>
    %swap3A_2589 = arith.constant 224 : index
    %swap3A_2590 = tpu.vector_load %arg5[%swap3A_2589] {strides = array<i32>} : memref<1024xf32, #tpu.memory_space<vmem>>, vector<16xf32>,
    %swap3A_2591 = vector.shape_cast %swap3A_2590 : vector<16xf32> to vector<16xf32>
    %swap3A_2592 = vector.shape_cast %div3A_2588 : vector<16xf32> to vector<16xf32>
    tpu.vector_store %arg5[%swap3A_2589], %swap3A_2592 {strides = array<i32>} : memref<1024xf32, #tpu.memory_space<vmem>>, vector<16xf32>,
    %div3A_2593 = arith.divf %exp3A_2580, %add3A_2587 : vector<16xf32>
    %swap3A_2594 = arith.constant 480 : index
    %swap3A_2595 = tpu.vector_load %arg5[%swap3A_2594] {strides = array<i32>} : memref<1024xf32, #tpu.memory_space<vmem>>, vector<16xf32>,
    %swap3A_2596 = vector.shape_cast %swap3A_2595 : vector<16xf32> to vector<16xf32>
    %swap3A_2597 = vector.shape_cast %div3A_2593 : vector<16xf32> to vector<16xf32>
    tpu.vector_store %arg5[%swap3A_2594], %swap3A_2597 {strides = array<i32>} : memref<1024xf32, #tpu.memory_space<vmem>>, vector<16xf32>,
    %div3A_2598 = arith.divf %exp3A_2582, %add3A_2587 : vector<16xf32>
    %swap3A_2599 = arith.constant 736 : index
    %swap3A_2600 = tpu.vector_load %arg5[%swap3A_2599] {strides = array<i32>} : memref<1024xf32, #tpu.memory_space<vmem>>, vector<16xf32>,
    %swap3A_2601 = vector.shape_cast %swap3A_2600 : vector<16xf32> to vector<16xf32>
    %swap3A_2602 = vector.shape_cast %div3A_2598 : vector<16xf32> to vector<16xf32>
    tpu.vector_store %arg5[%swap3A_2599], %swap3A_2602 {strides = array<i32>} : memref<1024xf32, #tpu.memory_space<vmem>>, vector<16xf32>,
    %div3A_2603 = arith.divf %exp3A_2584, %add3A_2587 : vector<16xf32>
    %swap3A_2604 = arith.constant 992 : index
    %swap3A_2605 = tpu.vector_load %arg5[%swap3A_2604] {strides = array<i32>} : memref<1024xf32, #tpu.memory_space<vmem>>, vector<16xf32>,
    %swap3A_2606 = vector.shape_cast %swap3A_2605 : vector<16xf32> to vector<16xf32>
    %swap3A_2607 = vector.shape_cast %div3A_2603 : vector<16xf32> to vector<16xf32>
    tpu.vector_store %arg5[%swap3A_2604], %swap3A_2607 {strides = array<i32>} : memref<1024xf32, #tpu.memory_space<vmem>>, vector<16xf32>,
    %get3A_2608 = arith.constant 240 : index
    %get3A_2609 = tpu.vector_load %arg4[%get3A_2608] {strides = array<i32>} : memref<1024xf32, #tpu.memory_space<vmem>>, vector<16xf32>,
    %get3A_2610 = vector.shape_cast %get3A_2609 : vector<16xf32> to vector<16xf32>
    %get3A_2611 = arith.constant 496 : index
    %get3A_2612 = tpu.vector_load %arg4[%get3A_2611] {strides = array<i32>} : memref<1024xf32, #tpu.memory_space<vmem>>, vector<16xf32>,
    %get3A_2613 = vector.shape_cast %get3A_2612 : vector<16xf32> to vector<16xf32>
    %get3A_2614 = arith.constant 752 : index
    %get3A_2615 = tpu.vector_load %arg4[%get3A_2614] {strides = array<i32>} : memref<1024xf32, #tpu.memory_space<vmem>>, vector<16xf32>,
    %get3A_2616 = vector.shape_cast %get3A_2615 : vector<16xf32> to vector<16xf32>
    %get3A_2617 = arith.constant 1008 : index
    %get3A_2618 = tpu.vector_load %arg4[%get3A_2617] {strides = array<i32>} : memref<1024xf32, #tpu.memory_space<vmem>>, vector<16xf32>,
    %get3A_2619 = vector.shape_cast %get3A_2618 : vector<16xf32> to vector<16xf32>
    %gt3A_2620 = arith.cmpf ogt, %get3A_2613, %get3A_2610 : vector<16xf32>
    %jit3A_2621 = arith.constant 1.000000e+00 : f32
    %jit3A_2622 = arith.constant 0.000000e+00 : f32
    %broadcast_in_dim3A_2623 = vector.broadcast %jit3A_2621 : f32 to vector<16xf32>
    %broadcast_in_dim3A_2624 = vector.broadcast %jit3A_2622 : f32 to vector<16xf32>
    %select_n3A_2625 = arith.select %gt3A_2620, %broadcast_in_dim3A_2623, %broadcast_in_dim3A_2624 : vector<16xi1>, vector<16xf32>
    %gt3A_2626 = arith.cmpf ogt, %get3A_2616, %get3A_2610 : vector<16xf32>
    %jit3A_2627 = arith.constant 1.000000e+00 : f32
    %jit3A_2628 = arith.constant 0.000000e+00 : f32
    %broadcast_in_dim3A_2629 = vector.broadcast %jit3A_2627 : f32 to vector<16xf32>
    %broadcast_in_dim3A_2630 = vector.broadcast %jit3A_2628 : f32 to vector<16xf32>
    %select_n3A_2631 = arith.select %gt3A_2626, %broadcast_in_dim3A_2629, %broadcast_in_dim3A_2630 : vector<16xi1>, vector<16xf32>
    %add3A_2632 = arith.addf %select_n3A_2625, %select_n3A_2631 : vector<16xf32>
    %gt3A_2633 = arith.cmpf ogt, %get3A_2619, %get3A_2610 : vector<16xf32>
    %jit3A_2634 = arith.constant 1.000000e+00 : f32
    %jit3A_2635 = arith.constant 0.000000e+00 : f32
    %broadcast_in_dim3A_2636 = vector.broadcast %jit3A_2634 : f32 to vector<16xf32>
    %broadcast_in_dim3A_2637 = vector.broadcast %jit3A_2635 : f32 to vector<16xf32>
    %select_n3A_2638 = arith.select %gt3A_2633, %broadcast_in_dim3A_2636, %broadcast_in_dim3A_2637 : vector<16xi1>, vector<16xf32>
    %add3A_2639 = arith.addf %add3A_2632, %select_n3A_2638 : vector<16xf32>
    %lt3A_2640 = arith.constant 2.000000e+00 : f32
    %lt3A_2641 = vector.broadcast %lt3A_2640 : f32 to vector<16xf32>
    %lt3A_2642 = arith.cmpf olt, %add3A_2639, %lt3A_2641 : vector<16xf32>
    %jit3A_2643 = arith.constant 0.000000e+00 : f32
    %jit3A_2644 = arith.constant -20.7232666 : f32
    %broadcast_in_dim3A_2645 = vector.broadcast %jit3A_2643 : f32 to vector<16xf32>
    %broadcast_in_dim3A_2646 = vector.broadcast %jit3A_2644 : f32 to vector<16xf32>
    %select_n3A_2647 = arith.select %lt3A_2642, %broadcast_in_dim3A_2645, %broadcast_in_dim3A_2646 : vector<16xi1>, vector<16xf32>
    %add3A_2648 = arith.addf %get3A_2610, %select_n3A_2647 : vector<16xf32>
    %gt3A_2649 = arith.cmpf ogt, %get3A_2610, %get3A_2613 : vector<16xf32>
    %eq3A_2650 = arith.cmpf oeq, %get3A_2610, %get3A_2613 : vector<16xf32>
    %or3A_2651 = arith.ori %gt3A_2649, %eq3A_2650 : vector<16xi1>
    %jit3A_2652 = arith.constant 1.000000e+00 : f32
    %jit3A_2653 = arith.constant 0.000000e+00 : f32
    %broadcast_in_dim3A_2654 = vector.broadcast %jit3A_2652 : f32 to vector<16xf32>
    %broadcast_in_dim3A_2655 = vector.broadcast %jit3A_2653 : f32 to vector<16xf32>
    %select_n3A_2656 = arith.select %or3A_2651, %broadcast_in_dim3A_2654, %broadcast_in_dim3A_2655 : vector<16xi1>, vector<16xf32>
    %gt3A_2657 = arith.cmpf ogt, %get3A_2616, %get3A_2613 : vector<16xf32>
    %jit3A_2658 = arith.constant 1.000000e+00 : f32
    %jit3A_2659 = arith.constant 0.000000e+00 : f32
    %broadcast_in_dim3A_2660 = vector.broadcast %jit3A_2658 : f32 to vector<16xf32>
    %broadcast_in_dim3A_2661 = vector.broadcast %jit3A_2659 : f32 to vector<16xf32>
    %select_n3A_2662 = arith.select %gt3A_2657, %broadcast_in_dim3A_2660, %broadcast_in_dim3A_2661 : vector<16xi1>, vector<16xf32>
    %add3A_2663 = arith.addf %select_n3A_2656, %select_n3A_2662 : vector<16xf32>
    %gt3A_2664 = arith.cmpf ogt, %get3A_2619, %get3A_2613 : vector<16xf32>
    %jit3A_2665 = arith.constant 1.000000e+00 : f32
    %jit3A_2666 = arith.constant 0.000000e+00 : f32
    %broadcast_in_dim3A_2667 = vector.broadcast %jit3A_2665 : f32 to vector<16xf32>
    %broadcast_in_dim3A_2668 = vector.broadcast %jit3A_2666 : f32 to vector<16xf32>
    %select_n3A_2669 = arith.select %gt3A_2664, %broadcast_in_dim3A_2667, %broadcast_in_dim3A_2668 : vector<16xi1>, vector<16xf32>
    %add3A_2670 = arith.addf %add3A_2663, %select_n3A_2669 : vector<16xf32>
    %lt3A_2671 = arith.constant 2.000000e+00 : f32
    %lt3A_2672 = vector.broadcast %lt3A_2671 : f32 to vector<16xf32>
    %lt3A_2673 = arith.cmpf olt, %add3A_2670, %lt3A_2672 : vector<16xf32>
    %jit3A_2674 = arith.constant 0.000000e+00 : f32
    %jit3A_2675 = arith.constant -20.7232666 : f32
    %broadcast_in_dim3A_2676 = vector.broadcast %jit3A_2674 : f32 to vector<16xf32>
    %broadcast_in_dim3A_2677 = vector.broadcast %jit3A_2675 : f32 to vector<16xf32>
    %select_n3A_2678 = arith.select %lt3A_2673, %broadcast_in_dim3A_2676, %broadcast_in_dim3A_2677 : vector<16xi1>, vector<16xf32>
    %add3A_2679 = arith.addf %get3A_2613, %select_n3A_2678 : vector<16xf32>
    %gt3A_2680 = arith.cmpf ogt, %get3A_2610, %get3A_2616 : vector<16xf32>
    %eq3A_2681 = arith.cmpf oeq, %get3A_2610, %get3A_2616 : vector<16xf32>
    %or3A_2682 = arith.ori %gt3A_2680, %eq3A_2681 : vector<16xi1>
    %jit3A_2683 = arith.constant 1.000000e+00 : f32
    %jit3A_2684 = arith.constant 0.000000e+00 : f32
    %broadcast_in_dim3A_2685 = vector.broadcast %jit3A_2683 : f32 to vector<16xf32>
    %broadcast_in_dim3A_2686 = vector.broadcast %jit3A_2684 : f32 to vector<16xf32>
    %select_n3A_2687 = arith.select %or3A_2682, %broadcast_in_dim3A_2685, %broadcast_in_dim3A_2686 : vector<16xi1>, vector<16xf32>
    %gt3A_2688 = arith.cmpf ogt, %get3A_2613, %get3A_2616 : vector<16xf32>
    %eq3A_2689 = arith.cmpf oeq, %get3A_2613, %get3A_2616 : vector<16xf32>
    %or3A_2690 = arith.ori %gt3A_2688, %eq3A_2689 : vector<16xi1>
    %jit3A_2691 = arith.constant 1.000000e+00 : f32
    %jit3A_2692 = arith.constant 0.000000e+00 : f32
    %broadcast_in_dim3A_2693 = vector.broadcast %jit3A_2691 : f32 to vector<16xf32>
    %broadcast_in_dim3A_2694 = vector.broadcast %jit3A_2692 : f32 to vector<16xf32>
    %select_n3A_2695 = arith.select %or3A_2690, %broadcast_in_dim3A_2693, %broadcast_in_dim3A_2694 : vector<16xi1>, vector<16xf32>
    %add3A_2696 = arith.addf %select_n3A_2687, %select_n3A_2695 : vector<16xf32>
    %gt3A_2697 = arith.cmpf ogt, %get3A_2619, %get3A_2616 : vector<16xf32>
    %jit3A_2698 = arith.constant 1.000000e+00 : f32
    %jit3A_2699 = arith.constant 0.000000e+00 : f32
    %broadcast_in_dim3A_2700 = vector.broadcast %jit3A_2698 : f32 to vector<16xf32>
    %broadcast_in_dim3A_2701 = vector.broadcast %jit3A_2699 : f32 to vector<16xf32>
    %select_n3A_2702 = arith.select %gt3A_2697, %broadcast_in_dim3A_2700, %broadcast_in_dim3A_2701 : vector<16xi1>, vector<16xf32>
    %add3A_2703 = arith.addf %add3A_2696, %select_n3A_2702 : vector<16xf32>
    %lt3A_2704 = arith.constant 2.000000e+00 : f32
    %lt3A_2705 = vector.broadcast %lt3A_2704 : f32 to vector<16xf32>
    %lt3A_2706 = arith.cmpf olt, %add3A_2703, %lt3A_2705 : vector<16xf32>
    %jit3A_2707 = arith.constant 0.000000e+00 : f32
    %jit3A_2708 = arith.constant -20.7232666 : f32
    %broadcast_in_dim3A_2709 = vector.broadcast %jit3A_2707 : f32 to vector<16xf32>
    %broadcast_in_dim3A_2710 = vector.broadcast %jit3A_2708 : f32 to vector<16xf32>
    %select_n3A_2711 = arith.select %lt3A_2706, %broadcast_in_dim3A_2709, %broadcast_in_dim3A_2710 : vector<16xi1>, vector<16xf32>
    %add3A_2712 = arith.addf %get3A_2616, %select_n3A_2711 : vector<16xf32>
    %gt3A_2713 = arith.cmpf ogt, %get3A_2610, %get3A_2619 : vector<16xf32>
    %eq3A_2714 = arith.cmpf oeq, %get3A_2610, %get3A_2619 : vector<16xf32>
    %or3A_2715 = arith.ori %gt3A_2713, %eq3A_2714 : vector<16xi1>
    %jit3A_2716 = arith.constant 1.000000e+00 : f32
    %jit3A_2717 = arith.constant 0.000000e+00 : f32
    %broadcast_in_dim3A_2718 = vector.broadcast %jit3A_2716 : f32 to vector<16xf32>
    %broadcast_in_dim3A_2719 = vector.broadcast %jit3A_2717 : f32 to vector<16xf32>
    %select_n3A_2720 = arith.select %or3A_2715, %broadcast_in_dim3A_2718, %broadcast_in_dim3A_2719 : vector<16xi1>, vector<16xf32>
    %gt3A_2721 = arith.cmpf ogt, %get3A_2613, %get3A_2619 : vector<16xf32>
    %eq3A_2722 = arith.cmpf oeq, %get3A_2613, %get3A_2619 : vector<16xf32>
    %or3A_2723 = arith.ori %gt3A_2721, %eq3A_2722 : vector<16xi1>
    %jit3A_2724 = arith.constant 1.000000e+00 : f32
    %jit3A_2725 = arith.constant 0.000000e+00 : f32
    %broadcast_in_dim3A_2726 = vector.broadcast %jit3A_2724 : f32 to vector<16xf32>
    %broadcast_in_dim3A_2727 = vector.broadcast %jit3A_2725 : f32 to vector<16xf32>
    %select_n3A_2728 = arith.select %or3A_2723, %broadcast_in_dim3A_2726, %broadcast_in_dim3A_2727 : vector<16xi1>, vector<16xf32>
    %add3A_2729 = arith.addf %select_n3A_2720, %select_n3A_2728 : vector<16xf32>
    %gt3A_2730 = arith.cmpf ogt, %get3A_2616, %get3A_2619 : vector<16xf32>
    %eq3A_2731 = arith.cmpf oeq, %get3A_2616, %get3A_2619 : vector<16xf32>
    %or3A_2732 = arith.ori %gt3A_2730, %eq3A_2731 : vector<16xi1>
    %jit3A_2733 = arith.constant 1.000000e+00 : f32
    %jit3A_2734 = arith.constant 0.000000e+00 : f32
    %broadcast_in_dim3A_2735 = vector.broadcast %jit3A_2733 : f32 to vector<16xf32>
    %broadcast_in_dim3A_2736 = vector.broadcast %jit3A_2734 : f32 to vector<16xf32>
    %select_n3A_2737 = arith.select %or3A_2732, %broadcast_in_dim3A_2735, %broadcast_in_dim3A_2736 : vector<16xi1>, vector<16xf32>
    %add3A_2738 = arith.addf %add3A_2729, %select_n3A_2737 : vector<16xf32>
    %lt3A_2739 = arith.constant 2.000000e+00 : f32
    %lt3A_2740 = vector.broadcast %lt3A_2739 : f32 to vector<16xf32>
    %lt3A_2741 = arith.cmpf olt, %add3A_2738, %lt3A_2740 : vector<16xf32>
    %jit3A_2742 = arith.constant 0.000000e+00 : f32
    %jit3A_2743 = arith.constant -20.7232666 : f32
    %broadcast_in_dim3A_2744 = vector.broadcast %jit3A_2742 : f32 to vector<16xf32>
    %broadcast_in_dim3A_2745 = vector.broadcast %jit3A_2743 : f32 to vector<16xf32>
    %select_n3A_2746 = arith.select %lt3A_2741, %broadcast_in_dim3A_2744, %broadcast_in_dim3A_2745 : vector<16xi1>, vector<16xf32>
    %add3A_2747 = arith.addf %get3A_2619, %select_n3A_2746 : vector<16xf32>
    %max3A_2748 = arith.maximumf %add3A_2648, %add3A_2679 : vector<16xf32>
    %max3A_2749 = arith.maximumf %max3A_2748, %add3A_2712 : vector<16xf32>
    %max3A_2750 = arith.maximumf %max3A_2749, %add3A_2747 : vector<16xf32>
    %sub3A_2751 = arith.subf %add3A_2648, %max3A_2750 : vector<16xf32>
    %exp3A_2752 = math.exp %sub3A_2751 : vector<16xf32>
    %sub3A_2753 = arith.subf %add3A_2679, %max3A_2750 : vector<16xf32>
    %exp3A_2754 = math.exp %sub3A_2753 : vector<16xf32>
    %sub3A_2755 = arith.subf %add3A_2712, %max3A_2750 : vector<16xf32>
    %exp3A_2756 = math.exp %sub3A_2755 : vector<16xf32>
    %sub3A_2757 = arith.subf %add3A_2747, %max3A_2750 : vector<16xf32>
    %exp3A_2758 = math.exp %sub3A_2757 : vector<16xf32>
    %add3A_2759 = arith.addf %exp3A_2752, %exp3A_2754 : vector<16xf32>
    %add3A_2760 = arith.addf %add3A_2759, %exp3A_2756 : vector<16xf32>
    %add3A_2761 = arith.addf %add3A_2760, %exp3A_2758 : vector<16xf32>
    %div3A_2762 = arith.divf %exp3A_2752, %add3A_2761 : vector<16xf32>
    %swap3A_2763 = arith.constant 240 : index
    %swap3A_2764 = tpu.vector_load %arg5[%swap3A_2763] {strides = array<i32>} : memref<1024xf32, #tpu.memory_space<vmem>>, vector<16xf32>,
    %swap3A_2765 = vector.shape_cast %swap3A_2764 : vector<16xf32> to vector<16xf32>
    %swap3A_2766 = vector.shape_cast %div3A_2762 : vector<16xf32> to vector<16xf32>
    tpu.vector_store %arg5[%swap3A_2763], %swap3A_2766 {strides = array<i32>} : memref<1024xf32, #tpu.memory_space<vmem>>, vector<16xf32>,
    %div3A_2767 = arith.divf %exp3A_2754, %add3A_2761 : vector<16xf32>
    %swap3A_2768 = arith.constant 496 : index
    %swap3A_2769 = tpu.vector_load %arg5[%swap3A_2768] {strides = array<i32>} : memref<1024xf32, #tpu.memory_space<vmem>>, vector<16xf32>,
    %swap3A_2770 = vector.shape_cast %swap3A_2769 : vector<16xf32> to vector<16xf32>
    %swap3A_2771 = vector.shape_cast %div3A_2767 : vector<16xf32> to vector<16xf32>
    tpu.vector_store %arg5[%swap3A_2768], %swap3A_2771 {strides = array<i32>} : memref<1024xf32, #tpu.memory_space<vmem>>, vector<16xf32>,
    %div3A_2772 = arith.divf %exp3A_2756, %add3A_2761 : vector<16xf32>
    %swap3A_2773 = arith.constant 752 : index
    %swap3A_2774 = tpu.vector_load %arg5[%swap3A_2773] {strides = array<i32>} : memref<1024xf32, #tpu.memory_space<vmem>>, vector<16xf32>,
    %swap3A_2775 = vector.shape_cast %swap3A_2774 : vector<16xf32> to vector<16xf32>
    %swap3A_2776 = vector.shape_cast %div3A_2772 : vector<16xf32> to vector<16xf32>
    tpu.vector_store %arg5[%swap3A_2773], %swap3A_2776 {strides = array<i32>} : memref<1024xf32, #tpu.memory_space<vmem>>, vector<16xf32>,
    %div3A_2777 = arith.divf %exp3A_2758, %add3A_2761 : vector<16xf32>
    %swap3A_2778 = arith.constant 1008 : index
    %swap3A_2779 = tpu.vector_load %arg5[%swap3A_2778] {strides = array<i32>} : memref<1024xf32, #tpu.memory_space<vmem>>, vector<16xf32>,
    %swap3A_2780 = vector.shape_cast %swap3A_2779 : vector<16xf32> to vector<16xf32>
    %swap3A_2781 = vector.shape_cast %div3A_2777 : vector<16xf32> to vector<16xf32>
    tpu.vector_store %arg5[%swap3A_2778], %swap3A_2781 {strides = array<i32>} : memref<1024xf32, #tpu.memory_space<vmem>>, vector<16xf32>,
    %add3A_2782 = arith.constant 0 : i32
    %add3A_2783 = arith.addi %add3A_2782, %mul3A_2 : i32
    "tpu.region"() ({
      %run_scoped3A = tpu.sem_alloc : memref<!tpu.dma_semaphore, #tpu.memory_space<semaphore_mem>>
      %dma_start3A = arith.constant 0 : i32
      %dma_start3A_2790 = tpu.memref_slice %arg5[%dma_start3A] : memref<1024xf32, #tpu.memory_space<vmem>> -> memref<256xf32, #tpu.memory_space<vmem>>
      %dma_start3A_2791 = tpu.memref_slice %arg3[%add3A_2783] : memref<32768xf32, #tpu.memory_space<hbm>> -> memref<256xf32, #tpu.memory_space<hbm>>
      %dma_start3A_2792 = tpu.memref_slice %arg3[%add3A_2783] : memref<32768xf32, #tpu.memory_space<hbm>> -> memref<256xf32, #tpu.memory_space<hbm>>
      %dma_start3A_2793 = arith.constant 0 : i32
      %dma_start3A_2794 = tpu.memref_slice %arg5[%dma_start3A_2793] : memref<1024xf32, #tpu.memory_space<vmem>> -> memref<256xf32, #tpu.memory_space<vmem>>
      tpu.enqueue_dma source(%dma_start3A_2794 : memref<256xf32, #tpu.memory_space<vmem>>) target(%dma_start3A_2792 : memref<256xf32, #tpu.memory_space<hbm>>) target_semaphore(%run_scoped3A : memref<!tpu.dma_semaphore, #tpu.memory_space<semaphore_mem>>)
      %dma_wait3A = arith.constant 0 : i32
      %dma_wait3A_2795 = tpu.memref_slice %arg5[%dma_wait3A] : memref<1024xf32, #tpu.memory_space<vmem>> -> memref<256xf32, #tpu.memory_space<vmem>>
      %dma_wait3A_2796 = tpu.memref_slice %arg3[%add3A_2783] : memref<32768xf32, #tpu.memory_space<hbm>> -> memref<256xf32, #tpu.memory_space<hbm>>
      %dma_wait3A_2797 = tpu.memref_slice %arg3[%add3A_2783] : memref<32768xf32, #tpu.memory_space<hbm>> -> memref<256xf32, #tpu.memory_space<hbm>>
      %dma_wait3A_2798 = arith.constant 0 : i32
      %dma_wait3A_2799 = tpu.memref_slice %arg5[%dma_wait3A_2798] : memref<1024xf32, #tpu.memory_space<vmem>> -> memref<256xf32, #tpu.memory_space<vmem>>
      tpu.wait_dma2 semaphore(%run_scoped3A : memref<!tpu.dma_semaphore, #tpu.memory_space<semaphore_mem>>) src(%dma_wait3A_2799 : memref<256xf32, #tpu.memory_space<vmem>>) dst(%dma_wait3A_2797 : memref<256xf32, #tpu.memory_space<hbm>>)
      tpu.yield
    }) : () -> ()
    %add3A_2784 = arith.constant 8192 : i32
    %add3A_2785 = arith.addi %add3A_2784, %mul3A_2 : i32
    "tpu.region"() ({
      %run_scoped3A = tpu.sem_alloc : memref<!tpu.dma_semaphore, #tpu.memory_space<semaphore_mem>>
      %dma_start3A = arith.constant 256 : i32
      %dma_start3A_2790 = tpu.memref_slice %arg5[%dma_start3A] : memref<1024xf32, #tpu.memory_space<vmem>> -> memref<256xf32, #tpu.memory_space<vmem>>
      %dma_start3A_2791 = tpu.memref_slice %arg3[%add3A_2785] : memref<32768xf32, #tpu.memory_space<hbm>> -> memref<256xf32, #tpu.memory_space<hbm>>
      %dma_start3A_2792 = tpu.memref_slice %arg3[%add3A_2785] : memref<32768xf32, #tpu.memory_space<hbm>> -> memref<256xf32, #tpu.memory_space<hbm>>
      %dma_start3A_2793 = arith.constant 256 : i32
      %dma_start3A_2794 = tpu.memref_slice %arg5[%dma_start3A_2793] : memref<1024xf32, #tpu.memory_space<vmem>> -> memref<256xf32, #tpu.memory_space<vmem>>
      tpu.enqueue_dma source(%dma_start3A_2794 : memref<256xf32, #tpu.memory_space<vmem>>) target(%dma_start3A_2792 : memref<256xf32, #tpu.memory_space<hbm>>) target_semaphore(%run_scoped3A : memref<!tpu.dma_semaphore, #tpu.memory_space<semaphore_mem>>)
      %dma_wait3A = arith.constant 256 : i32
      %dma_wait3A_2795 = tpu.memref_slice %arg5[%dma_wait3A] : memref<1024xf32, #tpu.memory_space<vmem>> -> memref<256xf32, #tpu.memory_space<vmem>>
      %dma_wait3A_2796 = tpu.memref_slice %arg3[%add3A_2785] : memref<32768xf32, #tpu.memory_space<hbm>> -> memref<256xf32, #tpu.memory_space<hbm>>
      %dma_wait3A_2797 = tpu.memref_slice %arg3[%add3A_2785] : memref<32768xf32, #tpu.memory_space<hbm>> -> memref<256xf32, #tpu.memory_space<hbm>>
      %dma_wait3A_2798 = arith.constant 256 : i32
      %dma_wait3A_2799 = tpu.memref_slice %arg5[%dma_wait3A_2798] : memref<1024xf32, #tpu.memory_space<vmem>> -> memref<256xf32, #tpu.memory_space<vmem>>
      tpu.wait_dma2 semaphore(%run_scoped3A : memref<!tpu.dma_semaphore, #tpu.memory_space<semaphore_mem>>) src(%dma_wait3A_2799 : memref<256xf32, #tpu.memory_space<vmem>>) dst(%dma_wait3A_2797 : memref<256xf32, #tpu.memory_space<hbm>>)
      tpu.yield
    }) : () -> ()
    %add3A_2786 = arith.constant 16384 : i32
    %add3A_2787 = arith.addi %add3A_2786, %mul3A_2 : i32
    "tpu.region"() ({
      %run_scoped3A = tpu.sem_alloc : memref<!tpu.dma_semaphore, #tpu.memory_space<semaphore_mem>>
      %dma_start3A = arith.constant 512 : i32
      %dma_start3A_2790 = tpu.memref_slice %arg5[%dma_start3A] : memref<1024xf32, #tpu.memory_space<vmem>> -> memref<256xf32, #tpu.memory_space<vmem>>
      %dma_start3A_2791 = tpu.memref_slice %arg3[%add3A_2787] : memref<32768xf32, #tpu.memory_space<hbm>> -> memref<256xf32, #tpu.memory_space<hbm>>
      %dma_start3A_2792 = tpu.memref_slice %arg3[%add3A_2787] : memref<32768xf32, #tpu.memory_space<hbm>> -> memref<256xf32, #tpu.memory_space<hbm>>
      %dma_start3A_2793 = arith.constant 512 : i32
      %dma_start3A_2794 = tpu.memref_slice %arg5[%dma_start3A_2793] : memref<1024xf32, #tpu.memory_space<vmem>> -> memref<256xf32, #tpu.memory_space<vmem>>
      tpu.enqueue_dma source(%dma_start3A_2794 : memref<256xf32, #tpu.memory_space<vmem>>) target(%dma_start3A_2792 : memref<256xf32, #tpu.memory_space<hbm>>) target_semaphore(%run_scoped3A : memref<!tpu.dma_semaphore, #tpu.memory_space<semaphore_mem>>)
      %dma_wait3A = arith.constant 512 : i32
      %dma_wait3A_2795 = tpu.memref_slice %arg5[%dma_wait3A] : memref<1024xf32, #tpu.memory_space<vmem>> -> memref<256xf32, #tpu.memory_space<vmem>>
      %dma_wait3A_2796 = tpu.memref_slice %arg3[%add3A_2787] : memref<32768xf32, #tpu.memory_space<hbm>> -> memref<256xf32, #tpu.memory_space<hbm>>
      %dma_wait3A_2797 = tpu.memref_slice %arg3[%add3A_2787] : memref<32768xf32, #tpu.memory_space<hbm>> -> memref<256xf32, #tpu.memory_space<hbm>>
      %dma_wait3A_2798 = arith.constant 512 : i32
      %dma_wait3A_2799 = tpu.memref_slice %arg5[%dma_wait3A_2798] : memref<1024xf32, #tpu.memory_space<vmem>> -> memref<256xf32, #tpu.memory_space<vmem>>
      tpu.wait_dma2 semaphore(%run_scoped3A : memref<!tpu.dma_semaphore, #tpu.memory_space<semaphore_mem>>) src(%dma_wait3A_2799 : memref<256xf32, #tpu.memory_space<vmem>>) dst(%dma_wait3A_2797 : memref<256xf32, #tpu.memory_space<hbm>>)
      tpu.yield
    }) : () -> ()
    %add3A_2788 = arith.constant 24576 : i32
    %add3A_2789 = arith.addi %add3A_2788, %mul3A_2 : i32
    "tpu.region"() ({
      %run_scoped3A = tpu.sem_alloc : memref<!tpu.dma_semaphore, #tpu.memory_space<semaphore_mem>>
      %dma_start3A = arith.constant 768 : i32
      %dma_start3A_2790 = tpu.memref_slice %arg5[%dma_start3A] : memref<1024xf32, #tpu.memory_space<vmem>> -> memref<256xf32, #tpu.memory_space<vmem>>
      %dma_start3A_2791 = tpu.memref_slice %arg3[%add3A_2789] : memref<32768xf32, #tpu.memory_space<hbm>> -> memref<256xf32, #tpu.memory_space<hbm>>
      %dma_start3A_2792 = tpu.memref_slice %arg3[%add3A_2789] : memref<32768xf32, #tpu.memory_space<hbm>> -> memref<256xf32, #tpu.memory_space<hbm>>
      %dma_start3A_2793 = arith.constant 768 : i32
      %dma_start3A_2794 = tpu.memref_slice %arg5[%dma_start3A_2793] : memref<1024xf32, #tpu.memory_space<vmem>> -> memref<256xf32, #tpu.memory_space<vmem>>
      tpu.enqueue_dma source(%dma_start3A_2794 : memref<256xf32, #tpu.memory_space<vmem>>) target(%dma_start3A_2792 : memref<256xf32, #tpu.memory_space<hbm>>) target_semaphore(%run_scoped3A : memref<!tpu.dma_semaphore, #tpu.memory_space<semaphore_mem>>)
      %dma_wait3A = arith.constant 768 : i32
      %dma_wait3A_2795 = tpu.memref_slice %arg5[%dma_wait3A] : memref<1024xf32, #tpu.memory_space<vmem>> -> memref<256xf32, #tpu.memory_space<vmem>>
      %dma_wait3A_2796 = tpu.memref_slice %arg3[%add3A_2789] : memref<32768xf32, #tpu.memory_space<hbm>> -> memref<256xf32, #tpu.memory_space<hbm>>
      %dma_wait3A_2797 = tpu.memref_slice %arg3[%add3A_2789] : memref<32768xf32, #tpu.memory_space<hbm>> -> memref<256xf32, #tpu.memory_space<hbm>>
      %dma_wait3A_2798 = arith.constant 768 : i32
      %dma_wait3A_2799 = tpu.memref_slice %arg5[%dma_wait3A_2798] : memref<1024xf32, #tpu.memory_space<vmem>> -> memref<256xf32, #tpu.memory_space<vmem>>
      tpu.wait_dma2 semaphore(%run_scoped3A : memref<!tpu.dma_semaphore, #tpu.memory_space<semaphore_mem>>) src(%dma_wait3A_2799 : memref<256xf32, #tpu.memory_space<vmem>>) dst(%dma_wait3A_2797 : memref<256xf32, #tpu.memory_space<hbm>>)
      tpu.yield
    }) : () -> ()
    return
  }
}

module attributes {stable_mosaic.version = 14 : i64} {
  func.func @_experts_kernel(%arg0: i32, %arg1: memref<1024x1024xf32, #tpu.memory_space<vmem>>, %arg2: memref<1024x1024xf32, #tpu.memory_space<vmem>>, %arg3: memref<1x1024xf32, #tpu.memory_space<vmem>>, %arg4: memref<4x256x256xf32, #tpu.memory_space<vmem>>, %arg5: memref<1x1024xf32, #tpu.memory_space<vmem>>, %arg6: memref<1024x1024xf32, #tpu.memory_space<vmem>>) attributes {dimension_semantics = [#tpu.dimension_semantics<arbitrary>], iteration_bounds = array<i64: 8>, scalar_prefetch = 0 : i64, scratch_operands = 0 : i64, tpu.core_type = #tpu.core_type<tc>, window_params = [{transform_indices = @transform_0, window_bounds = array<i64: 1024, 1024>}, {pipeline_mode = #tpu.pipeline_mode<synchronous>, transform_indices = @transform_1, window_bounds = array<i64: 1024, 1024>}, {pipeline_mode = #tpu.pipeline_mode<synchronous>, transform_indices = @transform_2, window_bounds = array<i64: 1, 1024>}, {pipeline_mode = #tpu.pipeline_mode<synchronous>, transform_indices = @transform_3, window_bounds = array<i64: 4, 256, 256>}, {pipeline_mode = #tpu.pipeline_mode<synchronous>, transform_indices = @transform_4, window_bounds = array<i64: 1, 1024>}, {transform_indices = @transform_5, window_bounds = array<i64: 1024, 1024>}]} {
    %get3A = arith.constant 0 : index
    %get3A_0 = arith.constant 0 : index
    %get3A_1 = vector.load %arg1[%get3A, %get3A_0] : memref<1024x1024xf32, #tpu.memory_space<vmem>>, vector<1024x1024xf32>
    %get3A_2 = arith.constant 0 : index
    %get3A_3 = arith.constant 0 : index
    %get3A_4 = vector.load %arg2[%get3A_2, %get3A_3] : memref<1024x1024xf32, #tpu.memory_space<vmem>>, vector<1024x1024xf32>
    %dot_general3A = arith.constant dense<0.000000e+00> : vector<1024x1024xf32>
    %dot_general3A_5 = tpu.matmul %get3A_1, %get3A_4, %dot_general3A {dimension_numbers = #tpu.dot_dimension_numbers<[1], [0], [0], [1], [0, 0, 1, 1], [], []>, transpose_lhs_hint = false} : vector<1024x1024xf32>, vector<1024x1024xf32>, vector<1024x1024xf32> -> vector<1024x1024xf32>
    %get3A_6 = arith.constant 0 : index
    %get3A_7 = arith.constant 0 : index
    %get3A_8 = vector.load %arg3[%get3A_6, %get3A_7] : memref<1x1024xf32, #tpu.memory_space<vmem>>, vector<1x1024xf32>
    %add3A = vector.broadcast %get3A_8 : vector<1x1024xf32> to vector<1024x1024xf32>
    %add3A_9 = arith.addf %dot_general3A_5, %add3A : vector<1024x1024xf32>
    %max3A = arith.constant 0.000000e+00 : f32
    %max3A_10 = vector.broadcast %max3A : f32 to vector<1024x1024xf32>
    %max3A_11 = arith.maximumf %add3A_9, %max3A_10 : vector<1024x1024xf32>
    %slice3A = vector.extract_strided_slice %max3A_11 {offsets = [0, 0], sizes = [1024, 256], strides = [1, 1]} : vector<1024x1024xf32> to vector<1024x256xf32>
    %get3A_12 = arith.constant 0 : index
    %get3A_13 = arith.constant 0 : index
    %get3A_14 = arith.constant 0 : index
    %get3A_15 = vector.load %arg4[%get3A_12, %get3A_13, %get3A_14] : memref<4x256x256xf32, #tpu.memory_space<vmem>>, vector<1x256x256xf32>
    %get3A_16 = vector.shape_cast %get3A_15 : vector<1x256x256xf32> to vector<256x256xf32>
    %dot_general3A_17 = arith.constant dense<0.000000e+00> : vector<1024x256xf32>
    %dot_general3A_18 = tpu.matmul %slice3A, %get3A_16, %dot_general3A_17 {dimension_numbers = #tpu.dot_dimension_numbers<[1], [0], [0], [1], [0, 0, 1, 1], [], []>, transpose_lhs_hint = false} : vector<1024x256xf32>, vector<256x256xf32>, vector<1024x256xf32> -> vector<1024x256xf32>
    %get3A_19 = arith.constant 0 : index
    %get3A_20 = arith.constant 0 : index
    %get3A_21 = vector.load %arg5[%get3A_19, %get3A_20] : memref<1x1024xf32, #tpu.memory_space<vmem>>, vector<1x256xf32>
    %add3A_22 = vector.broadcast %get3A_21 : vector<1x256xf32> to vector<1024x256xf32>
    %add3A_23 = arith.addf %dot_general3A_18, %add3A_22 : vector<1024x256xf32>
    %swap3A = arith.constant 0 : index
    %swap3A_24 = arith.constant 0 : index
    %swap3A_25 = vector.load %arg6[%swap3A, %swap3A_24] : memref<1024x1024xf32, #tpu.memory_space<vmem>>, vector<1024x256xf32>
    tpu.vector_store %arg6[%swap3A, %swap3A_24], %add3A_23 {strides = array<i32>} : memref<1024x1024xf32, #tpu.memory_space<vmem>>, vector<1024x256xf32>,
    %slice3A_26 = vector.extract_strided_slice %max3A_11 {offsets = [0, 256], sizes = [1024, 256], strides = [1, 1]} : vector<1024x1024xf32> to vector<1024x256xf32>
    %get3A_27 = arith.constant 1 : index
    %get3A_28 = arith.constant 0 : index
    %get3A_29 = arith.constant 0 : index
    %get3A_30 = vector.load %arg4[%get3A_27, %get3A_28, %get3A_29] : memref<4x256x256xf32, #tpu.memory_space<vmem>>, vector<1x256x256xf32>
    %get3A_31 = vector.shape_cast %get3A_30 : vector<1x256x256xf32> to vector<256x256xf32>
    %dot_general3A_32 = arith.constant dense<0.000000e+00> : vector<1024x256xf32>
    %dot_general3A_33 = tpu.matmul %slice3A_26, %get3A_31, %dot_general3A_32 {dimension_numbers = #tpu.dot_dimension_numbers<[1], [0], [0], [1], [0, 0, 1, 1], [], []>, transpose_lhs_hint = false} : vector<1024x256xf32>, vector<256x256xf32>, vector<1024x256xf32> -> vector<1024x256xf32>
    %get3A_34 = arith.constant 0 : index
    %get3A_35 = arith.constant 256 : index
    %get3A_36 = vector.load %arg5[%get3A_34, %get3A_35] : memref<1x1024xf32, #tpu.memory_space<vmem>>, vector<1x256xf32>
    %add3A_37 = vector.broadcast %get3A_36 : vector<1x256xf32> to vector<1024x256xf32>
    %add3A_38 = arith.addf %dot_general3A_33, %add3A_37 : vector<1024x256xf32>
    %swap3A_39 = arith.constant 0 : index
    %swap3A_40 = arith.constant 256 : index
    %swap3A_41 = vector.load %arg6[%swap3A_39, %swap3A_40] : memref<1024x1024xf32, #tpu.memory_space<vmem>>, vector<1024x256xf32>
    tpu.vector_store %arg6[%swap3A_39, %swap3A_40], %add3A_38 {strides = array<i32>} : memref<1024x1024xf32, #tpu.memory_space<vmem>>, vector<1024x256xf32>,
    %slice3A_42 = vector.extract_strided_slice %max3A_11 {offsets = [0, 512], sizes = [1024, 256], strides = [1, 1]} : vector<1024x1024xf32> to vector<1024x256xf32>
    %get3A_43 = arith.constant 2 : index
    %get3A_44 = arith.constant 0 : index
    %get3A_45 = arith.constant 0 : index
    %get3A_46 = vector.load %arg4[%get3A_43, %get3A_44, %get3A_45] : memref<4x256x256xf32, #tpu.memory_space<vmem>>, vector<1x256x256xf32>
    %get3A_47 = vector.shape_cast %get3A_46 : vector<1x256x256xf32> to vector<256x256xf32>
    %dot_general3A_48 = arith.constant dense<0.000000e+00> : vector<1024x256xf32>
    %dot_general3A_49 = tpu.matmul %slice3A_42, %get3A_47, %dot_general3A_48 {dimension_numbers = #tpu.dot_dimension_numbers<[1], [0], [0], [1], [0, 0, 1, 1], [], []>, transpose_lhs_hint = false} : vector<1024x256xf32>, vector<256x256xf32>, vector<1024x256xf32> -> vector<1024x256xf32>
    %get3A_50 = arith.constant 0 : index
    %get3A_51 = arith.constant 512 : index
    %get3A_52 = vector.load %arg5[%get3A_50, %get3A_51] : memref<1x1024xf32, #tpu.memory_space<vmem>>, vector<1x256xf32>
    %add3A_53 = vector.broadcast %get3A_52 : vector<1x256xf32> to vector<1024x256xf32>
    %add3A_54 = arith.addf %dot_general3A_49, %add3A_53 : vector<1024x256xf32>
    %swap3A_55 = arith.constant 0 : index
    %swap3A_56 = arith.constant 512 : index
    %swap3A_57 = vector.load %arg6[%swap3A_55, %swap3A_56] : memref<1024x1024xf32, #tpu.memory_space<vmem>>, vector<1024x256xf32>
    tpu.vector_store %arg6[%swap3A_55, %swap3A_56], %add3A_54 {strides = array<i32>} : memref<1024x1024xf32, #tpu.memory_space<vmem>>, vector<1024x256xf32>,
    %slice3A_58 = vector.extract_strided_slice %max3A_11 {offsets = [0, 768], sizes = [1024, 256], strides = [1, 1]} : vector<1024x1024xf32> to vector<1024x256xf32>
    %get3A_59 = arith.constant 3 : index
    %get3A_60 = arith.constant 0 : index
    %get3A_61 = arith.constant 0 : index
    %get3A_62 = vector.load %arg4[%get3A_59, %get3A_60, %get3A_61] : memref<4x256x256xf32, #tpu.memory_space<vmem>>, vector<1x256x256xf32>
    %get3A_63 = vector.shape_cast %get3A_62 : vector<1x256x256xf32> to vector<256x256xf32>
    %dot_general3A_64 = arith.constant dense<0.000000e+00> : vector<1024x256xf32>
    %dot_general3A_65 = tpu.matmul %slice3A_58, %get3A_63, %dot_general3A_64 {dimension_numbers = #tpu.dot_dimension_numbers<[1], [0], [0], [1], [0, 0, 1, 1], [], []>, transpose_lhs_hint = false} : vector<1024x256xf32>, vector<256x256xf32>, vector<1024x256xf32> -> vector<1024x256xf32>
    %get3A_66 = arith.constant 0 : index
    %get3A_67 = arith.constant 768 : index
    %get3A_68 = vector.load %arg5[%get3A_66, %get3A_67] : memref<1x1024xf32, #tpu.memory_space<vmem>>, vector<1x256xf32>
    %add3A_69 = vector.broadcast %get3A_68 : vector<1x256xf32> to vector<1024x256xf32>
    %add3A_70 = arith.addf %dot_general3A_65, %add3A_69 : vector<1024x256xf32>
    %swap3A_71 = arith.constant 0 : index
    %swap3A_72 = arith.constant 768 : index
    %swap3A_73 = vector.load %arg6[%swap3A_71, %swap3A_72] : memref<1024x1024xf32, #tpu.memory_space<vmem>>, vector<1024x256xf32>
    tpu.vector_store %arg6[%swap3A_71, %swap3A_72], %add3A_70 {strides = array<i32>} : memref<1024x1024xf32, #tpu.memory_space<vmem>>, vector<1024x256xf32>,
    return
  }
  func.func @transform_0(%arg0: i32) -> (i32, i32) {
    %c0_i32 = arith.constant 0 : i32
    %c0_i32_0 = arith.constant 0 : i32
    return %arg0, %c0_i32 : i32, i32
  }
  func.func @transform_1(%arg0: i32) -> (i32, i32) {
    %c0_i32 = arith.constant 0 : i32
    %c0_i32_0 = arith.constant 0 : i32
    %c0_i32_1 = arith.constant 0 : i32
    return %c0_i32, %c0_i32_0 : i32, i32
  }
  func.func @transform_2(%arg0: i32) -> (i32, i32) {
    %c0_i32 = arith.constant 0 : i32
    %c0_i32_0 = arith.constant 0 : i32
    %c0_i32_1 = arith.constant 0 : i32
    return %c0_i32, %c0_i32_0 : i32, i32
  }
  func.func @transform_3(%arg0: i32) -> (i32, i32, i32) {
    %c0_i32 = arith.constant 0 : i32
    %c0_i32_0 = arith.constant 0 : i32
    %c0_i32_1 = arith.constant 0 : i32
    %c0_i32_2 = arith.constant 0 : i32
    return %c0_i32, %c0_i32_0, %c0_i32_1 : i32, i32, i32
  }
  func.func @transform_4(%arg0: i32) -> (i32, i32) {
    %c0_i32 = arith.constant 0 : i32
    %c0_i32_0 = arith.constant 0 : i32
    %c0_i32_1 = arith.constant 0 : i32
    return %c0_i32, %c0_i32_0 : i32, i32
  }
  func.func @transform_5(%arg0: i32) -> (i32, i32) {
    %c0_i32 = arith.constant 0 : i32
    %c0_i32_0 = arith.constant 0 : i32
    return %arg0, %c0_i32 : i32, i32
  }
}

module attributes {stable_mosaic.version = 14 : i64} {
  func.func @_gate_logits_kernel(%arg0: i32, %arg1: memref<1024x1024xf32, #tpu.memory_space<vmem>>, %arg2: memref<1024x4xf32, #tpu.memory_space<vmem>>, %arg3: memref<4x1xf32, #tpu.memory_space<vmem>>, %arg4: memref<4x1024xf32, #tpu.memory_space<vmem>>) attributes {dimension_semantics = [#tpu.dimension_semantics<arbitrary>], iteration_bounds = array<i64: 8>, scalar_prefetch = 0 : i64, scratch_operands = 0 : i64, tpu.core_type = #tpu.core_type<tc>, window_params = [{transform_indices = @transform_0, window_bounds = array<i64: 1024, 1024>}, {pipeline_mode = #tpu.pipeline_mode<synchronous>, transform_indices = @transform_1, window_bounds = array<i64: 1024, 4>}, {pipeline_mode = #tpu.pipeline_mode<synchronous>, transform_indices = @transform_2, window_bounds = array<i64: 4, 1>}, {transform_indices = @transform_3, window_bounds = array<i64: 4, 1024>}]} {
    %get3A = arith.constant 0 : index
    %get3A_0 = arith.constant 0 : index
    %get3A_1 = vector.load %arg1[%get3A, %get3A_0] : memref<1024x1024xf32, #tpu.memory_space<vmem>>, vector<1024x1024xf32>
    %get3A_2 = arith.constant 0 : index
    %get3A_3 = arith.constant 0 : index
    %get3A_4 = vector.load %arg2[%get3A_2, %get3A_3] : memref<1024x4xf32, #tpu.memory_space<vmem>>, vector<1024x4xf32>
    %dot_general3A = arith.constant dense<0.000000e+00> : vector<4x1024xf32>
    %dot_general3A_5 = tpu.matmul %get3A_4, %get3A_1, %dot_general3A {dimension_numbers = #tpu.dot_dimension_numbers<[0], [1], [1], [0], [0, 1, 1, 0], [], []>, transpose_lhs_hint = false} : vector<1024x4xf32>, vector<1024x1024xf32>, vector<4x1024xf32> -> vector<4x1024xf32>
    %get3A_6 = arith.constant 0 : index
    %get3A_7 = arith.constant 0 : index
    %get3A_8 = vector.load %arg3[%get3A_6, %get3A_7] : memref<4x1xf32, #tpu.memory_space<vmem>>, vector<4x1xf32>
    %add3A = vector.broadcast %get3A_8 : vector<4x1xf32> to vector<4x1024xf32>
    %add3A_9 = arith.addf %dot_general3A_5, %add3A : vector<4x1024xf32>
    %swap3A = arith.constant 0 : index
    %swap3A_10 = arith.constant 0 : index
    %swap3A_11 = vector.load %arg4[%swap3A, %swap3A_10] : memref<4x1024xf32, #tpu.memory_space<vmem>>, vector<4x1024xf32>
    tpu.vector_store %arg4[%swap3A, %swap3A_10], %add3A_9 {strides = array<i32>} : memref<4x1024xf32, #tpu.memory_space<vmem>>, vector<4x1024xf32>,
    return
  }
  func.func @transform_0(%arg0: i32) -> (i32, i32) {
    %c0_i32 = arith.constant 0 : i32
    %c0_i32_0 = arith.constant 0 : i32
    return %arg0, %c0_i32 : i32, i32
  }
  func.func @transform_1(%arg0: i32) -> (i32, i32) {
    %c0_i32 = arith.constant 0 : i32
    %c0_i32_0 = arith.constant 0 : i32
    %c0_i32_1 = arith.constant 0 : i32
    return %c0_i32, %c0_i32_0 : i32, i32
  }
  func.func @transform_2(%arg0: i32) -> (i32, i32) {
    %c0_i32 = arith.constant 0 : i32
    %c0_i32_0 = arith.constant 0 : i32
    %c0_i32_1 = arith.constant 0 : i32
    return %c0_i32, %c0_i32_0 : i32, i32
  }
  func.func @transform_3(%arg0: i32) -> (i32, i32) {
    %c0_i32 = arith.constant 0 : i32
    %c0_i32_0 = arith.constant 0 : i32
    return %c0_i32, %arg0 : i32, i32
  }
}

</mosaic_0001>

<sc_bundles>
// kernel: kernel.5.cloned.1.call-start
scs
__scs_entry_jumppad:
0x0: {  	(pc) =	sbr.rel $0x88, $3  }
0x1: {  	(tag) =	ssettag $0x0;
	lr =	simm.s32 $0x1  }
0x2: {  	[smem:$0x3F9A] =	sst lr;
	_ =	strace $0xD0000000  }
0x3: {  	_ = 	snop  }
0x4: {  	_ = 	snop  }
0x5: {  	_ = 	snop  }
0x6: {  	_ = 	snop  }
0x7: {  	_ = 	snop  }
__scs_overlays_trampoline_lowered:
0x8: {  	[smem:$0x3FA9] =	sst s0  }
0x9: {  	[smem:$0x3FAA] =	sst s1  }
0xa: {  	[smem:$0x3FAB] =	sst s2  }
0xb: {  	[smem:$0x3FAC] =	sst s3  }
0xc: {  	[smem:$0x3FAD] =	sst s4  }
0xd: {  	[smem:$0x3FAE] =	sst s5  }
0xe: {  	[smem:$0x3FAF] =	sst s6  }
0xf: {  	[smem:$0x3FB0] =	sst s7  }
0x10: {  	[smem:$0x3FB1] =	sst s8  }
0x11: {  	[smem:$0x3FB2] =	sst s9;
	s0 =	simm.s32 @!p0 $0x0  }
0x12: {  	s1 =	sld [smem:$0x3F98];
	s0 =	simm.s32 @p0 $0x1  }
0x13: {  	[smem:$0x3FB3] =	sst s0;
	s0 =	simm.s32 @!p1 $0x0  }
0x14: {  	s2 =	sld [smem:$0x3F97];
	s0 =	simm.s32 @p1 $0x1  }
0x15: {  	[smem:$0x3FB4] =	sst s0;
	s0 =	simm.s32 @!p2 $0x0  }
0x16: {  	s3 =	sld [smem:$0x3FDB];
	s0 =	simm.s32 @p2 $0x1  }
0x17: {  	s4 =	simm.s32 $0x1BF5;
	[smem:$0x3FB6] =	sst s0  }
0x18: {  	s0 =	sld [smem:$0x3F99];
	_ =	swait.ge [sflag:s4], $0x0  }
0x19: {  	s7 =	sld [smem:$0x3F9A]  }
0x1a: {  	s8 =	sadd.s32 $0xFFFFE003, lr  }
0x1b: {  	s9 =	sadd.s32 $0xFFFFFEF7, lr;
	s5 =	simm.s32 $0xFFFFFFFF;
	p2 =	slt.u32 s8, $0xFFFFF086  }
0x1c: {  	p1 =	slt.u32 s9, $0xF7A;
	s5 =	simm.s32 @!p2 $0x0  }
0x1d: {  	s5 =	simm.s32 @p1 $0x1;
	p0 =	seq.s32 s7, s2  }
0x1e: {  	s7 =	smul.u32 @!p0 $0xF7A, s2;
	p2 =	seq.s32 @!p0 s5, $0x0  }
0x1f: {  	s9 =	smul.u32 $0xF7A, s1;
	s8 =	simm.s32 @!p0 $0x1BF5;
	p2 =	por !p2, p0  }
0x20: {  	[sflag:s8] =	ssyncset.s32 @!p0 $0xFFFFF086;
	s6 =	sadd.s32 @!p0 s3, s7;
	s7 =	simm.s32 @!p0 $0x108  }
0x21: {  	s3 =	sadd.s32 s3, s9;
	s6 =	sadd.s32 @!p0 $0x88, s6;
	s7 =	simm.s32 @p2 $0x1082  }
0x22: {  	[simem:s7], [sflag:s8] =	dma.local @!p0 [hbm:s6], $0xF7A  }
0x23: {  	s9 =	sor.u32 $0xD0000000, s2;
	s6 =	simm.s32 $0x108;
	_ =	swait.ge @!p0 [sflag:s8], $0x0  }
0x24: {  	s3 =	sadd.s32 $0x88, s3;
	s6 =	simm.s32 @!p1 $0x1082;
	[sflag:s4] =	ssyncset.s32 $0xFFFFF086  }
0x25: {  	[simem:s6], [sflag:s4] =	dma.local [hbm:s3], $0xF7A  }
0x26: {  	[smem:$0x3F9A] =	sst s1;
	(tag) =	ssettag s2;
	_ =	strace s9  }
0x27: {  	s1 =	sld [smem:$0x3FAA]  }
0x28: {  	s2 =	sld [smem:$0x3FAB]  }
0x29: {  	s4 =	sld [smem:$0x3FAD]  }
0x2a: {  	p0 =	seq.s32 s5, $0x0;
	s5 =	sld [smem:$0x3FAE]  }
0x2b: {  	s6 =	sld [smem:$0x3FAF]  }
0x2c: {  	s7 =	sld [smem:$0x3FB0]  }
0x2d: {  	s3 =	simm.s32 $0x108;
	s8 =	sld [smem:$0x3FB1]  }
0x2e: {  	s3 =	simm.s32 @!p0 $0x1082;
	s9 =	sld [smem:$0x3FB2]  }
0x2f: {  	lr =	sadd.s32 s0, s3;
	s0 =	sld [smem:$0x3FA9]  }
0x30: {  	s3 =	sld [smem:$0x3FAC]  }
0x31: {  	[smem:$0x3FB5] =	sst s10  }
0x32: {  	s10 =	sld [smem:$0x3FB3];
	_ =	sdelay $0x3  }
0x33: {  	p0 =	seq.s32 s10, $0x1;
	s10 =	sld [smem:$0x3FB5];
	_ =	sdelay $0x3  }
0x34: {  	[smem:$0x3FB5] =	sst s10  }
0x35: {  	s10 =	sld [smem:$0x3FB4];
	_ =	sdelay $0x3  }
0x36: {  	p1 =	seq.s32 s10, $0x1;
	s10 =	sld [smem:$0x3FB5];
	_ =	sdelay $0x3  }
0x37: {  	[smem:$0x3FB5] =	sst s10  }
0x38: {  	s10 =	sld [smem:$0x3FB6]  }
0x39: {  	_ = 	snop;
	(pc) =	sbr.ind lr, $3  }
0x3a: {  	_ = 	snop  }
0x3b: {  	_ = 	snop  }
0x3c: {  	p2 =	seq.s32 s10, $0x1;
	s10 =	sld [smem:$0x3FB5]  }
0x3d: {  	_ =	shalt  }
0x3e: {  	_ =	shalt  }
0x3f: {  	_ =	shalt  }
0x40: {  	_ =	shalt  }
0x41: {  	_ =	shalt  }
0x42: {  	_ =	shalt  }
0x43: {  	_ =	shalt  }
0x44: {  	_ =	shalt  }
0x45: {  	_ =	shalt  }
0x46: {  	_ =	shalt  }
0x47: {  	_ =	shalt  }
0x48: {  	_ =	shalt  }
0x49: {  	_ =	shalt  }
0x4a: {  	_ =	shalt  }
0x4b: {  	_ =	shalt  }
0x4c: {  	_ =	shalt  }
0x4d: {  	_ =	shalt  }
0x4e: {  	_ =	shalt  }
0x4f: {  	_ =	shalt  }
0x50: {  	_ =	shalt  }
0x51: {  	_ =	shalt  }
0x52: {  	_ =	shalt  }
0x53: {  	_ =	shalt  }
0x54: {  	_ =	shalt  }
0x55: {  	_ =	shalt  }
0x56: {  	_ =	shalt  }
0x57: {  	_ =	shalt  }
0x58: {  	_ =	shalt  }
0x59: {  	_ =	shalt  }
0x5a: {  	_ =	shalt  }
0x5b: {  	_ =	shalt  }
0x5c: {  	_ =	shalt  }
0x5d: {  	_ =	shalt  }
0x5e: {  	_ =	shalt  }
0x5f: {  	_ =	shalt  }
0x60: {  	_ =	shalt  }
0x61: {  	_ =	shalt  }
0x62: {  	_ =	shalt  }
0x63: {  	_ =	shalt  }
0x64: {  	_ =	shalt  }
0x65: {  	_ =	shalt  }
0x66: {  	_ =	shalt  }
0x67: {  	_ =	shalt  }
0x68: {  	_ =	shalt  }
0x69: {  	_ =	shalt  }
0x6a: {  	_ =	shalt  }
0x6b: {  	_ =	shalt  }
0x6c: {  	_ =	shalt  }
0x6d: {  	_ =	shalt  }
0x6e: {  	_ =	shalt  }
0x6f: {  	_ =	shalt  }
0x70: {  	_ =	shalt  }
0x71: {  	_ =	shalt  }
0x72: {  	_ =	shalt  }
0x73: {  	_ =	shalt  }
0x74: {  	_ =	shalt  }
0x75: {  	_ =	shalt  }
0x76: {  	_ =	shalt  }
0x77: {  	_ =	shalt  }
0x78: {  	_ =	shalt  }
0x79: {  	_ =	shalt  }
0x7a: {  	_ =	shalt  }
0x7b: {  	_ =	shalt  }
0x7c: {  	_ =	shalt  }
0x7d: {  	_ =	shalt  }
0x7e: {  	_ =	shalt  }
0x7f: {  	_ =	shalt  }
0x80: {  	_ =	shalt  }
0x81: {  	_ =	shalt  }
0x82: {  	_ =	shalt  }
0x83: {  	_ =	shalt  }
0x84: {  	_ =	shalt  }
0x85: {  	_ =	shalt  }
0x86: {  	_ =	shalt  }
0x87: {  	_ =	shalt  }
.Lfunc_end0:
.L_simem_size_0:
called_computation_lowered:
.L_overlay_start_0:
0x88: {  	s2 =	sld [smem:$0x3FD9]  }
0x89: {  	s3 =	sld [smem:$0x3FFE];
	_ =	sdelay $0x1  }
0x8a: {  	s1 =	srdreg.scid  }
0x8b: {  	s0 =	sand.u32 $0x1, s1  }
0x8c: {  	s14 =	sshll.u32 s0, $0xA;
	s2 =	sadd.s32 s3, s2  }
0x8d: {  	s2 =	sadd.s32 s2, s14  }
0x8e: {  	[smem:$0x3FC1] =	sst s2  }
0x8f: {  	_ = 	snop  }
0x90: {  	s2 =	sld [smem:$0x3FD0];
	_ =	sdelay $0x2  }
0x91: {  	s15 =	simm.s32 $0xA;
	s4 =	simm.s32 $0x10  }
0x92: {  	[smem:s4], [sflag:s15] =	dma.local [hbm:s2], $0x1  }
0x93: {  	_ =	swait.eq [sflag:s15], $0x1  }
0x94: {  	[sflag:s15] =	ssyncset.done $0x0  }
0x95: {  	[sflag:s15] =	ssyncadd.s32 $0xFFFFFFFF  }
0x96: {  	s16 =	sld [smem:$0x11];
	(tm) =	ssettm $0x1  }
0x97: {  	s17 =	sld [smem:$0x3FFB];
	_ =	sdelay $0x3  }
0x98: {  	_ =	strace s17  }
0x99: {  	s3 =	sld [smem:$0x3FFC];
	_ =	sdelay $0x3  }
0x9a: {  	_ =	strace s3  }
0x9b: {  	s3 =	sld [smem:$0x3FFD];
	_ =	sdelay $0x3  }
0x9c: {  	_ =	strace s3  }
0x9d: {  	_ =	strace $0x8FFFFFFF  }
0x9e: {  	s18 =	sld [smem:$0x3FDB];
	_ =	sdelay $0x1  }
0x9f: {  	s19 =	simm.s32 $_scs_section_size  }
0xa0: {  	s5 =	simm.s32 $_size__tile_overlayer_lowered;
	s6 =	simm.s32 $_tile_overlayer_lowered  }
0xa1: {  	s22 =	simm.s32 $0x1BFF;
	s21 =	sshll.u32 s6, $0x1;
	s3 =	sadd.s32 s19, s18  }
0xa2: {  	s7 =	simm.s32 $0x0;
	s20 =	sshll.u32 s5, $0x1;
	s5 =	sadd.s32 s21, s3  }
0xa3: {  	[timem:s7], [sflag:s22] =	dma.local [hbm:s5], s20  }
0xa4: {  	_ =	swait.ge [sflag:s22], s20  }
0xa5: {  	s4 =	ssub.s32 $0x0, s20;
	[sflag:s22] =	ssyncset.done $0x0  }
0xa6: {  	[sflag:s22] =	ssyncadd.s32 s4;
	_ =	sdelay $0x1  }
0xa7: {  	s23 =	simm.s32 $0x1B8B  }
0xa8: {  	_ =	swait.ge [sflag:s23], $0x1  }
0xa9: {  	[sflag:s23] =	ssyncset.done $0x0  }
0xaa: {  	s25 =	simm.s32 $0x1B8E;
	s24 =	sld [smem:$0x3FFE];
	[sflag:s23] =	ssyncadd.s32 $0xFFFFFFFF  }
0xab: {  	s26 =	simm.s32 $execute0_lowered;
	[smem:$0x3FD2] =	sst s25  }
0xac: {  	s5 =	sshll.u32 s26, $0x1;
	_ =	strace $0x80000046;
	[dreg:$0x1] =	wrdreg $0xFFFFFFFF  }
0xad: {  	s28 =	simm.s32 $_size_execute0_lowered;
	s3 =	sadd.s32 s3, s5;
	[dreg:$0x0] =	wrdreg $0x0  }
0xae: {  	s5 =	sshll.u32 s28, $0x1;
	[dreg:$0x2] =	wrdreg s3  }
0xaf: {  	[dreg:$0x3] =	wrdreg s5  }
0xb0: {  	[dreg:$0x4] =	wrdreg $0xC0  }
0xb1: {  	_ =	task [dreg:s7], $0x5FFFF  }
0xb2: {  	[dreg:$0x1] =	wrdreg $0xFFFFFFFF  }
0xb3: {  	[dreg:$0x0] =	wrdreg $0x60  }
0xb4: {  	[dreg:$0x2] =	wrdreg s16  }
0xb5: {  	[dreg:$0x3] =	wrdreg s24  }
0xb6: {  	[dreg:$0x4] =	wrdreg $0x9  }
0xb7: {  	_ =	task.clear_ibuf [dreg:s7], $0x5FFFF;
	_ =	strace $0x90000046  }
0xb8: {  	s29 =	simm.s32 $0x9;
	_ =	strace $0x80000048  }
0xb9: {  	_ =	swait.ge [sflag:s29], $0x1  }
0xba: {  	[sflag:s29] =	ssyncadd.s32 $0xFFFFFFFF  }
0xbb: {  	_ =	strace $0x90000048  }
0xbc: {  	_ =	sfence  }
0xbd: {  	s30 =	sld [smem:$0x0];
	_ =	sdelay $0x2  }
0xbe: {  	s31 =	sshll.u32 s1, $0xD;
	s1 =	sshrl.u32 s1, $0x2  }
0xbf: {  	s3 =	sand.u32 $0x4000, s31;
	s1 =	sadd.s32 s1, s30  }
0xc0: {  	s0 =	sor.u32 s3, s0;
	s1 =	sshll.u32 s1, $0x11  }
0xc1: {  	s0 =	sor.u32 s1, s0  }
0xc2: {  	s0 =	sadd.s32 $0x8F2B, s0  }
0xc3: {  	[sflag:s0] =	ssyncadd.remote.s32 $0x1  }
0xc4: {  	_ =	sfence.sel $0xFFFF  }
0xc5: {  	[dreg:$0x0] =	wrdreg $0xFFFFFFFF;
	(pc) =	sbr.abs _section_cstart, $3  }
0xc6: {  	[dreg:$0x1] =	wrdreg $0xFFFFFFFF  }
0xc7: {  	_ =	task.clear_ibuf [dreg:s7], $0x2FFFF;
	_ =	strace $0x9FFFFFFF  }
0xc8: {  	(tm) =	ssettm $0x7FFFFFFF  }
0xc9: {  	_ =	shalt  }
tec
execute0_lowered:
.L_overlay_start_1:
0x0: {  	(tag) =	ssettag $0x1  }
0x1: {  	s6 =	rddreg [dreg:$0x0]  }
0x2: {  	s3 =	rddreg [dreg:$0x1]  }
0x3: {  	s0 =	rddreg [dreg:$0x2]  }
0x4: {  	s2 =	simm.s32 $0x0;
	s4 =	srdreg.scid;
	s1 =	stileid.u32  }
0x5: {  	s13 =	simm.s32 $0x100;
	s14 =	simm.s32 $0x200;
	s15 =	simm.s32 $0x300  }
0x6: {  	s16 =	simm.s32 $0x400;
	s17 =	simm.s32 $0x500;
	s18 =	simm.s32 $0x600  }
0x7: {  	s19 =	simm.s32 $0x700;
	[smem:$0x7FF] =	sst s2;
	s4 =	sand.u32 $0x1, s4  }
0x8: {  	s7 =	sshll.u32 s1, $0x6;
	s5 =	ssub.s32 $0x2, s4;
	s4 =	sshll.u32 s4, $0x5  }
0x9: {  	s10 =	sadd.s32 $0xC00, s3;
	s31 =	sshrl.u32 s5, $0x1;
	s7 =	sor.u32 s4, s7  }
0xa: {  	_ =	strace $0x80000047;
	s11 =	ssub.s32 s5, s31;
	s3 =	sadd.s32 s6, s7  }
0xb: {  	s8 =	sor.u32 $0x400, s7;
	s9 =	sor.u32 $0x800, s7;
	s12 =	sor.u32 $0xC00, s7  }
0xc: {  	s7 =	sadd.s32 s10, s7;
	s4 =	sadd.s32 s6, s8;
	s5 =	sadd.s32 s6, s9  }
0xd: {  	s6 =	sadd.s32 s6, s12;
	s8 =	sadd.s32 s10, s8;
	s9 =	sadd.s32 s10, s9  }
0xe: {  	v32 =	vimm.f32 $0.0e+00;
	s10 =	sadd.s32 s10, s12;
	s11 =	smax.u32 s11, $0x1;
	s12 =	simm.s32 $0x1  }
.LBB2_1:
0xf: {  	[tilespmem:s2], [sflag:$0x1] =	stream.linear.gather [hbm4b:s3+s2], $0x100, $0x38;
	[tilespmem:$0x800] =	vst v63  }
0x10: {  	_ =	swait.ge [sflag:s12], $0x100  }
0x11: {  	[sflag:s12] =	ssyncset.done $0x0  }
0x12: {  	[sflag:s12] =	ssyncadd.s32 $0xFFFFFF00  }
0x13: {  	[tilespmem:s13], [sflag:$0x1] =	stream.linear.gather [hbm4b:s4+s2], $0x100, $0x38;
	[tilespmem:$0x800] =	vst v63  }
0x14: {  	_ =	swait.ge [sflag:s12], $0x100  }
0x15: {  	[sflag:s12] =	ssyncset.done $0x0  }
0x16: {  	[sflag:s12] =	ssyncadd.s32 $0xFFFFFF00  }
0x17: {  	[tilespmem:s14], [sflag:$0x1] =	stream.linear.gather [hbm4b:s5+s2], $0x100, $0x38;
	[tilespmem:$0x800] =	vst v63  }
0x18: {  	_ =	swait.ge [sflag:s12], $0x100  }
0x19: {  	[sflag:s12] =	ssyncset.done $0x0  }
0x1a: {  	[sflag:s12] =	ssyncadd.s32 $0xFFFFFF00  }
0x1b: {  	[tilespmem:s15], [sflag:$0x1] =	stream.linear.gather [hbm4b:s6+s2], $0x100, $0x38;
	[tilespmem:$0x800] =	vst v63  }
0x1c: {  	_ =	swait.ge [sflag:s12], $0x100  }
0x1d: {  	[sflag:s12] =	ssyncset.done $0x0  }
0x1e: {  	[sflag:s12] =	ssyncadd.s32 $0xFFFFFF00  }
0x1f: {  	v2 =	vld [tilespmem:$0x0]  }
0x20: {  	v3 =	vld [tilespmem:$0x100]  }
0x21: {  	v4 =	vld [tilespmem:$0x200]  }
0x22: {  	v5 =	vld [tilespmem:$0x300];
	_ =	sdelay $0x2  }
0x23: {  	v0 =	vimm.f32 $-2.072326660e+01  }
0x24: {  	v36 =	vimm.f32 $-2.072326660e+01;
	vm0 =	vgt.f32 v3, v2;
	vm1 =	vgt.f32 v4, v2  }
0x25: {  	v14 =	vld [tilespmem:$0x10];
	vm15 =	vgt.f32 v5, v2;
	vm4 =	vge.f32 v2, v3;
	vm2 =	vgt.f32 v4, v3  }
0x26: {  	v15 =	vld [tilespmem:$0x110];
	vm5 =	vgt.f32 v5, v3;
	vm6 =	vge.f32 v2, v4;
	vm7 =	vge.f32 v3, v4  }
0x27: {  	v16 =	vld [tilespmem:$0x210];
	vm8 =	vge.f32 v2, v5;
	vm9 =	vge.f32 v3, v5;
	vm10 =	vgt.f32 v5, v4  }
0x28: {  	v18 =	vld [tilespmem:$0x310];
	vm11 =	vge.f32 v4, v5;
	v6 =	vsel vm0, $0x3F800000, v32;
	v7 =	vsel vm1, $0x3F800000, v32  }
0x29: {  	v54 =	vsel vm15, $0x3F800000, v32;
	v8 =	vsel vm4, $0x3F800000, v32;
	v9 =	vsel vm2, $0x3F800000, v32  }
0x2a: {  	v56 =	vsel vm5, $0x3F800000, v32;
	v57 =	vsel vm6, $0x3F800000, v32;
	v58 =	vsel vm7, $0x3F800000, v32  }
0x2b: {  	v59 =	vsel vm8, $0x3F800000, v32;
	v10 =	vsel vm9, $0x3F800000, v32;
	v11 =	vsel vm10, $0x3F800000, v32  }
0x2c: {  	v50 =	vld [tilespmem:$0x20];
	v61 =	vsel vm11, $0x3F800000, v32;
	vm4 =	vgt.f32 v15, v14;
	vm5 =	vgt.f32 v16, v14  }
0x2d: {  	v51 =	vld [tilespmem:$0x120];
	vm6 =	vgt.f32 v18, v14;
	vm7 =	vge.f32 v14, v15;
	vm8 =	vgt.f32 v16, v15  }
0x2e: {  	v53 =	vld [tilespmem:$0x320];
	vm9 =	vgt.f32 v18, v15;
	vm10 =	vge.f32 v14, v16;
	v6 =	vadd.f32 v7, v6  }
0x2f: {  	vm11 =	vge.f32 v15, v16;
	v55 =	vadd.f32 v9, v8;
	v8 =	vadd.f32 v58, v57  }
0x30: {  	v9 =	vadd.f32 v10, v59;
	v20 =	vsel vm4, $0x3F800000, v32;
	v21 =	vsel vm5, $0x3F800000, v32  }
0x31: {  	v23 =	vsel vm6, $0x3F800000, v32;
	v24 =	vsel vm7, $0x3F800000, v32;
	v25 =	vsel vm8, $0x3F800000, v32  }
0x32: {  	v27 =	vsel vm9, $0x3F800000, v32;
	v28 =	vsel vm10, $0x3F800000, v32;
	v29 =	vsel vm11, $0x3F800000, v32  }
0x33: {  	vm8 =	vgt.f32 v51, v50;
	vm10 =	vgt.f32 v53, v50;
	v22 =	vadd.f32 v21, v20  }
0x34: {  	vm11 =	vge.f32 v50, v51;
	v26 =	vadd.f32 v25, v24;
	v6 =	vadd.f32 v54, v6  }
0x35: {  	v58 =	vsel vm10, $0x3F800000, v32;
	v7 =	vadd.f32 v56, v55;
	v60 =	vadd.f32 v11, v8  }
0x36: {  	v59 =	vsel vm11, $0x3F800000, v32;
	v63 =	vadd.f32 v9, v61;
	v56 =	vsel vm8, $0x3F800000, v32  }
0x37: {  	vm12 =	vlt.f32 v6, $2.000000000e+00;
	vm13 =	vlt.f32 v7, $2.000000000e+00;
	vm14 =	vlt.f32 v60, $2.000000000e+00  }
0x38: {  	vm15 =	vlt.f32 v63, $2.000000000e+00;
	v62 =	vsel vm12, $0x0, v0;
	v1 =	vsel vm13, $0x0, v0  }
0x39: {  	v6 =	vsel vm14, $0x0, v0;
	v2 =	vadd.f32 v62, v2;
	v3 =	vadd.f32 v1, v3  }
0x3a: {  	v12 =	vsel vm15, $0x0, v0;
	vm12 =	vge.f32 v14, v18;
	v4 =	vadd.f32 v6, v4  }
0x3b: {  	vm13 =	vge.f32 v15, v18;
	v5 =	vadd.f32 v12, v5;
	v13 =	vmax.f32 v2, v3  }
0x3c: {  	vm14 =	vgt.f32 v18, v16;
	vm15 =	vge.f32 v16, v18;
	v12 =	vld [tilespmem:$0x220];
	v6 =	vmax.f32 v13, v4  }
0x3d: {  	v30 =	vsel vm12, $0x3F800000, v32;
	v31 =	vsel vm13, $0x3F800000, v32;
	v6 =	vmax.f32 v6, v5  }
0x3e: {  	v33 =	vsel vm14, $0x3F800000, v32;
	v35 =	vsel vm15, $0x3F800000, v32;
	v2 =	vsub.f32 v2, v6  }
0x3f: {  	vm13 =	vgt.f32 v53, v51;
	v3 =	vsub.f32 v3, v6;
	v4 =	vsub.f32 v4, v6  }
0x40: {  	v62 =	vsel vm13, $0x3F800000, v32;
	v17 =	vsub.f32 v5, v6;
	v6 =	vadd.f32 v31, v30  }
0x41: {  	vm9 =	vgt.f32 v12, v50;
	vm12 =	vgt.f32 v12, v51;
	v2 =	vmul.f32 $1.442695020e+00, v2  }
0x42: {  	vm14 =	vge.f32 v50, v12;
	vm15 =	vge.f32 v51, v12;
	v3 =	vmul.f32 $1.442695020e+00, v3  }
0x43: {  	v57 =	vsel vm9, $0x3F800000, v32;
	v60 =	vsel vm12, $0x3F800000, v32;
	(erf) = vpow2.f32 v2  }
0x44: {  	v19 =	vmul.f32 $1.442695020e+00, v4;
	v38 =	vadd.f32 v6, v35;
	(erf) = vpow2.f32 v3  }
0x45: {  	v63 =	vsel vm14, $0x3F800000, v32;
	v0 =	vsel vm15, $0x3F800000, v32;
	v2 =	vmul.f32 $1.442695020e+00, v17  }
0x46: {  	v4 =	vadd.f32 v29, v28;
	vm7 =	vlt.f32 v38, $2.000000000e+00;
	(erf) = vpow2.f32 v19  }
0x47: {  	v3 =	vadd.f32 v27, v26;
	(erf) = vpow2.f32 v2;
	v2 =	vadd.f32 v23, v22  }
0x48: {  	v61 =	vadd.f32 v60, v59;
	v34 =	vadd.f32 v33, v4;
	v45 =	vsel vm7, $0x0, v36  }
0x49: {  	vm7 =	vge.f32 v12, v53;
	vm5 =	vlt.f32 v3, $2.000000000e+00;
	vm4 =	vlt.f32 v2, $2.000000000e+00  }
0x4a: {  	v30 =	vld [tilespmem:$0x330];
	vm6 =	vlt.f32 v34, $2.000000000e+00;
	v40 =	vsel vm5, $0x0, v36;
	v37 =	vsel vm4, $0x0, v36  }
0x4b: {  	v42 =	vsel vm6, $0x0, v36;
	v41 =	vadd.f32 v40, v15;
	v15 =	vld [tilespmem:$0x30];
	v39 =	vadd.f32 v37, v14  }
0x4c: {  	v34 =	vimm.f32 $-2.072326660e+01;
	v46 =	vadd.f32 v45, v18;
	v44 =	vadd.f32 v42, v16;
	v1 =	vpop (erf)  }
0x4d: {  	v17 =	vsel vm7, $0x3F800000, v32;
	vm6 =	vgt.f32 v53, v12;
	v47 =	vmax.f32 v39, v41;
	v43 =	vpop (erf)  }
0x4e: {  	vm5 =	vge.f32 v51, v53;
	v5 =	vmax.f32 v47, v44;
	v7 =	vadd.f32 v43, v1  }
0x4f: {  	v13 =	vsel vm6, $0x3F800000, v32;
	v4 =	vsel vm5, $0x3F800000, v32;
	vm4 =	vge.f32 v50, v53;
	v48 =	vpop (erf)  }
0x50: {  	vm14 =	vgt.f32 v30, v15;
	v49 =	vmax.f32 v5, v46;
	v7 =	vadd.f32 v7, v48  }
0x51: {  	[tilespmem:$0x1FE60] =	vst v1;
	v1 =	vsel vm4, $0x3F800000, v32;
	v6 =	vsub.f32 v39, v49;
	v3 =	vsub.f32 v44, v49;
	v5 =	vpop (erf)  }
0x52: {  	v37 =	vsel vm14, $0x3F800000, v32;
	v2 =	vsub.f32 v41, v49;
	v7 =	vadd.f32 v7, v5  }
0x53: {  	v6 =	vmul.f32 $1.442695020e+00, v6;
	v54 =	vmul.f32 $1.442695020e+00, v3;
	v3 =	vadd.f32 v62, v61  }
0x54: {  	v52 =	vsub.f32 v46, v49;
	v2 =	vmul.f32 $1.442695020e+00, v2;
	(erf) = vrcp.f32 v7  }
0x55: {  	vm9 =	vlt.f32 v3, $2.000000000e+00;
	v7 =	vadd.f32 v4, v1;
	(erf) = vpow2.f32 v6  }
0x56: {  	v6 =	vadd.f32 v0, v63;
	(erf) = vpow2.f32 v2;
	v2 =	vadd.f32 v57, v56  }
0x57: {  	v55 =	vmul.f32 $1.442695020e+00, v52;
	v21 =	vsel vm9, $0x0, v34;
	v19 =	vadd.f32 v7, v17;
	v17 =	vld [tilespmem:$0x230]  }
0x58: {  	(erf) = vpow2.f32 v54;
	v16 =	vadd.f32 v13, v6;
	v2 =	vadd.f32 v58, v2  }
0x59: {  	v62 =	vld [tilespmem:$0x340];
	v22 =	vadd.f32 v21, v51;
	(erf) = vpow2.f32 v55;
	vm11 =	vlt.f32 v19, $2.000000000e+00  }
0x5a: {  	v21 =	vld [tilespmem:$0x40];
	vm10 =	vlt.f32 v16, $2.000000000e+00;
	v25 =	vsel vm11, $0x0, v34;
	vm8 =	vlt.f32 v2, $2.000000000e+00  }
0x5b: {  	v23 =	vsel vm10, $0x0, v34;
	v27 =	vadd.f32 v25, v53;
	v18 =	vsel vm8, $0x0, v34  }
0x5c: {  	v16 =	vld [tilespmem:$0x130];
	v24 =	vadd.f32 v23, v12;
	vm13 =	vgt.f32 v17, v15;
	vm6 =	vge.f32 v15, v17  }
0x5d: {  	vm8 =	vge.f32 v15, v30;
	vm10 =	vgt.f32 v30, v17;
	vm11 =	vge.f32 v17, v30  }
0x5e: {  	v20 =	vadd.f32 v18, v50;
	v36 =	vsel vm13, $0x3F800000, v32;
	v42 =	vsel vm6, $0x3F800000, v32  }
0x5f: {  	v44 =	vsel vm8, $0x3F800000, v32;
	v18 =	vsel vm10, $0x3F800000, v32;
	vm6 =	vgt.f32 v62, v21  }
0x60: {  	v47 =	vsel vm11, $0x3F800000, v32;
	v25 =	vsel vm6, $0x3F800000, v32;
	v28 =	vmax.f32 v20, v22  }
0x61: {  	v23 =	vld [tilespmem:$0x240];
	vm12 =	vgt.f32 v16, v15;
	vm15 =	vge.f32 v15, v16;
	vm4 =	vgt.f32 v17, v16  }
0x62: {  	v6 =	vpop (erf);
	vm5 =	vgt.f32 v30, v16;
	vm7 =	vge.f32 v16, v17;
	vm9 =	vge.f32 v16, v30  }
0x63: {  	v7 =	vpop (erf);
	v10 =	vmax.f32 v28, v24;
	v35 =	vsel vm12, $0x3F800000, v32;
	v38 =	vsel vm15, $0x3F800000, v32  }
0x64: {  	[tilespmem:$0x1FE70] =	vst v43;
	v8 =	vpop (erf);
	v39 =	vsel vm4, $0x3F800000, v32;
	v41 =	vsel vm5, $0x3F800000, v32;
	v43 =	vsel vm7, $0x3F800000, v32  }
0x65: {  	v45 =	vsel vm9, $0x3F800000, v32;
	v26 =	vadd.f32 v8, v7;
	v14 =	vmax.f32 v10, v27  }
0x66: {  	v40 =	vadd.f32 v39, v38;
	v12 =	vadd.f32 v45, v44;
	vm5 =	vgt.f32 v23, v21  }
0x67: {  	vm10 =	vge.f32 v21, v23;
	v13 =	vsub.f32 v20, v14;
	v2 =	vsub.f32 v22, v14  }
0x68: {  	v9 =	vpop (erf);
	v3 =	vsub.f32 v24, v14;
	v29 =	vsub.f32 v27, v14;
	v24 =	vsel vm5, $0x3F800000, v32  }
0x69: {  	v22 =	vld [tilespmem:$0x140];
	v11 =	vadd.f32 v26, v9;
	v49 =	vadd.f32 v12, v47;
	v13 =	vmul.f32 $1.442695020e+00, v13  }
0x6a: {  	v10 =	vpop (erf);
	v2 =	vmul.f32 $1.442695020e+00, v2;
	v31 =	vmul.f32 $1.442695020e+00, v3;
	v3 =	vadd.f32 v41, v40  }
0x6b: {  	v33 =	vmul.f32 $1.442695020e+00, v29;
	v11 =	vadd.f32 v11, v10;
	vm15 =	vlt.f32 v49, $2.000000000e+00  }
0x6c: {  	vm13 =	vlt.f32 v3, $2.000000000e+00;
	v56 =	vsel vm15, $0x0, v34;
	vm15 =	vge.f32 v23, v62  }
0x6d: {  	(erf) = vrcp.f32 v11;
	v11 =	vadd.f32 v43, v42;
	v51 =	vsel vm13, $0x0, v34  }
0x6e: {  	v58 =	vadd.f32 v56, v30;
	vm4 =	vgt.f32 v22, v21;
	(erf) = vpow2.f32 v13  }
0x6f: {  	vm7 =	vge.f32 v21, v22;
	vm8 =	vgt.f32 v23, v22;
	(erf) = vpow2.f32 v2  }
0x70: {  	vm9 =	vgt.f32 v62, v22;
	vm11 =	vge.f32 v22, v23;
	v30 =	vsel vm10, $0x3F800000, v32  }
0x71: {  	vm13 =	vge.f32 v22, v62;
	v2 =	vadd.f32 v36, v35;
	(erf) = vpow2.f32 v31  }
0x72: {  	v38 =	vsel vm15, $0x3F800000, v32;
	v52 =	vadd.f32 v51, v16;
	v26 =	vsel vm7, $0x3F800000, v32  }
0x73: {  	v27 =	vsel vm8, $0x3F800000, v32;
	(erf) = vpow2.f32 v33;
	v2 =	vadd.f32 v37, v2  }
0x74: {  	v20 =	vsel vm4, $0x3F800000, v32;
	v46 =	vadd.f32 v18, v11;
	v28 =	vadd.f32 v27, v26;
	v26 =	vld [tilespmem:$0x150]  }
0x75: {  	v29 =	vsel vm9, $0x3F800000, v32;
	v35 =	vsel vm13, $0x3F800000, v32;
	v27 =	vld [tilespmem:$0x250];
	vm12 =	vlt.f32 v2, $2.000000000e+00  }
0x76: {  	[tilespmem:$0x1FE80] =	vst v48;
	v31 =	vsel vm11, $0x3F800000, v32;
	vm14 =	vlt.f32 v46, $2.000000000e+00;
	v48 =	vsel vm12, $0x0, v34;
	v11 =	vpop (erf)  }
0x77: {  	v53 =	vsel vm14, $0x0, v34;
	vm12 =	vge.f32 v21, v62;
	v50 =	vadd.f32 v48, v15;
	v12 =	vpop (erf)  }
0x78: {  	vm14 =	vgt.f32 v62, v23;
	v55 =	vadd.f32 v53, v17;
	v33 =	vsel vm12, $0x3F800000, v32;
	v54 =	vpop (erf)  }
0x79: {  	v17 =	vadd.f32 v35, v33;
	v59 =	vmax.f32 v50, v52;
	v57 =	vadd.f32 v54, v12  }
0x7a: {  	v36 =	vsel vm14, $0x3F800000, v32;
	vm15 =	vge.f32 v26, v27;
	v15 =	vmax.f32 v59, v55;
	v14 =	vpop (erf)  }
0x7b: {  	v40 =	vadd.f32 v17, v38;
	v19 =	vmax.f32 v15, v58;
	v16 =	vadd.f32 v57, v14  }
0x7c: {  	vm12 =	vgt.f32 v27, v26;
	v60 =	vpop (erf);
	v18 =	vsub.f32 v50, v19;
	v2 =	vsub.f32 v52, v19  }
0x7d: {  	v4 =	vsel vm15, $0x3F800000, v32;
	v3 =	vsub.f32 v55, v19;
	v16 =	vadd.f32 v16, v60  }
0x7e: {  	v61 =	vsub.f32 v58, v19;
	vm7 =	vlt.f32 v40, $2.000000000e+00;
	v18 =	vmul.f32 $1.442695020e+00, v18  }
0x7f: {  	v55 =	vld [tilespmem:$0x350];
	v48 =	vsel vm7, $0x0, v34;
	v2 =	vmul.f32 $1.442695020e+00, v2;
	(erf) = vrcp.f32 v16  }
0x80: {  	v63 =	vmul.f32 $1.442695020e+00, v3;
	v3 =	vadd.f32 v29, v28;
	(erf) = vpow2.f32 v18  }
0x81: {  	v13 =	vmul.f32 $1.442695020e+00, v61;
	v50 =	vadd.f32 v48, v62;
	(erf) = vpow2.f32 v2  }
0x82: {  	v62 =	vsel vm12, $0x3F800000, v32;
	vm5 =	vlt.f32 v3, $2.000000000e+00;
	v16 =	vadd.f32 v31, v30  }
0x83: {  	v42 =	vsel vm5, $0x0, v34;
	v2 =	vadd.f32 v24, v20;
	(erf) = vpow2.f32 v63  }
0x84: {  	vm13 =	vgt.f32 v55, v26;
	vm5 =	vge.f32 v26, v55;
	vm7 =	vge.f32 v27, v55  }
0x85: {  	v37 =	vadd.f32 v36, v16;
	(erf) = vpow2.f32 v13;
	v2 =	vadd.f32 v25, v2;
	v25 =	vld [tilespmem:$0x50]  }
0x86: {  	v44 =	vadd.f32 v42, v22;
	v0 =	vsel vm13, $0x3F800000, v32;
	v15 =	vsel vm5, $0x3F800000, v32  }
0x87: {  	v17 =	vsel vm7, $0x3F800000, v32;
	vm6 =	vlt.f32 v37, $2.000000000e+00;
	vm4 =	vlt.f32 v2, $2.000000000e+00  }
0x88: {  	v45 =	vsel vm6, $0x0, v34;
	vm6 =	vgt.f32 v55, v27;
	v39 =	vsel vm4, $0x0, v34;
	v41 =	vpop (erf)  }
0x89: {  	v47 =	vadd.f32 v45, v23;
	v28 =	vsel vm6, $0x3F800000, v32;
	v21 =	vadd.f32 v39, v21;
	v43 =	vpop (erf)  }
0x8a: {  	vm8 =	vgt.f32 v26, v25;
	vm9 =	vgt.f32 v27, v25;
	vm10 =	vgt.f32 v55, v25;
	v46 =	vpop (erf)  }
0x8b: {  	vm11 =	vge.f32 v25, v26;
	v51 =	vmax.f32 v21, v44;
	v49 =	vadd.f32 v46, v43  }
0x8c: {  	vm14 =	vge.f32 v25, v27;
	vm4 =	vge.f32 v25, v55;
	v19 =	vmax.f32 v51, v47;
	v52 =	vpop (erf)  }
0x8d: {  	v58 =	vsel vm8, $0x3F800000, v32;
	v24 =	vmax.f32 v19, v50;
	v22 =	vadd.f32 v49, v52  }
0x8e: {  	[tilespmem:$0x1FEB0] =	vst v60;
	v59 =	vsel vm9, $0x3F800000, v32;
	v60 =	vsel vm10, $0x3F800000, v32;
	v53 =	vpop (erf);
	v21 =	vsub.f32 v21, v24  }
0x8f: {  	v61 =	vsel vm11, $0x3F800000, v32;
	v2 =	vsub.f32 v44, v24;
	v22 =	vadd.f32 v22, v53  }
0x90: {  	v63 =	vadd.f32 v62, v61;
	v3 =	vsub.f32 v47, v24;
	v21 =	vmul.f32 $1.442695020e+00, v21  }
0x91: {  	v1 =	vsel vm14, $0x3F800000, v32;
	v2 =	vmul.f32 $1.442695020e+00, v2;
	(erf) = vrcp.f32 v22  }
0x92: {  	v56 =	vmul.f32 $1.442695020e+00, v3;
	v3 =	vadd.f32 v0, v63;
	(erf) = vpow2.f32 v21  }
0x93: {  	v13 =	vsel vm4, $0x3F800000, v32;
	(erf) = vpow2.f32 v2;
	v2 =	vadd.f32 v59, v58  }
0x94: {  	[tilespmem:$0x1FEA0] =	vst v54;
	v54 =	vsub.f32 v50, v24;
	vm9 =	vlt.f32 v3, $2.000000000e+00;
	v21 =	vadd.f32 v4, v1  }
0x95: {  	v22 =	vadd.f32 v15, v13;
	v35 =	vsel vm9, $0x0, v34;
	v2 =	vadd.f32 v60, v2  }
0x96: {  	v57 =	vmul.f32 $1.442695020e+00, v54;
	v37 =	vadd.f32 v35, v26;
	v16 =	vadd.f32 v28, v21  }
0x97: {  	v48 =	vld [tilespmem:$0x360];
	v19 =	vadd.f32 v22, v17;
	(erf) = vpow2.f32 v56;
	vm8 =	vlt.f32 v2, $2.000000000e+00  }
0x98: {  	v30 =	vld [tilespmem:$0x60];
	(erf) = vpow2.f32 v57;
	vm10 =	vlt.f32 v16, $2.000000000e+00;
	v18 =	vsel vm8, $0x0, v34  }
0x99: {  	vm11 =	vlt.f32 v19, $2.000000000e+00;
	v38 =	vsel vm10, $0x0, v34;
	v33 =	vadd.f32 v18, v25  }
0x9a: {  	[tilespmem:$0x1FE90] =	vst v41;
	v41 =	vsel vm11, $0x0, v34;
	v40 =	vadd.f32 v38, v27  }
0x9b: {  	[tilespmem:$0x1FEC0] =	vst v43;
	v43 =	vadd.f32 v41, v55;
	v31 =	vpop (erf);
	v44 =	vmax.f32 v33, v37  }
0x9c: {  	v36 =	vpop (erf);
	v25 =	vmax.f32 v44, v40  }
0x9d: {  	vm14 =	vgt.f32 v48, v30;
	v0 =	vimm.f32 $-2.072326660e+01;
	[tilespmem:$0x1FED0] =	vst v31;
	v31 =	vld [tilespmem:$0x160];
	v39 =	vpop (erf);
	v29 =	vmax.f32 v25, v43  }
0x9e: {  	[tilespmem:$0x1FF00] =	vst v53;
	v53 =	vsel vm14, $0x3F800000, v32;
	v42 =	vadd.f32 v39, v36;
	v28 =	vsub.f32 v33, v29  }
0x9f: {  	vm8 =	vge.f32 v30, v48;
	v2 =	vsub.f32 v37, v29;
	v3 =	vsub.f32 v40, v29  }
0xa0: {  	v60 =	vsel vm8, $0x3F800000, v32;
	v45 =	vpop (erf);
	v33 =	vld [tilespmem:$0x260];
	v47 =	vsub.f32 v43, v29;
	v28 =	vmul.f32 $1.442695020e+00, v28  }
0xa1: {  	v35 =	vld [tilespmem:$0x70];
	v26 =	vadd.f32 v42, v45;
	v2 =	vmul.f32 $1.442695020e+00, v2;
	v49 =	vmul.f32 $1.442695020e+00, v3  }
0xa2: {  	[tilespmem:$0x1FEE0] =	vst v46;
	v46 =	vpop (erf);
	v37 =	vld [tilespmem:$0x270];
	v50 =	vmul.f32 $1.442695020e+00, v47;
	vm12 =	vgt.f32 v31, v30;
	vm15 =	vge.f32 v30, v31  }
0xa3: {  	[tilespmem:$0x1FF10] =	vst v36;
	v36 =	vld [tilespmem:$0x170];
	vm5 =	vgt.f32 v48, v31;
	vm9 =	vge.f32 v31, v48;
	v26 =	vadd.f32 v26, v46  }
0xa4: {  	v51 =	vsel vm12, $0x3F800000, v32;
	v54 =	vsel vm15, $0x3F800000, v32;
	v57 =	vsel vm5, $0x3F800000, v32  }
0xa5: {  	v61 =	vsel vm9, $0x3F800000, v32;
	(erf) = vrcp.f32 v26;
	vm13 =	vgt.f32 v33, v30  }
0xa6: {  	vm4 =	vgt.f32 v33, v31;
	vm6 =	vge.f32 v30, v33;
	vm7 =	vge.f32 v31, v33  }
0xa7: {  	vm10 =	vgt.f32 v48, v33;
	vm11 =	vge.f32 v33, v48;
	vm5 =	vgt.f32 v37, v35  }
0xa8: {  	[tilespmem:$0x1FEF0] =	vst v52;
	vm8 =	vgt.f32 v37, v36;
	(erf) = vpow2.f32 v28;
	v52 =	vsel vm13, $0x3F800000, v32  }
0xa9: {  	v55 =	vsel vm4, $0x3F800000, v32;
	v58 =	vsel vm6, $0x3F800000, v32;
	v59 =	vsel vm7, $0x3F800000, v32  }
0xaa: {  	[tilespmem:$0x1FF40] =	vst v46;
	v46 =	vld [tilespmem:$0x370];
	v62 =	vsel vm10, $0x3F800000, v32;
	v28 =	vadd.f32 v61, v60;
	v4 =	vsel vm11, $0x3F800000, v32  }
0xab: {  	vm4 =	vgt.f32 v36, v35;
	vm7 =	vge.f32 v35, v36;
	vm10 =	vge.f32 v35, v37  }
0xac: {  	vm11 =	vge.f32 v36, v37;
	(erf) = vpow2.f32 v2;
	v2 =	vadd.f32 v52, v51  }
0xad: {  	v56 =	vadd.f32 v55, v54;
	v26 =	vadd.f32 v59, v58;
	v52 =	vsel vm7, $0x3F800000, v32  }
0xae: {  	(erf) = vpow2.f32 v49;
	v15 =	vadd.f32 v28, v4;
	v49 =	vsel vm4, $0x3F800000, v32  }
0xaf: {  	vm6 =	vgt.f32 v46, v35;
	vm9 =	vgt.f32 v46, v36;
	v2 =	vadd.f32 v53, v2  }
0xb0: {  	(erf) = vpow2.f32 v50;
	v3 =	vadd.f32 v57, v56;
	v63 =	vadd.f32 v62, v26  }
0xb1: {  	v50 =	vsel vm5, $0x3F800000, v32;
	v51 =	vsel vm6, $0x3F800000, v32;
	v53 =	vsel vm8, $0x3F800000, v32  }
0xb2: {  	v55 =	vsel vm9, $0x3F800000, v32;
	v56 =	vsel vm10, $0x3F800000, v32;
	v57 =	vsel vm11, $0x3F800000, v32  }
0xb3: {  	vm15 =	vlt.f32 v15, $2.000000000e+00;
	vm12 =	vlt.f32 v2, $2.000000000e+00;
	vm13 =	vlt.f32 v3, $2.000000000e+00  }
0xb4: {  	vm14 =	vlt.f32 v63, $2.000000000e+00;
	v13 =	vsel vm12, $0x0, v34;
	v17 =	vsel vm13, $0x0, v34  }
0xb5: {  	v21 =	vsel vm14, $0x0, v34;
	v16 =	vadd.f32 v13, v30;
	v19 =	vadd.f32 v17, v31  }
0xb6: {  	v54 =	vadd.f32 v53, v52;
	v40 =	vsel vm15, $0x0, v34;
	v23 =	vadd.f32 v21, v33  }
0xb7: {  	[tilespmem:$0x1FF20] =	vst v39;
	v39 =	vld [tilespmem:$0x80];
	vm15 =	vge.f32 v37, v46;
	v27 =	vadd.f32 v40, v48;
	v20 =	vpop (erf);
	v42 =	vmax.f32 v16, v19  }
0xb8: {  	vm12 =	vge.f32 v35, v46;
	vm13 =	vge.f32 v36, v46;
	v31 =	vld [tilespmem:$0x380];
	v18 =	vpop (erf);
	v28 =	vmax.f32 v42, v23  }
0xb9: {  	vm14 =	vgt.f32 v46, v37;
	v61 =	vsel vm15, $0x3F800000, v32;
	v22 =	vpop (erf);
	v28 =	vmax.f32 v28, v27  }
0xba: {  	v58 =	vsel vm12, $0x3F800000, v32;
	v41 =	vadd.f32 v22, v18;
	v26 =	vsub.f32 v16, v28  }
0xbb: {  	v59 =	vsel vm13, $0x3F800000, v32;
	v42 =	vld [tilespmem:$0x280];
	v2 =	vsub.f32 v19, v28;
	v3 =	vsub.f32 v23, v28  }
0xbc: {  	[tilespmem:$0x1FF30] =	vst v45;
	v38 =	vsel vm14, $0x3F800000, v32;
	v43 =	vpop (erf);
	v45 =	vsub.f32 v27, v28;
	v28 =	vadd.f32 v59, v58  }
0xbd: {  	vm10 =	vgt.f32 v31, v39;
	v29 =	vadd.f32 v41, v43;
	v26 =	vmul.f32 $1.442695020e+00, v26  }
0xbe: {  	[tilespmem:$0x1FF70] =	vst v43;
	v43 =	vsel vm10, $0x3F800000, v32;
	v2 =	vmul.f32 $1.442695020e+00, v2;
	v47 =	vmul.f32 $1.442695020e+00, v3  }
0xbf: {  	v44 =	vpop (erf);
	v48 =	vmul.f32 $1.442695020e+00, v45;
	v3 =	vadd.f32 v55, v54;
	v63 =	vadd.f32 v28, v61  }
0xc0: {  	v41 =	vld [tilespmem:$0x180];
	v54 =	vimm.f32 $-2.072326660e+01;
	v29 =	vadd.f32 v29, v44;
	vm9 =	vgt.f32 v42, v39  }
0xc1: {  	vm14 =	vge.f32 v39, v42;
	vm5 =	vlt.f32 v3, $2.000000000e+00;
	vm7 =	vlt.f32 v63, $2.000000000e+00  }
0xc2: {  	v40 =	vsel vm9, $0x3F800000, v32;
	(erf) = vrcp.f32 v29;
	v13 =	vsel vm5, $0x0, v34  }
0xc3: {  	[tilespmem:$0x1FF60] =	vst v22;
	v22 =	vsel vm7, $0x0, v34;
	vm7 =	vge.f32 v42, v31;
	(erf) = vpow2.f32 v26  }
0xc4: {  	v26 =	vadd.f32 v57, v56;
	(erf) = vpow2.f32 v2;
	v2 =	vadd.f32 v50, v49  }
0xc5: {  	v16 =	vadd.f32 v13, v36;
	v24 =	vadd.f32 v22, v46;
	vm8 =	vgt.f32 v41, v39  }
0xc6: {  	vm11 =	vge.f32 v39, v41;
	(erf) = vpow2.f32 v47;
	v2 =	vadd.f32 v51, v2  }
0xc7: {  	vm12 =	vgt.f32 v42, v41;
	vm13 =	vgt.f32 v31, v41;
	v60 =	vadd.f32 v38, v26  }
0xc8: {  	vm15 =	vge.f32 v41, v42;
	(erf) = vpow2.f32 v48;
	vm4 =	vlt.f32 v2, $2.000000000e+00  }
0xc9: {  	vm5 =	vge.f32 v41, v31;
	vm6 =	vlt.f32 v60, $2.000000000e+00;
	v62 =	vsel vm4, $0x0, v34  }
0xca: {  	v53 =	vsel vm7, $0x3F800000, v32;
	v17 =	vsel vm6, $0x0, v34;
	v35 =	vadd.f32 v62, v35  }
0xcb: {  	[tilespmem:$0x1FF80] =	vst v44;
	v44 =	vsel vm11, $0x3F800000, v32;
	v45 =	vsel vm12, $0x3F800000, v32;
	v21 =	vadd.f32 v17, v37;
	v19 =	vpop (erf)  }
0xcc: {  	v22 =	vld [tilespmem:$0x390];
	v49 =	vsel vm15, $0x3F800000, v32;
	v46 =	vadd.f32 v45, v44;
	v15 =	vpop (erf);
	v25 =	vmax.f32 v35, v16  }
0xcd: {  	[tilespmem:$0x1FF50] =	vst v18;
	v47 =	vsel vm13, $0x3F800000, v32;
	v45 =	vld [tilespmem:$0x90];
	v48 =	vsel vm14, $0x3F800000, v32;
	v18 =	vpop (erf);
	v28 =	vmax.f32 v25, v21  }
0xce: {  	v51 =	vsel vm5, $0x3F800000, v32;
	v23 =	vadd.f32 v18, v15;
	v28 =	vmax.f32 v28, v24  }
0xcf: {  	vm6 =	vgt.f32 v31, v42;
	vm4 =	vge.f32 v39, v31;
	v26 =	vpop (erf);
	v3 =	vsub.f32 v21, v28  }
0xd0: {  	v37 =	vsel vm8, $0x3F800000, v32;
	v50 =	vsel vm4, $0x3F800000, v32;
	v36 =	vadd.f32 v23, v26  }
0xd1: {  	v29 =	vpop (erf);
	v35 =	vsub.f32 v35, v28;
	v34 =	vmul.f32 $1.442695020e+00, v3;
	v3 =	vadd.f32 v47, v46;
	v46 =	vld [tilespmem:$0x190]  }
0xd2: {  	vm14 =	vgt.f32 v22, v45;
	v2 =	vsub.f32 v16, v28;
	v47 =	vld [tilespmem:$0x290];
	v36 =	vadd.f32 v36, v29  }
0xd3: {  	v27 =	vsel vm14, $0x3F800000, v32;
	v30 =	vsub.f32 v24, v28;
	v35 =	vmul.f32 $1.442695020e+00, v35  }
0xd4: {  	v2 =	vmul.f32 $1.442695020e+00, v2;
	vm9 =	vlt.f32 v3, $2.000000000e+00;
	(erf) = vrcp.f32 v36  }
0xd5: {  	v36 =	vmul.f32 $1.442695020e+00, v30;
	v59 =	vsel vm9, $0x0, v54;
	(erf) = vpow2.f32 v35  }
0xd6: {  	v35 =	vadd.f32 v49, v48;
	v61 =	vadd.f32 v59, v41;
	(erf) = vpow2.f32 v2  }
0xd7: {  	v2 =	vadd.f32 v40, v37;
	vm12 =	vgt.f32 v46, v45;
	vm13 =	vgt.f32 v47, v45  }
0xd8: {  	vm15 =	vge.f32 v45, v46;
	vm4 =	vgt.f32 v47, v46;
	vm5 =	vgt.f32 v22, v46  }
0xd9: {  	vm7 =	vge.f32 v46, v47;
	vm9 =	vge.f32 v46, v22;
	(erf) = vpow2.f32 v34  }
0xda: {  	[tilespmem:$0x1FFC0] =	vst v26;
	v25 =	vsel vm12, $0x3F800000, v32;
	v26 =	vsel vm13, $0x3F800000, v32;
	v28 =	vsel vm15, $0x3F800000, v32  }
0xdb: {  	[tilespmem:$0x1FFD0] =	vst v29;
	v29 =	vsel vm4, $0x3F800000, v32;
	v2 =	vadd.f32 v43, v2;
	v43 =	vsel vm6, $0x3F800000, v32  }
0xdc: {  	(erf) = vpow2.f32 v36;
	v36 =	vadd.f32 v51, v50;
	v52 =	vadd.f32 v43, v35  }
0xdd: {  	v34 =	vsel vm7, $0x3F800000, v32;
	v30 =	vadd.f32 v29, v28;
	vm8 =	vlt.f32 v2, $2.000000000e+00  }
0xde: {  	v56 =	vadd.f32 v36, v53;
	v55 =	vsel vm8, $0x0, v54;
	vm10 =	vlt.f32 v52, $2.000000000e+00  }
0xdf: {  	vm6 =	vge.f32 v45, v47;
	v58 =	vadd.f32 v55, v39;
	v62 =	vsel vm10, $0x0, v54;
	v57 =	vpop (erf)  }
0xe0: {  	[tilespmem:$0x1FF90] =	vst v15;
	v33 =	vsel vm6, $0x3F800000, v32;
	vm11 =	vlt.f32 v56, $2.000000000e+00;
	v13 =	vadd.f32 v62, v42;
	v60 =	vpop (erf)  }
0xe1: {  	[tilespmem:$0x1FFB0] =	vst v18;
	vm8 =	vge.f32 v45, v22;
	v15 =	vsel vm11, $0x0, v54;
	v18 =	vmax.f32 v58, v61;
	v63 =	vpop (erf)  }
0xe2: {  	v17 =	vadd.f32 v15, v31;
	v39 =	vmax.f32 v18, v13;
	v16 =	vadd.f32 v63, v60  }
0xe3: {  	v36 =	vsel vm9, $0x3F800000, v32;
	vm10 =	vgt.f32 v22, v47;
	v35 =	vsel vm8, $0x3F800000, v32;
	v38 =	vpop (erf)  }
0xe4: {  	v48 =	vsel vm10, $0x3F800000, v32;
	v44 =	vmax.f32 v39, v17;
	v41 =	vadd.f32 v16, v38  }
0xe5: {  	v42 =	vadd.f32 v36, v35;
	vm11 =	vge.f32 v47, v22;
	v43 =	vsub.f32 v58, v44;
	v39 =	vpop (erf)  }
0xe6: {  	v50 =	vsel vm11, $0x3F800000, v32;
	v2 =	vsub.f32 v61, v44;
	v41 =	vadd.f32 v41, v39  }
0xe7: {  	v31 =	vsel vm5, $0x3F800000, v32;
	v52 =	vadd.f32 v42, v50;
	v50 =	vld [tilespmem:$0xA0];
	v43 =	vmul.f32 $1.442695020e+00, v43  }
0xe8: {  	[tilespmem:$0x1FFF0] =	vst v63;
	v63 =	vld [tilespmem:$0x3A0];
	v3 =	vsub.f32 v13, v44;
	v2 =	vmul.f32 $1.442695020e+00, v2;
	(erf) = vrcp.f32 v41  }
0xe9: {  	v21 =	vsub.f32 v17, v44;
	vm15 =	vlt.f32 v52, $2.000000000e+00;
	v52 =	vld [tilespmem:$0x2A0];
	(erf) = vpow2.f32 v43  }
0xea: {  	v58 =	vsel vm15, $0x0, v0;
	(erf) = vpow2.f32 v2;
	v2 =	vadd.f32 v26, v25  }
0xeb: {  	v23 =	vmul.f32 $1.442695020e+00, v3;
	v3 =	vadd.f32 v31, v30;
	v41 =	vadd.f32 v34, v33  }
0xec: {  	[tilespmem:$0x1FFE0] =	vst v60;
	v24 =	vmul.f32 $1.442695020e+00, v21;
	v60 =	vadd.f32 v58, v22;
	v2 =	vadd.f32 v27, v2  }
0xed: {  	vm13 =	vlt.f32 v3, $2.000000000e+00;
	vm6 =	vgt.f32 v63, v50;
	v37 =	vadd.f32 v48, v41  }
0xee: {  	v54 =	vsel vm13, $0x0, v0;
	vm5 =	vgt.f32 v52, v50;
	vm12 =	vlt.f32 v2, $2.000000000e+00  }
0xef: {  	(erf) = vpow2.f32 v23;
	vm14 =	vlt.f32 v37, $2.000000000e+00;
	v51 =	vsel vm12, $0x0, v0  }
0xf0: {  	v55 =	vadd.f32 v54, v46;
	v56 =	vsel vm14, $0x0, v0;
	v53 =	vadd.f32 v51, v45  }
0xf1: {  	[tilespmem:$0x1FFA0] =	vst v57;
	v18 =	vsel vm6, $0x3F800000, v32;
	vm10 =	vge.f32 v50, v52;
	v57 =	vadd.f32 v56, v47  }
0xf2: {  	vm15 =	vge.f32 v52, v63;
	v17 =	vsel vm5, $0x3F800000, v32;
	v51 =	vld [tilespmem:$0x1A0];
	v41 =	vpop (erf);
	v61 =	vmax.f32 v53, v55  }
0xf3: {  	v30 =	vsel vm15, $0x3F800000, v32;
	(erf) = vpow2.f32 v24;
	v42 =	vpop (erf);
	v45 =	vmax.f32 v61, v57  }
0xf4: {  	v25 =	vsel vm10, $0x3F800000, v32;
	vm14 =	vgt.f32 v63, v52;
	v43 =	vpop (erf);
	v49 =	vmax.f32 v45, v60  }
0xf5: {  	vm12 =	vge.f32 v50, v63;
	v59 =	vadd.f32 v43, v42;
	v48 =	vsub.f32 v53, v49  }
0xf6: {  	v27 =	vsel vm12, $0x3F800000, v32;
	v2 =	vsub.f32 v55, v49;
	v3 =	vsub.f32 v57, v49  }
0xf7: {  	v62 =	vsub.f32 v60, v49;
	vm4 =	vgt.f32 v51, v50;
	vm7 =	vge.f32 v50, v51  }
0xf8: {  	v44 =	vpop (erf);
	vm8 =	vgt.f32 v52, v51;
	vm9 =	vgt.f32 v63, v51;
	vm11 =	vge.f32 v51, v52  }
0xf9: {  	v56 =	vld [tilespmem:$0x1B0];
	vm13 =	vge.f32 v51, v63;
	v53 =	vsel vm14, $0x3F800000, v32;
	v46 =	vadd.f32 v59, v44  }
0xfa: {  	v55 =	vld [tilespmem:$0xB0];
	v16 =	vsel vm4, $0x3F800000, v32;
	v21 =	vsel vm7, $0x3F800000, v32;
	v22 =	vsel vm8, $0x3F800000, v32  }
0xfb: {  	v57 =	vld [tilespmem:$0x2B0];
	v24 =	vsel vm9, $0x3F800000, v32;
	v26 =	vsel vm11, $0x3F800000, v32;
	v28 =	vsel vm13, $0x3F800000, v32  }
0xfc: {  	v45 =	vpop (erf);
	v48 =	vmul.f32 $1.442695020e+00, v48;
	v23 =	vadd.f32 v22, v21;
	v47 =	vadd.f32 v28, v27  }
0xfd: {  	v2 =	vmul.f32 $1.442695020e+00, v2;
	v13 =	vmul.f32 $1.442695020e+00, v3;
	v46 =	vadd.f32 v46, v45  }
0xfe: {  	v15 =	vmul.f32 $1.442695020e+00, v62;
	v3 =	vadd.f32 v24, v23;
	v33 =	vadd.f32 v47, v30  }
0xff: {  	(erf) = vrcp.f32 v46;
	v46 =	vadd.f32 v26, v25;
	vm8 =	vgt.f32 v56, v55  }
0x100: {  	vm9 =	vgt.f32 v57, v55;
	vm11 =	vge.f32 v55, v56;
	(erf) = vpow2.f32 v48  }
0x101: {  	vm12 =	vgt.f32 v57, v56;
	vm14 =	vge.f32 v55, v57;
	(erf) = vpow2.f32 v2  }
0x102: {  	vm15 =	vge.f32 v56, v57;
	vm5 =	vlt.f32 v3, $2.000000000e+00;
	v2 =	vadd.f32 v17, v16  }
0x103: {  	vm7 =	vlt.f32 v33, $2.000000000e+00;
	v21 =	vsel vm11, $0x3F800000, v32;
	(erf) = vpow2.f32 v13  }
0x104: {  	v22 =	vsel vm12, $0x3F800000, v32;
	v58 =	vsel vm7, $0x0, v0;
	v2 =	vadd.f32 v18, v2  }
0x105: {  	v29 =	vadd.f32 v53, v46;
	v60 =	vadd.f32 v58, v63;
	v63 =	vld [tilespmem:$0x3B0];
	(erf) = vpow2.f32 v15  }
0x106: {  	v25 =	vsel vm14, $0x3F800000, v32;
	v26 =	vsel vm15, $0x3F800000, v32;
	vm4 =	vlt.f32 v2, $2.000000000e+00  }
0x107: {  	v35 =	vsel vm5, $0x0, v0;
	vm6 =	vlt.f32 v29, $2.000000000e+00;
	v31 =	vsel vm4, $0x0, v0  }
0x108: {  	v36 =	vadd.f32 v35, v51;
	v37 =	vsel vm6, $0x0, v0;
	v34 =	vadd.f32 v31, v50;
	v46 =	vpop (erf)  }
0x109: {  	v16 =	vsel vm8, $0x3F800000, v32;
	v17 =	vsel vm9, $0x3F800000, v32;
	v40 =	vadd.f32 v37, v52;
	v47 =	vpop (erf)  }
0x10a: {  	v23 =	vadd.f32 v22, v21;
	vm10 =	vgt.f32 v63, v55;
	v61 =	vmax.f32 v34, v36;
	v48 =	vpop (erf)  }
0x10b: {  	vm13 =	vgt.f32 v63, v56;
	v50 =	vmax.f32 v61, v40;
	v59 =	vadd.f32 v48, v47  }
0x10c: {  	vm4 =	vge.f32 v55, v63;
	vm5 =	vge.f32 v56, v63;
	vm6 =	vgt.f32 v63, v57;
	v49 =	vpop (erf)  }
0x10d: {  	vm7 =	vge.f32 v57, v63;
	v54 =	vmax.f32 v50, v60;
	v51 =	vadd.f32 v59, v49  }
0x10e: {  	v18 =	vsel vm10, $0x3F800000, v32;
	v24 =	vsel vm13, $0x3F800000, v32;
	v53 =	vsub.f32 v34, v54;
	v50 =	vpop (erf)  }
0x10f: {  	v27 =	vsel vm4, $0x3F800000, v32;
	v2 =	vsub.f32 v36, v54;
	v51 =	vadd.f32 v51, v50  }
0x110: {  	v28 =	vsel vm5, $0x3F800000, v32;
	v58 =	vsel vm6, $0x3F800000, v32;
	v53 =	vmul.f32 $1.442695020e+00, v53  }
0x111: {  	v30 =	vsel vm7, $0x3F800000, v32;
	v2 =	vmul.f32 $1.442695020e+00, v2;
	(erf) = vrcp.f32 v51  }
0x112: {  	v52 =	vadd.f32 v28, v27;
	v3 =	vsub.f32 v40, v54;
	(erf) = vpow2.f32 v53  }
0x113: {  	v62 =	vsub.f32 v60, v54;
	(erf) = vpow2.f32 v2;
	v2 =	vadd.f32 v17, v16  }
0x114: {  	v61 =	vld [tilespmem:$0x1C0];
	v13 =	vmul.f32 $1.442695020e+00, v3;
	v3 =	vadd.f32 v24, v23;
	v51 =	vadd.f32 v26, v25  }
0x115: {  	v33 =	vadd.f32 v52, v30;
	v60 =	vld [tilespmem:$0xC0];
	v15 =	vmul.f32 $1.442695020e+00, v62;
	v2 =	vadd.f32 v18, v2  }
0x116: {  	vm9 =	vlt.f32 v3, $2.000000000e+00;
	v29 =	vadd.f32 v58, v51;
	(erf) = vpow2.f32 v13  }
0x117: {  	vm11 =	vlt.f32 v33, $2.000000000e+00;
	v35 =	vsel vm9, $0x0, v0;
	vm8 =	vlt.f32 v2, $2.000000000e+00  }
0x118: {  	v62 =	vld [tilespmem:$0x2C0];
	(erf) = vpow2.f32 v15;
	vm10 =	vlt.f32 v29, $2.000000000e+00;
	v31 =	vsel vm8, $0x0, v0  }
0x119: {  	v36 =	vadd.f32 v35, v56;
	v37 =	vsel vm10, $0x0, v0;
	v34 =	vadd.f32 v31, v55  }
0x11a: {  	v1 =	vsel vm11, $0x0, v0;
	vm12 =	vgt.f32 v61, v60;
	v40 =	vadd.f32 v37, v57;
	v51 =	vpop (erf)  }
0x11b: {  	vm15 =	vge.f32 v60, v61;
	v13 =	vadd.f32 v1, v63;
	v52 =	vpop (erf);
	v15 =	vmax.f32 v34, v36  }
0x11c: {  	v21 =	vsel vm12, $0x3F800000, v32;
	v24 =	vsel vm15, $0x3F800000, v32;
	v53 =	vpop (erf);
	v55 =	vmax.f32 v15, v40  }
0x11d: {  	vm13 =	vgt.f32 v62, v60;
	v4 =	vadd.f32 v53, v52;
	v59 =	vmax.f32 v55, v13  }
0x11e: {  	vm4 =	vgt.f32 v62, v61;
	v58 =	vsub.f32 v34, v59;
	v2 =	vsub.f32 v36, v59  }
0x11f: {  	vm6 =	vge.f32 v60, v62;
	v54 =	vpop (erf);
	v3 =	vsub.f32 v40, v59;
	v16 =	vsub.f32 v13, v59;
	v59 =	vld [tilespmem:$0x3C0]  }
0x120: {  	vm7 =	vge.f32 v61, v62;
	v25 =	vsel vm4, $0x3F800000, v32;
	v56 =	vadd.f32 v4, v54  }
0x121: {  	v22 =	vsel vm13, $0x3F800000, v32;
	v28 =	vsel vm6, $0x3F800000, v32;
	v26 =	vadd.f32 v25, v24;
	v55 =	vpop (erf)  }
0x122: {  	v58 =	vmul.f32 $1.442695020e+00, v58;
	v2 =	vmul.f32 $1.442695020e+00, v2;
	v56 =	vadd.f32 v56, v55  }
0x123: {  	v29 =	vsel vm7, $0x3F800000, v32;
	v17 =	vmul.f32 $1.442695020e+00, v3;
	v18 =	vmul.f32 $1.442695020e+00, v16  }
0x124: {  	(erf) = vrcp.f32 v56;
	vm14 =	vgt.f32 v59, v60;
	vm5 =	vgt.f32 v59, v61  }
0x125: {  	v56 =	vadd.f32 v29, v28;
	vm8 =	vge.f32 v60, v59;
	vm9 =	vge.f32 v61, v59  }
0x126: {  	vm10 =	vgt.f32 v59, v62;
	vm11 =	vge.f32 v62, v59;
	(erf) = vpow2.f32 v58  }
0x127: {  	v23 =	vsel vm14, $0x3F800000, v32;
	v27 =	vsel vm5, $0x3F800000, v32;
	v30 =	vsel vm8, $0x3F800000, v32  }
0x128: {  	v31 =	vsel vm9, $0x3F800000, v32;
	(erf) = vpow2.f32 v2;
	v2 =	vadd.f32 v22, v21  }
0x129: {  	v63 =	vsel vm10, $0x3F800000, v32;
	v3 =	vadd.f32 v27, v26;
	v57 =	vadd.f32 v31, v30  }
0x12a: {  	v33 =	vadd.f32 v63, v56;
	(erf) = vpow2.f32 v17;
	v2 =	vadd.f32 v23, v2  }
0x12b: {  	v34 =	vsel vm11, $0x3F800000, v32;
	(erf) = vpow2.f32 v18;
	vm13 =	vlt.f32 v3, $2.000000000e+00  }
0x12c: {  	v36 =	vadd.f32 v57, v34;
	vm14 =	vlt.f32 v33, $2.000000000e+00;
	vm12 =	vlt.f32 v2, $2.000000000e+00  }
0x12d: {  	v1 =	vld [tilespmem:$0xD0];
	v37 =	vsel vm13, $0x0, v0;
	v4 =	vsel vm14, $0x0, v0;
	v35 =	vsel vm12, $0x0, v0  }
0x12e: {  	v34 =	vld [tilespmem:$0x1D0];
	v40 =	vadd.f32 v37, v61;
	vm15 =	vlt.f32 v36, $2.000000000e+00;
	v60 =	vadd.f32 v35, v60  }
0x12f: {  	v13 =	vadd.f32 v4, v62;
	v15 =	vsel vm15, $0x0, v0;
	v56 =	vpop (erf)  }
0x130: {  	v61 =	vadd.f32 v15, v59;
	v57 =	vpop (erf);
	v17 =	vmax.f32 v60, v40  }
0x131: {  	v58 =	vpop (erf);
	v63 =	vmax.f32 v17, v13  }
0x132: {  	v16 =	vadd.f32 v58, v57;
	v63 =	vmax.f32 v63, v61  }
0x133: {  	vm4 =	vgt.f32 v34, v1;
	v59 =	vpop (erf);
	v2 =	vsub.f32 v40, v63;
	v40 =	vld [tilespmem:$0x2D0]  }
0x134: {  	vm7 =	vge.f32 v1, v34;
	v18 =	vsub.f32 v60, v63;
	v62 =	vadd.f32 v16, v59  }
0x135: {  	v24 =	vsel vm4, $0x3F800000, v32;
	v60 =	vpop (erf);
	v3 =	vsub.f32 v13, v63;
	v21 =	vsub.f32 v61, v63  }
0x136: {  	v4 =	vmul.f32 $1.442695020e+00, v18;
	v2 =	vmul.f32 $1.442695020e+00, v2;
	v62 =	vadd.f32 v62, v60  }
0x137: {  	v27 =	vsel vm7, $0x3F800000, v32;
	v22 =	vmul.f32 $1.442695020e+00, v3;
	v23 =	vmul.f32 $1.442695020e+00, v21  }
0x138: {  	(erf) = vrcp.f32 v62;
	v62 =	vld [tilespmem:$0x3D0];
	vm5 =	vgt.f32 v40, v1;
	vm8 =	vgt.f32 v40, v34  }
0x139: {  	vm10 =	vge.f32 v1, v40;
	vm11 =	vge.f32 v34, v40;
	(erf) = vpow2.f32 v4  }
0x13a: {  	v25 =	vsel vm5, $0x3F800000, v32;
	v28 =	vsel vm8, $0x3F800000, v32;
	v31 =	vsel vm10, $0x3F800000, v32  }
0x13b: {  	v33 =	vsel vm11, $0x3F800000, v32;
	(erf) = vpow2.f32 v2;
	v2 =	vadd.f32 v25, v24  }
0x13c: {  	v29 =	vadd.f32 v28, v27;
	v4 =	vadd.f32 v33, v31;
	(erf) = vpow2.f32 v22  }
0x13d: {  	vm6 =	vgt.f32 v62, v1;
	vm9 =	vgt.f32 v62, v34;
	vm12 =	vge.f32 v1, v62  }
0x13e: {  	vm13 =	vge.f32 v34, v62;
	vm14 =	vgt.f32 v62, v40;
	v26 =	vsel vm6, $0x3F800000, v32  }
0x13f: {  	v30 =	vsel vm9, $0x3F800000, v32;
	v35 =	vsel vm12, $0x3F800000, v32;
	v36 =	vsel vm13, $0x3F800000, v32  }
0x140: {  	v37 =	vsel vm14, $0x3F800000, v32;
	v2 =	vadd.f32 v26, v2;
	v3 =	vadd.f32 v30, v29  }
0x141: {  	vm15 =	vge.f32 v40, v62;
	v61 =	vadd.f32 v36, v35;
	v13 =	vadd.f32 v37, v4  }
0x142: {  	(erf) = vpow2.f32 v23;
	v15 =	vsel vm15, $0x3F800000, v32;
	vm4 =	vlt.f32 v2, $2.000000000e+00  }
0x143: {  	vm5 =	vlt.f32 v3, $2.000000000e+00;
	v16 =	vadd.f32 v61, v15;
	vm6 =	vlt.f32 v13, $2.000000000e+00  }
0x144: {  	v17 =	vsel vm4, $0x0, v0;
	v18 =	vsel vm5, $0x0, v0;
	v2 =	vsel vm6, $0x0, v0  }
0x145: {  	v29 =	vld [tilespmem:$0x1FE70];
	v4 =	vadd.f32 v17, v1;
	v61 =	vpop (erf);
	v34 =	vadd.f32 v18, v34;
	vm7 =	vlt.f32 v16, $2.000000000e+00  }
0x146: {  	v30 =	vld [tilespmem:$0x1FE80];
	v40 =	vadd.f32 v2, v40;
	v36 =	vpop (erf);
	v21 =	vsel vm7, $0x0, v0  }
0x147: {  	v63 =	vpop (erf);
	v62 =	vadd.f32 v21, v62;
	v23 =	vmax.f32 v4, v34  }
0x148: {  	v31 =	vld [tilespmem:$0x1FE90];
	v22 =	vadd.f32 v63, v36;
	v24 =	vmax.f32 v23, v40  }
0x149: {  	v18 =	vmul.f32 v6, v5;
	v17 =	vmul.f32 v11, v7;
	v35 =	vpop (erf);
	v0 =	vmax.f32 v24, v62  }
0x14a: {  	v27 =	vld [tilespmem:$0x1FE60];
	v13 =	vmul.f32 v6, v29;
	v25 =	vadd.f32 v22, v35;
	v4 =	vsub.f32 v4, v0  }
0x14b: {  	v2 =	vld [tilespmem:$0x2E0];
	v16 =	vmul.f32 v6, v30;
	v21 =	vmul.f32 v11, v8;
	v33 =	vpop (erf);
	v26 =	vsub.f32 v34, v0  }
0x14c: {  	v22 =	vmul.f32 v11, v9;
	v9 =	vld [tilespmem:$0x1FEA0];
	v1 =	vadd.f32 v25, v33;
	v4 =	vmul.f32 $1.442695020e+00, v4  }
0x14d: {  	v28 =	vmul.f32 $1.442695020e+00, v26;
	v26 =	vmul.f32 v31, v14;
	v14 =	vld [tilespmem:$0x1FEB0]  }
0x14e: {  	v23 =	vmul.f32 v11, v10;
	v40 =	vsub.f32 v40, v0;
	(erf) = vrcp.f32 v1;
	v1 =	vld [tilespmem:$0x1E0]  }
0x14f: {  	v34 =	vmul.f32 v6, v27;
	v0 =	vsub.f32 v62, v0;
	(erf) = vpow2.f32 v4;
	v4 =	vld [tilespmem:$0xE0]  }
0x150: {  	v62 =	vmul.f32 v31, v12;
	v40 =	vmul.f32 $1.442695020e+00, v40  }
0x151: {  	v10 =	vmul.f32 $1.442695020e+00, v0;
	(erf) = vpow2.f32 v28  }
0x152: {  	v37 =	vmul.f32 v31, v9;
	(erf) = vpow2.f32 v40  }
0x153: {  	v40 =	vld [tilespmem:$0x3E0];
	v27 =	vmul.f32 v31, v14;
	(erf) = vpow2.f32 v10;
	vm12 =	vgt.f32 v2, v1  }
0x154: {  	vm15 =	vge.f32 v1, v2;
	vm8 =	vgt.f32 v1, v4;
	vm9 =	vgt.f32 v2, v4  }
0x155: {  	vm11 =	vge.f32 v4, v1;
	v28 =	vsel vm12, $0x3F800000, v32;
	vm14 =	vge.f32 v4, v2  }
0x156: {  	v31 =	vsel vm15, $0x3F800000, v32;
	v11 =	vsel vm8, $0x3F800000, v32;
	v12 =	vsel vm9, $0x3F800000, v32  }
0x157: {  	v25 =	vsel vm11, $0x3F800000, v32;
	v30 =	vsel vm14, $0x3F800000, v32;
	v15 =	vadd.f32 v12, v11  }
0x158: {  	vm10 =	vgt.f32 v40, v4;
	v0 =	vadd.f32 v28, v25;
	vm13 =	vgt.f32 v40, v1  }
0x159: {  	v5 =	vadd.f32 v31, v30;
	vm4 =	vge.f32 v4, v40;
	vm5 =	vge.f32 v1, v40  }
0x15a: {  	vm6 =	vgt.f32 v40, v2;
	vm7 =	vge.f32 v2, v40;
	v24 =	vsel vm10, $0x3F800000, v32  }
0x15b: {  	v29 =	vsel vm13, $0x3F800000, v32;
	v9 =	vsel vm4, $0x3F800000, v32;
	v11 =	vsel vm6, $0x3F800000, v32  }
0x15c: {  	[tilespmem:$0x410] =	vst v17;
	v17 =	vld [tilespmem:$0x1FF80];
	v10 =	vsel vm5, $0x3F800000, v32;
	v3 =	vadd.f32 v24, v15;
	v12 =	vadd.f32 v11, v5  }
0x15d: {  	[tilespmem:$0x600] =	vst v16;
	v16 =	vld [tilespmem:$0x1FF60];
	v14 =	vsel vm7, $0x3F800000, v32;
	v0 =	vadd.f32 v29, v0;
	v6 =	vadd.f32 v10, v9  }
0x15e: {  	v15 =	vimm.f32 $-2.072326660e+01;
	vm8 =	vlt.f32 v3, $2.000000000e+00;
	vm10 =	vlt.f32 v12, $2.000000000e+00;
	v12 =	vld [tilespmem:$0x1FED0]  }
0x15f: {  	vm9 =	vlt.f32 v0, $2.000000000e+00;
	v5 =	vadd.f32 v6, v14;
	v14 =	vld [tilespmem:$0x1FEE0];
	v31 =	vsel vm8, $0x0, v15  }
0x160: {  	v11 =	vld [tilespmem:$0x1FEC0];
	v7 =	vsel vm9, $0x0, v15;
	v9 =	vsel vm10, $0x0, v15;
	v6 =	vadd.f32 v31, v4  }
0x161: {  	v24 =	vadd.f32 v7, v1;
	vm11 =	vlt.f32 v5, $2.000000000e+00;
	v5 =	vadd.f32 v9, v2;
	v2 =	vld [tilespmem:$0x1F0]  }
0x162: {  	v8 =	vpop (erf);
	v10 =	vsel vm11, $0x0, v15;
	v15 =	vld [tilespmem:$0x1FEF0]  }
0x163: {  	v31 =	vpop (erf);
	v40 =	vadd.f32 v10, v40;
	v28 =	vmax.f32 v6, v24;
	v10 =	vld [tilespmem:$0x1FF00]  }
0x164: {  	v30 =	vpop (erf);
	v7 =	vmul.f32 v12, v14;
	v0 =	vmax.f32 v28, v5;
	v14 =	vld [tilespmem:$0x1FF30]  }
0x165: {  	v4 =	vmul.f32 v12, v11;
	v11 =	vld [tilespmem:$0x1FF10];
	v3 =	vadd.f32 v30, v31;
	v0 =	vmax.f32 v0, v40  }
0x166: {  	[tilespmem:$0x500] =	vst v13;
	v29 =	vpop (erf);
	v6 =	vsub.f32 v6, v0;
	v13 =	vsub.f32 v24, v0;
	v24 =	vld [tilespmem:$0x2F0]  }
0x167: {  	v5 =	vsub.f32 v5, v0;
	v9 =	vmul.f32 v12, v15;
	v1 =	vadd.f32 v3, v29;
	v15 =	vld [tilespmem:$0x1FF40]  }
0x168: {  	v28 =	vpop (erf);
	v0 =	vsub.f32 v40, v0;
	v10 =	vmul.f32 v12, v10;
	v12 =	vld [tilespmem:$0x1FF20];
	v6 =	vmul.f32 $1.442695020e+00, v6  }
0x169: {  	[tilespmem:$0x400] =	vst v34;
	v13 =	vmul.f32 $1.442695020e+00, v13;
	v3 =	vadd.f32 v1, v28;
	v34 =	vmul.f32 v20, v14;
	v14 =	vld [tilespmem:$0x1FF50]  }
0x16a: {  	v5 =	vmul.f32 $1.442695020e+00, v5;
	v0 =	vmul.f32 $1.442695020e+00, v0;
	v1 =	vld [tilespmem:$0xF0]  }
0x16b: {  	[tilespmem:$0x700] =	vst v18;
	v25 =	vimm.f32 $-2.072326660e+01;
	v11 =	vmul.f32 v20, v11;
	(erf) = vrcp.f32 v3  }
0x16c: {  	[tilespmem:$0x510] =	vst v21;
	vm4 =	vgt.f32 v24, v2;
	vm7 =	vge.f32 v2, v24;
	v15 =	vmul.f32 v20, v15  }
0x16d: {  	[tilespmem:$0x710] =	vst v23;
	(erf) = vpow2.f32 v6;
	v21 =	vsel vm4, $0x3F800000, v32;
	v12 =	vmul.f32 v20, v12  }
0x16e: {  	[tilespmem:$0x720] =	vst v27;
	v3 =	vld [tilespmem:$0x3F0];
	v27 =	vsel vm7, $0x3F800000, v32;
	v20 =	vmovc v19;
	(erf) = vpow2.f32 v13;
	v14 =	vmul.f32 v19, v14  }
0x16f: {  	[tilespmem:$0x610] =	vst v22;
	v19 =	vmul.f32 v19, v16;
	v17 =	vmul.f32 v20, v17;
	vm12 =	vgt.f32 v2, v1  }
0x170: {  	[tilespmem:$0x420] =	vst v62;
	vm13 =	vgt.f32 v24, v1;
	vm15 =	vge.f32 v1, v2;
	(erf) = vpow2.f32 v5  }
0x171: {  	v16 =	vld [tilespmem:$0x1FF70];
	vm6 =	vge.f32 v1, v24;
	[tilespmem:$0x740] =	vst v15;
	v15 =	vmul.f32 v41, v39;
	v22 =	vsel vm12, $0x3F800000, v32  }
0x172: {  	[tilespmem:$0x620] =	vst v26;
	v40 =	vsel vm13, $0x3F800000, v32;
	(erf) = vpow2.f32 v0;
	v23 =	vsel vm6, $0x3F800000, v32  }
0x173: {  	[tilespmem:$0x520] =	vst v37;
	vm14 =	vgt.f32 v3, v1;
	vm5 =	vgt.f32 v3, v2;
	v6 =	vadd.f32 v40, v22  }
0x174: {  	[tilespmem:$0x430] =	vst v4;
	vm8 =	vge.f32 v1, v3;
	vm9 =	vge.f32 v2, v3;
	v4 =	vadd.f32 v27, v23  }
0x175: {  	[tilespmem:$0x530] =	vst v7;
	vm10 =	vgt.f32 v3, v24;
	vm11 =	vge.f32 v24, v3;
	v62 =	vsel vm14, $0x3F800000, v32  }
0x176: {  	[tilespmem:$0x630] =	vst v9;
	v22 =	vsel vm5, $0x3F800000, v32;
	v16 =	vmul.f32 v20, v16;
	v20 =	vsel vm15, $0x3F800000, v32  }
0x177: {  	[tilespmem:$0x730] =	vst v10;
	v26 =	vadd.f32 v62, v6;
	v62 =	vsel vm10, $0x3F800000, v32;
	v0 =	vadd.f32 v21, v20  }
0x178: {  	[tilespmem:$0x440] =	vst v11;
	v37 =	vsel vm8, $0x3F800000, v32;
	v40 =	vsel vm9, $0x3F800000, v32;
	v4 =	vadd.f32 v62, v4  }
0x179: {  	[tilespmem:$0x450] =	vst v14;
	v14 =	vmul.f32 v41, v38;
	v6 =	vadd.f32 v40, v37;
	v0 =	vadd.f32 v22, v0  }
0x17a: {  	v23 =	vld [tilespmem:$0x1FFA0];
	[tilespmem:$0x750] =	vst v17;
	v17 =	vmul.f32 v46, v42;
	v13 =	vsel vm11, $0x3F800000, v32;
	vm12 =	vlt.f32 v26, $2.000000000e+00  }
0x17b: {  	[tilespmem:$0x640] =	vst v34;
	v27 =	vld [tilespmem:$0x1FFB0];
	v18 =	vadd.f32 v6, v13;
	v5 =	vsel vm12, $0x0, v25;
	vm13 =	vlt.f32 v0, $2.000000000e+00  }
0x17c: {  	[tilespmem:$0x540] =	vst v12;
	vm14 =	vlt.f32 v4, $2.000000000e+00;
	v1 =	vadd.f32 v5, v1;
	v4 =	vpop (erf);
	v20 =	vsel vm13, $0x0, v25  }
0x17d: {  	[tilespmem:$0x550] =	vst v19;
	v37 =	vld [tilespmem:$0x1FFD0];
	v21 =	vsel vm14, $0x0, v25;
	vm15 =	vlt.f32 v18, $2.000000000e+00;
	v2 =	vadd.f32 v20, v2;
	v0 =	vpop (erf)  }
0x17e: {  	[tilespmem:$0x770] =	vst v15;
	v38 =	vmul.f32 v56, v54;
	v5 =	vadd.f32 v21, v24;
	v24 =	vsel vm15, $0x0, v25;
	v7 =	vpop (erf)  }
0x17f: {  	[tilespmem:$0x670] =	vst v14;
	v3 =	vadd.f32 v24, v3;
	v25 =	vadd.f32 v7, v0;
	v26 =	vmax.f32 v1, v2  }
0x180: {  	[tilespmem:$0x480] =	vst v17;
	v11 =	vmul.f32 v23, v27;
	v12 =	vpop (erf);
	v9 =	vmax.f32 v26, v5  }
0x181: {  	[tilespmem:$0x6A0] =	vst v38;
	v18 =	vmul.f32 v46, v43;
	v10 =	vadd.f32 v25, v12;
	v9 =	vmax.f32 v9, v3  }
0x182: {  	[tilespmem:$0x560] =	vst v11;
	v11 =	vmul.f32 v23, v37;
	v21 =	vmul.f32 v46, v45;
	v13 =	vpop (erf);
	v1 =	vsub.f32 v1, v9  }
0x183: {  	v62 =	vld [tilespmem:$0x1FFF0];
	[tilespmem:$0x650] =	vst v16;
	v45 =	vmul.f32 v61, v59;
	v2 =	vsub.f32 v2, v9;
	v10 =	vadd.f32 v10, v13  }
0x184: {  	[tilespmem:$0x580] =	vst v18;
	v24 =	vmul.f32 v51, v49;
	v1 =	vmul.f32 $1.442695020e+00, v1  }
0x185: {  	[tilespmem:$0x760] =	vst v11;
	v16 =	vsub.f32 v5, v9;
	v2 =	vmul.f32 $1.442695020e+00, v2;
	(erf) = vrcp.f32 v10  }
0x186: {  	v49 =	vmul.f32 v8, v63;
	[tilespmem:$0x780] =	vst v21;
	(erf) = vpow2.f32 v1  }
0x187: {  	[tilespmem:$0x6B0] =	vst v45;
	v19 =	vsub.f32 v3, v9;
	v1 =	vmul.f32 $1.442695020e+00, v16;
	(erf) = vpow2.f32 v2  }
0x188: {  	v22 =	vld [tilespmem:$0x1FF90];
	v54 =	vmul.f32 v4, v29;
	v11 =	vmul.f32 v41, v62;
	[tilespmem:$0x690] =	vst v24  }
0x189: {  	[tilespmem:$0x5C0] =	vst v49;
	v2 =	vmul.f32 $1.442695020e+00, v19;
	(erf) = vpow2.f32 v1  }
0x18a: {  	v34 =	vld [tilespmem:$0x1FFC0];
	v20 =	vmul.f32 v46, v44;
	[tilespmem:$0x6D0] =	vst v54  }
0x18b: {  	v44 =	vmul.f32 v61, v58;
	[tilespmem:$0x570] =	vst v11;
	(erf) = vpow2.f32 v2  }
0x18c: {  	v46 =	vmul.f32 v61, v60;
	[tilespmem:$0x680] =	vst v20  }
0x18d: {  	v6 =	vmul.f32 v23, v22;
	[tilespmem:$0x5B0] =	vst v44  }
0x18e: {  	v22 =	vmul.f32 v51, v47;
	[tilespmem:$0x7B0] =	vst v46;
	v27 =	vpop (erf)  }
0x18f: {  	[tilespmem:$0x460] =	vst v6;
	v6 =	vmul.f32 v23, v34;
	v37 =	vpop (erf)  }
0x190: {  	v23 =	vmul.f32 v51, v48;
	[tilespmem:$0x490] =	vst v22;
	v39 =	vpop (erf)  }
0x191: {  	v26 =	vmul.f32 v56, v52;
	[tilespmem:$0x660] =	vst v6;
	v42 =	vadd.f32 v39, v37  }
0x192: {  	v34 =	vmul.f32 v56, v53;
	[tilespmem:$0x590] =	vst v23;
	v43 =	vpop (erf)  }
0x193: {  	v48 =	vmul.f32 v8, v36;
	[tilespmem:$0x4A0] =	vst v26;
	v9 =	vadd.f32 v42, v43  }
0x194: {  	v40 =	vld [tilespmem:$0x1FFE0];
	v52 =	vmul.f32 v4, v31;
	[tilespmem:$0x5A0] =	vst v34;
	v47 =	vpop (erf)  }
0x195: {  	v53 =	vmul.f32 v4, v30;
	[tilespmem:$0x4C0] =	vst v48;
	v9 =	vadd.f32 v9, v47  }
0x196: {  	v25 =	vmul.f32 v51, v50;
	[tilespmem:$0x4D0] =	vst v52  }
0x197: {  	v50 =	vmul.f32 v8, v35;
	[tilespmem:$0x5D0] =	vst v53;
	(erf) = vrcp.f32 v9  }
0x198: {  	v51 =	vmul.f32 v8, v33;
	[tilespmem:$0x790] =	vst v25  }
0x199: {  	v6 =	vmul.f32 v41, v40;
	[tilespmem:$0x6C0] =	vst v50  }
0x19a: {  	v40 =	vmul.f32 v56, v55;
	[tilespmem:$0x7C0] =	vst v51  }
0x19b: {  	v41 =	vmul.f32 v61, v57;
	[tilespmem:$0x470] =	vst v6  }
0x19c: {  	v55 =	vmul.f32 v4, v28;
	[tilespmem:$0x7A0] =	vst v40  }
0x19d: {  	[tilespmem:$0x4B0] =	vst v41;
	v0 =	vmul.f32 v27, v0  }
0x19e: {  	[tilespmem:$0x7D0] =	vst v55;
	v56 =	vmul.f32 v27, v7  }
0x19f: {  	v57 =	vmul.f32 v27, v12;
	[tilespmem:$0x4E0] =	vst v0  }
0x1a0: {  	v58 =	vmul.f32 v27, v13;
	[tilespmem:$0x5E0] =	vst v56;
	v59 =	vpop (erf)  }
0x1a1: {  	[tilespmem:$0x6E0] =	vst v57;
	v60 =	vmul.f32 v59, v37  }
0x1a2: {  	[tilespmem:$0x7E0] =	vst v58;
	v61 =	vmul.f32 v59, v39  }
0x1a3: {  	v62 =	vmul.f32 v59, v43;
	[tilespmem:$0x4F0] =	vst v60  }
0x1a4: {  	v63 =	vmul.f32 v59, v47;
	[tilespmem:$0x5F0] =	vst v61  }
0x1a5: {  	[tilespmem:$0x6F0] =	vst v62  }
0x1a6: {  	[tilespmem:$0x7F0] =	vst v63  }
0x1a7: {  	[hbm4b:s7+s2] =	stream.linear.scatter [tilespmem:s16], [sflag:$0x1], $0x100, $0x38;
	[tilespmem:$0x800] =	vst v63  }
0x1a8: {  	_ =	swait.ge [sflag:s12], $0x100  }
0x1a9: {  	[sflag:s12] =	ssyncset.done $0x0  }
0x1aa: {  	[sflag:s12] =	ssyncadd.s32 $0xFFFFFF00  }
0x1ab: {  	[hbm4b:s8+s2] =	stream.linear.scatter [tilespmem:s17], [sflag:$0x1], $0x100, $0x38;
	[tilespmem:$0x800] =	vst v63  }
0x1ac: {  	_ =	swait.ge [sflag:s12], $0x100  }
0x1ad: {  	[sflag:s12] =	ssyncset.done $0x0  }
0x1ae: {  	[sflag:s12] =	ssyncadd.s32 $0xFFFFFF00  }
0x1af: {  	[hbm4b:s9+s2] =	stream.linear.scatter [tilespmem:s18], [sflag:$0x1], $0x100, $0x38;
	[tilespmem:$0x800] =	vst v63  }
0x1b0: {  	_ =	swait.ge [sflag:s12], $0x100  }
0x1b1: {  	p0 =	sne.s32 s11, $0x1;
	[sflag:s12] =	ssyncset.done $0x0  }
.Ltmp0:
0x1b2: {  	[sflag:s12] =	ssyncadd.s32 $0xFFFFFF00;
	(pc) =	sbr.rel @p0 .LBB2_1-.Ltmp0, $4  }
0x1b3: {  	[hbm4b:s10+s2] =	stream.linear.scatter [tilespmem:s19], [sflag:$0x1], $0x100, $0x38;
	[tilespmem:$0x800] =	vst v63  }
0x1b4: {  	_ =	swait.ge [sflag:s12], $0x100  }
0x1b5: {  	[sflag:s12] =	ssyncset.done $0x0  }
0x1b6: {  	s11 =	sadd.s32 $0xFFFFFFFF, s11;
	[sflag:s12] =	ssyncadd.s32 $0xFFFFFF00  }
0x1b7: {  	_ =	sfence.sel $0x180000  }
0x1b8: {  	[bflag:$0x0] =	sbarrier.arrive $0xFFFF  }
0x1b9: {  	p0 =	sne.s32 s1, $0x0;
	_ =	strace $0x90000047  }
0x1ba: {  	s0 =	sadd.s32 @!p0 $0x100000, s0;
	[bflag:$0x2] =	sbarrier.arrive $0xFFFF  }
0x1bb: {  	[sflag:s0] =	ssyncadd.tile.s32 @!p0 $0x1;
	_ =	shalt  }
.Lfunc_end2:
_tile_overlayer_lowered:
.L_overlay_start_2:
0x1bc: {  	(tag) =	ssettag $0x2  }
0x1bd: {  	s0 =	rddreg [dreg:$0x0];
	s2 =	stileid.u32  }
0x1be: {  	s1 =	rddreg [dreg:$0x1];
	p0 =	sne.s32 s2, $0x0  }
0x1bf: {  	s3 =	rddreg [dreg:$0x2];
	[bflag:$0x3] =	sbarrier.arrive $0xFFFF;
	s2 =	simm.s32 @!p0 $0x1C01  }
0x1c0: {  	[timem:s3], [sflag:s2] =	dma.local @!p0 [hbm:s0], s1  }
0x1c1: {  	s0 =	simm.s32 @!p0 $0x1  }
0x1c2: {  	_ =	swait.ge @!p0 [sflag:s0], s1  }
0x1c3: {  	s1 =	ssub.s32 @!p0 $0x0, s1;
	[sflag:s0] =	ssyncset.done @!p0 $0x0  }
0x1c4: {  	[sflag:s0] =	ssyncadd.s32 @!p0 s1  }
0x1c5: {  	[bflag:$0x3] =	sbarrier.arrive $0xFFFF  }
0x1c6: {  	_ =	shalt  }

</sc_bundles>
